<compile_context>
chip_gen: v7x
topology: tpu7x:2x2x1
jax: 0.10.2.dev20260603
libtpu: 0.0.44.dev20260713+nightly
codegen_flags: <defaults>
</compile_context>

<pallas_src>
import functools

import jax
import jax.numpy as jnp
from jax import lax
from jax.experimental import pallas as pl
from jax.experimental.pallas import tpu as pltpu, tpu_sc as plsc

N = 10000
E = 320000
D1 = 128
D2 = 64
NC = 2
NS = 16
NW = NC * NS
CH = 80
EPW = E // NW
NCHD = EPW // CH
EPT = E // NS
NCHA = EPT // CH
NPAD = 10240
PZ = NPAD // NS
RPT = 624
ZB = 16
RB = 8
G = 6
MAIN = (NCHA // RB) * RB
DSEMS = 5

_MESH = dict(core_axis_name="c", subcore_axis_name="s")


@functools.partial(
    pl.kernel,
    out_type=jax.ShapeDtypeStruct((NC, 2, NPAD), jnp.float32),
    mesh=plsc.VectorSubcoreMesh(**_MESH),
    compiler_params=pltpu.CompilerParams(use_tc_tiling_on_sc=False),
    scratch_types=[
        pltpu.VMEM((NCHD, CH), jnp.int32),
        pltpu.VMEM((NCHD, CH), jnp.int32),
        pltpu.VMEM((CH,), jnp.float32),
        pltpu.VMEM((PZ,), jnp.float32),
        pltpu.VMEM_SHARED((NPAD,), jnp.float32),
        pltpu.VMEM_SHARED((NPAD,), jnp.float32),
        [pltpu.SemaphoreType.DMA for _ in range(DSEMS)],
        [pltpu.SemaphoreType.DMA for _ in range(DSEMS)],
    ],
)
def _deg(src_hbm, dst_hbm, out_hbm, sidx_v, didx_v, ones_v, zero_v,
         dego_sh, degi_sh, osem, isem):
    c = lax.axis_index("c")
    s = lax.axis_index("s")
    wid = s * NC + c

    for i in range(CH // 16):
        ones_v[pl.ds(i * 16, 16)] = jnp.ones((16,), jnp.float32)

    def _zb(i, _):
        zero_v[pl.ds(i * 16, 16)] = jnp.zeros((16,), jnp.float32)
        return ()
    lax.fori_loop(0, PZ // 16, _zb, ())

    base = s * PZ
    pltpu.sync_copy(zero_v, dego_sh.at[pl.ds(base, PZ)])
    pltpu.sync_copy(zero_v, degi_sh.at[pl.ds(base, PZ)])

    pltpu.sync_copy(src_hbm.at[wid], sidx_v)
    pltpu.sync_copy(dst_hbm.at[wid], didx_v)
    plsc.subcore_barrier()

    def _body(i, _):
        for j in range(DSEMS):
            k = i * DSEMS + j
            @pl.when(k >= DSEMS)
            def _():
                pltpu.make_async_copy(ones_v, dego_sh.at[sidx_v.at[k]],
                                      osem[j]).wait()
                pltpu.make_async_copy(ones_v, degi_sh.at[didx_v.at[k]],
                                      isem[j]).wait()
            pltpu.async_copy(ones_v, dego_sh.at[sidx_v.at[k]], osem[j],
                             add=True)
            pltpu.async_copy(ones_v, degi_sh.at[didx_v.at[k]], isem[j],
                             add=True)
        return ()
    lax.fori_loop(0, NCHD // DSEMS, _body, ())

    for t in range(NCHD - DSEMS, NCHD):
        b = t % DSEMS
        pltpu.make_async_copy(ones_v, dego_sh.at[sidx_v.at[t]], osem[b]).wait()
        pltpu.make_async_copy(ones_v, degi_sh.at[didx_v.at[t]], isem[b]).wait()

    plsc.subcore_barrier()
    pltpu.sync_copy(dego_sh.at[pl.ds(base, PZ)], out_hbm.at[c, 0, pl.ds(base, PZ)])
    pltpu.sync_copy(degi_sh.at[pl.ds(base, PZ)], out_hbm.at[c, 1, pl.ds(base, PZ)])


def _make_agg(HALF):
    @functools.partial(
        pl.kernel,
        out_type=jax.ShapeDtypeStruct((NC, N, HALF), jnp.float32),
        mesh=plsc.VectorSubcoreMesh(**_MESH),
        compiler_params=pltpu.CompilerParams(use_tc_tiling_on_sc=False),
        scratch_types=[
            pltpu.VMEM((NCHA, CH), jnp.int32),
            pltpu.VMEM((NCHA, CH), jnp.int32),
            [pltpu.VMEM((CH, HALF), jnp.float32) for _ in range(RB)],
            pltpu.VMEM((ZB, HALF), jnp.float32),
            pltpu.VMEM_SHARED((N, HALF), jnp.float32),
            [pltpu.SemaphoreType.DMA for _ in range(RB)],
            [pltpu.SemaphoreType.DMA for _ in range(RB)],
        ],
    )
    def _agg(h_hbm, src_hbm, dst_hbm, out_hbm, sidx_v, didx_v, rows,
             zero_v, agg_sh, gsem, ssem):
        c = lax.axis_index("c")
        s = lax.axis_index("s")

        def _zb(i, _):
            for j in range(HALF // 16):
                zero_v[i, pl.ds(j * 16, 16)] = jnp.zeros((16,), jnp.float32)
            return ()
        lax.fori_loop(0, ZB, _zb, ())

        def _zs(j, _):
            pltpu.sync_copy(zero_v, agg_sh.at[pl.ds(s * RPT + j * ZB, ZB)])
            return ()
        lax.fori_loop(0, RPT // ZB, _zs, ())
        @pl.when(s == NS - 1)
        def _():
            pltpu.sync_copy(zero_v, agg_sh.at[pl.ds(NS * RPT, ZB)])

        pltpu.sync_copy(src_hbm.at[s], sidx_v)
        pltpu.sync_copy(dst_hbm.at[s], didx_v)
        plsc.subcore_barrier()

        hc = h_hbm.at[c]

        def _gissue(k, b):
            pltpu.async_copy(hc.at[sidx_v.at[k]], rows[b], gsem[b])

        def _gwait(k, b):
            pltpu.make_async_copy(hc.at[sidx_v.at[k]], rows[b], gsem[b]).wait()

        def _sissue(k, b):
            pltpu.async_copy(rows[b], agg_sh.at[didx_v.at[k]], ssem[b],
                             add=True)

        def _swait(k, b):
            pltpu.make_async_copy(rows[b], agg_sh.at[didx_v.at[k]],
                                  ssem[b]).wait()

        for kk in range(G):
            _gissue(kk, kk)

        def _body(i, _):
            for j in range(RB):
                k = i * RB + j
                bg = (j + G) % RB
                @pl.when(k + G < NCHA)
                def _():
                    @pl.when(k + G >= RB)
                    def _():
                        _swait(k + G - RB, bg)
                    _gissue(k + G, bg)
                _gwait(k, j)
                _sissue(k, j)
            return ()
        lax.fori_loop(0, NCHA // RB, _body, ())

        for t in range(MAIN, NCHA):
            _gwait(t, t % RB)
            _sissue(t, t % RB)

        for t in range(NCHA - RB, NCHA):
            _swait(t, t % RB)

        plsc.subcore_barrier()
        pltpu.sync_copy(agg_sh.at[pl.ds(s * RPT, RPT)],
                        out_hbm.at[c].at[pl.ds(s * RPT, RPT)])
        @pl.when(s == NS - 1)
        def _():
            pltpu.sync_copy(agg_sh.at[pl.ds(NS * RPT, ZB)],
                            out_hbm.at[c].at[pl.ds(NS * RPT, ZB)])
    return _agg


_agg1 = _make_agg(D1 // NC)

_H2 = D2 // NC


@functools.partial(
    pl.kernel,
    out_type=jax.ShapeDtypeStruct((N, D2), jnp.float32),
    mesh=plsc.VectorSubcoreMesh(**_MESH),
    compiler_params=pltpu.CompilerParams(use_tc_tiling_on_sc=False),
    scratch_types=[
        pltpu.VMEM((NCHA, CH), jnp.int32),
        pltpu.VMEM((NCHA, CH), jnp.int32),
        [pltpu.VMEM((CH, _H2), jnp.float32) for _ in range(RB)],
        pltpu.VMEM((ZB, _H2), jnp.float32),
        pltpu.VMEM((PZ, _H2), jnp.float32),
        pltpu.VMEM((PZ + 16,), jnp.float32),
        pltpu.VMEM((_H2,), jnp.float32),
        pltpu.VMEM_SHARED((N, _H2), jnp.float32),
        [pltpu.SemaphoreType.DMA for _ in range(RB)],
        [pltpu.SemaphoreType.DMA for _ in range(RB)],
    ],
)
def _agg_final(h_hbm, src_hbm, dst_hbm, ni_hbm, b2_hbm, out_hbm,
               sidx_v, didx_v, rows, zero_v, abuf, nbuf, bbuf,
               agg_sh, gsem, ssem):
    c = lax.axis_index("c")
    s = lax.axis_index("s")

    def _zb(i, _):
        for j in range(_H2 // 16):
            zero_v[i, pl.ds(j * 16, 16)] = jnp.zeros((16,), jnp.float32)
        return ()
    lax.fori_loop(0, ZB, _zb, ())

    def _zs(j, _):
        pltpu.sync_copy(zero_v, agg_sh.at[pl.ds(s * RPT + j * ZB, ZB)])
        return ()
    lax.fori_loop(0, RPT // ZB, _zs, ())
    @pl.when(s == NS - 1)
    def _():
        pltpu.sync_copy(zero_v, agg_sh.at[pl.ds(NS * RPT, ZB)])

    pltpu.sync_copy(src_hbm.at[s], sidx_v)
    pltpu.sync_copy(dst_hbm.at[s], didx_v)
    pltpu.sync_copy(b2_hbm.at[pl.ds(c * _H2, _H2)], bbuf)
    plsc.subcore_barrier()

    hc = h_hbm.at[c]

    def _gissue(k, b):
        pltpu.async_copy(hc.at[sidx_v.at[k]], rows[b], gsem[b])

    def _gwait(k, b):
        pltpu.make_async_copy(hc.at[sidx_v.at[k]], rows[b], gsem[b]).wait()

    def _sissue(k, b):
        pltpu.async_copy(rows[b], agg_sh.at[didx_v.at[k]], ssem[b], add=True)

    def _swait(k, b):
        pltpu.make_async_copy(rows[b], agg_sh.at[didx_v.at[k]],
                              ssem[b]).wait()

    for kk in range(G):
        _gissue(kk, kk)

    def _body(i, _):
        for j in range(RB):
            k = i * RB + j
            bg = (j + G) % RB
            @pl.when(k + G < NCHA)
            def _():
                @pl.when(k + G >= RB)
                def _():
                    _swait(k + G - RB, bg)
                _gissue(k + G, bg)
            _gwait(k, j)
            _sissue(k, j)
        return ()
    lax.fori_loop(0, NCHA // RB, _body, ())

    for t in range(MAIN, NCHA):
        _gwait(t, t % RB)
        _sissue(t, t % RB)

    for t in range(NCHA - RB, NCHA):
        _swait(t, t % RB)

    plsc.subcore_barrier()

    last = s == NS - 1

    @pl.when(jnp.logical_not(last))
    def _():
        pltpu.sync_copy(agg_sh.at[pl.ds(s * RPT, RPT)],
                        abuf.at[pl.ds(0, RPT)])
        pltpu.sync_copy(ni_hbm.at[pl.ds(s * RPT, RPT)],
                        nbuf.at[pl.ds(0, RPT)])

    @pl.when(last)
    def _():
        pltpu.sync_copy(agg_sh.at[pl.ds(NS * RPT - RPT, PZ)], abuf)
        pltpu.sync_copy(ni_hbm.at[pl.ds(NS * RPT - RPT, PZ)],
                        nbuf.at[pl.ds(0, PZ)])

    def _post(r, _):
        ni = nbuf[pl.ds(r, 16)][0]
        for q in range(_H2 // 16):
            sl = pl.ds(q * 16, 16)
            abuf[r, sl] = abuf[r, sl] * ni + bbuf[sl]
        return ()
    lax.fori_loop(0, RPT, _post, ())
    @pl.when(last)
    def _():
        lax.fori_loop(RPT, PZ, _post, ())

    @pl.when(jnp.logical_not(last))
    def _():
        pltpu.sync_copy(abuf.at[pl.ds(0, RPT)],
                        out_hbm.at[pl.ds(s * RPT, RPT), pl.ds(c * _H2, _H2)])

    @pl.when(last)
    def _():
        pltpu.sync_copy(abuf,
                        out_hbm.at[pl.ds(NS * RPT - RPT, PZ),
                                   pl.ds(c * _H2, _H2)])


BM = 2000
H1 = D1 // NC
H2 = D2 // NC


def _layer1_tc(x, W1, deg):
    def body(deg_ref, x_ref, w_ref, h_ref, nrm_ref, ni_ref):
        d = deg_ref[0] + deg_ref[1]
        n = lax.rsqrt(jnp.maximum(d[:, :N], 1.0))
        nrm = n.T
        nrm_ref[...] = nrm
        ni_ref[...] = n[1]
        h = jnp.dot(x_ref[...] * nrm[:, 0:1], w_ref[...],
                    preferred_element_type=jnp.float32)
        h_ref[0] = h[:, :H1]
        h_ref[1] = h[:, H1:]
    return pl.pallas_call(
        body,
        out_shape=(jax.ShapeDtypeStruct((NC, N, H1), jnp.float32),
                   jax.ShapeDtypeStruct((N, 2), jnp.float32),
                   jax.ShapeDtypeStruct((N,), jnp.float32)),
    )(deg, x, W1)


def _layer2_tc(agg, b1, W2, norms):
    def body(agg_ref, b_ref, w_ref, nrm_ref, h_ref):
        no = nrm_ref[:, 0:1]
        ni = nrm_ref[:, 1:2]
        t0 = jnp.maximum(agg_ref[0] * ni + b_ref[:, :H1], 0.0) * no
        t1 = jnp.maximum(agg_ref[1] * ni + b_ref[:, H1:], 0.0) * no
        h = (jnp.dot(t0, w_ref[:H1], preferred_element_type=jnp.float32)
             + jnp.dot(t1, w_ref[H1:], preferred_element_type=jnp.float32))
        h_ref[0] = h[:, :H2]
        h_ref[1] = h[:, H2:]
    return pl.pallas_call(
        body,
        grid=(N // BM,),
        in_specs=[
            pl.BlockSpec((NC, BM, H1), lambda i: (0, i, 0)),
            pl.BlockSpec((1, D1), lambda i: (0, 0)),
            pl.BlockSpec((D1, D2), lambda i: (0, 0)),
            pl.BlockSpec((BM, 2), lambda i: (i, 0)),
        ],
        out_specs=pl.BlockSpec((NC, BM, H2), lambda i: (0, i, 0)),
        out_shape=jax.ShapeDtypeStruct((NC, N, H2), jnp.float32),
    )(agg, b1.reshape(1, D1), W2, norms)


def kernel(x, edge_index, W1, b1, W2, b2):
    srcD = edge_index[0].reshape(NW, NCHD, CH)
    dstD = edge_index[1].reshape(NW, NCHD, CH)
    srcA = edge_index[0].reshape(NS, NCHA, CH)
    dstA = edge_index[1].reshape(NS, NCHA, CH)

    deg = _deg(srcD, dstD)
    h1, norms, ni = _layer1_tc(x, W1, deg)
    agg1 = _agg1(h1, srcA, dstA)
    h2 = _layer2_tc(agg1, b1, W2, norms)
    return _agg_final(h2, srcA, dstA, ni, b2)

# --- scband reference (transcript-rebuilt; emitter-appended) ---
"""Pipeline reference for scband-gcn-10024453669129 (READ-ONLY COPY).

The authoritative reference and input builder live on the scoring server;
editing this copy changes nothing except your own understanding.
"""

import jax, jax.numpy as jnp
import numpy as np

N_NODES = 10000
N_EDGES = 320000
D_FEAT = 128
N_HID = 128
N_CLASS = 64


def setup_inputs(seed: int = 0) -> dict:
    key = jax.random.key(seed)
    k1, k2, k3, k4 = jax.random.split(key, 4)
    x = jax.random.normal(k1, (N_NODES, D_FEAT), dtype=jnp.float32)
    edge_index = jax.random.randint(k2, (2, N_EDGES), 0, N_NODES, dtype=jnp.int32)
    # GraphConv layer 1 (n_feat -> n_hid) with xavier-like init
    W1 = jax.random.normal(k3, (D_FEAT, N_HID), dtype=jnp.float32) * (1.0 / np.sqrt(D_FEAT))
    b1 = jnp.zeros((N_HID,), dtype=jnp.float32)
    # GraphConv layer 2 (n_hid -> n_class)
    W2 = jax.random.normal(k4, (N_HID, N_CLASS), dtype=jnp.float32) * (1.0 / np.sqrt(N_HID))
    b2 = jnp.zeros((N_CLASS,), dtype=jnp.float32)
    return {"x": x, "edge_index": edge_index, "W1": W1, "b1": b1, "W2": W2, "b2": b2}


def _graph_conv(x, edge_index, W, b):
    # DGL GraphConv with norm='both': out = D_in^{-1/2} A (D_out^{-1/2} X W) + b
    src = edge_index[0]
    dst = edge_index[1]
    ones = jnp.ones((src.shape[0],), dtype=jnp.float32)
    deg_out = jax.ops.segment_sum(ones, src, num_segments=N_NODES)
    deg_in = jax.ops.segment_sum(ones, dst, num_segments=N_NODES)
    norm_out = jnp.power(jnp.clip(deg_out, 1.0, None), -0.5)
    norm_in = jnp.power(jnp.clip(deg_in, 1.0, None), -0.5)
    h = x * norm_out[:, None]
    h = h @ W
    msg = jnp.take(h, src, axis=0)
    agg = jax.ops.segment_sum(msg, dst, num_segments=N_NODES)
    out = agg * norm_in[:, None] + b
    return out


def reference(x, edge_index, W1, b1, W2, b2):
    h = _graph_conv(x, edge_index, W1, b1)
    h = jax.nn.relu(h)  # gc1 activation
    # dropout is identity in eval mode
    out = _graph_conv(h, edge_index, W2, b2)
    return out

if __name__ == "__main__":
    import jax
    _d = setup_inputs()
    print(jax.jit(kernel)(*tuple(_d.values())))

</pallas_src>

<mosaic_0001>
#map = affine_map<(d0, d1) -> (0, 0, 0)>
module attributes {stable_mosaic.version = 14 : i64} {
  func.func @_deg(%arg0: i32, %arg1: i32, %arg2: memref<32x125x80xi32, #tpu.memory_space<hbm>>, %arg3: memref<32x125x80xi32, #tpu.memory_space<hbm>>, %arg4: memref<2x2x10240xf32, #tpu.memory_space<hbm>>, %arg5: memref<125x80xi32, #tpu.memory_space<vmem>>, %arg6: memref<125x80xi32, #tpu.memory_space<vmem>>, %arg7: memref<80xf32, #tpu.memory_space<vmem>>, %arg8: memref<640xf32, #tpu.memory_space<vmem>>, %arg9: memref<10240xf32, #tpu.memory_space<vmem_shared>>, %arg10: memref<10240xf32, #tpu.memory_space<vmem_shared>>, %arg11: memref<!tpu.dma_semaphore, #tpu.memory_space<semaphore_mem>>, %arg12: memref<!tpu.dma_semaphore, #tpu.memory_space<semaphore_mem>>, %arg13: memref<!tpu.dma_semaphore, #tpu.memory_space<semaphore_mem>>, %arg14: memref<!tpu.dma_semaphore, #tpu.memory_space<semaphore_mem>>, %arg15: memref<!tpu.dma_semaphore, #tpu.memory_space<semaphore_mem>>, %arg16: memref<!tpu.dma_semaphore, #tpu.memory_space<semaphore_mem>>, %arg17: memref<!tpu.dma_semaphore, #tpu.memory_space<semaphore_mem>>, %arg18: memref<!tpu.dma_semaphore, #tpu.memory_space<semaphore_mem>>, %arg19: memref<!tpu.dma_semaphore, #tpu.memory_space<semaphore_mem>>, %arg20: memref<!tpu.dma_semaphore, #tpu.memory_space<semaphore_mem>>) attributes {dimension_semantics = [#tpu.dimension_semantics<core_parallel>, #tpu.dimension_semantics<subcore_parallel>], iteration_bounds = array<i64: 2, 16>, scalar_prefetch = 0 : i64, scratch_operands = 16 : i64, tpu.core_type = #tpu.core_type<sc_vector_subcore>, window_params = [{transform_indices = #map}, {transform_indices = #map}, {transform_indices = #map}]} {
    %mul3A = arith.constant 2 : i32
    %mul3A_0 = arith.muli %arg1, %mul3A : i32
    %add3A = arith.addi %mul3A_0, %arg0 : i32
    %broadcast_in_dim3A = arith.constant 1.000000e+00 : f32
    %broadcast_in_dim3A_1 = vector.broadcast %broadcast_in_dim3A : f32 to vector<16xf32>
    %swap3A = arith.constant 0 : index
    %swap3A_2 = tpu.vector_load %arg7[%swap3A] {strides = array<i32>} : memref<80xf32, #tpu.memory_space<vmem>>, vector<16xf32>,
    %swap3A_3 = vector.shape_cast %swap3A_2 : vector<16xf32> to vector<16xf32>
    %swap3A_4 = vector.shape_cast %broadcast_in_dim3A_1 : vector<16xf32> to vector<16xf32>
    tpu.vector_store %arg7[%swap3A], %swap3A_4 {strides = array<i32>} : memref<80xf32, #tpu.memory_space<vmem>>, vector<16xf32>,
    %broadcast_in_dim3A_5 = arith.constant 1.000000e+00 : f32
    %broadcast_in_dim3A_6 = vector.broadcast %broadcast_in_dim3A_5 : f32 to vector<16xf32>
    %swap3A_7 = arith.constant 16 : index
    %swap3A_8 = tpu.vector_load %arg7[%swap3A_7] {strides = array<i32>} : memref<80xf32, #tpu.memory_space<vmem>>, vector<16xf32>,
    %swap3A_9 = vector.shape_cast %swap3A_8 : vector<16xf32> to vector<16xf32>
    %swap3A_10 = vector.shape_cast %broadcast_in_dim3A_6 : vector<16xf32> to vector<16xf32>
    tpu.vector_store %arg7[%swap3A_7], %swap3A_10 {strides = array<i32>} : memref<80xf32, #tpu.memory_space<vmem>>, vector<16xf32>,
    %broadcast_in_dim3A_11 = arith.constant 1.000000e+00 : f32
    %broadcast_in_dim3A_12 = vector.broadcast %broadcast_in_dim3A_11 : f32 to vector<16xf32>
    %swap3A_13 = arith.constant 32 : index
    %swap3A_14 = tpu.vector_load %arg7[%swap3A_13] {strides = array<i32>} : memref<80xf32, #tpu.memory_space<vmem>>, vector<16xf32>,
    %swap3A_15 = vector.shape_cast %swap3A_14 : vector<16xf32> to vector<16xf32>
    %swap3A_16 = vector.shape_cast %broadcast_in_dim3A_12 : vector<16xf32> to vector<16xf32>
    tpu.vector_store %arg7[%swap3A_13], %swap3A_16 {strides = array<i32>} : memref<80xf32, #tpu.memory_space<vmem>>, vector<16xf32>,
    %broadcast_in_dim3A_17 = arith.constant 1.000000e+00 : f32
    %broadcast_in_dim3A_18 = vector.broadcast %broadcast_in_dim3A_17 : f32 to vector<16xf32>
    %swap3A_19 = arith.constant 48 : index
    %swap3A_20 = tpu.vector_load %arg7[%swap3A_19] {strides = array<i32>} : memref<80xf32, #tpu.memory_space<vmem>>, vector<16xf32>,
    %swap3A_21 = vector.shape_cast %swap3A_20 : vector<16xf32> to vector<16xf32>
    %swap3A_22 = vector.shape_cast %broadcast_in_dim3A_18 : vector<16xf32> to vector<16xf32>
    tpu.vector_store %arg7[%swap3A_19], %swap3A_22 {strides = array<i32>} : memref<80xf32, #tpu.memory_space<vmem>>, vector<16xf32>,
    %broadcast_in_dim3A_23 = arith.constant 1.000000e+00 : f32
    %broadcast_in_dim3A_24 = vector.broadcast %broadcast_in_dim3A_23 : f32 to vector<16xf32>
    %swap3A_25 = arith.constant 64 : index
    %swap3A_26 = tpu.vector_load %arg7[%swap3A_25] {strides = array<i32>} : memref<80xf32, #tpu.memory_space<vmem>>, vector<16xf32>,
    %swap3A_27 = vector.shape_cast %swap3A_26 : vector<16xf32> to vector<16xf32>
    %swap3A_28 = vector.shape_cast %broadcast_in_dim3A_24 : vector<16xf32> to vector<16xf32>
    tpu.vector_store %arg7[%swap3A_25], %swap3A_28 {strides = array<i32>} : memref<80xf32, #tpu.memory_space<vmem>>, vector<16xf32>,
    %scan3A = arith.constant 0 : i32
    %scan3A_29 = arith.constant 40 : i32
    %scan3A_30 = arith.addi %scan3A, %scan3A_29 : i32
    %scan3A_31 = arith.constant 1 : i32
    scf.for %scan3A_101 = %scan3A to %scan3A_30 step %scan3A_31  : i32 {
      %broadcast_in_dim3A_102 = arith.constant 0.000000e+00 : f32
      %broadcast_in_dim3A_103 = vector.broadcast %broadcast_in_dim3A_102 : f32 to vector<16xf32>
      %mul3A_104 = arith.constant 16 : i32
      %mul3A_105 = arith.muli %scan3A_101, %mul3A_104 : i32
      %swap3A_106 = arith.index_cast %mul3A_105 : i32 to index
      %swap3A_107 = tpu.vector_load %arg8[%swap3A_106] {strides = array<i32>} : memref<640xf32, #tpu.memory_space<vmem>>, vector<16xf32>,
      %swap3A_108 = vector.shape_cast %swap3A_107 : vector<16xf32> to vector<16xf32>
      %swap3A_109 = vector.shape_cast %broadcast_in_dim3A_103 : vector<16xf32> to vector<16xf32>
      tpu.vector_store %arg8[%swap3A_106], %swap3A_109 {strides = array<i32>} : memref<640xf32, #tpu.memory_space<vmem>>, vector<16xf32>,
    }
    %scan3A_32 = arith.constant 40 : i32
    %mul3A_33 = arith.constant 640 : i32
    %mul3A_34 = arith.muli %arg1, %mul3A_33 : i32
    "tpu.region"() ({
      %run_scoped3A_101 = tpu.sem_alloc : memref<!tpu.dma_semaphore, #tpu.memory_space<semaphore_mem>>
      %dma_start3A = tpu.memref_slice %arg9[%mul3A_34] : memref<10240xf32, #tpu.memory_space<vmem_shared>> -> memref<640xf32, #tpu.memory_space<vmem_shared>>
      %dma_start3A_102 = tpu.memref_slice %arg9[%mul3A_34] : memref<10240xf32, #tpu.memory_space<vmem_shared>> -> memref<640xf32, #tpu.memory_space<vmem_shared>>
      tpu.enqueue_dma source(%arg8 : memref<640xf32, #tpu.memory_space<vmem>>) target(%dma_start3A_102 : memref<640xf32, #tpu.memory_space<vmem_shared>>) target_semaphore(%run_scoped3A_101 : memref<!tpu.dma_semaphore, #tpu.memory_space<semaphore_mem>>)
      %dma_wait3A_103 = tpu.memref_slice %arg9[%mul3A_34] : memref<10240xf32, #tpu.memory_space<vmem_shared>> -> memref<640xf32, #tpu.memory_space<vmem_shared>>
      %dma_wait3A_104 = tpu.memref_slice %arg9[%mul3A_34] : memref<10240xf32, #tpu.memory_space<vmem_shared>> -> memref<640xf32, #tpu.memory_space<vmem_shared>>
      tpu.wait_dma2 semaphore(%run_scoped3A_101 : memref<!tpu.dma_semaphore, #tpu.memory_space<semaphore_mem>>) src(%arg8 : memref<640xf32, #tpu.memory_space<vmem>>) dst(%dma_wait3A_104 : memref<640xf32, #tpu.memory_space<vmem_shared>>)
      tpu.yield
    }) : () -> ()
    "tpu.region"() ({
      %run_scoped3A_101 = tpu.sem_alloc : memref<!tpu.dma_semaphore, #tpu.memory_space<semaphore_mem>>
      %dma_start3A = tpu.memref_slice %arg10[%mul3A_34] : memref<10240xf32, #tpu.memory_space<vmem_shared>> -> memref<640xf32, #tpu.memory_space<vmem_shared>>
      %dma_start3A_102 = tpu.memref_slice %arg10[%mul3A_34] : memref<10240xf32, #tpu.memory_space<vmem_shared>> -> memref<640xf32, #tpu.memory_space<vmem_shared>>
      tpu.enqueue_dma source(%arg8 : memref<640xf32, #tpu.memory_space<vmem>>) target(%dma_start3A_102 : memref<640xf32, #tpu.memory_space<vmem_shared>>) target_semaphore(%run_scoped3A_101 : memref<!tpu.dma_semaphore, #tpu.memory_space<semaphore_mem>>)
      %dma_wait3A_103 = tpu.memref_slice %arg10[%mul3A_34] : memref<10240xf32, #tpu.memory_space<vmem_shared>> -> memref<640xf32, #tpu.memory_space<vmem_shared>>
      %dma_wait3A_104 = tpu.memref_slice %arg10[%mul3A_34] : memref<10240xf32, #tpu.memory_space<vmem_shared>> -> memref<640xf32, #tpu.memory_space<vmem_shared>>
      tpu.wait_dma2 semaphore(%run_scoped3A_101 : memref<!tpu.dma_semaphore, #tpu.memory_space<semaphore_mem>>) src(%arg8 : memref<640xf32, #tpu.memory_space<vmem>>) dst(%dma_wait3A_104 : memref<640xf32, #tpu.memory_space<vmem_shared>>)
      tpu.yield
    }) : () -> ()
    "tpu.region"() ({
      %run_scoped3A_101 = tpu.sem_alloc : memref<!tpu.dma_semaphore, #tpu.memory_space<semaphore_mem>>
      %dma_start3A = arith.constant 0 : i32
      %dma_start3A_102 = arith.constant 0 : i32
      %dma_start3A_103 = tpu.memref_slice %arg2[%add3A, %dma_start3A, %dma_start3A_102] : memref<32x125x80xi32, #tpu.memory_space<hbm>> -> memref<1x125x80xi32, #tpu.memory_space<hbm>>
      %dma_start3A_104 = tpu.memref_squeeze %dma_start3A_103 : memref<1x125x80xi32, #tpu.memory_space<hbm>> -> memref<125x80xi32, #tpu.memory_space<hbm>>
      %dma_start3A_105 = arith.constant 0 : i32
      %dma_start3A_106 = arith.constant 0 : i32
      %dma_start3A_107 = tpu.memref_slice %arg2[%add3A, %dma_start3A_105, %dma_start3A_106] : memref<32x125x80xi32, #tpu.memory_space<hbm>> -> memref<1x125x80xi32, #tpu.memory_space<hbm>>
      %dma_start3A_108 = tpu.memref_squeeze %dma_start3A_107 : memref<1x125x80xi32, #tpu.memory_space<hbm>> -> memref<125x80xi32, #tpu.memory_space<hbm>>
      tpu.enqueue_dma source(%dma_start3A_108 : memref<125x80xi32, #tpu.memory_space<hbm>>) target(%arg5 : memref<125x80xi32, #tpu.memory_space<vmem>>) target_semaphore(%run_scoped3A_101 : memref<!tpu.dma_semaphore, #tpu.memory_space<semaphore_mem>>)
      %dma_wait3A_109 = arith.constant 0 : i32
      %dma_wait3A_110 = arith.constant 0 : i32
      %dma_wait3A_111 = tpu.memref_slice %arg2[%add3A, %dma_wait3A_109, %dma_wait3A_110] : memref<32x125x80xi32, #tpu.memory_space<hbm>> -> memref<1x125x80xi32, #tpu.memory_space<hbm>>
      %dma_wait3A_112 = tpu.memref_squeeze %dma_wait3A_111 : memref<1x125x80xi32, #tpu.memory_space<hbm>> -> memref<125x80xi32, #tpu.memory_space<hbm>>
      %dma_wait3A_113 = arith.constant 0 : i32
      %dma_wait3A_114 = arith.constant 0 : i32
      %dma_wait3A_115 = tpu.memref_slice %arg2[%add3A, %dma_wait3A_113, %dma_wait3A_114] : memref<32x125x80xi32, #tpu.memory_space<hbm>> -> memref<1x125x80xi32, #tpu.memory_space<hbm>>
      %dma_wait3A_116 = tpu.memref_squeeze %dma_wait3A_115 : memref<1x125x80xi32, #tpu.memory_space<hbm>> -> memref<125x80xi32, #tpu.memory_space<hbm>>
      tpu.wait_dma2 semaphore(%run_scoped3A_101 : memref<!tpu.dma_semaphore, #tpu.memory_space<semaphore_mem>>) src(%dma_wait3A_116 : memref<125x80xi32, #tpu.memory_space<hbm>>) dst(%arg5 : memref<125x80xi32, #tpu.memory_space<vmem>>)
      tpu.yield
    }) : () -> ()
    "tpu.region"() ({
      %run_scoped3A_101 = tpu.sem_alloc : memref<!tpu.dma_semaphore, #tpu.memory_space<semaphore_mem>>
      %dma_start3A = arith.constant 0 : i32
      %dma_start3A_102 = arith.constant 0 : i32
      %dma_start3A_103 = tpu.memref_slice %arg3[%add3A, %dma_start3A, %dma_start3A_102] : memref<32x125x80xi32, #tpu.memory_space<hbm>> -> memref<1x125x80xi32, #tpu.memory_space<hbm>>
      %dma_start3A_104 = tpu.memref_squeeze %dma_start3A_103 : memref<1x125x80xi32, #tpu.memory_space<hbm>> -> memref<125x80xi32, #tpu.memory_space<hbm>>
      %dma_start3A_105 = arith.constant 0 : i32
      %dma_start3A_106 = arith.constant 0 : i32
      %dma_start3A_107 = tpu.memref_slice %arg3[%add3A, %dma_start3A_105, %dma_start3A_106] : memref<32x125x80xi32, #tpu.memory_space<hbm>> -> memref<1x125x80xi32, #tpu.memory_space<hbm>>
      %dma_start3A_108 = tpu.memref_squeeze %dma_start3A_107 : memref<1x125x80xi32, #tpu.memory_space<hbm>> -> memref<125x80xi32, #tpu.memory_space<hbm>>
      tpu.enqueue_dma source(%dma_start3A_108 : memref<125x80xi32, #tpu.memory_space<hbm>>) target(%arg6 : memref<125x80xi32, #tpu.memory_space<vmem>>) target_semaphore(%run_scoped3A_101 : memref<!tpu.dma_semaphore, #tpu.memory_space<semaphore_mem>>)
      %dma_wait3A_109 = arith.constant 0 : i32
      %dma_wait3A_110 = arith.constant 0 : i32
      %dma_wait3A_111 = tpu.memref_slice %arg3[%add3A, %dma_wait3A_109, %dma_wait3A_110] : memref<32x125x80xi32, #tpu.memory_space<hbm>> -> memref<1x125x80xi32, #tpu.memory_space<hbm>>
      %dma_wait3A_112 = tpu.memref_squeeze %dma_wait3A_111 : memref<1x125x80xi32, #tpu.memory_space<hbm>> -> memref<125x80xi32, #tpu.memory_space<hbm>>
      %dma_wait3A_113 = arith.constant 0 : i32
      %dma_wait3A_114 = arith.constant 0 : i32
      %dma_wait3A_115 = tpu.memref_slice %arg3[%add3A, %dma_wait3A_113, %dma_wait3A_114] : memref<32x125x80xi32, #tpu.memory_space<hbm>> -> memref<1x125x80xi32, #tpu.memory_space<hbm>>
      %dma_wait3A_116 = tpu.memref_squeeze %dma_wait3A_115 : memref<1x125x80xi32, #tpu.memory_space<hbm>> -> memref<125x80xi32, #tpu.memory_space<hbm>>
      tpu.wait_dma2 semaphore(%run_scoped3A_101 : memref<!tpu.dma_semaphore, #tpu.memory_space<semaphore_mem>>) src(%dma_wait3A_116 : memref<125x80xi32, #tpu.memory_space<hbm>>) dst(%arg6 : memref<125x80xi32, #tpu.memory_space<vmem>>)
      tpu.yield
    }) : () -> ()
    %barrier3A = arith.constant 0 : index
    tpu.barrier barrier_id(%barrier3A)
    %scan3A_35 = arith.constant 0 : i32
    %scan3A_36 = arith.constant 25 : i32
    %scan3A_37 = arith.addi %scan3A_35, %scan3A_36 : i32
    %scan3A_38 = arith.constant 1 : i32
    scf.for %scan3A_101 = %scan3A_35 to %scan3A_37 step %scan3A_38  : i32 {
      %mul3A_102 = arith.constant 5 : i32
      %mul3A_103 = arith.muli %scan3A_101, %mul3A_102 : i32
      %add3A_104 = arith.constant 0 : i32
      %add3A_105 = arith.addi %mul3A_103, %add3A_104 : i32
      %ge3A = arith.constant 5 : i32
      %ge3A_106 = arith.cmpi sge, %add3A_105, %ge3A : i32
      %convert_element_type3A = arith.extui %ge3A_106 : i1 to i32
      %cond3A = arith.constant 0 : i32
      %cond3A_107 = arith.cmpi ne, %convert_element_type3A, %cond3A : i32
      scf.if %cond3A_107 {
        %dma_wait3A_193 = arith.constant 0 : i32
        %dma_wait3A_194 = tpu.memref_slice %arg5[%add3A_105, %dma_wait3A_193] : memref<125x80xi32, #tpu.memory_space<vmem>> -> memref<1x80xi32, #tpu.memory_space<vmem>>
        %dma_wait3A_195 = tpu.memref_squeeze %dma_wait3A_194 : memref<1x80xi32, #tpu.memory_space<vmem>> -> memref<80xi32, #tpu.memory_space<vmem>>
        %dma_wait3A_196 = arith.constant 0 : i32
        %dma_wait3A_197 = tpu.memref_slice %arg9[%dma_wait3A_196] : memref<10240xf32, #tpu.memory_space<vmem_shared>> -> memref<10240xf32, #tpu.memory_space<vmem_shared>>
        tpu.wait_indirect_dma semaphore(%arg11 : memref<!tpu.dma_semaphore, #tpu.memory_space<semaphore_mem>>) src(%arg7 : memref<80xf32, #tpu.memory_space<vmem>>) dst(%dma_wait3A_197 : memref<10240xf32, #tpu.memory_space<vmem_shared>>)
        %dma_wait3A_198 = arith.constant 0 : i32
        %dma_wait3A_199 = tpu.memref_slice %arg6[%add3A_105, %dma_wait3A_198] : memref<125x80xi32, #tpu.memory_space<vmem>> -> memref<1x80xi32, #tpu.memory_space<vmem>>
        %dma_wait3A_200 = tpu.memref_squeeze %dma_wait3A_199 : memref<1x80xi32, #tpu.memory_space<vmem>> -> memref<80xi32, #tpu.memory_space<vmem>>
        %dma_wait3A_201 = arith.constant 0 : i32
        %dma_wait3A_202 = tpu.memref_slice %arg10[%dma_wait3A_201] : memref<10240xf32, #tpu.memory_space<vmem_shared>> -> memref<10240xf32, #tpu.memory_space<vmem_shared>>
        tpu.wait_indirect_dma semaphore(%arg16 : memref<!tpu.dma_semaphore, #tpu.memory_space<semaphore_mem>>) src(%arg7 : memref<80xf32, #tpu.memory_space<vmem>>) dst(%dma_wait3A_202 : memref<10240xf32, #tpu.memory_space<vmem_shared>>)
      } else {
      }
      %dma_start3A = arith.constant 0 : i32
      %dma_start3A_108 = tpu.memref_slice %arg5[%add3A_105, %dma_start3A] : memref<125x80xi32, #tpu.memory_space<vmem>> -> memref<1x80xi32, #tpu.memory_space<vmem>>
      %dma_start3A_109 = tpu.memref_squeeze %dma_start3A_108 : memref<1x80xi32, #tpu.memory_space<vmem>> -> memref<80xi32, #tpu.memory_space<vmem>>
      %dma_start3A_110 = arith.constant 0 : i32
      %dma_start3A_111 = tpu.memref_slice %arg9[%dma_start3A_110] : memref<10240xf32, #tpu.memory_space<vmem_shared>> -> memref<10240xf32, #tpu.memory_space<vmem_shared>>
      tpu.enqueue_indirect_dma source(%arg7 : memref<80xf32, #tpu.memory_space<vmem>>) target(%dma_start3A_111 : memref<10240xf32, #tpu.memory_space<vmem_shared>>) offsets(%dma_start3A_109 : memref<80xi32, #tpu.memory_space<vmem>>) semaphore(%arg11 : memref<!tpu.dma_semaphore, #tpu.memory_space<semaphore_mem>>) {add = true}
      %dma_start3A_112 = arith.constant 0 : i32
      %dma_start3A_113 = tpu.memref_slice %arg6[%add3A_105, %dma_start3A_112] : memref<125x80xi32, #tpu.memory_space<vmem>> -> memref<1x80xi32, #tpu.memory_space<vmem>>
      %dma_start3A_114 = tpu.memref_squeeze %dma_start3A_113 : memref<1x80xi32, #tpu.memory_space<vmem>> -> memref<80xi32, #tpu.memory_space<vmem>>
      %dma_start3A_115 = arith.constant 0 : i32
      %dma_start3A_116 = tpu.memref_slice %arg10[%dma_start3A_115] : memref<10240xf32, #tpu.memory_space<vmem_shared>> -> memref<10240xf32, #tpu.memory_space<vmem_shared>>
      tpu.enqueue_indirect_dma source(%arg7 : memref<80xf32, #tpu.memory_space<vmem>>) target(%dma_start3A_116 : memref<10240xf32, #tpu.memory_space<vmem_shared>>) offsets(%dma_start3A_114 : memref<80xi32, #tpu.memory_space<vmem>>) semaphore(%arg16 : memref<!tpu.dma_semaphore, #tpu.memory_space<semaphore_mem>>) {add = true}
      %mul3A_117 = arith.constant 5 : i32
      %mul3A_118 = arith.muli %scan3A_101, %mul3A_117 : i32
      %add3A_119 = arith.constant 1 : i32
      %add3A_120 = arith.addi %mul3A_118, %add3A_119 : i32
      %ge3A_121 = arith.constant 5 : i32
      %ge3A_122 = arith.cmpi sge, %add3A_120, %ge3A_121 : i32
      %convert_element_type3A_123 = arith.extui %ge3A_122 : i1 to i32
      %cond3A_124 = arith.constant 0 : i32
      %cond3A_125 = arith.cmpi ne, %convert_element_type3A_123, %cond3A_124 : i32
      scf.if %cond3A_125 {
        %dma_wait3A_193 = arith.constant 0 : i32
        %dma_wait3A_194 = tpu.memref_slice %arg5[%add3A_120, %dma_wait3A_193] : memref<125x80xi32, #tpu.memory_space<vmem>> -> memref<1x80xi32, #tpu.memory_space<vmem>>
        %dma_wait3A_195 = tpu.memref_squeeze %dma_wait3A_194 : memref<1x80xi32, #tpu.memory_space<vmem>> -> memref<80xi32, #tpu.memory_space<vmem>>
        %dma_wait3A_196 = arith.constant 0 : i32
        %dma_wait3A_197 = tpu.memref_slice %arg9[%dma_wait3A_196] : memref<10240xf32, #tpu.memory_space<vmem_shared>> -> memref<10240xf32, #tpu.memory_space<vmem_shared>>
        tpu.wait_indirect_dma semaphore(%arg12 : memref<!tpu.dma_semaphore, #tpu.memory_space<semaphore_mem>>) src(%arg7 : memref<80xf32, #tpu.memory_space<vmem>>) dst(%dma_wait3A_197 : memref<10240xf32, #tpu.memory_space<vmem_shared>>)
        %dma_wait3A_198 = arith.constant 0 : i32
        %dma_wait3A_199 = tpu.memref_slice %arg6[%add3A_120, %dma_wait3A_198] : memref<125x80xi32, #tpu.memory_space<vmem>> -> memref<1x80xi32, #tpu.memory_space<vmem>>
        %dma_wait3A_200 = tpu.memref_squeeze %dma_wait3A_199 : memref<1x80xi32, #tpu.memory_space<vmem>> -> memref<80xi32, #tpu.memory_space<vmem>>
        %dma_wait3A_201 = arith.constant 0 : i32
        %dma_wait3A_202 = tpu.memref_slice %arg10[%dma_wait3A_201] : memref<10240xf32, #tpu.memory_space<vmem_shared>> -> memref<10240xf32, #tpu.memory_space<vmem_shared>>
        tpu.wait_indirect_dma semaphore(%arg17 : memref<!tpu.dma_semaphore, #tpu.memory_space<semaphore_mem>>) src(%arg7 : memref<80xf32, #tpu.memory_space<vmem>>) dst(%dma_wait3A_202 : memref<10240xf32, #tpu.memory_space<vmem_shared>>)
      } else {
      }
      %dma_start3A_126 = arith.constant 0 : i32
      %dma_start3A_127 = tpu.memref_slice %arg5[%add3A_120, %dma_start3A_126] : memref<125x80xi32, #tpu.memory_space<vmem>> -> memref<1x80xi32, #tpu.memory_space<vmem>>
      %dma_start3A_128 = tpu.memref_squeeze %dma_start3A_127 : memref<1x80xi32, #tpu.memory_space<vmem>> -> memref<80xi32, #tpu.memory_space<vmem>>
      %dma_start3A_129 = arith.constant 0 : i32
      %dma_start3A_130 = tpu.memref_slice %arg9[%dma_start3A_129] : memref<10240xf32, #tpu.memory_space<vmem_shared>> -> memref<10240xf32, #tpu.memory_space<vmem_shared>>
      tpu.enqueue_indirect_dma source(%arg7 : memref<80xf32, #tpu.memory_space<vmem>>) target(%dma_start3A_130 : memref<10240xf32, #tpu.memory_space<vmem_shared>>) offsets(%dma_start3A_128 : memref<80xi32, #tpu.memory_space<vmem>>) semaphore(%arg12 : memref<!tpu.dma_semaphore, #tpu.memory_space<semaphore_mem>>) {add = true}
      %dma_start3A_131 = arith.constant 0 : i32
      %dma_start3A_132 = tpu.memref_slice %arg6[%add3A_120, %dma_start3A_131] : memref<125x80xi32, #tpu.memory_space<vmem>> -> memref<1x80xi32, #tpu.memory_space<vmem>>
      %dma_start3A_133 = tpu.memref_squeeze %dma_start3A_132 : memref<1x80xi32, #tpu.memory_space<vmem>> -> memref<80xi32, #tpu.memory_space<vmem>>
      %dma_start3A_134 = arith.constant 0 : i32
      %dma_start3A_135 = tpu.memref_slice %arg10[%dma_start3A_134] : memref<10240xf32, #tpu.memory_space<vmem_shared>> -> memref<10240xf32, #tpu.memory_space<vmem_shared>>
      tpu.enqueue_indirect_dma source(%arg7 : memref<80xf32, #tpu.memory_space<vmem>>) target(%dma_start3A_135 : memref<10240xf32, #tpu.memory_space<vmem_shared>>) offsets(%dma_start3A_133 : memref<80xi32, #tpu.memory_space<vmem>>) semaphore(%arg17 : memref<!tpu.dma_semaphore, #tpu.memory_space<semaphore_mem>>) {add = true}
      %mul3A_136 = arith.constant 5 : i32
      %mul3A_137 = arith.muli %scan3A_101, %mul3A_136 : i32
      %add3A_138 = arith.constant 2 : i32
      %add3A_139 = arith.addi %mul3A_137, %add3A_138 : i32
      %ge3A_140 = arith.constant 5 : i32
      %ge3A_141 = arith.cmpi sge, %add3A_139, %ge3A_140 : i32
      %convert_element_type3A_142 = arith.extui %ge3A_141 : i1 to i32
      %cond3A_143 = arith.constant 0 : i32
      %cond3A_144 = arith.cmpi ne, %convert_element_type3A_142, %cond3A_143 : i32
      scf.if %cond3A_144 {
        %dma_wait3A_193 = arith.constant 0 : i32
        %dma_wait3A_194 = tpu.memref_slice %arg5[%add3A_139, %dma_wait3A_193] : memref<125x80xi32, #tpu.memory_space<vmem>> -> memref<1x80xi32, #tpu.memory_space<vmem>>
        %dma_wait3A_195 = tpu.memref_squeeze %dma_wait3A_194 : memref<1x80xi32, #tpu.memory_space<vmem>> -> memref<80xi32, #tpu.memory_space<vmem>>
        %dma_wait3A_196 = arith.constant 0 : i32
        %dma_wait3A_197 = tpu.memref_slice %arg9[%dma_wait3A_196] : memref<10240xf32, #tpu.memory_space<vmem_shared>> -> memref<10240xf32, #tpu.memory_space<vmem_shared>>
        tpu.wait_indirect_dma semaphore(%arg13 : memref<!tpu.dma_semaphore, #tpu.memory_space<semaphore_mem>>) src(%arg7 : memref<80xf32, #tpu.memory_space<vmem>>) dst(%dma_wait3A_197 : memref<10240xf32, #tpu.memory_space<vmem_shared>>)
        %dma_wait3A_198 = arith.constant 0 : i32
        %dma_wait3A_199 = tpu.memref_slice %arg6[%add3A_139, %dma_wait3A_198] : memref<125x80xi32, #tpu.memory_space<vmem>> -> memref<1x80xi32, #tpu.memory_space<vmem>>
        %dma_wait3A_200 = tpu.memref_squeeze %dma_wait3A_199 : memref<1x80xi32, #tpu.memory_space<vmem>> -> memref<80xi32, #tpu.memory_space<vmem>>
        %dma_wait3A_201 = arith.constant 0 : i32
        %dma_wait3A_202 = tpu.memref_slice %arg10[%dma_wait3A_201] : memref<10240xf32, #tpu.memory_space<vmem_shared>> -> memref<10240xf32, #tpu.memory_space<vmem_shared>>
        tpu.wait_indirect_dma semaphore(%arg18 : memref<!tpu.dma_semaphore, #tpu.memory_space<semaphore_mem>>) src(%arg7 : memref<80xf32, #tpu.memory_space<vmem>>) dst(%dma_wait3A_202 : memref<10240xf32, #tpu.memory_space<vmem_shared>>)
      } else {
      }
      %dma_start3A_145 = arith.constant 0 : i32
      %dma_start3A_146 = tpu.memref_slice %arg5[%add3A_139, %dma_start3A_145] : memref<125x80xi32, #tpu.memory_space<vmem>> -> memref<1x80xi32, #tpu.memory_space<vmem>>
      %dma_start3A_147 = tpu.memref_squeeze %dma_start3A_146 : memref<1x80xi32, #tpu.memory_space<vmem>> -> memref<80xi32, #tpu.memory_space<vmem>>
      %dma_start3A_148 = arith.constant 0 : i32
      %dma_start3A_149 = tpu.memref_slice %arg9[%dma_start3A_148] : memref<10240xf32, #tpu.memory_space<vmem_shared>> -> memref<10240xf32, #tpu.memory_space<vmem_shared>>
      tpu.enqueue_indirect_dma source(%arg7 : memref<80xf32, #tpu.memory_space<vmem>>) target(%dma_start3A_149 : memref<10240xf32, #tpu.memory_space<vmem_shared>>) offsets(%dma_start3A_147 : memref<80xi32, #tpu.memory_space<vmem>>) semaphore(%arg13 : memref<!tpu.dma_semaphore, #tpu.memory_space<semaphore_mem>>) {add = true}
      %dma_start3A_150 = arith.constant 0 : i32
      %dma_start3A_151 = tpu.memref_slice %arg6[%add3A_139, %dma_start3A_150] : memref<125x80xi32, #tpu.memory_space<vmem>> -> memref<1x80xi32, #tpu.memory_space<vmem>>
      %dma_start3A_152 = tpu.memref_squeeze %dma_start3A_151 : memref<1x80xi32, #tpu.memory_space<vmem>> -> memref<80xi32, #tpu.memory_space<vmem>>
      %dma_start3A_153 = arith.constant 0 : i32
      %dma_start3A_154 = tpu.memref_slice %arg10[%dma_start3A_153] : memref<10240xf32, #tpu.memory_space<vmem_shared>> -> memref<10240xf32, #tpu.memory_space<vmem_shared>>
      tpu.enqueue_indirect_dma source(%arg7 : memref<80xf32, #tpu.memory_space<vmem>>) target(%dma_start3A_154 : memref<10240xf32, #tpu.memory_space<vmem_shared>>) offsets(%dma_start3A_152 : memref<80xi32, #tpu.memory_space<vmem>>) semaphore(%arg18 : memref<!tpu.dma_semaphore, #tpu.memory_space<semaphore_mem>>) {add = true}
      %mul3A_155 = arith.constant 5 : i32
      %mul3A_156 = arith.muli %scan3A_101, %mul3A_155 : i32
      %add3A_157 = arith.constant 3 : i32
      %add3A_158 = arith.addi %mul3A_156, %add3A_157 : i32
      %ge3A_159 = arith.constant 5 : i32
      %ge3A_160 = arith.cmpi sge, %add3A_158, %ge3A_159 : i32
      %convert_element_type3A_161 = arith.extui %ge3A_160 : i1 to i32
      %cond3A_162 = arith.constant 0 : i32
      %cond3A_163 = arith.cmpi ne, %convert_element_type3A_161, %cond3A_162 : i32
      scf.if %cond3A_163 {
        %dma_wait3A_193 = arith.constant 0 : i32
        %dma_wait3A_194 = tpu.memref_slice %arg5[%add3A_158, %dma_wait3A_193] : memref<125x80xi32, #tpu.memory_space<vmem>> -> memref<1x80xi32, #tpu.memory_space<vmem>>
        %dma_wait3A_195 = tpu.memref_squeeze %dma_wait3A_194 : memref<1x80xi32, #tpu.memory_space<vmem>> -> memref<80xi32, #tpu.memory_space<vmem>>
        %dma_wait3A_196 = arith.constant 0 : i32
        %dma_wait3A_197 = tpu.memref_slice %arg9[%dma_wait3A_196] : memref<10240xf32, #tpu.memory_space<vmem_shared>> -> memref<10240xf32, #tpu.memory_space<vmem_shared>>
        tpu.wait_indirect_dma semaphore(%arg14 : memref<!tpu.dma_semaphore, #tpu.memory_space<semaphore_mem>>) src(%arg7 : memref<80xf32, #tpu.memory_space<vmem>>) dst(%dma_wait3A_197 : memref<10240xf32, #tpu.memory_space<vmem_shared>>)
        %dma_wait3A_198 = arith.constant 0 : i32
        %dma_wait3A_199 = tpu.memref_slice %arg6[%add3A_158, %dma_wait3A_198] : memref<125x80xi32, #tpu.memory_space<vmem>> -> memref<1x80xi32, #tpu.memory_space<vmem>>
        %dma_wait3A_200 = tpu.memref_squeeze %dma_wait3A_199 : memref<1x80xi32, #tpu.memory_space<vmem>> -> memref<80xi32, #tpu.memory_space<vmem>>
        %dma_wait3A_201 = arith.constant 0 : i32
        %dma_wait3A_202 = tpu.memref_slice %arg10[%dma_wait3A_201] : memref<10240xf32, #tpu.memory_space<vmem_shared>> -> memref<10240xf32, #tpu.memory_space<vmem_shared>>
        tpu.wait_indirect_dma semaphore(%arg19 : memref<!tpu.dma_semaphore, #tpu.memory_space<semaphore_mem>>) src(%arg7 : memref<80xf32, #tpu.memory_space<vmem>>) dst(%dma_wait3A_202 : memref<10240xf32, #tpu.memory_space<vmem_shared>>)
      } else {
      }
      %dma_start3A_164 = arith.constant 0 : i32
      %dma_start3A_165 = tpu.memref_slice %arg5[%add3A_158, %dma_start3A_164] : memref<125x80xi32, #tpu.memory_space<vmem>> -> memref<1x80xi32, #tpu.memory_space<vmem>>
      %dma_start3A_166 = tpu.memref_squeeze %dma_start3A_165 : memref<1x80xi32, #tpu.memory_space<vmem>> -> memref<80xi32, #tpu.memory_space<vmem>>
      %dma_start3A_167 = arith.constant 0 : i32
      %dma_start3A_168 = tpu.memref_slice %arg9[%dma_start3A_167] : memref<10240xf32, #tpu.memory_space<vmem_shared>> -> memref<10240xf32, #tpu.memory_space<vmem_shared>>
      tpu.enqueue_indirect_dma source(%arg7 : memref<80xf32, #tpu.memory_space<vmem>>) target(%dma_start3A_168 : memref<10240xf32, #tpu.memory_space<vmem_shared>>) offsets(%dma_start3A_166 : memref<80xi32, #tpu.memory_space<vmem>>) semaphore(%arg14 : memref<!tpu.dma_semaphore, #tpu.memory_space<semaphore_mem>>) {add = true}
      %dma_start3A_169 = arith.constant 0 : i32
      %dma_start3A_170 = tpu.memref_slice %arg6[%add3A_158, %dma_start3A_169] : memref<125x80xi32, #tpu.memory_space<vmem>> -> memref<1x80xi32, #tpu.memory_space<vmem>>
      %dma_start3A_171 = tpu.memref_squeeze %dma_start3A_170 : memref<1x80xi32, #tpu.memory_space<vmem>> -> memref<80xi32, #tpu.memory_space<vmem>>
      %dma_start3A_172 = arith.constant 0 : i32
      %dma_start3A_173 = tpu.memref_slice %arg10[%dma_start3A_172] : memref<10240xf32, #tpu.memory_space<vmem_shared>> -> memref<10240xf32, #tpu.memory_space<vmem_shared>>
      tpu.enqueue_indirect_dma source(%arg7 : memref<80xf32, #tpu.memory_space<vmem>>) target(%dma_start3A_173 : memref<10240xf32, #tpu.memory_space<vmem_shared>>) offsets(%dma_start3A_171 : memref<80xi32, #tpu.memory_space<vmem>>) semaphore(%arg19 : memref<!tpu.dma_semaphore, #tpu.memory_space<semaphore_mem>>) {add = true}
      %mul3A_174 = arith.constant 5 : i32
      %mul3A_175 = arith.muli %scan3A_101, %mul3A_174 : i32
      %add3A_176 = arith.constant 4 : i32
      %add3A_177 = arith.addi %mul3A_175, %add3A_176 : i32
      %ge3A_178 = arith.constant 5 : i32
      %ge3A_179 = arith.cmpi sge, %add3A_177, %ge3A_178 : i32
      %convert_element_type3A_180 = arith.extui %ge3A_179 : i1 to i32
      %cond3A_181 = arith.constant 0 : i32
      %cond3A_182 = arith.cmpi ne, %convert_element_type3A_180, %cond3A_181 : i32
      scf.if %cond3A_182 {
        %dma_wait3A_193 = arith.constant 0 : i32
        %dma_wait3A_194 = tpu.memref_slice %arg5[%add3A_177, %dma_wait3A_193] : memref<125x80xi32, #tpu.memory_space<vmem>> -> memref<1x80xi32, #tpu.memory_space<vmem>>
        %dma_wait3A_195 = tpu.memref_squeeze %dma_wait3A_194 : memref<1x80xi32, #tpu.memory_space<vmem>> -> memref<80xi32, #tpu.memory_space<vmem>>
        %dma_wait3A_196 = arith.constant 0 : i32
        %dma_wait3A_197 = tpu.memref_slice %arg9[%dma_wait3A_196] : memref<10240xf32, #tpu.memory_space<vmem_shared>> -> memref<10240xf32, #tpu.memory_space<vmem_shared>>
        tpu.wait_indirect_dma semaphore(%arg15 : memref<!tpu.dma_semaphore, #tpu.memory_space<semaphore_mem>>) src(%arg7 : memref<80xf32, #tpu.memory_space<vmem>>) dst(%dma_wait3A_197 : memref<10240xf32, #tpu.memory_space<vmem_shared>>)
        %dma_wait3A_198 = arith.constant 0 : i32
        %dma_wait3A_199 = tpu.memref_slice %arg6[%add3A_177, %dma_wait3A_198] : memref<125x80xi32, #tpu.memory_space<vmem>> -> memref<1x80xi32, #tpu.memory_space<vmem>>
        %dma_wait3A_200 = tpu.memref_squeeze %dma_wait3A_199 : memref<1x80xi32, #tpu.memory_space<vmem>> -> memref<80xi32, #tpu.memory_space<vmem>>
        %dma_wait3A_201 = arith.constant 0 : i32
        %dma_wait3A_202 = tpu.memref_slice %arg10[%dma_wait3A_201] : memref<10240xf32, #tpu.memory_space<vmem_shared>> -> memref<10240xf32, #tpu.memory_space<vmem_shared>>
        tpu.wait_indirect_dma semaphore(%arg20 : memref<!tpu.dma_semaphore, #tpu.memory_space<semaphore_mem>>) src(%arg7 : memref<80xf32, #tpu.memory_space<vmem>>) dst(%dma_wait3A_202 : memref<10240xf32, #tpu.memory_space<vmem_shared>>)
      } else {
      }
      %dma_start3A_183 = arith.constant 0 : i32
      %dma_start3A_184 = tpu.memref_slice %arg5[%add3A_177, %dma_start3A_183] : memref<125x80xi32, #tpu.memory_space<vmem>> -> memref<1x80xi32, #tpu.memory_space<vmem>>
      %dma_start3A_185 = tpu.memref_squeeze %dma_start3A_184 : memref<1x80xi32, #tpu.memory_space<vmem>> -> memref<80xi32, #tpu.memory_space<vmem>>
      %dma_start3A_186 = arith.constant 0 : i32
      %dma_start3A_187 = tpu.memref_slice %arg9[%dma_start3A_186] : memref<10240xf32, #tpu.memory_space<vmem_shared>> -> memref<10240xf32, #tpu.memory_space<vmem_shared>>
      tpu.enqueue_indirect_dma source(%arg7 : memref<80xf32, #tpu.memory_space<vmem>>) target(%dma_start3A_187 : memref<10240xf32, #tpu.memory_space<vmem_shared>>) offsets(%dma_start3A_185 : memref<80xi32, #tpu.memory_space<vmem>>) semaphore(%arg15 : memref<!tpu.dma_semaphore, #tpu.memory_space<semaphore_mem>>) {add = true}
      %dma_start3A_188 = arith.constant 0 : i32
      %dma_start3A_189 = tpu.memref_slice %arg6[%add3A_177, %dma_start3A_188] : memref<125x80xi32, #tpu.memory_space<vmem>> -> memref<1x80xi32, #tpu.memory_space<vmem>>
      %dma_start3A_190 = tpu.memref_squeeze %dma_start3A_189 : memref<1x80xi32, #tpu.memory_space<vmem>> -> memref<80xi32, #tpu.memory_space<vmem>>
      %dma_start3A_191 = arith.constant 0 : i32
      %dma_start3A_192 = tpu.memref_slice %arg10[%dma_start3A_191] : memref<10240xf32, #tpu.memory_space<vmem_shared>> -> memref<10240xf32, #tpu.memory_space<vmem_shared>>
      tpu.enqueue_indirect_dma source(%arg7 : memref<80xf32, #tpu.memory_space<vmem>>) target(%dma_start3A_192 : memref<10240xf32, #tpu.memory_space<vmem_shared>>) offsets(%dma_start3A_190 : memref<80xi32, #tpu.memory_space<vmem>>) semaphore(%arg20 : memref<!tpu.dma_semaphore, #tpu.memory_space<semaphore_mem>>) {add = true}
    }
    %scan3A_39 = arith.constant 25 : i32
    %dma_wait3A = arith.constant 120 : i32
    %dma_wait3A_40 = arith.constant 0 : i32
    %dma_wait3A_41 = tpu.memref_slice %arg5[%dma_wait3A, %dma_wait3A_40] : memref<125x80xi32, #tpu.memory_space<vmem>> -> memref<1x80xi32, #tpu.memory_space<vmem>>
    %dma_wait3A_42 = tpu.memref_squeeze %dma_wait3A_41 : memref<1x80xi32, #tpu.memory_space<vmem>> -> memref<80xi32, #tpu.memory_space<vmem>>
    %dma_wait3A_43 = arith.constant 0 : i32
    %dma_wait3A_44 = tpu.memref_slice %arg9[%dma_wait3A_43] : memref<10240xf32, #tpu.memory_space<vmem_shared>> -> memref<10240xf32, #tpu.memory_space<vmem_shared>>
    tpu.wait_indirect_dma semaphore(%arg11 : memref<!tpu.dma_semaphore, #tpu.memory_space<semaphore_mem>>) src(%arg7 : memref<80xf32, #tpu.memory_space<vmem>>) dst(%dma_wait3A_44 : memref<10240xf32, #tpu.memory_space<vmem_shared>>)
    %dma_wait3A_45 = arith.constant 120 : i32
    %dma_wait3A_46 = arith.constant 0 : i32
    %dma_wait3A_47 = tpu.memref_slice %arg6[%dma_wait3A_45, %dma_wait3A_46] : memref<125x80xi32, #tpu.memory_space<vmem>> -> memref<1x80xi32, #tpu.memory_space<vmem>>
    %dma_wait3A_48 = tpu.memref_squeeze %dma_wait3A_47 : memref<1x80xi32, #tpu.memory_space<vmem>> -> memref<80xi32, #tpu.memory_space<vmem>>
    %dma_wait3A_49 = arith.constant 0 : i32
    %dma_wait3A_50 = tpu.memref_slice %arg10[%dma_wait3A_49] : memref<10240xf32, #tpu.memory_space<vmem_shared>> -> memref<10240xf32, #tpu.memory_space<vmem_shared>>
    tpu.wait_indirect_dma semaphore(%arg16 : memref<!tpu.dma_semaphore, #tpu.memory_space<semaphore_mem>>) src(%arg7 : memref<80xf32, #tpu.memory_space<vmem>>) dst(%dma_wait3A_50 : memref<10240xf32, #tpu.memory_space<vmem_shared>>)
    %dma_wait3A_51 = arith.constant 121 : i32
    %dma_wait3A_52 = arith.constant 0 : i32
    %dma_wait3A_53 = tpu.memref_slice %arg5[%dma_wait3A_51, %dma_wait3A_52] : memref<125x80xi32, #tpu.memory_space<vmem>> -> memref<1x80xi32, #tpu.memory_space<vmem>>
    %dma_wait3A_54 = tpu.memref_squeeze %dma_wait3A_53 : memref<1x80xi32, #tpu.memory_space<vmem>> -> memref<80xi32, #tpu.memory_space<vmem>>
    %dma_wait3A_55 = arith.constant 0 : i32
    %dma_wait3A_56 = tpu.memref_slice %arg9[%dma_wait3A_55] : memref<10240xf32, #tpu.memory_space<vmem_shared>> -> memref<10240xf32, #tpu.memory_space<vmem_shared>>
    tpu.wait_indirect_dma semaphore(%arg12 : memref<!tpu.dma_semaphore, #tpu.memory_space<semaphore_mem>>) src(%arg7 : memref<80xf32, #tpu.memory_space<vmem>>) dst(%dma_wait3A_56 : memref<10240xf32, #tpu.memory_space<vmem_shared>>)
    %dma_wait3A_57 = arith.constant 121 : i32
    %dma_wait3A_58 = arith.constant 0 : i32
    %dma_wait3A_59 = tpu.memref_slice %arg6[%dma_wait3A_57, %dma_wait3A_58] : memref<125x80xi32, #tpu.memory_space<vmem>> -> memref<1x80xi32, #tpu.memory_space<vmem>>
    %dma_wait3A_60 = tpu.memref_squeeze %dma_wait3A_59 : memref<1x80xi32, #tpu.memory_space<vmem>> -> memref<80xi32, #tpu.memory_space<vmem>>
    %dma_wait3A_61 = arith.constant 0 : i32
    %dma_wait3A_62 = tpu.memref_slice %arg10[%dma_wait3A_61] : memref<10240xf32, #tpu.memory_space<vmem_shared>> -> memref<10240xf32, #tpu.memory_space<vmem_shared>>
    tpu.wait_indirect_dma semaphore(%arg17 : memref<!tpu.dma_semaphore, #tpu.memory_space<semaphore_mem>>) src(%arg7 : memref<80xf32, #tpu.memory_space<vmem>>) dst(%dma_wait3A_62 : memref<10240xf32, #tpu.memory_space<vmem_shared>>)
    %dma_wait3A_63 = arith.constant 122 : i32
    %dma_wait3A_64 = arith.constant 0 : i32
    %dma_wait3A_65 = tpu.memref_slice %arg5[%dma_wait3A_63, %dma_wait3A_64] : memref<125x80xi32, #tpu.memory_space<vmem>> -> memref<1x80xi32, #tpu.memory_space<vmem>>
    %dma_wait3A_66 = tpu.memref_squeeze %dma_wait3A_65 : memref<1x80xi32, #tpu.memory_space<vmem>> -> memref<80xi32, #tpu.memory_space<vmem>>
    %dma_wait3A_67 = arith.constant 0 : i32
    %dma_wait3A_68 = tpu.memref_slice %arg9[%dma_wait3A_67] : memref<10240xf32, #tpu.memory_space<vmem_shared>> -> memref<10240xf32, #tpu.memory_space<vmem_shared>>
    tpu.wait_indirect_dma semaphore(%arg13 : memref<!tpu.dma_semaphore, #tpu.memory_space<semaphore_mem>>) src(%arg7 : memref<80xf32, #tpu.memory_space<vmem>>) dst(%dma_wait3A_68 : memref<10240xf32, #tpu.memory_space<vmem_shared>>)
    %dma_wait3A_69 = arith.constant 122 : i32
    %dma_wait3A_70 = arith.constant 0 : i32
    %dma_wait3A_71 = tpu.memref_slice %arg6[%dma_wait3A_69, %dma_wait3A_70] : memref<125x80xi32, #tpu.memory_space<vmem>> -> memref<1x80xi32, #tpu.memory_space<vmem>>
    %dma_wait3A_72 = tpu.memref_squeeze %dma_wait3A_71 : memref<1x80xi32, #tpu.memory_space<vmem>> -> memref<80xi32, #tpu.memory_space<vmem>>
    %dma_wait3A_73 = arith.constant 0 : i32
    %dma_wait3A_74 = tpu.memref_slice %arg10[%dma_wait3A_73] : memref<10240xf32, #tpu.memory_space<vmem_shared>> -> memref<10240xf32, #tpu.memory_space<vmem_shared>>
    tpu.wait_indirect_dma semaphore(%arg18 : memref<!tpu.dma_semaphore, #tpu.memory_space<semaphore_mem>>) src(%arg7 : memref<80xf32, #tpu.memory_space<vmem>>) dst(%dma_wait3A_74 : memref<10240xf32, #tpu.memory_space<vmem_shared>>)
    %dma_wait3A_75 = arith.constant 123 : i32
    %dma_wait3A_76 = arith.constant 0 : i32
    %dma_wait3A_77 = tpu.memref_slice %arg5[%dma_wait3A_75, %dma_wait3A_76] : memref<125x80xi32, #tpu.memory_space<vmem>> -> memref<1x80xi32, #tpu.memory_space<vmem>>
    %dma_wait3A_78 = tpu.memref_squeeze %dma_wait3A_77 : memref<1x80xi32, #tpu.memory_space<vmem>> -> memref<80xi32, #tpu.memory_space<vmem>>
    %dma_wait3A_79 = arith.constant 0 : i32
    %dma_wait3A_80 = tpu.memref_slice %arg9[%dma_wait3A_79] : memref<10240xf32, #tpu.memory_space<vmem_shared>> -> memref<10240xf32, #tpu.memory_space<vmem_shared>>
    tpu.wait_indirect_dma semaphore(%arg14 : memref<!tpu.dma_semaphore, #tpu.memory_space<semaphore_mem>>) src(%arg7 : memref<80xf32, #tpu.memory_space<vmem>>) dst(%dma_wait3A_80 : memref<10240xf32, #tpu.memory_space<vmem_shared>>)
    %dma_wait3A_81 = arith.constant 123 : i32
    %dma_wait3A_82 = arith.constant 0 : i32
    %dma_wait3A_83 = tpu.memref_slice %arg6[%dma_wait3A_81, %dma_wait3A_82] : memref<125x80xi32, #tpu.memory_space<vmem>> -> memref<1x80xi32, #tpu.memory_space<vmem>>
    %dma_wait3A_84 = tpu.memref_squeeze %dma_wait3A_83 : memref<1x80xi32, #tpu.memory_space<vmem>> -> memref<80xi32, #tpu.memory_space<vmem>>
    %dma_wait3A_85 = arith.constant 0 : i32
    %dma_wait3A_86 = tpu.memref_slice %arg10[%dma_wait3A_85] : memref<10240xf32, #tpu.memory_space<vmem_shared>> -> memref<10240xf32, #tpu.memory_space<vmem_shared>>
    tpu.wait_indirect_dma semaphore(%arg19 : memref<!tpu.dma_semaphore, #tpu.memory_space<semaphore_mem>>) src(%arg7 : memref<80xf32, #tpu.memory_space<vmem>>) dst(%dma_wait3A_86 : memref<10240xf32, #tpu.memory_space<vmem_shared>>)
    %dma_wait3A_87 = arith.constant 124 : i32
    %dma_wait3A_88 = arith.constant 0 : i32
    %dma_wait3A_89 = tpu.memref_slice %arg5[%dma_wait3A_87, %dma_wait3A_88] : memref<125x80xi32, #tpu.memory_space<vmem>> -> memref<1x80xi32, #tpu.memory_space<vmem>>
    %dma_wait3A_90 = tpu.memref_squeeze %dma_wait3A_89 : memref<1x80xi32, #tpu.memory_space<vmem>> -> memref<80xi32, #tpu.memory_space<vmem>>
    %dma_wait3A_91 = arith.constant 0 : i32
    %dma_wait3A_92 = tpu.memref_slice %arg9[%dma_wait3A_91] : memref<10240xf32, #tpu.memory_space<vmem_shared>> -> memref<10240xf32, #tpu.memory_space<vmem_shared>>
    tpu.wait_indirect_dma semaphore(%arg15 : memref<!tpu.dma_semaphore, #tpu.memory_space<semaphore_mem>>) src(%arg7 : memref<80xf32, #tpu.memory_space<vmem>>) dst(%dma_wait3A_92 : memref<10240xf32, #tpu.memory_space<vmem_shared>>)
    %dma_wait3A_93 = arith.constant 124 : i32
    %dma_wait3A_94 = arith.constant 0 : i32
    %dma_wait3A_95 = tpu.memref_slice %arg6[%dma_wait3A_93, %dma_wait3A_94] : memref<125x80xi32, #tpu.memory_space<vmem>> -> memref<1x80xi32, #tpu.memory_space<vmem>>
    %dma_wait3A_96 = tpu.memref_squeeze %dma_wait3A_95 : memref<1x80xi32, #tpu.memory_space<vmem>> -> memref<80xi32, #tpu.memory_space<vmem>>
    %dma_wait3A_97 = arith.constant 0 : i32
    %dma_wait3A_98 = tpu.memref_slice %arg10[%dma_wait3A_97] : memref<10240xf32, #tpu.memory_space<vmem_shared>> -> memref<10240xf32, #tpu.memory_space<vmem_shared>>
    tpu.wait_indirect_dma semaphore(%arg20 : memref<!tpu.dma_semaphore, #tpu.memory_space<semaphore_mem>>) src(%arg7 : memref<80xf32, #tpu.memory_space<vmem>>) dst(%dma_wait3A_98 : memref<10240xf32, #tpu.memory_space<vmem_shared>>)
    %barrier3A_99 = arith.constant 0 : index
    tpu.barrier barrier_id(%barrier3A_99)
    %run_scoped3A = arith.constant 0 : i32
    "tpu.region"() ({
      %run_scoped3A_101 = tpu.sem_alloc : memref<!tpu.dma_semaphore, #tpu.memory_space<semaphore_mem>>
      %dma_start3A = tpu.memref_slice %arg4[%arg0, %run_scoped3A, %mul3A_34] : memref<2x2x10240xf32, #tpu.memory_space<hbm>> -> memref<1x1x640xf32, #tpu.memory_space<hbm>>
      %dma_start3A_102 = tpu.memref_squeeze %dma_start3A : memref<1x1x640xf32, #tpu.memory_space<hbm>> -> memref<640xf32, #tpu.memory_space<hbm>>
      %dma_start3A_103 = tpu.memref_slice %arg9[%mul3A_34] : memref<10240xf32, #tpu.memory_space<vmem_shared>> -> memref<640xf32, #tpu.memory_space<vmem_shared>>
      tpu.enqueue_dma source(%dma_start3A_103 : memref<640xf32, #tpu.memory_space<vmem_shared>>) target(%dma_start3A_102 : memref<640xf32, #tpu.memory_space<hbm>>) target_semaphore(%run_scoped3A_101 : memref<!tpu.dma_semaphore, #tpu.memory_space<semaphore_mem>>)
      %dma_wait3A_104 = tpu.memref_slice %arg4[%arg0, %run_scoped3A, %mul3A_34] : memref<2x2x10240xf32, #tpu.memory_space<hbm>> -> memref<1x1x640xf32, #tpu.memory_space<hbm>>
      %dma_wait3A_105 = tpu.memref_squeeze %dma_wait3A_104 : memref<1x1x640xf32, #tpu.memory_space<hbm>> -> memref<640xf32, #tpu.memory_space<hbm>>
      %dma_wait3A_106 = tpu.memref_slice %arg9[%mul3A_34] : memref<10240xf32, #tpu.memory_space<vmem_shared>> -> memref<640xf32, #tpu.memory_space<vmem_shared>>
      tpu.wait_dma2 semaphore(%run_scoped3A_101 : memref<!tpu.dma_semaphore, #tpu.memory_space<semaphore_mem>>) src(%dma_wait3A_106 : memref<640xf32, #tpu.memory_space<vmem_shared>>) dst(%dma_wait3A_105 : memref<640xf32, #tpu.memory_space<hbm>>)
      tpu.yield
    }) : () -> ()
    %run_scoped3A_100 = arith.constant 1 : i32
    "tpu.region"() ({
      %run_scoped3A_101 = tpu.sem_alloc : memref<!tpu.dma_semaphore, #tpu.memory_space<semaphore_mem>>
      %dma_start3A = tpu.memref_slice %arg4[%arg0, %run_scoped3A_100, %mul3A_34] : memref<2x2x10240xf32, #tpu.memory_space<hbm>> -> memref<1x1x640xf32, #tpu.memory_space<hbm>>
      %dma_start3A_102 = tpu.memref_squeeze %dma_start3A : memref<1x1x640xf32, #tpu.memory_space<hbm>> -> memref<640xf32, #tpu.memory_space<hbm>>
      %dma_start3A_103 = tpu.memref_slice %arg10[%mul3A_34] : memref<10240xf32, #tpu.memory_space<vmem_shared>> -> memref<640xf32, #tpu.memory_space<vmem_shared>>
      tpu.enqueue_dma source(%dma_start3A_103 : memref<640xf32, #tpu.memory_space<vmem_shared>>) target(%dma_start3A_102 : memref<640xf32, #tpu.memory_space<hbm>>) target_semaphore(%run_scoped3A_101 : memref<!tpu.dma_semaphore, #tpu.memory_space<semaphore_mem>>)
      %dma_wait3A_104 = tpu.memref_slice %arg4[%arg0, %run_scoped3A_100, %mul3A_34] : memref<2x2x10240xf32, #tpu.memory_space<hbm>> -> memref<1x1x640xf32, #tpu.memory_space<hbm>>
      %dma_wait3A_105 = tpu.memref_squeeze %dma_wait3A_104 : memref<1x1x640xf32, #tpu.memory_space<hbm>> -> memref<640xf32, #tpu.memory_space<hbm>>
      %dma_wait3A_106 = tpu.memref_slice %arg10[%mul3A_34] : memref<10240xf32, #tpu.memory_space<vmem_shared>> -> memref<640xf32, #tpu.memory_space<vmem_shared>>
      tpu.wait_dma2 semaphore(%run_scoped3A_101 : memref<!tpu.dma_semaphore, #tpu.memory_space<semaphore_mem>>) src(%dma_wait3A_106 : memref<640xf32, #tpu.memory_space<vmem_shared>>) dst(%dma_wait3A_105 : memref<640xf32, #tpu.memory_space<hbm>>)
      tpu.yield
    }) : () -> ()
    return
  }
}

#map = affine_map<(d0, d1) -> (0, 0, 0)>
module attributes {stable_mosaic.version = 14 : i64} {
  func.func @_agg(%arg0: i32, %arg1: i32, %arg2: memref<2x10000x64xf32, #tpu.memory_space<hbm>>, %arg3: memref<16x250x80xi32, #tpu.memory_space<hbm>>, %arg4: memref<16x250x80xi32, #tpu.memory_space<hbm>>, %arg5: memref<2x10000x64xf32, #tpu.memory_space<hbm>>, %arg6: memref<250x80xi32, #tpu.memory_space<vmem>>, %arg7: memref<250x80xi32, #tpu.memory_space<vmem>>, %arg8: memref<80x64xf32, #tpu.memory_space<vmem>>, %arg9: memref<80x64xf32, #tpu.memory_space<vmem>>, %arg10: memref<80x64xf32, #tpu.memory_space<vmem>>, %arg11: memref<80x64xf32, #tpu.memory_space<vmem>>, %arg12: memref<80x64xf32, #tpu.memory_space<vmem>>, %arg13: memref<80x64xf32, #tpu.memory_space<vmem>>, %arg14: memref<80x64xf32, #tpu.memory_space<vmem>>, %arg15: memref<80x64xf32, #tpu.memory_space<vmem>>, %arg16: memref<16x64xf32, #tpu.memory_space<vmem>>, %arg17: memref<10000x64xf32, #tpu.memory_space<vmem_shared>>, %arg18: memref<!tpu.dma_semaphore, #tpu.memory_space<semaphore_mem>>, %arg19: memref<!tpu.dma_semaphore, #tpu.memory_space<semaphore_mem>>, %arg20: memref<!tpu.dma_semaphore, #tpu.memory_space<semaphore_mem>>, %arg21: memref<!tpu.dma_semaphore, #tpu.memory_space<semaphore_mem>>, %arg22: memref<!tpu.dma_semaphore, #tpu.memory_space<semaphore_mem>>, %arg23: memref<!tpu.dma_semaphore, #tpu.memory_space<semaphore_mem>>, %arg24: memref<!tpu.dma_semaphore, #tpu.memory_space<semaphore_mem>>, %arg25: memref<!tpu.dma_semaphore, #tpu.memory_space<semaphore_mem>>, %arg26: memref<!tpu.dma_semaphore, #tpu.memory_space<semaphore_mem>>, %arg27: memref<!tpu.dma_semaphore, #tpu.memory_space<semaphore_mem>>, %arg28: memref<!tpu.dma_semaphore, #tpu.memory_space<semaphore_mem>>, %arg29: memref<!tpu.dma_semaphore, #tpu.memory_space<semaphore_mem>>, %arg30: memref<!tpu.dma_semaphore, #tpu.memory_space<semaphore_mem>>, %arg31: memref<!tpu.dma_semaphore, #tpu.memory_space<semaphore_mem>>, %arg32: memref<!tpu.dma_semaphore, #tpu.memory_space<semaphore_mem>>, %arg33: memref<!tpu.dma_semaphore, #tpu.memory_space<semaphore_mem>>) attributes {dimension_semantics = [#tpu.dimension_semantics<core_parallel>, #tpu.dimension_semantics<subcore_parallel>], iteration_bounds = array<i64: 2, 16>, scalar_prefetch = 0 : i64, scratch_operands = 28 : i64, tpu.core_type = #tpu.core_type<sc_vector_subcore>, window_params = [{transform_indices = #map}, {transform_indices = #map}, {transform_indices = #map}, {transform_indices = #map}]} {
    %scan3A = arith.constant 0 : i32
    %scan3A_0 = arith.constant 16 : i32
    %scan3A_1 = arith.addi %scan3A, %scan3A_0 : i32
    %scan3A_2 = arith.constant 1 : i32
    scf.for %scan3A_181 = %scan3A to %scan3A_1 step %scan3A_2  : i32 {
      %broadcast_in_dim3A = arith.constant 0.000000e+00 : f32
      %broadcast_in_dim3A_182 = vector.broadcast %broadcast_in_dim3A : f32 to vector<16xf32>
      %swap3A = arith.index_cast %scan3A_181 : i32 to index
      %swap3A_183 = arith.constant 0 : index
      %swap3A_184 = tpu.vector_load %arg16[%swap3A, %swap3A_183] {strides = array<i32>} : memref<16x64xf32, #tpu.memory_space<vmem>>, vector<1x16xf32>,
      %swap3A_185 = vector.shape_cast %swap3A_184 : vector<1x16xf32> to vector<16xf32>
      %swap3A_186 = vector.shape_cast %broadcast_in_dim3A_182 : vector<16xf32> to vector<1x16xf32>
      tpu.vector_store %arg16[%swap3A, %swap3A_183], %swap3A_186 {strides = array<i32>} : memref<16x64xf32, #tpu.memory_space<vmem>>, vector<1x16xf32>,
      %broadcast_in_dim3A_187 = arith.constant 0.000000e+00 : f32
      %broadcast_in_dim3A_188 = vector.broadcast %broadcast_in_dim3A_187 : f32 to vector<16xf32>
      %swap3A_189 = arith.index_cast %scan3A_181 : i32 to index
      %swap3A_190 = arith.constant 16 : index
      %swap3A_191 = tpu.vector_load %arg16[%swap3A_189, %swap3A_190] {strides = array<i32>} : memref<16x64xf32, #tpu.memory_space<vmem>>, vector<1x16xf32>,
      %swap3A_192 = vector.shape_cast %swap3A_191 : vector<1x16xf32> to vector<16xf32>
      %swap3A_193 = vector.shape_cast %broadcast_in_dim3A_188 : vector<16xf32> to vector<1x16xf32>
      tpu.vector_store %arg16[%swap3A_189, %swap3A_190], %swap3A_193 {strides = array<i32>} : memref<16x64xf32, #tpu.memory_space<vmem>>, vector<1x16xf32>,
      %broadcast_in_dim3A_194 = arith.constant 0.000000e+00 : f32
      %broadcast_in_dim3A_195 = vector.broadcast %broadcast_in_dim3A_194 : f32 to vector<16xf32>
      %swap3A_196 = arith.index_cast %scan3A_181 : i32 to index
      %swap3A_197 = arith.constant 32 : index
      %swap3A_198 = tpu.vector_load %arg16[%swap3A_196, %swap3A_197] {strides = array<i32>} : memref<16x64xf32, #tpu.memory_space<vmem>>, vector<1x16xf32>,
      %swap3A_199 = vector.shape_cast %swap3A_198 : vector<1x16xf32> to vector<16xf32>
      %swap3A_200 = vector.shape_cast %broadcast_in_dim3A_195 : vector<16xf32> to vector<1x16xf32>
      tpu.vector_store %arg16[%swap3A_196, %swap3A_197], %swap3A_200 {strides = array<i32>} : memref<16x64xf32, #tpu.memory_space<vmem>>, vector<1x16xf32>,
      %broadcast_in_dim3A_201 = arith.constant 0.000000e+00 : f32
      %broadcast_in_dim3A_202 = vector.broadcast %broadcast_in_dim3A_201 : f32 to vector<16xf32>
      %swap3A_203 = arith.index_cast %scan3A_181 : i32 to index
      %swap3A_204 = arith.constant 48 : index
      %swap3A_205 = tpu.vector_load %arg16[%swap3A_203, %swap3A_204] {strides = array<i32>} : memref<16x64xf32, #tpu.memory_space<vmem>>, vector<1x16xf32>,
      %swap3A_206 = vector.shape_cast %swap3A_205 : vector<1x16xf32> to vector<16xf32>
      %swap3A_207 = vector.shape_cast %broadcast_in_dim3A_202 : vector<16xf32> to vector<1x16xf32>
      tpu.vector_store %arg16[%swap3A_203, %swap3A_204], %swap3A_207 {strides = array<i32>} : memref<16x64xf32, #tpu.memory_space<vmem>>, vector<1x16xf32>,
    }
    %scan3A_3 = arith.constant 16 : i32
    %scan3A_4 = arith.constant 0 : i32
    %scan3A_5 = arith.constant 39 : i32
    %scan3A_6 = arith.addi %scan3A_4, %scan3A_5 : i32
    %scan3A_7 = arith.constant 1 : i32
    scf.for %scan3A_181 = %scan3A_4 to %scan3A_6 step %scan3A_7  : i32 {
      %mul3A_182 = arith.constant 624 : i32
      %mul3A_183 = arith.muli %arg1, %mul3A_182 : i32
      %mul3A_184 = arith.constant 16 : i32
      %mul3A_185 = arith.muli %scan3A_181, %mul3A_184 : i32
      %add3A = arith.addi %mul3A_183, %mul3A_185 : i32
      "tpu.region"() ({
        %run_scoped3A = tpu.sem_alloc : memref<!tpu.dma_semaphore, #tpu.memory_space<semaphore_mem>>
        %dma_start3A_186 = arith.constant 0 : i32
        %dma_start3A_187 = tpu.memref_slice %arg17[%add3A, %dma_start3A_186] : memref<10000x64xf32, #tpu.memory_space<vmem_shared>> -> memref<16x64xf32, #tpu.memory_space<vmem_shared>>
        %dma_start3A_188 = arith.constant 0 : i32
        %dma_start3A_189 = tpu.memref_slice %arg17[%add3A, %dma_start3A_188] : memref<10000x64xf32, #tpu.memory_space<vmem_shared>> -> memref<16x64xf32, #tpu.memory_space<vmem_shared>>
        tpu.enqueue_dma source(%arg16 : memref<16x64xf32, #tpu.memory_space<vmem>>) target(%dma_start3A_189 : memref<16x64xf32, #tpu.memory_space<vmem_shared>>) target_semaphore(%run_scoped3A : memref<!tpu.dma_semaphore, #tpu.memory_space<semaphore_mem>>)
        %dma_wait3A_190 = arith.constant 0 : i32
        %dma_wait3A_191 = tpu.memref_slice %arg17[%add3A, %dma_wait3A_190] : memref<10000x64xf32, #tpu.memory_space<vmem_shared>> -> memref<16x64xf32, #tpu.memory_space<vmem_shared>>
        %dma_wait3A_192 = arith.constant 0 : i32
        %dma_wait3A_193 = tpu.memref_slice %arg17[%add3A, %dma_wait3A_192] : memref<10000x64xf32, #tpu.memory_space<vmem_shared>> -> memref<16x64xf32, #tpu.memory_space<vmem_shared>>
        tpu.wait_dma2 semaphore(%run_scoped3A : memref<!tpu.dma_semaphore, #tpu.memory_space<semaphore_mem>>) src(%arg16 : memref<16x64xf32, #tpu.memory_space<vmem>>) dst(%dma_wait3A_193 : memref<16x64xf32, #tpu.memory_space<vmem_shared>>)
        tpu.yield
      }) : () -> ()
    }
    %scan3A_8 = arith.constant 39 : i32
    %eq3A = arith.constant 15 : i32
    %eq3A_9 = arith.cmpi eq, %arg1, %eq3A : i32
    %convert_element_type3A = arith.extui %eq3A_9 : i1 to i32
    %cond3A = arith.constant 0 : i32
    %cond3A_10 = arith.cmpi ne, %convert_element_type3A, %cond3A : i32
    scf.if %cond3A_10 {
      "tpu.region"() ({
        %run_scoped3A = tpu.sem_alloc : memref<!tpu.dma_semaphore, #tpu.memory_space<semaphore_mem>>
        %dma_start3A_181 = arith.constant 9984 : i32
        %dma_start3A_182 = arith.constant 0 : i32
        %dma_start3A_183 = tpu.memref_slice %arg17[%dma_start3A_181, %dma_start3A_182] : memref<10000x64xf32, #tpu.memory_space<vmem_shared>> -> memref<16x64xf32, #tpu.memory_space<vmem_shared>>
        %dma_start3A_184 = arith.constant 9984 : i32
        %dma_start3A_185 = arith.constant 0 : i32
        %dma_start3A_186 = tpu.memref_slice %arg17[%dma_start3A_184, %dma_start3A_185] : memref<10000x64xf32, #tpu.memory_space<vmem_shared>> -> memref<16x64xf32, #tpu.memory_space<vmem_shared>>
        tpu.enqueue_dma source(%arg16 : memref<16x64xf32, #tpu.memory_space<vmem>>) target(%dma_start3A_186 : memref<16x64xf32, #tpu.memory_space<vmem_shared>>) target_semaphore(%run_scoped3A : memref<!tpu.dma_semaphore, #tpu.memory_space<semaphore_mem>>)
        %dma_wait3A_187 = arith.constant 9984 : i32
        %dma_wait3A_188 = arith.constant 0 : i32
        %dma_wait3A_189 = tpu.memref_slice %arg17[%dma_wait3A_187, %dma_wait3A_188] : memref<10000x64xf32, #tpu.memory_space<vmem_shared>> -> memref<16x64xf32, #tpu.memory_space<vmem_shared>>
        %dma_wait3A_190 = arith.constant 9984 : i32
        %dma_wait3A_191 = arith.constant 0 : i32
        %dma_wait3A_192 = tpu.memref_slice %arg17[%dma_wait3A_190, %dma_wait3A_191] : memref<10000x64xf32, #tpu.memory_space<vmem_shared>> -> memref<16x64xf32, #tpu.memory_space<vmem_shared>>
        tpu.wait_dma2 semaphore(%run_scoped3A : memref<!tpu.dma_semaphore, #tpu.memory_space<semaphore_mem>>) src(%arg16 : memref<16x64xf32, #tpu.memory_space<vmem>>) dst(%dma_wait3A_192 : memref<16x64xf32, #tpu.memory_space<vmem_shared>>)
        tpu.yield
      }) : () -> ()
    } else {
    }
    "tpu.region"() ({
      %run_scoped3A = tpu.sem_alloc : memref<!tpu.dma_semaphore, #tpu.memory_space<semaphore_mem>>
      %dma_start3A_181 = arith.constant 0 : i32
      %dma_start3A_182 = arith.constant 0 : i32
      %dma_start3A_183 = tpu.memref_slice %arg3[%arg1, %dma_start3A_181, %dma_start3A_182] : memref<16x250x80xi32, #tpu.memory_space<hbm>> -> memref<1x250x80xi32, #tpu.memory_space<hbm>>
      %dma_start3A_184 = tpu.memref_squeeze %dma_start3A_183 : memref<1x250x80xi32, #tpu.memory_space<hbm>> -> memref<250x80xi32, #tpu.memory_space<hbm>>
      %dma_start3A_185 = arith.constant 0 : i32
      %dma_start3A_186 = arith.constant 0 : i32
      %dma_start3A_187 = tpu.memref_slice %arg3[%arg1, %dma_start3A_185, %dma_start3A_186] : memref<16x250x80xi32, #tpu.memory_space<hbm>> -> memref<1x250x80xi32, #tpu.memory_space<hbm>>
      %dma_start3A_188 = tpu.memref_squeeze %dma_start3A_187 : memref<1x250x80xi32, #tpu.memory_space<hbm>> -> memref<250x80xi32, #tpu.memory_space<hbm>>
      tpu.enqueue_dma source(%dma_start3A_188 : memref<250x80xi32, #tpu.memory_space<hbm>>) target(%arg6 : memref<250x80xi32, #tpu.memory_space<vmem>>) target_semaphore(%run_scoped3A : memref<!tpu.dma_semaphore, #tpu.memory_space<semaphore_mem>>)
      %dma_wait3A_189 = arith.constant 0 : i32
      %dma_wait3A_190 = arith.constant 0 : i32
      %dma_wait3A_191 = tpu.memref_slice %arg3[%arg1, %dma_wait3A_189, %dma_wait3A_190] : memref<16x250x80xi32, #tpu.memory_space<hbm>> -> memref<1x250x80xi32, #tpu.memory_space<hbm>>
      %dma_wait3A_192 = tpu.memref_squeeze %dma_wait3A_191 : memref<1x250x80xi32, #tpu.memory_space<hbm>> -> memref<250x80xi32, #tpu.memory_space<hbm>>
      %dma_wait3A_193 = arith.constant 0 : i32
      %dma_wait3A_194 = arith.constant 0 : i32
      %dma_wait3A_195 = tpu.memref_slice %arg3[%arg1, %dma_wait3A_193, %dma_wait3A_194] : memref<16x250x80xi32, #tpu.memory_space<hbm>> -> memref<1x250x80xi32, #tpu.memory_space<hbm>>
      %dma_wait3A_196 = tpu.memref_squeeze %dma_wait3A_195 : memref<1x250x80xi32, #tpu.memory_space<hbm>> -> memref<250x80xi32, #tpu.memory_space<hbm>>
      tpu.wait_dma2 semaphore(%run_scoped3A : memref<!tpu.dma_semaphore, #tpu.memory_space<semaphore_mem>>) src(%dma_wait3A_196 : memref<250x80xi32, #tpu.memory_space<hbm>>) dst(%arg6 : memref<250x80xi32, #tpu.memory_space<vmem>>)
      tpu.yield
    }) : () -> ()
    "tpu.region"() ({
      %run_scoped3A = tpu.sem_alloc : memref<!tpu.dma_semaphore, #tpu.memory_space<semaphore_mem>>
      %dma_start3A_181 = arith.constant 0 : i32
      %dma_start3A_182 = arith.constant 0 : i32
      %dma_start3A_183 = tpu.memref_slice %arg4[%arg1, %dma_start3A_181, %dma_start3A_182] : memref<16x250x80xi32, #tpu.memory_space<hbm>> -> memref<1x250x80xi32, #tpu.memory_space<hbm>>
      %dma_start3A_184 = tpu.memref_squeeze %dma_start3A_183 : memref<1x250x80xi32, #tpu.memory_space<hbm>> -> memref<250x80xi32, #tpu.memory_space<hbm>>
      %dma_start3A_185 = arith.constant 0 : i32
      %dma_start3A_186 = arith.constant 0 : i32
      %dma_start3A_187 = tpu.memref_slice %arg4[%arg1, %dma_start3A_185, %dma_start3A_186] : memref<16x250x80xi32, #tpu.memory_space<hbm>> -> memref<1x250x80xi32, #tpu.memory_space<hbm>>
      %dma_start3A_188 = tpu.memref_squeeze %dma_start3A_187 : memref<1x250x80xi32, #tpu.memory_space<hbm>> -> memref<250x80xi32, #tpu.memory_space<hbm>>
      tpu.enqueue_dma source(%dma_start3A_188 : memref<250x80xi32, #tpu.memory_space<hbm>>) target(%arg7 : memref<250x80xi32, #tpu.memory_space<vmem>>) target_semaphore(%run_scoped3A : memref<!tpu.dma_semaphore, #tpu.memory_space<semaphore_mem>>)
      %dma_wait3A_189 = arith.constant 0 : i32
      %dma_wait3A_190 = arith.constant 0 : i32
      %dma_wait3A_191 = tpu.memref_slice %arg4[%arg1, %dma_wait3A_189, %dma_wait3A_190] : memref<16x250x80xi32, #tpu.memory_space<hbm>> -> memref<1x250x80xi32, #tpu.memory_space<hbm>>
      %dma_wait3A_192 = tpu.memref_squeeze %dma_wait3A_191 : memref<1x250x80xi32, #tpu.memory_space<hbm>> -> memref<250x80xi32, #tpu.memory_space<hbm>>
      %dma_wait3A_193 = arith.constant 0 : i32
      %dma_wait3A_194 = arith.constant 0 : i32
      %dma_wait3A_195 = tpu.memref_slice %arg4[%arg1, %dma_wait3A_193, %dma_wait3A_194] : memref<16x250x80xi32, #tpu.memory_space<hbm>> -> memref<1x250x80xi32, #tpu.memory_space<hbm>>
      %dma_wait3A_196 = tpu.memref_squeeze %dma_wait3A_195 : memref<1x250x80xi32, #tpu.memory_space<hbm>> -> memref<250x80xi32, #tpu.memory_space<hbm>>
      tpu.wait_dma2 semaphore(%run_scoped3A : memref<!tpu.dma_semaphore, #tpu.memory_space<semaphore_mem>>) src(%dma_wait3A_196 : memref<250x80xi32, #tpu.memory_space<hbm>>) dst(%arg7 : memref<250x80xi32, #tpu.memory_space<vmem>>)
      tpu.yield
    }) : () -> ()
    %barrier3A = arith.constant 0 : index
    tpu.barrier barrier_id(%barrier3A)
    %dma_start3A = arith.constant 0 : i32
    %dma_start3A_11 = arith.constant 0 : i32
    %dma_start3A_12 = tpu.memref_slice %arg6[%dma_start3A, %dma_start3A_11] : memref<250x80xi32, #tpu.memory_space<vmem>> -> memref<1x80xi32, #tpu.memory_space<vmem>>
    %dma_start3A_13 = tpu.memref_squeeze %dma_start3A_12 : memref<1x80xi32, #tpu.memory_space<vmem>> -> memref<80xi32, #tpu.memory_space<vmem>>
    %dma_start3A_14 = arith.constant 0 : i32
    %dma_start3A_15 = arith.constant 0 : i32
    %dma_start3A_16 = tpu.memref_slice %arg2[%arg0, %dma_start3A_14, %dma_start3A_15] : memref<2x10000x64xf32, #tpu.memory_space<hbm>> -> memref<1x10000x64xf32, #tpu.memory_space<hbm>>
    %dma_start3A_17 = tpu.memref_squeeze %dma_start3A_16 : memref<1x10000x64xf32, #tpu.memory_space<hbm>> -> memref<10000x64xf32, #tpu.memory_space<hbm>>
    %dma_start3A_18 = arith.constant 0 : i32
    %dma_start3A_19 = arith.constant 0 : i32
    %dma_start3A_20 = tpu.memref_slice %dma_start3A_17[%dma_start3A_18, %dma_start3A_19] : memref<10000x64xf32, #tpu.memory_space<hbm>> -> memref<10000x64xf32, #tpu.memory_space<hbm>>
    tpu.enqueue_indirect_dma source(%dma_start3A_20 : memref<10000x64xf32, #tpu.memory_space<hbm>>) target(%arg8 : memref<80x64xf32, #tpu.memory_space<vmem>>) offsets(%dma_start3A_13 : memref<80xi32, #tpu.memory_space<vmem>>) semaphore(%arg18 : memref<!tpu.dma_semaphore, #tpu.memory_space<semaphore_mem>>)
    %dma_start3A_21 = arith.constant 1 : i32
    %dma_start3A_22 = arith.constant 0 : i32
    %dma_start3A_23 = tpu.memref_slice %arg6[%dma_start3A_21, %dma_start3A_22] : memref<250x80xi32, #tpu.memory_space<vmem>> -> memref<1x80xi32, #tpu.memory_space<vmem>>
    %dma_start3A_24 = tpu.memref_squeeze %dma_start3A_23 : memref<1x80xi32, #tpu.memory_space<vmem>> -> memref<80xi32, #tpu.memory_space<vmem>>
    %dma_start3A_25 = arith.constant 0 : i32
    %dma_start3A_26 = arith.constant 0 : i32
    %dma_start3A_27 = tpu.memref_slice %arg2[%arg0, %dma_start3A_25, %dma_start3A_26] : memref<2x10000x64xf32, #tpu.memory_space<hbm>> -> memref<1x10000x64xf32, #tpu.memory_space<hbm>>
    %dma_start3A_28 = tpu.memref_squeeze %dma_start3A_27 : memref<1x10000x64xf32, #tpu.memory_space<hbm>> -> memref<10000x64xf32, #tpu.memory_space<hbm>>
    %dma_start3A_29 = arith.constant 0 : i32
    %dma_start3A_30 = arith.constant 0 : i32
    %dma_start3A_31 = tpu.memref_slice %dma_start3A_28[%dma_start3A_29, %dma_start3A_30] : memref<10000x64xf32, #tpu.memory_space<hbm>> -> memref<10000x64xf32, #tpu.memory_space<hbm>>
    tpu.enqueue_indirect_dma source(%dma_start3A_31 : memref<10000x64xf32, #tpu.memory_space<hbm>>) target(%arg9 : memref<80x64xf32, #tpu.memory_space<vmem>>) offsets(%dma_start3A_24 : memref<80xi32, #tpu.memory_space<vmem>>) semaphore(%arg19 : memref<!tpu.dma_semaphore, #tpu.memory_space<semaphore_mem>>)
    %dma_start3A_32 = arith.constant 2 : i32
    %dma_start3A_33 = arith.constant 0 : i32
    %dma_start3A_34 = tpu.memref_slice %arg6[%dma_start3A_32, %dma_start3A_33] : memref<250x80xi32, #tpu.memory_space<vmem>> -> memref<1x80xi32, #tpu.memory_space<vmem>>
    %dma_start3A_35 = tpu.memref_squeeze %dma_start3A_34 : memref<1x80xi32, #tpu.memory_space<vmem>> -> memref<80xi32, #tpu.memory_space<vmem>>
    %dma_start3A_36 = arith.constant 0 : i32
    %dma_start3A_37 = arith.constant 0 : i32
    %dma_start3A_38 = tpu.memref_slice %arg2[%arg0, %dma_start3A_36, %dma_start3A_37] : memref<2x10000x64xf32, #tpu.memory_space<hbm>> -> memref<1x10000x64xf32, #tpu.memory_space<hbm>>
    %dma_start3A_39 = tpu.memref_squeeze %dma_start3A_38 : memref<1x10000x64xf32, #tpu.memory_space<hbm>> -> memref<10000x64xf32, #tpu.memory_space<hbm>>
    %dma_start3A_40 = arith.constant 0 : i32
    %dma_start3A_41 = arith.constant 0 : i32
    %dma_start3A_42 = tpu.memref_slice %dma_start3A_39[%dma_start3A_40, %dma_start3A_41] : memref<10000x64xf32, #tpu.memory_space<hbm>> -> memref<10000x64xf32, #tpu.memory_space<hbm>>
    tpu.enqueue_indirect_dma source(%dma_start3A_42 : memref<10000x64xf32, #tpu.memory_space<hbm>>) target(%arg10 : memref<80x64xf32, #tpu.memory_space<vmem>>) offsets(%dma_start3A_35 : memref<80xi32, #tpu.memory_space<vmem>>) semaphore(%arg20 : memref<!tpu.dma_semaphore, #tpu.memory_space<semaphore_mem>>)
    %dma_start3A_43 = arith.constant 3 : i32
    %dma_start3A_44 = arith.constant 0 : i32
    %dma_start3A_45 = tpu.memref_slice %arg6[%dma_start3A_43, %dma_start3A_44] : memref<250x80xi32, #tpu.memory_space<vmem>> -> memref<1x80xi32, #tpu.memory_space<vmem>>
    %dma_start3A_46 = tpu.memref_squeeze %dma_start3A_45 : memref<1x80xi32, #tpu.memory_space<vmem>> -> memref<80xi32, #tpu.memory_space<vmem>>
    %dma_start3A_47 = arith.constant 0 : i32
    %dma_start3A_48 = arith.constant 0 : i32
    %dma_start3A_49 = tpu.memref_slice %arg2[%arg0, %dma_start3A_47, %dma_start3A_48] : memref<2x10000x64xf32, #tpu.memory_space<hbm>> -> memref<1x10000x64xf32, #tpu.memory_space<hbm>>
    %dma_start3A_50 = tpu.memref_squeeze %dma_start3A_49 : memref<1x10000x64xf32, #tpu.memory_space<hbm>> -> memref<10000x64xf32, #tpu.memory_space<hbm>>
    %dma_start3A_51 = arith.constant 0 : i32
    %dma_start3A_52 = arith.constant 0 : i32
    %dma_start3A_53 = tpu.memref_slice %dma_start3A_50[%dma_start3A_51, %dma_start3A_52] : memref<10000x64xf32, #tpu.memory_space<hbm>> -> memref<10000x64xf32, #tpu.memory_space<hbm>>
    tpu.enqueue_indirect_dma source(%dma_start3A_53 : memref<10000x64xf32, #tpu.memory_space<hbm>>) target(%arg11 : memref<80x64xf32, #tpu.memory_space<vmem>>) offsets(%dma_start3A_46 : memref<80xi32, #tpu.memory_space<vmem>>) semaphore(%arg21 : memref<!tpu.dma_semaphore, #tpu.memory_space<semaphore_mem>>)
    %dma_start3A_54 = arith.constant 4 : i32
    %dma_start3A_55 = arith.constant 0 : i32
    %dma_start3A_56 = tpu.memref_slice %arg6[%dma_start3A_54, %dma_start3A_55] : memref<250x80xi32, #tpu.memory_space<vmem>> -> memref<1x80xi32, #tpu.memory_space<vmem>>
    %dma_start3A_57 = tpu.memref_squeeze %dma_start3A_56 : memref<1x80xi32, #tpu.memory_space<vmem>> -> memref<80xi32, #tpu.memory_space<vmem>>
    %dma_start3A_58 = arith.constant 0 : i32
    %dma_start3A_59 = arith.constant 0 : i32
    %dma_start3A_60 = tpu.memref_slice %arg2[%arg0, %dma_start3A_58, %dma_start3A_59] : memref<2x10000x64xf32, #tpu.memory_space<hbm>> -> memref<1x10000x64xf32, #tpu.memory_space<hbm>>
    %dma_start3A_61 = tpu.memref_squeeze %dma_start3A_60 : memref<1x10000x64xf32, #tpu.memory_space<hbm>> -> memref<10000x64xf32, #tpu.memory_space<hbm>>
    %dma_start3A_62 = arith.constant 0 : i32
    %dma_start3A_63 = arith.constant 0 : i32
    %dma_start3A_64 = tpu.memref_slice %dma_start3A_61[%dma_start3A_62, %dma_start3A_63] : memref<10000x64xf32, #tpu.memory_space<hbm>> -> memref<10000x64xf32, #tpu.memory_space<hbm>>
    tpu.enqueue_indirect_dma source(%dma_start3A_64 : memref<10000x64xf32, #tpu.memory_space<hbm>>) target(%arg12 : memref<80x64xf32, #tpu.memory_space<vmem>>) offsets(%dma_start3A_57 : memref<80xi32, #tpu.memory_space<vmem>>) semaphore(%arg22 : memref<!tpu.dma_semaphore, #tpu.memory_space<semaphore_mem>>)
    %dma_start3A_65 = arith.constant 5 : i32
    %dma_start3A_66 = arith.constant 0 : i32
    %dma_start3A_67 = tpu.memref_slice %arg6[%dma_start3A_65, %dma_start3A_66] : memref<250x80xi32, #tpu.memory_space<vmem>> -> memref<1x80xi32, #tpu.memory_space<vmem>>
    %dma_start3A_68 = tpu.memref_squeeze %dma_start3A_67 : memref<1x80xi32, #tpu.memory_space<vmem>> -> memref<80xi32, #tpu.memory_space<vmem>>
    %dma_start3A_69 = arith.constant 0 : i32
    %dma_start3A_70 = arith.constant 0 : i32
    %dma_start3A_71 = tpu.memref_slice %arg2[%arg0, %dma_start3A_69, %dma_start3A_70] : memref<2x10000x64xf32, #tpu.memory_space<hbm>> -> memref<1x10000x64xf32, #tpu.memory_space<hbm>>
    %dma_start3A_72 = tpu.memref_squeeze %dma_start3A_71 : memref<1x10000x64xf32, #tpu.memory_space<hbm>> -> memref<10000x64xf32, #tpu.memory_space<hbm>>
    %dma_start3A_73 = arith.constant 0 : i32
    %dma_start3A_74 = arith.constant 0 : i32
    %dma_start3A_75 = tpu.memref_slice %dma_start3A_72[%dma_start3A_73, %dma_start3A_74] : memref<10000x64xf32, #tpu.memory_space<hbm>> -> memref<10000x64xf32, #tpu.memory_space<hbm>>
    tpu.enqueue_indirect_dma source(%dma_start3A_75 : memref<10000x64xf32, #tpu.memory_space<hbm>>) target(%arg13 : memref<80x64xf32, #tpu.memory_space<vmem>>) offsets(%dma_start3A_68 : memref<80xi32, #tpu.memory_space<vmem>>) semaphore(%arg23 : memref<!tpu.dma_semaphore, #tpu.memory_space<semaphore_mem>>)
    %scan3A_76 = arith.constant 0 : i32
    %scan3A_77 = arith.constant 31 : i32
    %scan3A_78 = arith.addi %scan3A_76, %scan3A_77 : i32
    %scan3A_79 = arith.constant 1 : i32
    scf.for %scan3A_181 = %scan3A_76 to %scan3A_78 step %scan3A_79  : i32 {
      %mul3A_182 = arith.constant 8 : i32
      %mul3A_183 = arith.muli %scan3A_181, %mul3A_182 : i32
      %add3A = arith.constant 0 : i32
      %add3A_184 = arith.addi %mul3A_183, %add3A : i32
      %add3A_185 = arith.constant 6 : i32
      %add3A_186 = arith.addi %add3A_184, %add3A_185 : i32
      %lt3A = arith.constant 250 : i32
      %lt3A_187 = arith.cmpi slt, %add3A_186, %lt3A : i32
      %convert_element_type3A_188 = arith.extui %lt3A_187 : i1 to i32
      %cond3A_189 = arith.constant 0 : i32
      %cond3A_190 = arith.cmpi ne, %convert_element_type3A_188, %cond3A_189 : i32
      scf.if %cond3A_190 {
        %add3A_396 = arith.constant 6 : i32
        %add3A_397 = arith.addi %add3A_184, %add3A_396 : i32
        %ge3A = arith.constant 8 : i32
        %ge3A_398 = arith.cmpi sge, %add3A_397, %ge3A : i32
        %convert_element_type3A_399 = arith.extui %ge3A_398 : i1 to i32
        %cond3A_400 = arith.constant 0 : i32
        %cond3A_401 = arith.cmpi ne, %convert_element_type3A_399, %cond3A_400 : i32
        scf.if %cond3A_401 {
          %add3A_414 = arith.constant 6 : i32
          %add3A_415 = arith.addi %add3A_184, %add3A_414 : i32
          %sub3A = arith.constant 8 : i32
          %sub3A_416 = arith.subi %add3A_415, %sub3A : i32
          %dma_wait3A_417 = arith.constant 0 : i32
          %dma_wait3A_418 = tpu.memref_slice %arg7[%sub3A_416, %dma_wait3A_417] : memref<250x80xi32, #tpu.memory_space<vmem>> -> memref<1x80xi32, #tpu.memory_space<vmem>>
          %dma_wait3A_419 = tpu.memref_squeeze %dma_wait3A_418 : memref<1x80xi32, #tpu.memory_space<vmem>> -> memref<80xi32, #tpu.memory_space<vmem>>
          %dma_wait3A_420 = arith.constant 0 : i32
          %dma_wait3A_421 = arith.constant 0 : i32
          %dma_wait3A_422 = tpu.memref_slice %arg17[%dma_wait3A_420, %dma_wait3A_421] : memref<10000x64xf32, #tpu.memory_space<vmem_shared>> -> memref<10000x64xf32, #tpu.memory_space<vmem_shared>>
          tpu.wait_indirect_dma semaphore(%arg32 : memref<!tpu.dma_semaphore, #tpu.memory_space<semaphore_mem>>) src(%arg14 : memref<80x64xf32, #tpu.memory_space<vmem>>) dst(%dma_wait3A_422 : memref<10000x64xf32, #tpu.memory_space<vmem_shared>>)
        } else {
        }
        %add3A_402 = arith.constant 6 : i32
        %add3A_403 = arith.addi %add3A_184, %add3A_402 : i32
        %dma_start3A_404 = arith.constant 0 : i32
        %dma_start3A_405 = tpu.memref_slice %arg6[%add3A_403, %dma_start3A_404] : memref<250x80xi32, #tpu.memory_space<vmem>> -> memref<1x80xi32, #tpu.memory_space<vmem>>
        %dma_start3A_406 = tpu.memref_squeeze %dma_start3A_405 : memref<1x80xi32, #tpu.memory_space<vmem>> -> memref<80xi32, #tpu.memory_space<vmem>>
        %dma_start3A_407 = arith.constant 0 : i32
        %dma_start3A_408 = arith.constant 0 : i32
        %dma_start3A_409 = tpu.memref_slice %arg2[%arg0, %dma_start3A_407, %dma_start3A_408] : memref<2x10000x64xf32, #tpu.memory_space<hbm>> -> memref<1x10000x64xf32, #tpu.memory_space<hbm>>
        %dma_start3A_410 = tpu.memref_squeeze %dma_start3A_409 : memref<1x10000x64xf32, #tpu.memory_space<hbm>> -> memref<10000x64xf32, #tpu.memory_space<hbm>>
        %dma_start3A_411 = arith.constant 0 : i32
        %dma_start3A_412 = arith.constant 0 : i32
        %dma_start3A_413 = tpu.memref_slice %dma_start3A_410[%dma_start3A_411, %dma_start3A_412] : memref<10000x64xf32, #tpu.memory_space<hbm>> -> memref<10000x64xf32, #tpu.memory_space<hbm>>
        tpu.enqueue_indirect_dma source(%dma_start3A_413 : memref<10000x64xf32, #tpu.memory_space<hbm>>) target(%arg14 : memref<80x64xf32, #tpu.memory_space<vmem>>) offsets(%dma_start3A_406 : memref<80xi32, #tpu.memory_space<vmem>>) semaphore(%arg24 : memref<!tpu.dma_semaphore, #tpu.memory_space<semaphore_mem>>)
      } else {
      }
      %dma_wait3A_191 = arith.constant 0 : i32
      %dma_wait3A_192 = tpu.memref_slice %arg6[%add3A_184, %dma_wait3A_191] : memref<250x80xi32, #tpu.memory_space<vmem>> -> memref<1x80xi32, #tpu.memory_space<vmem>>
      %dma_wait3A_193 = tpu.memref_squeeze %dma_wait3A_192 : memref<1x80xi32, #tpu.memory_space<vmem>> -> memref<80xi32, #tpu.memory_space<vmem>>
      %dma_wait3A_194 = arith.constant 0 : i32
      %dma_wait3A_195 = arith.constant 0 : i32
      %dma_wait3A_196 = tpu.memref_slice %arg2[%arg0, %dma_wait3A_194, %dma_wait3A_195] : memref<2x10000x64xf32, #tpu.memory_space<hbm>> -> memref<1x10000x64xf32, #tpu.memory_space<hbm>>
      %dma_wait3A_197 = tpu.memref_squeeze %dma_wait3A_196 : memref<1x10000x64xf32, #tpu.memory_space<hbm>> -> memref<10000x64xf32, #tpu.memory_space<hbm>>
      %dma_wait3A_198 = arith.constant 0 : i32
      %dma_wait3A_199 = arith.constant 0 : i32
      %dma_wait3A_200 = tpu.memref_slice %dma_wait3A_197[%dma_wait3A_198, %dma_wait3A_199] : memref<10000x64xf32, #tpu.memory_space<hbm>> -> memref<10000x64xf32, #tpu.memory_space<hbm>>
      tpu.wait_indirect_dma semaphore(%arg18 : memref<!tpu.dma_semaphore, #tpu.memory_space<semaphore_mem>>) src(%dma_wait3A_200 : memref<10000x64xf32, #tpu.memory_space<hbm>>) dst(%arg8 : memref<80x64xf32, #tpu.memory_space<vmem>>)
      %dma_start3A_201 = arith.constant 0 : i32
      %dma_start3A_202 = tpu.memref_slice %arg7[%add3A_184, %dma_start3A_201] : memref<250x80xi32, #tpu.memory_space<vmem>> -> memref<1x80xi32, #tpu.memory_space<vmem>>
      %dma_start3A_203 = tpu.memref_squeeze %dma_start3A_202 : memref<1x80xi32, #tpu.memory_space<vmem>> -> memref<80xi32, #tpu.memory_space<vmem>>
      %dma_start3A_204 = arith.constant 0 : i32
      %dma_start3A_205 = arith.constant 0 : i32
      %dma_start3A_206 = tpu.memref_slice %arg17[%dma_start3A_204, %dma_start3A_205] : memref<10000x64xf32, #tpu.memory_space<vmem_shared>> -> memref<10000x64xf32, #tpu.memory_space<vmem_shared>>
      tpu.enqueue_indirect_dma source(%arg8 : memref<80x64xf32, #tpu.memory_space<vmem>>) target(%dma_start3A_206 : memref<10000x64xf32, #tpu.memory_space<vmem_shared>>) offsets(%dma_start3A_203 : memref<80xi32, #tpu.memory_space<vmem>>) semaphore(%arg26 : memref<!tpu.dma_semaphore, #tpu.memory_space<semaphore_mem>>) {add = true}
      %mul3A_207 = arith.constant 8 : i32
      %mul3A_208 = arith.muli %scan3A_181, %mul3A_207 : i32
      %add3A_209 = arith.constant 1 : i32
      %add3A_210 = arith.addi %mul3A_208, %add3A_209 : i32
      %add3A_211 = arith.constant 6 : i32
      %add3A_212 = arith.addi %add3A_210, %add3A_211 : i32
      %lt3A_213 = arith.constant 250 : i32
      %lt3A_214 = arith.cmpi slt, %add3A_212, %lt3A_213 : i32
      %convert_element_type3A_215 = arith.extui %lt3A_214 : i1 to i32
      %cond3A_216 = arith.constant 0 : i32
      %cond3A_217 = arith.cmpi ne, %convert_element_type3A_215, %cond3A_216 : i32
      scf.if %cond3A_217 {
        %add3A_396 = arith.constant 6 : i32
        %add3A_397 = arith.addi %add3A_210, %add3A_396 : i32
        %ge3A = arith.constant 8 : i32
        %ge3A_398 = arith.cmpi sge, %add3A_397, %ge3A : i32
        %convert_element_type3A_399 = arith.extui %ge3A_398 : i1 to i32
        %cond3A_400 = arith.constant 0 : i32
        %cond3A_401 = arith.cmpi ne, %convert_element_type3A_399, %cond3A_400 : i32
        scf.if %cond3A_401 {
          %add3A_414 = arith.constant 6 : i32
          %add3A_415 = arith.addi %add3A_210, %add3A_414 : i32
          %sub3A = arith.constant 8 : i32
          %sub3A_416 = arith.subi %add3A_415, %sub3A : i32
          %dma_wait3A_417 = arith.constant 0 : i32
          %dma_wait3A_418 = tpu.memref_slice %arg7[%sub3A_416, %dma_wait3A_417] : memref<250x80xi32, #tpu.memory_space<vmem>> -> memref<1x80xi32, #tpu.memory_space<vmem>>
          %dma_wait3A_419 = tpu.memref_squeeze %dma_wait3A_418 : memref<1x80xi32, #tpu.memory_space<vmem>> -> memref<80xi32, #tpu.memory_space<vmem>>
          %dma_wait3A_420 = arith.constant 0 : i32
          %dma_wait3A_421 = arith.constant 0 : i32
          %dma_wait3A_422 = tpu.memref_slice %arg17[%dma_wait3A_420, %dma_wait3A_421] : memref<10000x64xf32, #tpu.memory_space<vmem_shared>> -> memref<10000x64xf32, #tpu.memory_space<vmem_shared>>
          tpu.wait_indirect_dma semaphore(%arg33 : memref<!tpu.dma_semaphore, #tpu.memory_space<semaphore_mem>>) src(%arg15 : memref<80x64xf32, #tpu.memory_space<vmem>>) dst(%dma_wait3A_422 : memref<10000x64xf32, #tpu.memory_space<vmem_shared>>)
        } else {
        }
        %add3A_402 = arith.constant 6 : i32
        %add3A_403 = arith.addi %add3A_210, %add3A_402 : i32
        %dma_start3A_404 = arith.constant 0 : i32
        %dma_start3A_405 = tpu.memref_slice %arg6[%add3A_403, %dma_start3A_404] : memref<250x80xi32, #tpu.memory_space<vmem>> -> memref<1x80xi32, #tpu.memory_space<vmem>>
        %dma_start3A_406 = tpu.memref_squeeze %dma_start3A_405 : memref<1x80xi32, #tpu.memory_space<vmem>> -> memref<80xi32, #tpu.memory_space<vmem>>
        %dma_start3A_407 = arith.constant 0 : i32
        %dma_start3A_408 = arith.constant 0 : i32
        %dma_start3A_409 = tpu.memref_slice %arg2[%arg0, %dma_start3A_407, %dma_start3A_408] : memref<2x10000x64xf32, #tpu.memory_space<hbm>> -> memref<1x10000x64xf32, #tpu.memory_space<hbm>>
        %dma_start3A_410 = tpu.memref_squeeze %dma_start3A_409 : memref<1x10000x64xf32, #tpu.memory_space<hbm>> -> memref<10000x64xf32, #tpu.memory_space<hbm>>
        %dma_start3A_411 = arith.constant 0 : i32
        %dma_start3A_412 = arith.constant 0 : i32
        %dma_start3A_413 = tpu.memref_slice %dma_start3A_410[%dma_start3A_411, %dma_start3A_412] : memref<10000x64xf32, #tpu.memory_space<hbm>> -> memref<10000x64xf32, #tpu.memory_space<hbm>>
        tpu.enqueue_indirect_dma source(%dma_start3A_413 : memref<10000x64xf32, #tpu.memory_space<hbm>>) target(%arg15 : memref<80x64xf32, #tpu.memory_space<vmem>>) offsets(%dma_start3A_406 : memref<80xi32, #tpu.memory_space<vmem>>) semaphore(%arg25 : memref<!tpu.dma_semaphore, #tpu.memory_space<semaphore_mem>>)
      } else {
      }
      %dma_wait3A_218 = arith.constant 0 : i32
      %dma_wait3A_219 = tpu.memref_slice %arg6[%add3A_210, %dma_wait3A_218] : memref<250x80xi32, #tpu.memory_space<vmem>> -> memref<1x80xi32, #tpu.memory_space<vmem>>
      %dma_wait3A_220 = tpu.memref_squeeze %dma_wait3A_219 : memref<1x80xi32, #tpu.memory_space<vmem>> -> memref<80xi32, #tpu.memory_space<vmem>>
      %dma_wait3A_221 = arith.constant 0 : i32
      %dma_wait3A_222 = arith.constant 0 : i32
      %dma_wait3A_223 = tpu.memref_slice %arg2[%arg0, %dma_wait3A_221, %dma_wait3A_222] : memref<2x10000x64xf32, #tpu.memory_space<hbm>> -> memref<1x10000x64xf32, #tpu.memory_space<hbm>>
      %dma_wait3A_224 = tpu.memref_squeeze %dma_wait3A_223 : memref<1x10000x64xf32, #tpu.memory_space<hbm>> -> memref<10000x64xf32, #tpu.memory_space<hbm>>
      %dma_wait3A_225 = arith.constant 0 : i32
      %dma_wait3A_226 = arith.constant 0 : i32
      %dma_wait3A_227 = tpu.memref_slice %dma_wait3A_224[%dma_wait3A_225, %dma_wait3A_226] : memref<10000x64xf32, #tpu.memory_space<hbm>> -> memref<10000x64xf32, #tpu.memory_space<hbm>>
      tpu.wait_indirect_dma semaphore(%arg19 : memref<!tpu.dma_semaphore, #tpu.memory_space<semaphore_mem>>) src(%dma_wait3A_227 : memref<10000x64xf32, #tpu.memory_space<hbm>>) dst(%arg9 : memref<80x64xf32, #tpu.memory_space<vmem>>)
      %dma_start3A_228 = arith.constant 0 : i32
      %dma_start3A_229 = tpu.memref_slice %arg7[%add3A_210, %dma_start3A_228] : memref<250x80xi32, #tpu.memory_space<vmem>> -> memref<1x80xi32, #tpu.memory_space<vmem>>
      %dma_start3A_230 = tpu.memref_squeeze %dma_start3A_229 : memref<1x80xi32, #tpu.memory_space<vmem>> -> memref<80xi32, #tpu.memory_space<vmem>>
      %dma_start3A_231 = arith.constant 0 : i32
      %dma_start3A_232 = arith.constant 0 : i32
      %dma_start3A_233 = tpu.memref_slice %arg17[%dma_start3A_231, %dma_start3A_232] : memref<10000x64xf32, #tpu.memory_space<vmem_shared>> -> memref<10000x64xf32, #tpu.memory_space<vmem_shared>>
      tpu.enqueue_indirect_dma source(%arg9 : memref<80x64xf32, #tpu.memory_space<vmem>>) target(%dma_start3A_233 : memref<10000x64xf32, #tpu.memory_space<vmem_shared>>) offsets(%dma_start3A_230 : memref<80xi32, #tpu.memory_space<vmem>>) semaphore(%arg27 : memref<!tpu.dma_semaphore, #tpu.memory_space<semaphore_mem>>) {add = true}
      %mul3A_234 = arith.constant 8 : i32
      %mul3A_235 = arith.muli %scan3A_181, %mul3A_234 : i32
      %add3A_236 = arith.constant 2 : i32
      %add3A_237 = arith.addi %mul3A_235, %add3A_236 : i32
      %add3A_238 = arith.constant 6 : i32
      %add3A_239 = arith.addi %add3A_237, %add3A_238 : i32
      %lt3A_240 = arith.constant 250 : i32
      %lt3A_241 = arith.cmpi slt, %add3A_239, %lt3A_240 : i32
      %convert_element_type3A_242 = arith.extui %lt3A_241 : i1 to i32
      %cond3A_243 = arith.constant 0 : i32
      %cond3A_244 = arith.cmpi ne, %convert_element_type3A_242, %cond3A_243 : i32
      scf.if %cond3A_244 {
        %add3A_396 = arith.constant 6 : i32
        %add3A_397 = arith.addi %add3A_237, %add3A_396 : i32
        %ge3A = arith.constant 8 : i32
        %ge3A_398 = arith.cmpi sge, %add3A_397, %ge3A : i32
        %convert_element_type3A_399 = arith.extui %ge3A_398 : i1 to i32
        %cond3A_400 = arith.constant 0 : i32
        %cond3A_401 = arith.cmpi ne, %convert_element_type3A_399, %cond3A_400 : i32
        scf.if %cond3A_401 {
          %add3A_414 = arith.constant 6 : i32
          %add3A_415 = arith.addi %add3A_237, %add3A_414 : i32
          %sub3A = arith.constant 8 : i32
          %sub3A_416 = arith.subi %add3A_415, %sub3A : i32
          %dma_wait3A_417 = arith.constant 0 : i32
          %dma_wait3A_418 = tpu.memref_slice %arg7[%sub3A_416, %dma_wait3A_417] : memref<250x80xi32, #tpu.memory_space<vmem>> -> memref<1x80xi32, #tpu.memory_space<vmem>>
          %dma_wait3A_419 = tpu.memref_squeeze %dma_wait3A_418 : memref<1x80xi32, #tpu.memory_space<vmem>> -> memref<80xi32, #tpu.memory_space<vmem>>
          %dma_wait3A_420 = arith.constant 0 : i32
          %dma_wait3A_421 = arith.constant 0 : i32
          %dma_wait3A_422 = tpu.memref_slice %arg17[%dma_wait3A_420, %dma_wait3A_421] : memref<10000x64xf32, #tpu.memory_space<vmem_shared>> -> memref<10000x64xf32, #tpu.memory_space<vmem_shared>>
          tpu.wait_indirect_dma semaphore(%arg26 : memref<!tpu.dma_semaphore, #tpu.memory_space<semaphore_mem>>) src(%arg8 : memref<80x64xf32, #tpu.memory_space<vmem>>) dst(%dma_wait3A_422 : memref<10000x64xf32, #tpu.memory_space<vmem_shared>>)
        } else {
        }
        %add3A_402 = arith.constant 6 : i32
        %add3A_403 = arith.addi %add3A_237, %add3A_402 : i32
        %dma_start3A_404 = arith.constant 0 : i32
        %dma_start3A_405 = tpu.memref_slice %arg6[%add3A_403, %dma_start3A_404] : memref<250x80xi32, #tpu.memory_space<vmem>> -> memref<1x80xi32, #tpu.memory_space<vmem>>
        %dma_start3A_406 = tpu.memref_squeeze %dma_start3A_405 : memref<1x80xi32, #tpu.memory_space<vmem>> -> memref<80xi32, #tpu.memory_space<vmem>>
        %dma_start3A_407 = arith.constant 0 : i32
        %dma_start3A_408 = arith.constant 0 : i32
        %dma_start3A_409 = tpu.memref_slice %arg2[%arg0, %dma_start3A_407, %dma_start3A_408] : memref<2x10000x64xf32, #tpu.memory_space<hbm>> -> memref<1x10000x64xf32, #tpu.memory_space<hbm>>
        %dma_start3A_410 = tpu.memref_squeeze %dma_start3A_409 : memref<1x10000x64xf32, #tpu.memory_space<hbm>> -> memref<10000x64xf32, #tpu.memory_space<hbm>>
        %dma_start3A_411 = arith.constant 0 : i32
        %dma_start3A_412 = arith.constant 0 : i32
        %dma_start3A_413 = tpu.memref_slice %dma_start3A_410[%dma_start3A_411, %dma_start3A_412] : memref<10000x64xf32, #tpu.memory_space<hbm>> -> memref<10000x64xf32, #tpu.memory_space<hbm>>
        tpu.enqueue_indirect_dma source(%dma_start3A_413 : memref<10000x64xf32, #tpu.memory_space<hbm>>) target(%arg8 : memref<80x64xf32, #tpu.memory_space<vmem>>) offsets(%dma_start3A_406 : memref<80xi32, #tpu.memory_space<vmem>>) semaphore(%arg18 : memref<!tpu.dma_semaphore, #tpu.memory_space<semaphore_mem>>)
      } else {
      }
      %dma_wait3A_245 = arith.constant 0 : i32
      %dma_wait3A_246 = tpu.memref_slice %arg6[%add3A_237, %dma_wait3A_245] : memref<250x80xi32, #tpu.memory_space<vmem>> -> memref<1x80xi32, #tpu.memory_space<vmem>>
      %dma_wait3A_247 = tpu.memref_squeeze %dma_wait3A_246 : memref<1x80xi32, #tpu.memory_space<vmem>> -> memref<80xi32, #tpu.memory_space<vmem>>
      %dma_wait3A_248 = arith.constant 0 : i32
      %dma_wait3A_249 = arith.constant 0 : i32
      %dma_wait3A_250 = tpu.memref_slice %arg2[%arg0, %dma_wait3A_248, %dma_wait3A_249] : memref<2x10000x64xf32, #tpu.memory_space<hbm>> -> memref<1x10000x64xf32, #tpu.memory_space<hbm>>
      %dma_wait3A_251 = tpu.memref_squeeze %dma_wait3A_250 : memref<1x10000x64xf32, #tpu.memory_space<hbm>> -> memref<10000x64xf32, #tpu.memory_space<hbm>>
      %dma_wait3A_252 = arith.constant 0 : i32
      %dma_wait3A_253 = arith.constant 0 : i32
      %dma_wait3A_254 = tpu.memref_slice %dma_wait3A_251[%dma_wait3A_252, %dma_wait3A_253] : memref<10000x64xf32, #tpu.memory_space<hbm>> -> memref<10000x64xf32, #tpu.memory_space<hbm>>
      tpu.wait_indirect_dma semaphore(%arg20 : memref<!tpu.dma_semaphore, #tpu.memory_space<semaphore_mem>>) src(%dma_wait3A_254 : memref<10000x64xf32, #tpu.memory_space<hbm>>) dst(%arg10 : memref<80x64xf32, #tpu.memory_space<vmem>>)
      %dma_start3A_255 = arith.constant 0 : i32
      %dma_start3A_256 = tpu.memref_slice %arg7[%add3A_237, %dma_start3A_255] : memref<250x80xi32, #tpu.memory_space<vmem>> -> memref<1x80xi32, #tpu.memory_space<vmem>>
      %dma_start3A_257 = tpu.memref_squeeze %dma_start3A_256 : memref<1x80xi32, #tpu.memory_space<vmem>> -> memref<80xi32, #tpu.memory_space<vmem>>
      %dma_start3A_258 = arith.constant 0 : i32
      %dma_start3A_259 = arith.constant 0 : i32
      %dma_start3A_260 = tpu.memref_slice %arg17[%dma_start3A_258, %dma_start3A_259] : memref<10000x64xf32, #tpu.memory_space<vmem_shared>> -> memref<10000x64xf32, #tpu.memory_space<vmem_shared>>
      tpu.enqueue_indirect_dma source(%arg10 : memref<80x64xf32, #tpu.memory_space<vmem>>) target(%dma_start3A_260 : memref<10000x64xf32, #tpu.memory_space<vmem_shared>>) offsets(%dma_start3A_257 : memref<80xi32, #tpu.memory_space<vmem>>) semaphore(%arg28 : memref<!tpu.dma_semaphore, #tpu.memory_space<semaphore_mem>>) {add = true}
      %mul3A_261 = arith.constant 8 : i32
      %mul3A_262 = arith.muli %scan3A_181, %mul3A_261 : i32
      %add3A_263 = arith.constant 3 : i32
      %add3A_264 = arith.addi %mul3A_262, %add3A_263 : i32
      %add3A_265 = arith.constant 6 : i32
      %add3A_266 = arith.addi %add3A_264, %add3A_265 : i32
      %lt3A_267 = arith.constant 250 : i32
      %lt3A_268 = arith.cmpi slt, %add3A_266, %lt3A_267 : i32
      %convert_element_type3A_269 = arith.extui %lt3A_268 : i1 to i32
      %cond3A_270 = arith.constant 0 : i32
      %cond3A_271 = arith.cmpi ne, %convert_element_type3A_269, %cond3A_270 : i32
      scf.if %cond3A_271 {
        %add3A_396 = arith.constant 6 : i32
        %add3A_397 = arith.addi %add3A_264, %add3A_396 : i32
        %ge3A = arith.constant 8 : i32
        %ge3A_398 = arith.cmpi sge, %add3A_397, %ge3A : i32
        %convert_element_type3A_399 = arith.extui %ge3A_398 : i1 to i32
        %cond3A_400 = arith.constant 0 : i32
        %cond3A_401 = arith.cmpi ne, %convert_element_type3A_399, %cond3A_400 : i32
        scf.if %cond3A_401 {
          %add3A_414 = arith.constant 6 : i32
          %add3A_415 = arith.addi %add3A_264, %add3A_414 : i32
          %sub3A = arith.constant 8 : i32
          %sub3A_416 = arith.subi %add3A_415, %sub3A : i32
          %dma_wait3A_417 = arith.constant 0 : i32
          %dma_wait3A_418 = tpu.memref_slice %arg7[%sub3A_416, %dma_wait3A_417] : memref<250x80xi32, #tpu.memory_space<vmem>> -> memref<1x80xi32, #tpu.memory_space<vmem>>
          %dma_wait3A_419 = tpu.memref_squeeze %dma_wait3A_418 : memref<1x80xi32, #tpu.memory_space<vmem>> -> memref<80xi32, #tpu.memory_space<vmem>>
          %dma_wait3A_420 = arith.constant 0 : i32
          %dma_wait3A_421 = arith.constant 0 : i32
          %dma_wait3A_422 = tpu.memref_slice %arg17[%dma_wait3A_420, %dma_wait3A_421] : memref<10000x64xf32, #tpu.memory_space<vmem_shared>> -> memref<10000x64xf32, #tpu.memory_space<vmem_shared>>
          tpu.wait_indirect_dma semaphore(%arg27 : memref<!tpu.dma_semaphore, #tpu.memory_space<semaphore_mem>>) src(%arg9 : memref<80x64xf32, #tpu.memory_space<vmem>>) dst(%dma_wait3A_422 : memref<10000x64xf32, #tpu.memory_space<vmem_shared>>)
        } else {
        }
        %add3A_402 = arith.constant 6 : i32
        %add3A_403 = arith.addi %add3A_264, %add3A_402 : i32
        %dma_start3A_404 = arith.constant 0 : i32
        %dma_start3A_405 = tpu.memref_slice %arg6[%add3A_403, %dma_start3A_404] : memref<250x80xi32, #tpu.memory_space<vmem>> -> memref<1x80xi32, #tpu.memory_space<vmem>>
        %dma_start3A_406 = tpu.memref_squeeze %dma_start3A_405 : memref<1x80xi32, #tpu.memory_space<vmem>> -> memref<80xi32, #tpu.memory_space<vmem>>
        %dma_start3A_407 = arith.constant 0 : i32
        %dma_start3A_408 = arith.constant 0 : i32
        %dma_start3A_409 = tpu.memref_slice %arg2[%arg0, %dma_start3A_407, %dma_start3A_408] : memref<2x10000x64xf32, #tpu.memory_space<hbm>> -> memref<1x10000x64xf32, #tpu.memory_space<hbm>>
        %dma_start3A_410 = tpu.memref_squeeze %dma_start3A_409 : memref<1x10000x64xf32, #tpu.memory_space<hbm>> -> memref<10000x64xf32, #tpu.memory_space<hbm>>
        %dma_start3A_411 = arith.constant 0 : i32
        %dma_start3A_412 = arith.constant 0 : i32
        %dma_start3A_413 = tpu.memref_slice %dma_start3A_410[%dma_start3A_411, %dma_start3A_412] : memref<10000x64xf32, #tpu.memory_space<hbm>> -> memref<10000x64xf32, #tpu.memory_space<hbm>>
        tpu.enqueue_indirect_dma source(%dma_start3A_413 : memref<10000x64xf32, #tpu.memory_space<hbm>>) target(%arg9 : memref<80x64xf32, #tpu.memory_space<vmem>>) offsets(%dma_start3A_406 : memref<80xi32, #tpu.memory_space<vmem>>) semaphore(%arg19 : memref<!tpu.dma_semaphore, #tpu.memory_space<semaphore_mem>>)
      } else {
      }
      %dma_wait3A_272 = arith.constant 0 : i32
      %dma_wait3A_273 = tpu.memref_slice %arg6[%add3A_264, %dma_wait3A_272] : memref<250x80xi32, #tpu.memory_space<vmem>> -> memref<1x80xi32, #tpu.memory_space<vmem>>
      %dma_wait3A_274 = tpu.memref_squeeze %dma_wait3A_273 : memref<1x80xi32, #tpu.memory_space<vmem>> -> memref<80xi32, #tpu.memory_space<vmem>>
      %dma_wait3A_275 = arith.constant 0 : i32
      %dma_wait3A_276 = arith.constant 0 : i32
      %dma_wait3A_277 = tpu.memref_slice %arg2[%arg0, %dma_wait3A_275, %dma_wait3A_276] : memref<2x10000x64xf32, #tpu.memory_space<hbm>> -> memref<1x10000x64xf32, #tpu.memory_space<hbm>>
      %dma_wait3A_278 = tpu.memref_squeeze %dma_wait3A_277 : memref<1x10000x64xf32, #tpu.memory_space<hbm>> -> memref<10000x64xf32, #tpu.memory_space<hbm>>
      %dma_wait3A_279 = arith.constant 0 : i32
      %dma_wait3A_280 = arith.constant 0 : i32
      %dma_wait3A_281 = tpu.memref_slice %dma_wait3A_278[%dma_wait3A_279, %dma_wait3A_280] : memref<10000x64xf32, #tpu.memory_space<hbm>> -> memref<10000x64xf32, #tpu.memory_space<hbm>>
      tpu.wait_indirect_dma semaphore(%arg21 : memref<!tpu.dma_semaphore, #tpu.memory_space<semaphore_mem>>) src(%dma_wait3A_281 : memref<10000x64xf32, #tpu.memory_space<hbm>>) dst(%arg11 : memref<80x64xf32, #tpu.memory_space<vmem>>)
      %dma_start3A_282 = arith.constant 0 : i32
      %dma_start3A_283 = tpu.memref_slice %arg7[%add3A_264, %dma_start3A_282] : memref<250x80xi32, #tpu.memory_space<vmem>> -> memref<1x80xi32, #tpu.memory_space<vmem>>
      %dma_start3A_284 = tpu.memref_squeeze %dma_start3A_283 : memref<1x80xi32, #tpu.memory_space<vmem>> -> memref<80xi32, #tpu.memory_space<vmem>>
      %dma_start3A_285 = arith.constant 0 : i32
      %dma_start3A_286 = arith.constant 0 : i32
      %dma_start3A_287 = tpu.memref_slice %arg17[%dma_start3A_285, %dma_start3A_286] : memref<10000x64xf32, #tpu.memory_space<vmem_shared>> -> memref<10000x64xf32, #tpu.memory_space<vmem_shared>>
      tpu.enqueue_indirect_dma source(%arg11 : memref<80x64xf32, #tpu.memory_space<vmem>>) target(%dma_start3A_287 : memref<10000x64xf32, #tpu.memory_space<vmem_shared>>) offsets(%dma_start3A_284 : memref<80xi32, #tpu.memory_space<vmem>>) semaphore(%arg29 : memref<!tpu.dma_semaphore, #tpu.memory_space<semaphore_mem>>) {add = true}
      %mul3A_288 = arith.constant 8 : i32
      %mul3A_289 = arith.muli %scan3A_181, %mul3A_288 : i32
      %add3A_290 = arith.constant 4 : i32
      %add3A_291 = arith.addi %mul3A_289, %add3A_290 : i32
      %add3A_292 = arith.constant 6 : i32
      %add3A_293 = arith.addi %add3A_291, %add3A_292 : i32
      %lt3A_294 = arith.constant 250 : i32
      %lt3A_295 = arith.cmpi slt, %add3A_293, %lt3A_294 : i32
      %convert_element_type3A_296 = arith.extui %lt3A_295 : i1 to i32
      %cond3A_297 = arith.constant 0 : i32
      %cond3A_298 = arith.cmpi ne, %convert_element_type3A_296, %cond3A_297 : i32
      scf.if %cond3A_298 {
        %add3A_396 = arith.constant 6 : i32
        %add3A_397 = arith.addi %add3A_291, %add3A_396 : i32
        %ge3A = arith.constant 8 : i32
        %ge3A_398 = arith.cmpi sge, %add3A_397, %ge3A : i32
        %convert_element_type3A_399 = arith.extui %ge3A_398 : i1 to i32
        %cond3A_400 = arith.constant 0 : i32
        %cond3A_401 = arith.cmpi ne, %convert_element_type3A_399, %cond3A_400 : i32
        scf.if %cond3A_401 {
          %add3A_414 = arith.constant 6 : i32
          %add3A_415 = arith.addi %add3A_291, %add3A_414 : i32
          %sub3A = arith.constant 8 : i32
          %sub3A_416 = arith.subi %add3A_415, %sub3A : i32
          %dma_wait3A_417 = arith.constant 0 : i32
          %dma_wait3A_418 = tpu.memref_slice %arg7[%sub3A_416, %dma_wait3A_417] : memref<250x80xi32, #tpu.memory_space<vmem>> -> memref<1x80xi32, #tpu.memory_space<vmem>>
          %dma_wait3A_419 = tpu.memref_squeeze %dma_wait3A_418 : memref<1x80xi32, #tpu.memory_space<vmem>> -> memref<80xi32, #tpu.memory_space<vmem>>
          %dma_wait3A_420 = arith.constant 0 : i32
          %dma_wait3A_421 = arith.constant 0 : i32
          %dma_wait3A_422 = tpu.memref_slice %arg17[%dma_wait3A_420, %dma_wait3A_421] : memref<10000x64xf32, #tpu.memory_space<vmem_shared>> -> memref<10000x64xf32, #tpu.memory_space<vmem_shared>>
          tpu.wait_indirect_dma semaphore(%arg28 : memref<!tpu.dma_semaphore, #tpu.memory_space<semaphore_mem>>) src(%arg10 : memref<80x64xf32, #tpu.memory_space<vmem>>) dst(%dma_wait3A_422 : memref<10000x64xf32, #tpu.memory_space<vmem_shared>>)
        } else {
        }
        %add3A_402 = arith.constant 6 : i32
        %add3A_403 = arith.addi %add3A_291, %add3A_402 : i32
        %dma_start3A_404 = arith.constant 0 : i32
        %dma_start3A_405 = tpu.memref_slice %arg6[%add3A_403, %dma_start3A_404] : memref<250x80xi32, #tpu.memory_space<vmem>> -> memref<1x80xi32, #tpu.memory_space<vmem>>
        %dma_start3A_406 = tpu.memref_squeeze %dma_start3A_405 : memref<1x80xi32, #tpu.memory_space<vmem>> -> memref<80xi32, #tpu.memory_space<vmem>>
        %dma_start3A_407 = arith.constant 0 : i32
        %dma_start3A_408 = arith.constant 0 : i32
        %dma_start3A_409 = tpu.memref_slice %arg2[%arg0, %dma_start3A_407, %dma_start3A_408] : memref<2x10000x64xf32, #tpu.memory_space<hbm>> -> memref<1x10000x64xf32, #tpu.memory_space<hbm>>
        %dma_start3A_410 = tpu.memref_squeeze %dma_start3A_409 : memref<1x10000x64xf32, #tpu.memory_space<hbm>> -> memref<10000x64xf32, #tpu.memory_space<hbm>>
        %dma_start3A_411 = arith.constant 0 : i32
        %dma_start3A_412 = arith.constant 0 : i32
        %dma_start3A_413 = tpu.memref_slice %dma_start3A_410[%dma_start3A_411, %dma_start3A_412] : memref<10000x64xf32, #tpu.memory_space<hbm>> -> memref<10000x64xf32, #tpu.memory_space<hbm>>
        tpu.enqueue_indirect_dma source(%dma_start3A_413 : memref<10000x64xf32, #tpu.memory_space<hbm>>) target(%arg10 : memref<80x64xf32, #tpu.memory_space<vmem>>) offsets(%dma_start3A_406 : memref<80xi32, #tpu.memory_space<vmem>>) semaphore(%arg20 : memref<!tpu.dma_semaphore, #tpu.memory_space<semaphore_mem>>)
      } else {
      }
      %dma_wait3A_299 = arith.constant 0 : i32
      %dma_wait3A_300 = tpu.memref_slice %arg6[%add3A_291, %dma_wait3A_299] : memref<250x80xi32, #tpu.memory_space<vmem>> -> memref<1x80xi32, #tpu.memory_space<vmem>>
      %dma_wait3A_301 = tpu.memref_squeeze %dma_wait3A_300 : memref<1x80xi32, #tpu.memory_space<vmem>> -> memref<80xi32, #tpu.memory_space<vmem>>
      %dma_wait3A_302 = arith.constant 0 : i32
      %dma_wait3A_303 = arith.constant 0 : i32
      %dma_wait3A_304 = tpu.memref_slice %arg2[%arg0, %dma_wait3A_302, %dma_wait3A_303] : memref<2x10000x64xf32, #tpu.memory_space<hbm>> -> memref<1x10000x64xf32, #tpu.memory_space<hbm>>
      %dma_wait3A_305 = tpu.memref_squeeze %dma_wait3A_304 : memref<1x10000x64xf32, #tpu.memory_space<hbm>> -> memref<10000x64xf32, #tpu.memory_space<hbm>>
      %dma_wait3A_306 = arith.constant 0 : i32
      %dma_wait3A_307 = arith.constant 0 : i32
      %dma_wait3A_308 = tpu.memref_slice %dma_wait3A_305[%dma_wait3A_306, %dma_wait3A_307] : memref<10000x64xf32, #tpu.memory_space<hbm>> -> memref<10000x64xf32, #tpu.memory_space<hbm>>
      tpu.wait_indirect_dma semaphore(%arg22 : memref<!tpu.dma_semaphore, #tpu.memory_space<semaphore_mem>>) src(%dma_wait3A_308 : memref<10000x64xf32, #tpu.memory_space<hbm>>) dst(%arg12 : memref<80x64xf32, #tpu.memory_space<vmem>>)
      %dma_start3A_309 = arith.constant 0 : i32
      %dma_start3A_310 = tpu.memref_slice %arg7[%add3A_291, %dma_start3A_309] : memref<250x80xi32, #tpu.memory_space<vmem>> -> memref<1x80xi32, #tpu.memory_space<vmem>>
      %dma_start3A_311 = tpu.memref_squeeze %dma_start3A_310 : memref<1x80xi32, #tpu.memory_space<vmem>> -> memref<80xi32, #tpu.memory_space<vmem>>
      %dma_start3A_312 = arith.constant 0 : i32
      %dma_start3A_313 = arith.constant 0 : i32
      %dma_start3A_314 = tpu.memref_slice %arg17[%dma_start3A_312, %dma_start3A_313] : memref<10000x64xf32, #tpu.memory_space<vmem_shared>> -> memref<10000x64xf32, #tpu.memory_space<vmem_shared>>
      tpu.enqueue_indirect_dma source(%arg12 : memref<80x64xf32, #tpu.memory_space<vmem>>) target(%dma_start3A_314 : memref<10000x64xf32, #tpu.memory_space<vmem_shared>>) offsets(%dma_start3A_311 : memref<80xi32, #tpu.memory_space<vmem>>) semaphore(%arg30 : memref<!tpu.dma_semaphore, #tpu.memory_space<semaphore_mem>>) {add = true}
      %mul3A_315 = arith.constant 8 : i32
      %mul3A_316 = arith.muli %scan3A_181, %mul3A_315 : i32
      %add3A_317 = arith.constant 5 : i32
      %add3A_318 = arith.addi %mul3A_316, %add3A_317 : i32
      %add3A_319 = arith.constant 6 : i32
      %add3A_320 = arith.addi %add3A_318, %add3A_319 : i32
      %lt3A_321 = arith.constant 250 : i32
      %lt3A_322 = arith.cmpi slt, %add3A_320, %lt3A_321 : i32
      %convert_element_type3A_323 = arith.extui %lt3A_322 : i1 to i32
      %cond3A_324 = arith.constant 0 : i32
      %cond3A_325 = arith.cmpi ne, %convert_element_type3A_323, %cond3A_324 : i32
      scf.if %cond3A_325 {
        %add3A_396 = arith.constant 6 : i32
        %add3A_397 = arith.addi %add3A_318, %add3A_396 : i32
        %ge3A = arith.constant 8 : i32
        %ge3A_398 = arith.cmpi sge, %add3A_397, %ge3A : i32
        %convert_element_type3A_399 = arith.extui %ge3A_398 : i1 to i32
        %cond3A_400 = arith.constant 0 : i32
        %cond3A_401 = arith.cmpi ne, %convert_element_type3A_399, %cond3A_400 : i32
        scf.if %cond3A_401 {
          %add3A_414 = arith.constant 6 : i32
          %add3A_415 = arith.addi %add3A_318, %add3A_414 : i32
          %sub3A = arith.constant 8 : i32
          %sub3A_416 = arith.subi %add3A_415, %sub3A : i32
          %dma_wait3A_417 = arith.constant 0 : i32
          %dma_wait3A_418 = tpu.memref_slice %arg7[%sub3A_416, %dma_wait3A_417] : memref<250x80xi32, #tpu.memory_space<vmem>> -> memref<1x80xi32, #tpu.memory_space<vmem>>
          %dma_wait3A_419 = tpu.memref_squeeze %dma_wait3A_418 : memref<1x80xi32, #tpu.memory_space<vmem>> -> memref<80xi32, #tpu.memory_space<vmem>>
          %dma_wait3A_420 = arith.constant 0 : i32
          %dma_wait3A_421 = arith.constant 0 : i32
          %dma_wait3A_422 = tpu.memref_slice %arg17[%dma_wait3A_420, %dma_wait3A_421] : memref<10000x64xf32, #tpu.memory_space<vmem_shared>> -> memref<10000x64xf32, #tpu.memory_space<vmem_shared>>
          tpu.wait_indirect_dma semaphore(%arg29 : memref<!tpu.dma_semaphore, #tpu.memory_space<semaphore_mem>>) src(%arg11 : memref<80x64xf32, #tpu.memory_space<vmem>>) dst(%dma_wait3A_422 : memref<10000x64xf32, #tpu.memory_space<vmem_shared>>)
        } else {
        }
        %add3A_402 = arith.constant 6 : i32
        %add3A_403 = arith.addi %add3A_318, %add3A_402 : i32
        %dma_start3A_404 = arith.constant 0 : i32
        %dma_start3A_405 = tpu.memref_slice %arg6[%add3A_403, %dma_start3A_404] : memref<250x80xi32, #tpu.memory_space<vmem>> -> memref<1x80xi32, #tpu.memory_space<vmem>>
        %dma_start3A_406 = tpu.memref_squeeze %dma_start3A_405 : memref<1x80xi32, #tpu.memory_space<vmem>> -> memref<80xi32, #tpu.memory_space<vmem>>
        %dma_start3A_407 = arith.constant 0 : i32
        %dma_start3A_408 = arith.constant 0 : i32
        %dma_start3A_409 = tpu.memref_slice %arg2[%arg0, %dma_start3A_407, %dma_start3A_408] : memref<2x10000x64xf32, #tpu.memory_space<hbm>> -> memref<1x10000x64xf32, #tpu.memory_space<hbm>>
        %dma_start3A_410 = tpu.memref_squeeze %dma_start3A_409 : memref<1x10000x64xf32, #tpu.memory_space<hbm>> -> memref<10000x64xf32, #tpu.memory_space<hbm>>
        %dma_start3A_411 = arith.constant 0 : i32
        %dma_start3A_412 = arith.constant 0 : i32
        %dma_start3A_413 = tpu.memref_slice %dma_start3A_410[%dma_start3A_411, %dma_start3A_412] : memref<10000x64xf32, #tpu.memory_space<hbm>> -> memref<10000x64xf32, #tpu.memory_space<hbm>>
        tpu.enqueue_indirect_dma source(%dma_start3A_413 : memref<10000x64xf32, #tpu.memory_space<hbm>>) target(%arg11 : memref<80x64xf32, #tpu.memory_space<vmem>>) offsets(%dma_start3A_406 : memref<80xi32, #tpu.memory_space<vmem>>) semaphore(%arg21 : memref<!tpu.dma_semaphore, #tpu.memory_space<semaphore_mem>>)
      } else {
      }
      %dma_wait3A_326 = arith.constant 0 : i32
      %dma_wait3A_327 = tpu.memref_slice %arg6[%add3A_318, %dma_wait3A_326] : memref<250x80xi32, #tpu.memory_space<vmem>> -> memref<1x80xi32, #tpu.memory_space<vmem>>
      %dma_wait3A_328 = tpu.memref_squeeze %dma_wait3A_327 : memref<1x80xi32, #tpu.memory_space<vmem>> -> memref<80xi32, #tpu.memory_space<vmem>>
      %dma_wait3A_329 = arith.constant 0 : i32
      %dma_wait3A_330 = arith.constant 0 : i32
      %dma_wait3A_331 = tpu.memref_slice %arg2[%arg0, %dma_wait3A_329, %dma_wait3A_330] : memref<2x10000x64xf32, #tpu.memory_space<hbm>> -> memref<1x10000x64xf32, #tpu.memory_space<hbm>>
      %dma_wait3A_332 = tpu.memref_squeeze %dma_wait3A_331 : memref<1x10000x64xf32, #tpu.memory_space<hbm>> -> memref<10000x64xf32, #tpu.memory_space<hbm>>
      %dma_wait3A_333 = arith.constant 0 : i32
      %dma_wait3A_334 = arith.constant 0 : i32
      %dma_wait3A_335 = tpu.memref_slice %dma_wait3A_332[%dma_wait3A_333, %dma_wait3A_334] : memref<10000x64xf32, #tpu.memory_space<hbm>> -> memref<10000x64xf32, #tpu.memory_space<hbm>>
      tpu.wait_indirect_dma semaphore(%arg23 : memref<!tpu.dma_semaphore, #tpu.memory_space<semaphore_mem>>) src(%dma_wait3A_335 : memref<10000x64xf32, #tpu.memory_space<hbm>>) dst(%arg13 : memref<80x64xf32, #tpu.memory_space<vmem>>)
      %dma_start3A_336 = arith.constant 0 : i32
      %dma_start3A_337 = tpu.memref_slice %arg7[%add3A_318, %dma_start3A_336] : memref<250x80xi32, #tpu.memory_space<vmem>> -> memref<1x80xi32, #tpu.memory_space<vmem>>
      %dma_start3A_338 = tpu.memref_squeeze %dma_start3A_337 : memref<1x80xi32, #tpu.memory_space<vmem>> -> memref<80xi32, #tpu.memory_space<vmem>>
      %dma_start3A_339 = arith.constant 0 : i32
      %dma_start3A_340 = arith.constant 0 : i32
      %dma_start3A_341 = tpu.memref_slice %arg17[%dma_start3A_339, %dma_start3A_340] : memref<10000x64xf32, #tpu.memory_space<vmem_shared>> -> memref<10000x64xf32, #tpu.memory_space<vmem_shared>>
      tpu.enqueue_indirect_dma source(%arg13 : memref<80x64xf32, #tpu.memory_space<vmem>>) target(%dma_start3A_341 : memref<10000x64xf32, #tpu.memory_space<vmem_shared>>) offsets(%dma_start3A_338 : memref<80xi32, #tpu.memory_space<vmem>>) semaphore(%arg31 : memref<!tpu.dma_semaphore, #tpu.memory_space<semaphore_mem>>) {add = true}
      %mul3A_342 = arith.constant 8 : i32
      %mul3A_343 = arith.muli %scan3A_181, %mul3A_342 : i32
      %add3A_344 = arith.constant 6 : i32
      %add3A_345 = arith.addi %mul3A_343, %add3A_344 : i32
      %add3A_346 = arith.constant 6 : i32
      %add3A_347 = arith.addi %add3A_345, %add3A_346 : i32
      %lt3A_348 = arith.constant 250 : i32
      %lt3A_349 = arith.cmpi slt, %add3A_347, %lt3A_348 : i32
      %convert_element_type3A_350 = arith.extui %lt3A_349 : i1 to i32
      %cond3A_351 = arith.constant 0 : i32
      %cond3A_352 = arith.cmpi ne, %convert_element_type3A_350, %cond3A_351 : i32
      scf.if %cond3A_352 {
        %add3A_396 = arith.constant 6 : i32
        %add3A_397 = arith.addi %add3A_345, %add3A_396 : i32
        %ge3A = arith.constant 8 : i32
        %ge3A_398 = arith.cmpi sge, %add3A_397, %ge3A : i32
        %convert_element_type3A_399 = arith.extui %ge3A_398 : i1 to i32
        %cond3A_400 = arith.constant 0 : i32
        %cond3A_401 = arith.cmpi ne, %convert_element_type3A_399, %cond3A_400 : i32
        scf.if %cond3A_401 {
          %add3A_414 = arith.constant 6 : i32
          %add3A_415 = arith.addi %add3A_345, %add3A_414 : i32
          %sub3A = arith.constant 8 : i32
          %sub3A_416 = arith.subi %add3A_415, %sub3A : i32
          %dma_wait3A_417 = arith.constant 0 : i32
          %dma_wait3A_418 = tpu.memref_slice %arg7[%sub3A_416, %dma_wait3A_417] : memref<250x80xi32, #tpu.memory_space<vmem>> -> memref<1x80xi32, #tpu.memory_space<vmem>>
          %dma_wait3A_419 = tpu.memref_squeeze %dma_wait3A_418 : memref<1x80xi32, #tpu.memory_space<vmem>> -> memref<80xi32, #tpu.memory_space<vmem>>
          %dma_wait3A_420 = arith.constant 0 : i32
          %dma_wait3A_421 = arith.constant 0 : i32
          %dma_wait3A_422 = tpu.memref_slice %arg17[%dma_wait3A_420, %dma_wait3A_421] : memref<10000x64xf32, #tpu.memory_space<vmem_shared>> -> memref<10000x64xf32, #tpu.memory_space<vmem_shared>>
          tpu.wait_indirect_dma semaphore(%arg30 : memref<!tpu.dma_semaphore, #tpu.memory_space<semaphore_mem>>) src(%arg12 : memref<80x64xf32, #tpu.memory_space<vmem>>) dst(%dma_wait3A_422 : memref<10000x64xf32, #tpu.memory_space<vmem_shared>>)
        } else {
        }
        %add3A_402 = arith.constant 6 : i32
        %add3A_403 = arith.addi %add3A_345, %add3A_402 : i32
        %dma_start3A_404 = arith.constant 0 : i32
        %dma_start3A_405 = tpu.memref_slice %arg6[%add3A_403, %dma_start3A_404] : memref<250x80xi32, #tpu.memory_space<vmem>> -> memref<1x80xi32, #tpu.memory_space<vmem>>
        %dma_start3A_406 = tpu.memref_squeeze %dma_start3A_405 : memref<1x80xi32, #tpu.memory_space<vmem>> -> memref<80xi32, #tpu.memory_space<vmem>>
        %dma_start3A_407 = arith.constant 0 : i32
        %dma_start3A_408 = arith.constant 0 : i32
        %dma_start3A_409 = tpu.memref_slice %arg2[%arg0, %dma_start3A_407, %dma_start3A_408] : memref<2x10000x64xf32, #tpu.memory_space<hbm>> -> memref<1x10000x64xf32, #tpu.memory_space<hbm>>
        %dma_start3A_410 = tpu.memref_squeeze %dma_start3A_409 : memref<1x10000x64xf32, #tpu.memory_space<hbm>> -> memref<10000x64xf32, #tpu.memory_space<hbm>>
        %dma_start3A_411 = arith.constant 0 : i32
        %dma_start3A_412 = arith.constant 0 : i32
        %dma_start3A_413 = tpu.memref_slice %dma_start3A_410[%dma_start3A_411, %dma_start3A_412] : memref<10000x64xf32, #tpu.memory_space<hbm>> -> memref<10000x64xf32, #tpu.memory_space<hbm>>
        tpu.enqueue_indirect_dma source(%dma_start3A_413 : memref<10000x64xf32, #tpu.memory_space<hbm>>) target(%arg12 : memref<80x64xf32, #tpu.memory_space<vmem>>) offsets(%dma_start3A_406 : memref<80xi32, #tpu.memory_space<vmem>>) semaphore(%arg22 : memref<!tpu.dma_semaphore, #tpu.memory_space<semaphore_mem>>)
      } else {
      }
      %dma_wait3A_353 = arith.constant 0 : i32
      %dma_wait3A_354 = tpu.memref_slice %arg6[%add3A_345, %dma_wait3A_353] : memref<250x80xi32, #tpu.memory_space<vmem>> -> memref<1x80xi32, #tpu.memory_space<vmem>>
      %dma_wait3A_355 = tpu.memref_squeeze %dma_wait3A_354 : memref<1x80xi32, #tpu.memory_space<vmem>> -> memref<80xi32, #tpu.memory_space<vmem>>
      %dma_wait3A_356 = arith.constant 0 : i32
      %dma_wait3A_357 = arith.constant 0 : i32
      %dma_wait3A_358 = tpu.memref_slice %arg2[%arg0, %dma_wait3A_356, %dma_wait3A_357] : memref<2x10000x64xf32, #tpu.memory_space<hbm>> -> memref<1x10000x64xf32, #tpu.memory_space<hbm>>
      %dma_wait3A_359 = tpu.memref_squeeze %dma_wait3A_358 : memref<1x10000x64xf32, #tpu.memory_space<hbm>> -> memref<10000x64xf32, #tpu.memory_space<hbm>>
      %dma_wait3A_360 = arith.constant 0 : i32
      %dma_wait3A_361 = arith.constant 0 : i32
      %dma_wait3A_362 = tpu.memref_slice %dma_wait3A_359[%dma_wait3A_360, %dma_wait3A_361] : memref<10000x64xf32, #tpu.memory_space<hbm>> -> memref<10000x64xf32, #tpu.memory_space<hbm>>
      tpu.wait_indirect_dma semaphore(%arg24 : memref<!tpu.dma_semaphore, #tpu.memory_space<semaphore_mem>>) src(%dma_wait3A_362 : memref<10000x64xf32, #tpu.memory_space<hbm>>) dst(%arg14 : memref<80x64xf32, #tpu.memory_space<vmem>>)
      %dma_start3A_363 = arith.constant 0 : i32
      %dma_start3A_364 = tpu.memref_slice %arg7[%add3A_345, %dma_start3A_363] : memref<250x80xi32, #tpu.memory_space<vmem>> -> memref<1x80xi32, #tpu.memory_space<vmem>>
      %dma_start3A_365 = tpu.memref_squeeze %dma_start3A_364 : memref<1x80xi32, #tpu.memory_space<vmem>> -> memref<80xi32, #tpu.memory_space<vmem>>
      %dma_start3A_366 = arith.constant 0 : i32
      %dma_start3A_367 = arith.constant 0 : i32
      %dma_start3A_368 = tpu.memref_slice %arg17[%dma_start3A_366, %dma_start3A_367] : memref<10000x64xf32, #tpu.memory_space<vmem_shared>> -> memref<10000x64xf32, #tpu.memory_space<vmem_shared>>
      tpu.enqueue_indirect_dma source(%arg14 : memref<80x64xf32, #tpu.memory_space<vmem>>) target(%dma_start3A_368 : memref<10000x64xf32, #tpu.memory_space<vmem_shared>>) offsets(%dma_start3A_365 : memref<80xi32, #tpu.memory_space<vmem>>) semaphore(%arg32 : memref<!tpu.dma_semaphore, #tpu.memory_space<semaphore_mem>>) {add = true}
      %mul3A_369 = arith.constant 8 : i32
      %mul3A_370 = arith.muli %scan3A_181, %mul3A_369 : i32
      %add3A_371 = arith.constant 7 : i32
      %add3A_372 = arith.addi %mul3A_370, %add3A_371 : i32
      %add3A_373 = arith.constant 6 : i32
      %add3A_374 = arith.addi %add3A_372, %add3A_373 : i32
      %lt3A_375 = arith.constant 250 : i32
      %lt3A_376 = arith.cmpi slt, %add3A_374, %lt3A_375 : i32
      %convert_element_type3A_377 = arith.extui %lt3A_376 : i1 to i32
      %cond3A_378 = arith.constant 0 : i32
      %cond3A_379 = arith.cmpi ne, %convert_element_type3A_377, %cond3A_378 : i32
      scf.if %cond3A_379 {
        %add3A_396 = arith.constant 6 : i32
        %add3A_397 = arith.addi %add3A_372, %add3A_396 : i32
        %ge3A = arith.constant 8 : i32
        %ge3A_398 = arith.cmpi sge, %add3A_397, %ge3A : i32
        %convert_element_type3A_399 = arith.extui %ge3A_398 : i1 to i32
        %cond3A_400 = arith.constant 0 : i32
        %cond3A_401 = arith.cmpi ne, %convert_element_type3A_399, %cond3A_400 : i32
        scf.if %cond3A_401 {
          %add3A_414 = arith.constant 6 : i32
          %add3A_415 = arith.addi %add3A_372, %add3A_414 : i32
          %sub3A = arith.constant 8 : i32
          %sub3A_416 = arith.subi %add3A_415, %sub3A : i32
          %dma_wait3A_417 = arith.constant 0 : i32
          %dma_wait3A_418 = tpu.memref_slice %arg7[%sub3A_416, %dma_wait3A_417] : memref<250x80xi32, #tpu.memory_space<vmem>> -> memref<1x80xi32, #tpu.memory_space<vmem>>
          %dma_wait3A_419 = tpu.memref_squeeze %dma_wait3A_418 : memref<1x80xi32, #tpu.memory_space<vmem>> -> memref<80xi32, #tpu.memory_space<vmem>>
          %dma_wait3A_420 = arith.constant 0 : i32
          %dma_wait3A_421 = arith.constant 0 : i32
          %dma_wait3A_422 = tpu.memref_slice %arg17[%dma_wait3A_420, %dma_wait3A_421] : memref<10000x64xf32, #tpu.memory_space<vmem_shared>> -> memref<10000x64xf32, #tpu.memory_space<vmem_shared>>
          tpu.wait_indirect_dma semaphore(%arg31 : memref<!tpu.dma_semaphore, #tpu.memory_space<semaphore_mem>>) src(%arg13 : memref<80x64xf32, #tpu.memory_space<vmem>>) dst(%dma_wait3A_422 : memref<10000x64xf32, #tpu.memory_space<vmem_shared>>)
        } else {
        }
        %add3A_402 = arith.constant 6 : i32
        %add3A_403 = arith.addi %add3A_372, %add3A_402 : i32
        %dma_start3A_404 = arith.constant 0 : i32
        %dma_start3A_405 = tpu.memref_slice %arg6[%add3A_403, %dma_start3A_404] : memref<250x80xi32, #tpu.memory_space<vmem>> -> memref<1x80xi32, #tpu.memory_space<vmem>>
        %dma_start3A_406 = tpu.memref_squeeze %dma_start3A_405 : memref<1x80xi32, #tpu.memory_space<vmem>> -> memref<80xi32, #tpu.memory_space<vmem>>
        %dma_start3A_407 = arith.constant 0 : i32
        %dma_start3A_408 = arith.constant 0 : i32
        %dma_start3A_409 = tpu.memref_slice %arg2[%arg0, %dma_start3A_407, %dma_start3A_408] : memref<2x10000x64xf32, #tpu.memory_space<hbm>> -> memref<1x10000x64xf32, #tpu.memory_space<hbm>>
        %dma_start3A_410 = tpu.memref_squeeze %dma_start3A_409 : memref<1x10000x64xf32, #tpu.memory_space<hbm>> -> memref<10000x64xf32, #tpu.memory_space<hbm>>
        %dma_start3A_411 = arith.constant 0 : i32
        %dma_start3A_412 = arith.constant 0 : i32
        %dma_start3A_413 = tpu.memref_slice %dma_start3A_410[%dma_start3A_411, %dma_start3A_412] : memref<10000x64xf32, #tpu.memory_space<hbm>> -> memref<10000x64xf32, #tpu.memory_space<hbm>>
        tpu.enqueue_indirect_dma source(%dma_start3A_413 : memref<10000x64xf32, #tpu.memory_space<hbm>>) target(%arg13 : memref<80x64xf32, #tpu.memory_space<vmem>>) offsets(%dma_start3A_406 : memref<80xi32, #tpu.memory_space<vmem>>) semaphore(%arg23 : memref<!tpu.dma_semaphore, #tpu.memory_space<semaphore_mem>>)
      } else {
      }
      %dma_wait3A_380 = arith.constant 0 : i32
      %dma_wait3A_381 = tpu.memref_slice %arg6[%add3A_372, %dma_wait3A_380] : memref<250x80xi32, #tpu.memory_space<vmem>> -> memref<1x80xi32, #tpu.memory_space<vmem>>
      %dma_wait3A_382 = tpu.memref_squeeze %dma_wait3A_381 : memref<1x80xi32, #tpu.memory_space<vmem>> -> memref<80xi32, #tpu.memory_space<vmem>>
      %dma_wait3A_383 = arith.constant 0 : i32
      %dma_wait3A_384 = arith.constant 0 : i32
      %dma_wait3A_385 = tpu.memref_slice %arg2[%arg0, %dma_wait3A_383, %dma_wait3A_384] : memref<2x10000x64xf32, #tpu.memory_space<hbm>> -> memref<1x10000x64xf32, #tpu.memory_space<hbm>>
      %dma_wait3A_386 = tpu.memref_squeeze %dma_wait3A_385 : memref<1x10000x64xf32, #tpu.memory_space<hbm>> -> memref<10000x64xf32, #tpu.memory_space<hbm>>
      %dma_wait3A_387 = arith.constant 0 : i32
      %dma_wait3A_388 = arith.constant 0 : i32
      %dma_wait3A_389 = tpu.memref_slice %dma_wait3A_386[%dma_wait3A_387, %dma_wait3A_388] : memref<10000x64xf32, #tpu.memory_space<hbm>> -> memref<10000x64xf32, #tpu.memory_space<hbm>>
      tpu.wait_indirect_dma semaphore(%arg25 : memref<!tpu.dma_semaphore, #tpu.memory_space<semaphore_mem>>) src(%dma_wait3A_389 : memref<10000x64xf32, #tpu.memory_space<hbm>>) dst(%arg15 : memref<80x64xf32, #tpu.memory_space<vmem>>)
      %dma_start3A_390 = arith.constant 0 : i32
      %dma_start3A_391 = tpu.memref_slice %arg7[%add3A_372, %dma_start3A_390] : memref<250x80xi32, #tpu.memory_space<vmem>> -> memref<1x80xi32, #tpu.memory_space<vmem>>
      %dma_start3A_392 = tpu.memref_squeeze %dma_start3A_391 : memref<1x80xi32, #tpu.memory_space<vmem>> -> memref<80xi32, #tpu.memory_space<vmem>>
      %dma_start3A_393 = arith.constant 0 : i32
      %dma_start3A_394 = arith.constant 0 : i32
      %dma_start3A_395 = tpu.memref_slice %arg17[%dma_start3A_393, %dma_start3A_394] : memref<10000x64xf32, #tpu.memory_space<vmem_shared>> -> memref<10000x64xf32, #tpu.memory_space<vmem_shared>>
      tpu.enqueue_indirect_dma source(%arg15 : memref<80x64xf32, #tpu.memory_space<vmem>>) target(%dma_start3A_395 : memref<10000x64xf32, #tpu.memory_space<vmem_shared>>) offsets(%dma_start3A_392 : memref<80xi32, #tpu.memory_space<vmem>>) semaphore(%arg33 : memref<!tpu.dma_semaphore, #tpu.memory_space<semaphore_mem>>) {add = true}
    }
    %scan3A_80 = arith.constant 31 : i32
    %dma_wait3A = arith.constant 248 : i32
    %dma_wait3A_81 = arith.constant 0 : i32
    %dma_wait3A_82 = tpu.memref_slice %arg6[%dma_wait3A, %dma_wait3A_81] : memref<250x80xi32, #tpu.memory_space<vmem>> -> memref<1x80xi32, #tpu.memory_space<vmem>>
    %dma_wait3A_83 = tpu.memref_squeeze %dma_wait3A_82 : memref<1x80xi32, #tpu.memory_space<vmem>> -> memref<80xi32, #tpu.memory_space<vmem>>
    %dma_wait3A_84 = arith.constant 0 : i32
    %dma_wait3A_85 = arith.constant 0 : i32
    %dma_wait3A_86 = tpu.memref_slice %arg2[%arg0, %dma_wait3A_84, %dma_wait3A_85] : memref<2x10000x64xf32, #tpu.memory_space<hbm>> -> memref<1x10000x64xf32, #tpu.memory_space<hbm>>
    %dma_wait3A_87 = tpu.memref_squeeze %dma_wait3A_86 : memref<1x10000x64xf32, #tpu.memory_space<hbm>> -> memref<10000x64xf32, #tpu.memory_space<hbm>>
    %dma_wait3A_88 = arith.constant 0 : i32
    %dma_wait3A_89 = arith.constant 0 : i32
    %dma_wait3A_90 = tpu.memref_slice %dma_wait3A_87[%dma_wait3A_88, %dma_wait3A_89] : memref<10000x64xf32, #tpu.memory_space<hbm>> -> memref<10000x64xf32, #tpu.memory_space<hbm>>
    tpu.wait_indirect_dma semaphore(%arg18 : memref<!tpu.dma_semaphore, #tpu.memory_space<semaphore_mem>>) src(%dma_wait3A_90 : memref<10000x64xf32, #tpu.memory_space<hbm>>) dst(%arg8 : memref<80x64xf32, #tpu.memory_space<vmem>>)
    %dma_start3A_91 = arith.constant 248 : i32
    %dma_start3A_92 = arith.constant 0 : i32
    %dma_start3A_93 = tpu.memref_slice %arg7[%dma_start3A_91, %dma_start3A_92] : memref<250x80xi32, #tpu.memory_space<vmem>> -> memref<1x80xi32, #tpu.memory_space<vmem>>
    %dma_start3A_94 = tpu.memref_squeeze %dma_start3A_93 : memref<1x80xi32, #tpu.memory_space<vmem>> -> memref<80xi32, #tpu.memory_space<vmem>>
    %dma_start3A_95 = arith.constant 0 : i32
    %dma_start3A_96 = arith.constant 0 : i32
    %dma_start3A_97 = tpu.memref_slice %arg17[%dma_start3A_95, %dma_start3A_96] : memref<10000x64xf32, #tpu.memory_space<vmem_shared>> -> memref<10000x64xf32, #tpu.memory_space<vmem_shared>>
    tpu.enqueue_indirect_dma source(%arg8 : memref<80x64xf32, #tpu.memory_space<vmem>>) target(%dma_start3A_97 : memref<10000x64xf32, #tpu.memory_space<vmem_shared>>) offsets(%dma_start3A_94 : memref<80xi32, #tpu.memory_space<vmem>>) semaphore(%arg26 : memref<!tpu.dma_semaphore, #tpu.memory_space<semaphore_mem>>) {add = true}
    %dma_wait3A_98 = arith.constant 249 : i32
    %dma_wait3A_99 = arith.constant 0 : i32
    %dma_wait3A_100 = tpu.memref_slice %arg6[%dma_wait3A_98, %dma_wait3A_99] : memref<250x80xi32, #tpu.memory_space<vmem>> -> memref<1x80xi32, #tpu.memory_space<vmem>>
    %dma_wait3A_101 = tpu.memref_squeeze %dma_wait3A_100 : memref<1x80xi32, #tpu.memory_space<vmem>> -> memref<80xi32, #tpu.memory_space<vmem>>
    %dma_wait3A_102 = arith.constant 0 : i32
    %dma_wait3A_103 = arith.constant 0 : i32
    %dma_wait3A_104 = tpu.memref_slice %arg2[%arg0, %dma_wait3A_102, %dma_wait3A_103] : memref<2x10000x64xf32, #tpu.memory_space<hbm>> -> memref<1x10000x64xf32, #tpu.memory_space<hbm>>
    %dma_wait3A_105 = tpu.memref_squeeze %dma_wait3A_104 : memref<1x10000x64xf32, #tpu.memory_space<hbm>> -> memref<10000x64xf32, #tpu.memory_space<hbm>>
    %dma_wait3A_106 = arith.constant 0 : i32
    %dma_wait3A_107 = arith.constant 0 : i32
    %dma_wait3A_108 = tpu.memref_slice %dma_wait3A_105[%dma_wait3A_106, %dma_wait3A_107] : memref<10000x64xf32, #tpu.memory_space<hbm>> -> memref<10000x64xf32, #tpu.memory_space<hbm>>
    tpu.wait_indirect_dma semaphore(%arg19 : memref<!tpu.dma_semaphore, #tpu.memory_space<semaphore_mem>>) src(%dma_wait3A_108 : memref<10000x64xf32, #tpu.memory_space<hbm>>) dst(%arg9 : memref<80x64xf32, #tpu.memory_space<vmem>>)
    %dma_start3A_109 = arith.constant 249 : i32
    %dma_start3A_110 = arith.constant 0 : i32
    %dma_start3A_111 = tpu.memref_slice %arg7[%dma_start3A_109, %dma_start3A_110] : memref<250x80xi32, #tpu.memory_space<vmem>> -> memref<1x80xi32, #tpu.memory_space<vmem>>
    %dma_start3A_112 = tpu.memref_squeeze %dma_start3A_111 : memref<1x80xi32, #tpu.memory_space<vmem>> -> memref<80xi32, #tpu.memory_space<vmem>>
    %dma_start3A_113 = arith.constant 0 : i32
    %dma_start3A_114 = arith.constant 0 : i32
    %dma_start3A_115 = tpu.memref_slice %arg17[%dma_start3A_113, %dma_start3A_114] : memref<10000x64xf32, #tpu.memory_space<vmem_shared>> -> memref<10000x64xf32, #tpu.memory_space<vmem_shared>>
    tpu.enqueue_indirect_dma source(%arg9 : memref<80x64xf32, #tpu.memory_space<vmem>>) target(%dma_start3A_115 : memref<10000x64xf32, #tpu.memory_space<vmem_shared>>) offsets(%dma_start3A_112 : memref<80xi32, #tpu.memory_space<vmem>>) semaphore(%arg27 : memref<!tpu.dma_semaphore, #tpu.memory_space<semaphore_mem>>) {add = true}
    %dma_wait3A_116 = arith.constant 242 : i32
    %dma_wait3A_117 = arith.constant 0 : i32
    %dma_wait3A_118 = tpu.memref_slice %arg7[%dma_wait3A_116, %dma_wait3A_117] : memref<250x80xi32, #tpu.memory_space<vmem>> -> memref<1x80xi32, #tpu.memory_space<vmem>>
    %dma_wait3A_119 = tpu.memref_squeeze %dma_wait3A_118 : memref<1x80xi32, #tpu.memory_space<vmem>> -> memref<80xi32, #tpu.memory_space<vmem>>
    %dma_wait3A_120 = arith.constant 0 : i32
    %dma_wait3A_121 = arith.constant 0 : i32
    %dma_wait3A_122 = tpu.memref_slice %arg17[%dma_wait3A_120, %dma_wait3A_121] : memref<10000x64xf32, #tpu.memory_space<vmem_shared>> -> memref<10000x64xf32, #tpu.memory_space<vmem_shared>>
    tpu.wait_indirect_dma semaphore(%arg28 : memref<!tpu.dma_semaphore, #tpu.memory_space<semaphore_mem>>) src(%arg10 : memref<80x64xf32, #tpu.memory_space<vmem>>) dst(%dma_wait3A_122 : memref<10000x64xf32, #tpu.memory_space<vmem_shared>>)
    %dma_wait3A_123 = arith.constant 243 : i32
    %dma_wait3A_124 = arith.constant 0 : i32
    %dma_wait3A_125 = tpu.memref_slice %arg7[%dma_wait3A_123, %dma_wait3A_124] : memref<250x80xi32, #tpu.memory_space<vmem>> -> memref<1x80xi32, #tpu.memory_space<vmem>>
    %dma_wait3A_126 = tpu.memref_squeeze %dma_wait3A_125 : memref<1x80xi32, #tpu.memory_space<vmem>> -> memref<80xi32, #tpu.memory_space<vmem>>
    %dma_wait3A_127 = arith.constant 0 : i32
    %dma_wait3A_128 = arith.constant 0 : i32
    %dma_wait3A_129 = tpu.memref_slice %arg17[%dma_wait3A_127, %dma_wait3A_128] : memref<10000x64xf32, #tpu.memory_space<vmem_shared>> -> memref<10000x64xf32, #tpu.memory_space<vmem_shared>>
    tpu.wait_indirect_dma semaphore(%arg29 : memref<!tpu.dma_semaphore, #tpu.memory_space<semaphore_mem>>) src(%arg11 : memref<80x64xf32, #tpu.memory_space<vmem>>) dst(%dma_wait3A_129 : memref<10000x64xf32, #tpu.memory_space<vmem_shared>>)
    %dma_wait3A_130 = arith.constant 244 : i32
    %dma_wait3A_131 = arith.constant 0 : i32
    %dma_wait3A_132 = tpu.memref_slice %arg7[%dma_wait3A_130, %dma_wait3A_131] : memref<250x80xi32, #tpu.memory_space<vmem>> -> memref<1x80xi32, #tpu.memory_space<vmem>>
    %dma_wait3A_133 = tpu.memref_squeeze %dma_wait3A_132 : memref<1x80xi32, #tpu.memory_space<vmem>> -> memref<80xi32, #tpu.memory_space<vmem>>
    %dma_wait3A_134 = arith.constant 0 : i32
    %dma_wait3A_135 = arith.constant 0 : i32
    %dma_wait3A_136 = tpu.memref_slice %arg17[%dma_wait3A_134, %dma_wait3A_135] : memref<10000x64xf32, #tpu.memory_space<vmem_shared>> -> memref<10000x64xf32, #tpu.memory_space<vmem_shared>>
    tpu.wait_indirect_dma semaphore(%arg30 : memref<!tpu.dma_semaphore, #tpu.memory_space<semaphore_mem>>) src(%arg12 : memref<80x64xf32, #tpu.memory_space<vmem>>) dst(%dma_wait3A_136 : memref<10000x64xf32, #tpu.memory_space<vmem_shared>>)
    %dma_wait3A_137 = arith.constant 245 : i32
    %dma_wait3A_138 = arith.constant 0 : i32
    %dma_wait3A_139 = tpu.memref_slice %arg7[%dma_wait3A_137, %dma_wait3A_138] : memref<250x80xi32, #tpu.memory_space<vmem>> -> memref<1x80xi32, #tpu.memory_space<vmem>>
    %dma_wait3A_140 = tpu.memref_squeeze %dma_wait3A_139 : memref<1x80xi32, #tpu.memory_space<vmem>> -> memref<80xi32, #tpu.memory_space<vmem>>
    %dma_wait3A_141 = arith.constant 0 : i32
    %dma_wait3A_142 = arith.constant 0 : i32
    %dma_wait3A_143 = tpu.memref_slice %arg17[%dma_wait3A_141, %dma_wait3A_142] : memref<10000x64xf32, #tpu.memory_space<vmem_shared>> -> memref<10000x64xf32, #tpu.memory_space<vmem_shared>>
    tpu.wait_indirect_dma semaphore(%arg31 : memref<!tpu.dma_semaphore, #tpu.memory_space<semaphore_mem>>) src(%arg13 : memref<80x64xf32, #tpu.memory_space<vmem>>) dst(%dma_wait3A_143 : memref<10000x64xf32, #tpu.memory_space<vmem_shared>>)
    %dma_wait3A_144 = arith.constant 246 : i32
    %dma_wait3A_145 = arith.constant 0 : i32
    %dma_wait3A_146 = tpu.memref_slice %arg7[%dma_wait3A_144, %dma_wait3A_145] : memref<250x80xi32, #tpu.memory_space<vmem>> -> memref<1x80xi32, #tpu.memory_space<vmem>>
    %dma_wait3A_147 = tpu.memref_squeeze %dma_wait3A_146 : memref<1x80xi32, #tpu.memory_space<vmem>> -> memref<80xi32, #tpu.memory_space<vmem>>
    %dma_wait3A_148 = arith.constant 0 : i32
    %dma_wait3A_149 = arith.constant 0 : i32
    %dma_wait3A_150 = tpu.memref_slice %arg17[%dma_wait3A_148, %dma_wait3A_149] : memref<10000x64xf32, #tpu.memory_space<vmem_shared>> -> memref<10000x64xf32, #tpu.memory_space<vmem_shared>>
    tpu.wait_indirect_dma semaphore(%arg32 : memref<!tpu.dma_semaphore, #tpu.memory_space<semaphore_mem>>) src(%arg14 : memref<80x64xf32, #tpu.memory_space<vmem>>) dst(%dma_wait3A_150 : memref<10000x64xf32, #tpu.memory_space<vmem_shared>>)
    %dma_wait3A_151 = arith.constant 247 : i32
    %dma_wait3A_152 = arith.constant 0 : i32
    %dma_wait3A_153 = tpu.memref_slice %arg7[%dma_wait3A_151, %dma_wait3A_152] : memref<250x80xi32, #tpu.memory_space<vmem>> -> memref<1x80xi32, #tpu.memory_space<vmem>>
    %dma_wait3A_154 = tpu.memref_squeeze %dma_wait3A_153 : memref<1x80xi32, #tpu.memory_space<vmem>> -> memref<80xi32, #tpu.memory_space<vmem>>
    %dma_wait3A_155 = arith.constant 0 : i32
    %dma_wait3A_156 = arith.constant 0 : i32
    %dma_wait3A_157 = tpu.memref_slice %arg17[%dma_wait3A_155, %dma_wait3A_156] : memref<10000x64xf32, #tpu.memory_space<vmem_shared>> -> memref<10000x64xf32, #tpu.memory_space<vmem_shared>>
    tpu.wait_indirect_dma semaphore(%arg33 : memref<!tpu.dma_semaphore, #tpu.memory_space<semaphore_mem>>) src(%arg15 : memref<80x64xf32, #tpu.memory_space<vmem>>) dst(%dma_wait3A_157 : memref<10000x64xf32, #tpu.memory_space<vmem_shared>>)
    %dma_wait3A_158 = arith.constant 248 : i32
    %dma_wait3A_159 = arith.constant 0 : i32
    %dma_wait3A_160 = tpu.memref_slice %arg7[%dma_wait3A_158, %dma_wait3A_159] : memref<250x80xi32, #tpu.memory_space<vmem>> -> memref<1x80xi32, #tpu.memory_space<vmem>>
    %dma_wait3A_161 = tpu.memref_squeeze %dma_wait3A_160 : memref<1x80xi32, #tpu.memory_space<vmem>> -> memref<80xi32, #tpu.memory_space<vmem>>
    %dma_wait3A_162 = arith.constant 0 : i32
    %dma_wait3A_163 = arith.constant 0 : i32
    %dma_wait3A_164 = tpu.memref_slice %arg17[%dma_wait3A_162, %dma_wait3A_163] : memref<10000x64xf32, #tpu.memory_space<vmem_shared>> -> memref<10000x64xf32, #tpu.memory_space<vmem_shared>>
    tpu.wait_indirect_dma semaphore(%arg26 : memref<!tpu.dma_semaphore, #tpu.memory_space<semaphore_mem>>) src(%arg8 : memref<80x64xf32, #tpu.memory_space<vmem>>) dst(%dma_wait3A_164 : memref<10000x64xf32, #tpu.memory_space<vmem_shared>>)
    %dma_wait3A_165 = arith.constant 249 : i32
    %dma_wait3A_166 = arith.constant 0 : i32
    %dma_wait3A_167 = tpu.memref_slice %arg7[%dma_wait3A_165, %dma_wait3A_166] : memref<250x80xi32, #tpu.memory_space<vmem>> -> memref<1x80xi32, #tpu.memory_space<vmem>>
    %dma_wait3A_168 = tpu.memref_squeeze %dma_wait3A_167 : memref<1x80xi32, #tpu.memory_space<vmem>> -> memref<80xi32, #tpu.memory_space<vmem>>
    %dma_wait3A_169 = arith.constant 0 : i32
    %dma_wait3A_170 = arith.constant 0 : i32
    %dma_wait3A_171 = tpu.memref_slice %arg17[%dma_wait3A_169, %dma_wait3A_170] : memref<10000x64xf32, #tpu.memory_space<vmem_shared>> -> memref<10000x64xf32, #tpu.memory_space<vmem_shared>>
    tpu.wait_indirect_dma semaphore(%arg27 : memref<!tpu.dma_semaphore, #tpu.memory_space<semaphore_mem>>) src(%arg9 : memref<80x64xf32, #tpu.memory_space<vmem>>) dst(%dma_wait3A_171 : memref<10000x64xf32, #tpu.memory_space<vmem_shared>>)
    %barrier3A_172 = arith.constant 0 : index
    tpu.barrier barrier_id(%barrier3A_172)
    %mul3A = arith.constant 624 : i32
    %mul3A_173 = arith.muli %arg1, %mul3A : i32
    %mul3A_174 = arith.constant 624 : i32
    %mul3A_175 = arith.muli %arg1, %mul3A_174 : i32
    "tpu.region"() ({
      %run_scoped3A = tpu.sem_alloc : memref<!tpu.dma_semaphore, #tpu.memory_space<semaphore_mem>>
      %dma_start3A_181 = arith.constant 0 : i32
      %dma_start3A_182 = arith.constant 0 : i32
      %dma_start3A_183 = tpu.memref_slice %arg5[%arg0, %dma_start3A_181, %dma_start3A_182] : memref<2x10000x64xf32, #tpu.memory_space<hbm>> -> memref<1x10000x64xf32, #tpu.memory_space<hbm>>
      %dma_start3A_184 = tpu.memref_squeeze %dma_start3A_183 : memref<1x10000x64xf32, #tpu.memory_space<hbm>> -> memref<10000x64xf32, #tpu.memory_space<hbm>>
      %dma_start3A_185 = arith.constant 0 : i32
      %dma_start3A_186 = tpu.memref_slice %dma_start3A_184[%mul3A_175, %dma_start3A_185] : memref<10000x64xf32, #tpu.memory_space<hbm>> -> memref<624x64xf32, #tpu.memory_space<hbm>>
      %dma_start3A_187 = arith.constant 0 : i32
      %dma_start3A_188 = tpu.memref_slice %arg17[%mul3A_173, %dma_start3A_187] : memref<10000x64xf32, #tpu.memory_space<vmem_shared>> -> memref<624x64xf32, #tpu.memory_space<vmem_shared>>
      tpu.enqueue_dma source(%dma_start3A_188 : memref<624x64xf32, #tpu.memory_space<vmem_shared>>) target(%dma_start3A_186 : memref<624x64xf32, #tpu.memory_space<hbm>>) target_semaphore(%run_scoped3A : memref<!tpu.dma_semaphore, #tpu.memory_space<semaphore_mem>>)
      %dma_wait3A_189 = arith.constant 0 : i32
      %dma_wait3A_190 = arith.constant 0 : i32
      %dma_wait3A_191 = tpu.memref_slice %arg5[%arg0, %dma_wait3A_189, %dma_wait3A_190] : memref<2x10000x64xf32, #tpu.memory_space<hbm>> -> memref<1x10000x64xf32, #tpu.memory_space<hbm>>
      %dma_wait3A_192 = tpu.memref_squeeze %dma_wait3A_191 : memref<1x10000x64xf32, #tpu.memory_space<hbm>> -> memref<10000x64xf32, #tpu.memory_space<hbm>>
      %dma_wait3A_193 = arith.constant 0 : i32
      %dma_wait3A_194 = tpu.memref_slice %dma_wait3A_192[%mul3A_175, %dma_wait3A_193] : memref<10000x64xf32, #tpu.memory_space<hbm>> -> memref<624x64xf32, #tpu.memory_space<hbm>>
      %dma_wait3A_195 = arith.constant 0 : i32
      %dma_wait3A_196 = tpu.memref_slice %arg17[%mul3A_173, %dma_wait3A_195] : memref<10000x64xf32, #tpu.memory_space<vmem_shared>> -> memref<624x64xf32, #tpu.memory_space<vmem_shared>>
      tpu.wait_dma2 semaphore(%run_scoped3A : memref<!tpu.dma_semaphore, #tpu.memory_space<semaphore_mem>>) src(%dma_wait3A_196 : memref<624x64xf32, #tpu.memory_space<vmem_shared>>) dst(%dma_wait3A_194 : memref<624x64xf32, #tpu.memory_space<hbm>>)
      tpu.yield
    }) : () -> ()
    %eq3A_176 = arith.constant 15 : i32
    %eq3A_177 = arith.cmpi eq, %arg1, %eq3A_176 : i32
    %convert_element_type3A_178 = arith.extui %eq3A_177 : i1 to i32
    %cond3A_179 = arith.constant 0 : i32
    %cond3A_180 = arith.cmpi ne, %convert_element_type3A_178, %cond3A_179 : i32
    scf.if %cond3A_180 {
      "tpu.region"() ({
        %run_scoped3A = tpu.sem_alloc : memref<!tpu.dma_semaphore, #tpu.memory_space<semaphore_mem>>
        %dma_start3A_181 = arith.constant 0 : i32
        %dma_start3A_182 = arith.constant 0 : i32
        %dma_start3A_183 = tpu.memref_slice %arg5[%arg0, %dma_start3A_181, %dma_start3A_182] : memref<2x10000x64xf32, #tpu.memory_space<hbm>> -> memref<1x10000x64xf32, #tpu.memory_space<hbm>>
        %dma_start3A_184 = tpu.memref_squeeze %dma_start3A_183 : memref<1x10000x64xf32, #tpu.memory_space<hbm>> -> memref<10000x64xf32, #tpu.memory_space<hbm>>
        %dma_start3A_185 = arith.constant 9984 : i32
        %dma_start3A_186 = arith.constant 0 : i32
        %dma_start3A_187 = tpu.memref_slice %dma_start3A_184[%dma_start3A_185, %dma_start3A_186] : memref<10000x64xf32, #tpu.memory_space<hbm>> -> memref<16x64xf32, #tpu.memory_space<hbm>>
        %dma_start3A_188 = arith.constant 9984 : i32
        %dma_start3A_189 = arith.constant 0 : i32
        %dma_start3A_190 = tpu.memref_slice %arg17[%dma_start3A_188, %dma_start3A_189] : memref<10000x64xf32, #tpu.memory_space<vmem_shared>> -> memref<16x64xf32, #tpu.memory_space<vmem_shared>>
        tpu.enqueue_dma source(%dma_start3A_190 : memref<16x64xf32, #tpu.memory_space<vmem_shared>>) target(%dma_start3A_187 : memref<16x64xf32, #tpu.memory_space<hbm>>) target_semaphore(%run_scoped3A : memref<!tpu.dma_semaphore, #tpu.memory_space<semaphore_mem>>)
        %dma_wait3A_191 = arith.constant 0 : i32
        %dma_wait3A_192 = arith.constant 0 : i32
        %dma_wait3A_193 = tpu.memref_slice %arg5[%arg0, %dma_wait3A_191, %dma_wait3A_192] : memref<2x10000x64xf32, #tpu.memory_space<hbm>> -> memref<1x10000x64xf32, #tpu.memory_space<hbm>>
        %dma_wait3A_194 = tpu.memref_squeeze %dma_wait3A_193 : memref<1x10000x64xf32, #tpu.memory_space<hbm>> -> memref<10000x64xf32, #tpu.memory_space<hbm>>
        %dma_wait3A_195 = arith.constant 9984 : i32
        %dma_wait3A_196 = arith.constant 0 : i32
        %dma_wait3A_197 = tpu.memref_slice %dma_wait3A_194[%dma_wait3A_195, %dma_wait3A_196] : memref<10000x64xf32, #tpu.memory_space<hbm>> -> memref<16x64xf32, #tpu.memory_space<hbm>>
        %dma_wait3A_198 = arith.constant 9984 : i32
        %dma_wait3A_199 = arith.constant 0 : i32
        %dma_wait3A_200 = tpu.memref_slice %arg17[%dma_wait3A_198, %dma_wait3A_199] : memref<10000x64xf32, #tpu.memory_space<vmem_shared>> -> memref<16x64xf32, #tpu.memory_space<vmem_shared>>
        tpu.wait_dma2 semaphore(%run_scoped3A : memref<!tpu.dma_semaphore, #tpu.memory_space<semaphore_mem>>) src(%dma_wait3A_200 : memref<16x64xf32, #tpu.memory_space<vmem_shared>>) dst(%dma_wait3A_197 : memref<16x64xf32, #tpu.memory_space<hbm>>)
        tpu.yield
      }) : () -> ()
    } else {
    }
    return
  }
}

#map = affine_map<(d0, d1) -> (0, 0, 0)>
#map1 = affine_map<(d0, d1) -> (0)>
#map2 = affine_map<(d0, d1) -> (0, 0)>
module attributes {stable_mosaic.version = 14 : i64} {
  func.func @_agg_final(%arg0: i32, %arg1: i32, %arg2: memref<2x10000x32xf32, #tpu.memory_space<hbm>>, %arg3: memref<16x250x80xi32, #tpu.memory_space<hbm>>, %arg4: memref<16x250x80xi32, #tpu.memory_space<hbm>>, %arg5: memref<10000xf32, #tpu.memory_space<hbm>>, %arg6: memref<64xf32, #tpu.memory_space<hbm>>, %arg7: memref<10000x64xf32, #tpu.memory_space<hbm>>, %arg8: memref<250x80xi32, #tpu.memory_space<vmem>>, %arg9: memref<250x80xi32, #tpu.memory_space<vmem>>, %arg10: memref<80x32xf32, #tpu.memory_space<vmem>>, %arg11: memref<80x32xf32, #tpu.memory_space<vmem>>, %arg12: memref<80x32xf32, #tpu.memory_space<vmem>>, %arg13: memref<80x32xf32, #tpu.memory_space<vmem>>, %arg14: memref<80x32xf32, #tpu.memory_space<vmem>>, %arg15: memref<80x32xf32, #tpu.memory_space<vmem>>, %arg16: memref<80x32xf32, #tpu.memory_space<vmem>>, %arg17: memref<80x32xf32, #tpu.memory_space<vmem>>, %arg18: memref<16x32xf32, #tpu.memory_space<vmem>>, %arg19: memref<640x32xf32, #tpu.memory_space<vmem>>, %arg20: memref<656xf32, #tpu.memory_space<vmem>>, %arg21: memref<32xf32, #tpu.memory_space<vmem>>, %arg22: memref<10000x32xf32, #tpu.memory_space<vmem_shared>>, %arg23: memref<!tpu.dma_semaphore, #tpu.memory_space<semaphore_mem>>, %arg24: memref<!tpu.dma_semaphore, #tpu.memory_space<semaphore_mem>>, %arg25: memref<!tpu.dma_semaphore, #tpu.memory_space<semaphore_mem>>, %arg26: memref<!tpu.dma_semaphore, #tpu.memory_space<semaphore_mem>>, %arg27: memref<!tpu.dma_semaphore, #tpu.memory_space<semaphore_mem>>, %arg28: memref<!tpu.dma_semaphore, #tpu.memory_space<semaphore_mem>>, %arg29: memref<!tpu.dma_semaphore, #tpu.memory_space<semaphore_mem>>, %arg30: memref<!tpu.dma_semaphore, #tpu.memory_space<semaphore_mem>>, %arg31: memref<!tpu.dma_semaphore, #tpu.memory_space<semaphore_mem>>, %arg32: memref<!tpu.dma_semaphore, #tpu.memory_space<semaphore_mem>>, %arg33: memref<!tpu.dma_semaphore, #tpu.memory_space<semaphore_mem>>, %arg34: memref<!tpu.dma_semaphore, #tpu.memory_space<semaphore_mem>>, %arg35: memref<!tpu.dma_semaphore, #tpu.memory_space<semaphore_mem>>, %arg36: memref<!tpu.dma_semaphore, #tpu.memory_space<semaphore_mem>>, %arg37: memref<!tpu.dma_semaphore, #tpu.memory_space<semaphore_mem>>, %arg38: memref<!tpu.dma_semaphore, #tpu.memory_space<semaphore_mem>>) attributes {dimension_semantics = [#tpu.dimension_semantics<core_parallel>, #tpu.dimension_semantics<subcore_parallel>], iteration_bounds = array<i64: 2, 16>, scalar_prefetch = 0 : i64, scratch_operands = 31 : i64, tpu.core_type = #tpu.core_type<sc_vector_subcore>, window_params = [{transform_indices = #map}, {transform_indices = #map}, {transform_indices = #map}, {transform_indices = #map1}, {transform_indices = #map1}, {transform_indices = #map2}]} {
    %scan3A = arith.constant 0 : i32
    %scan3A_0 = arith.constant 16 : i32
    %scan3A_1 = arith.addi %scan3A, %scan3A_0 : i32
    %scan3A_2 = arith.constant 1 : i32
    scf.for %scan3A_199 = %scan3A to %scan3A_1 step %scan3A_2  : i32 {
      %broadcast_in_dim3A = arith.constant 0.000000e+00 : f32
      %broadcast_in_dim3A_200 = vector.broadcast %broadcast_in_dim3A : f32 to vector<16xf32>
      %swap3A = arith.index_cast %scan3A_199 : i32 to index
      %swap3A_201 = arith.constant 0 : index
      %swap3A_202 = tpu.vector_load %arg18[%swap3A, %swap3A_201] {strides = array<i32>} : memref<16x32xf32, #tpu.memory_space<vmem>>, vector<1x16xf32>,
      %swap3A_203 = vector.shape_cast %swap3A_202 : vector<1x16xf32> to vector<16xf32>
      %swap3A_204 = vector.shape_cast %broadcast_in_dim3A_200 : vector<16xf32> to vector<1x16xf32>
      tpu.vector_store %arg18[%swap3A, %swap3A_201], %swap3A_204 {strides = array<i32>} : memref<16x32xf32, #tpu.memory_space<vmem>>, vector<1x16xf32>,
      %broadcast_in_dim3A_205 = arith.constant 0.000000e+00 : f32
      %broadcast_in_dim3A_206 = vector.broadcast %broadcast_in_dim3A_205 : f32 to vector<16xf32>
      %swap3A_207 = arith.index_cast %scan3A_199 : i32 to index
      %swap3A_208 = arith.constant 16 : index
      %swap3A_209 = tpu.vector_load %arg18[%swap3A_207, %swap3A_208] {strides = array<i32>} : memref<16x32xf32, #tpu.memory_space<vmem>>, vector<1x16xf32>,
      %swap3A_210 = vector.shape_cast %swap3A_209 : vector<1x16xf32> to vector<16xf32>
      %swap3A_211 = vector.shape_cast %broadcast_in_dim3A_206 : vector<16xf32> to vector<1x16xf32>
      tpu.vector_store %arg18[%swap3A_207, %swap3A_208], %swap3A_211 {strides = array<i32>} : memref<16x32xf32, #tpu.memory_space<vmem>>, vector<1x16xf32>,
    }
    %scan3A_3 = arith.constant 16 : i32
    %scan3A_4 = arith.constant 0 : i32
    %scan3A_5 = arith.constant 39 : i32
    %scan3A_6 = arith.addi %scan3A_4, %scan3A_5 : i32
    %scan3A_7 = arith.constant 1 : i32
    scf.for %scan3A_199 = %scan3A_4 to %scan3A_6 step %scan3A_7  : i32 {
      %mul3A_200 = arith.constant 624 : i32
      %mul3A_201 = arith.muli %arg1, %mul3A_200 : i32
      %mul3A_202 = arith.constant 16 : i32
      %mul3A_203 = arith.muli %scan3A_199, %mul3A_202 : i32
      %add3A = arith.addi %mul3A_201, %mul3A_203 : i32
      "tpu.region"() ({
        %run_scoped3A = tpu.sem_alloc : memref<!tpu.dma_semaphore, #tpu.memory_space<semaphore_mem>>
        %dma_start3A_204 = arith.constant 0 : i32
        %dma_start3A_205 = tpu.memref_slice %arg22[%add3A, %dma_start3A_204] : memref<10000x32xf32, #tpu.memory_space<vmem_shared>> -> memref<16x32xf32, #tpu.memory_space<vmem_shared>>
        %dma_start3A_206 = arith.constant 0 : i32
        %dma_start3A_207 = tpu.memref_slice %arg22[%add3A, %dma_start3A_206] : memref<10000x32xf32, #tpu.memory_space<vmem_shared>> -> memref<16x32xf32, #tpu.memory_space<vmem_shared>>
        tpu.enqueue_dma source(%arg18 : memref<16x32xf32, #tpu.memory_space<vmem>>) target(%dma_start3A_207 : memref<16x32xf32, #tpu.memory_space<vmem_shared>>) target_semaphore(%run_scoped3A : memref<!tpu.dma_semaphore, #tpu.memory_space<semaphore_mem>>)
        %dma_wait3A_208 = arith.constant 0 : i32
        %dma_wait3A_209 = tpu.memref_slice %arg22[%add3A, %dma_wait3A_208] : memref<10000x32xf32, #tpu.memory_space<vmem_shared>> -> memref<16x32xf32, #tpu.memory_space<vmem_shared>>
        %dma_wait3A_210 = arith.constant 0 : i32
        %dma_wait3A_211 = tpu.memref_slice %arg22[%add3A, %dma_wait3A_210] : memref<10000x32xf32, #tpu.memory_space<vmem_shared>> -> memref<16x32xf32, #tpu.memory_space<vmem_shared>>
        tpu.wait_dma2 semaphore(%run_scoped3A : memref<!tpu.dma_semaphore, #tpu.memory_space<semaphore_mem>>) src(%arg18 : memref<16x32xf32, #tpu.memory_space<vmem>>) dst(%dma_wait3A_211 : memref<16x32xf32, #tpu.memory_space<vmem_shared>>)
        tpu.yield
      }) : () -> ()
    }
    %scan3A_8 = arith.constant 39 : i32
    %eq3A = arith.constant 15 : i32
    %eq3A_9 = arith.cmpi eq, %arg1, %eq3A : i32
    %convert_element_type3A = arith.extui %eq3A_9 : i1 to i32
    %cond3A = arith.constant 0 : i32
    %cond3A_10 = arith.cmpi ne, %convert_element_type3A, %cond3A : i32
    scf.if %cond3A_10 {
      "tpu.region"() ({
        %run_scoped3A = tpu.sem_alloc : memref<!tpu.dma_semaphore, #tpu.memory_space<semaphore_mem>>
        %dma_start3A_199 = arith.constant 9984 : i32
        %dma_start3A_200 = arith.constant 0 : i32
        %dma_start3A_201 = tpu.memref_slice %arg22[%dma_start3A_199, %dma_start3A_200] : memref<10000x32xf32, #tpu.memory_space<vmem_shared>> -> memref<16x32xf32, #tpu.memory_space<vmem_shared>>
        %dma_start3A_202 = arith.constant 9984 : i32
        %dma_start3A_203 = arith.constant 0 : i32
        %dma_start3A_204 = tpu.memref_slice %arg22[%dma_start3A_202, %dma_start3A_203] : memref<10000x32xf32, #tpu.memory_space<vmem_shared>> -> memref<16x32xf32, #tpu.memory_space<vmem_shared>>
        tpu.enqueue_dma source(%arg18 : memref<16x32xf32, #tpu.memory_space<vmem>>) target(%dma_start3A_204 : memref<16x32xf32, #tpu.memory_space<vmem_shared>>) target_semaphore(%run_scoped3A : memref<!tpu.dma_semaphore, #tpu.memory_space<semaphore_mem>>)
        %dma_wait3A_205 = arith.constant 9984 : i32
        %dma_wait3A_206 = arith.constant 0 : i32
        %dma_wait3A_207 = tpu.memref_slice %arg22[%dma_wait3A_205, %dma_wait3A_206] : memref<10000x32xf32, #tpu.memory_space<vmem_shared>> -> memref<16x32xf32, #tpu.memory_space<vmem_shared>>
        %dma_wait3A_208 = arith.constant 9984 : i32
        %dma_wait3A_209 = arith.constant 0 : i32
        %dma_wait3A_210 = tpu.memref_slice %arg22[%dma_wait3A_208, %dma_wait3A_209] : memref<10000x32xf32, #tpu.memory_space<vmem_shared>> -> memref<16x32xf32, #tpu.memory_space<vmem_shared>>
        tpu.wait_dma2 semaphore(%run_scoped3A : memref<!tpu.dma_semaphore, #tpu.memory_space<semaphore_mem>>) src(%arg18 : memref<16x32xf32, #tpu.memory_space<vmem>>) dst(%dma_wait3A_210 : memref<16x32xf32, #tpu.memory_space<vmem_shared>>)
        tpu.yield
      }) : () -> ()
    } else {
    }
    "tpu.region"() ({
      %run_scoped3A = tpu.sem_alloc : memref<!tpu.dma_semaphore, #tpu.memory_space<semaphore_mem>>
      %dma_start3A_199 = arith.constant 0 : i32
      %dma_start3A_200 = arith.constant 0 : i32
      %dma_start3A_201 = tpu.memref_slice %arg3[%arg1, %dma_start3A_199, %dma_start3A_200] : memref<16x250x80xi32, #tpu.memory_space<hbm>> -> memref<1x250x80xi32, #tpu.memory_space<hbm>>
      %dma_start3A_202 = tpu.memref_squeeze %dma_start3A_201 : memref<1x250x80xi32, #tpu.memory_space<hbm>> -> memref<250x80xi32, #tpu.memory_space<hbm>>
      %dma_start3A_203 = arith.constant 0 : i32
      %dma_start3A_204 = arith.constant 0 : i32
      %dma_start3A_205 = tpu.memref_slice %arg3[%arg1, %dma_start3A_203, %dma_start3A_204] : memref<16x250x80xi32, #tpu.memory_space<hbm>> -> memref<1x250x80xi32, #tpu.memory_space<hbm>>
      %dma_start3A_206 = tpu.memref_squeeze %dma_start3A_205 : memref<1x250x80xi32, #tpu.memory_space<hbm>> -> memref<250x80xi32, #tpu.memory_space<hbm>>
      tpu.enqueue_dma source(%dma_start3A_206 : memref<250x80xi32, #tpu.memory_space<hbm>>) target(%arg8 : memref<250x80xi32, #tpu.memory_space<vmem>>) target_semaphore(%run_scoped3A : memref<!tpu.dma_semaphore, #tpu.memory_space<semaphore_mem>>)
      %dma_wait3A_207 = arith.constant 0 : i32
      %dma_wait3A_208 = arith.constant 0 : i32
      %dma_wait3A_209 = tpu.memref_slice %arg3[%arg1, %dma_wait3A_207, %dma_wait3A_208] : memref<16x250x80xi32, #tpu.memory_space<hbm>> -> memref<1x250x80xi32, #tpu.memory_space<hbm>>
      %dma_wait3A_210 = tpu.memref_squeeze %dma_wait3A_209 : memref<1x250x80xi32, #tpu.memory_space<hbm>> -> memref<250x80xi32, #tpu.memory_space<hbm>>
      %dma_wait3A_211 = arith.constant 0 : i32
      %dma_wait3A_212 = arith.constant 0 : i32
      %dma_wait3A_213 = tpu.memref_slice %arg3[%arg1, %dma_wait3A_211, %dma_wait3A_212] : memref<16x250x80xi32, #tpu.memory_space<hbm>> -> memref<1x250x80xi32, #tpu.memory_space<hbm>>
      %dma_wait3A_214 = tpu.memref_squeeze %dma_wait3A_213 : memref<1x250x80xi32, #tpu.memory_space<hbm>> -> memref<250x80xi32, #tpu.memory_space<hbm>>
      tpu.wait_dma2 semaphore(%run_scoped3A : memref<!tpu.dma_semaphore, #tpu.memory_space<semaphore_mem>>) src(%dma_wait3A_214 : memref<250x80xi32, #tpu.memory_space<hbm>>) dst(%arg8 : memref<250x80xi32, #tpu.memory_space<vmem>>)
      tpu.yield
    }) : () -> ()
    "tpu.region"() ({
      %run_scoped3A = tpu.sem_alloc : memref<!tpu.dma_semaphore, #tpu.memory_space<semaphore_mem>>
      %dma_start3A_199 = arith.constant 0 : i32
      %dma_start3A_200 = arith.constant 0 : i32
      %dma_start3A_201 = tpu.memref_slice %arg4[%arg1, %dma_start3A_199, %dma_start3A_200] : memref<16x250x80xi32, #tpu.memory_space<hbm>> -> memref<1x250x80xi32, #tpu.memory_space<hbm>>
      %dma_start3A_202 = tpu.memref_squeeze %dma_start3A_201 : memref<1x250x80xi32, #tpu.memory_space<hbm>> -> memref<250x80xi32, #tpu.memory_space<hbm>>
      %dma_start3A_203 = arith.constant 0 : i32
      %dma_start3A_204 = arith.constant 0 : i32
      %dma_start3A_205 = tpu.memref_slice %arg4[%arg1, %dma_start3A_203, %dma_start3A_204] : memref<16x250x80xi32, #tpu.memory_space<hbm>> -> memref<1x250x80xi32, #tpu.memory_space<hbm>>
      %dma_start3A_206 = tpu.memref_squeeze %dma_start3A_205 : memref<1x250x80xi32, #tpu.memory_space<hbm>> -> memref<250x80xi32, #tpu.memory_space<hbm>>
      tpu.enqueue_dma source(%dma_start3A_206 : memref<250x80xi32, #tpu.memory_space<hbm>>) target(%arg9 : memref<250x80xi32, #tpu.memory_space<vmem>>) target_semaphore(%run_scoped3A : memref<!tpu.dma_semaphore, #tpu.memory_space<semaphore_mem>>)
      %dma_wait3A_207 = arith.constant 0 : i32
      %dma_wait3A_208 = arith.constant 0 : i32
      %dma_wait3A_209 = tpu.memref_slice %arg4[%arg1, %dma_wait3A_207, %dma_wait3A_208] : memref<16x250x80xi32, #tpu.memory_space<hbm>> -> memref<1x250x80xi32, #tpu.memory_space<hbm>>
      %dma_wait3A_210 = tpu.memref_squeeze %dma_wait3A_209 : memref<1x250x80xi32, #tpu.memory_space<hbm>> -> memref<250x80xi32, #tpu.memory_space<hbm>>
      %dma_wait3A_211 = arith.constant 0 : i32
      %dma_wait3A_212 = arith.constant 0 : i32
      %dma_wait3A_213 = tpu.memref_slice %arg4[%arg1, %dma_wait3A_211, %dma_wait3A_212] : memref<16x250x80xi32, #tpu.memory_space<hbm>> -> memref<1x250x80xi32, #tpu.memory_space<hbm>>
      %dma_wait3A_214 = tpu.memref_squeeze %dma_wait3A_213 : memref<1x250x80xi32, #tpu.memory_space<hbm>> -> memref<250x80xi32, #tpu.memory_space<hbm>>
      tpu.wait_dma2 semaphore(%run_scoped3A : memref<!tpu.dma_semaphore, #tpu.memory_space<semaphore_mem>>) src(%dma_wait3A_214 : memref<250x80xi32, #tpu.memory_space<hbm>>) dst(%arg9 : memref<250x80xi32, #tpu.memory_space<vmem>>)
      tpu.yield
    }) : () -> ()
    %mul3A = arith.constant 32 : i32
    %mul3A_11 = arith.muli %arg0, %mul3A : i32
    "tpu.region"() ({
      %run_scoped3A = tpu.sem_alloc : memref<!tpu.dma_semaphore, #tpu.memory_space<semaphore_mem>>
      %dma_start3A_199 = tpu.memref_slice %arg6[%mul3A_11] : memref<64xf32, #tpu.memory_space<hbm>> -> memref<32xf32, #tpu.memory_space<hbm>>
      %dma_start3A_200 = tpu.memref_slice %arg6[%mul3A_11] : memref<64xf32, #tpu.memory_space<hbm>> -> memref<32xf32, #tpu.memory_space<hbm>>
      tpu.enqueue_dma source(%dma_start3A_200 : memref<32xf32, #tpu.memory_space<hbm>>) target(%arg21 : memref<32xf32, #tpu.memory_space<vmem>>) target_semaphore(%run_scoped3A : memref<!tpu.dma_semaphore, #tpu.memory_space<semaphore_mem>>)
      %dma_wait3A_201 = tpu.memref_slice %arg6[%mul3A_11] : memref<64xf32, #tpu.memory_space<hbm>> -> memref<32xf32, #tpu.memory_space<hbm>>
      %dma_wait3A_202 = tpu.memref_slice %arg6[%mul3A_11] : memref<64xf32, #tpu.memory_space<hbm>> -> memref<32xf32, #tpu.memory_space<hbm>>
      tpu.wait_dma2 semaphore(%run_scoped3A : memref<!tpu.dma_semaphore, #tpu.memory_space<semaphore_mem>>) src(%dma_wait3A_202 : memref<32xf32, #tpu.memory_space<hbm>>) dst(%arg21 : memref<32xf32, #tpu.memory_space<vmem>>)
      tpu.yield
    }) : () -> ()
    %barrier3A = arith.constant 0 : index
    tpu.barrier barrier_id(%barrier3A)
    %dma_start3A = arith.constant 0 : i32
    %dma_start3A_12 = arith.constant 0 : i32
    %dma_start3A_13 = tpu.memref_slice %arg8[%dma_start3A, %dma_start3A_12] : memref<250x80xi32, #tpu.memory_space<vmem>> -> memref<1x80xi32, #tpu.memory_space<vmem>>
    %dma_start3A_14 = tpu.memref_squeeze %dma_start3A_13 : memref<1x80xi32, #tpu.memory_space<vmem>> -> memref<80xi32, #tpu.memory_space<vmem>>
    %dma_start3A_15 = arith.constant 0 : i32
    %dma_start3A_16 = arith.constant 0 : i32
    %dma_start3A_17 = tpu.memref_slice %arg2[%arg0, %dma_start3A_15, %dma_start3A_16] : memref<2x10000x32xf32, #tpu.memory_space<hbm>> -> memref<1x10000x32xf32, #tpu.memory_space<hbm>>
    %dma_start3A_18 = tpu.memref_squeeze %dma_start3A_17 : memref<1x10000x32xf32, #tpu.memory_space<hbm>> -> memref<10000x32xf32, #tpu.memory_space<hbm>>
    %dma_start3A_19 = arith.constant 0 : i32
    %dma_start3A_20 = arith.constant 0 : i32
    %dma_start3A_21 = tpu.memref_slice %dma_start3A_18[%dma_start3A_19, %dma_start3A_20] : memref<10000x32xf32, #tpu.memory_space<hbm>> -> memref<10000x32xf32, #tpu.memory_space<hbm>>
    tpu.enqueue_indirect_dma source(%dma_start3A_21 : memref<10000x32xf32, #tpu.memory_space<hbm>>) target(%arg10 : memref<80x32xf32, #tpu.memory_space<vmem>>) offsets(%dma_start3A_14 : memref<80xi32, #tpu.memory_space<vmem>>) semaphore(%arg23 : memref<!tpu.dma_semaphore, #tpu.memory_space<semaphore_mem>>)
    %dma_start3A_22 = arith.constant 1 : i32
    %dma_start3A_23 = arith.constant 0 : i32
    %dma_start3A_24 = tpu.memref_slice %arg8[%dma_start3A_22, %dma_start3A_23] : memref<250x80xi32, #tpu.memory_space<vmem>> -> memref<1x80xi32, #tpu.memory_space<vmem>>
    %dma_start3A_25 = tpu.memref_squeeze %dma_start3A_24 : memref<1x80xi32, #tpu.memory_space<vmem>> -> memref<80xi32, #tpu.memory_space<vmem>>
    %dma_start3A_26 = arith.constant 0 : i32
    %dma_start3A_27 = arith.constant 0 : i32
    %dma_start3A_28 = tpu.memref_slice %arg2[%arg0, %dma_start3A_26, %dma_start3A_27] : memref<2x10000x32xf32, #tpu.memory_space<hbm>> -> memref<1x10000x32xf32, #tpu.memory_space<hbm>>
    %dma_start3A_29 = tpu.memref_squeeze %dma_start3A_28 : memref<1x10000x32xf32, #tpu.memory_space<hbm>> -> memref<10000x32xf32, #tpu.memory_space<hbm>>
    %dma_start3A_30 = arith.constant 0 : i32
    %dma_start3A_31 = arith.constant 0 : i32
    %dma_start3A_32 = tpu.memref_slice %dma_start3A_29[%dma_start3A_30, %dma_start3A_31] : memref<10000x32xf32, #tpu.memory_space<hbm>> -> memref<10000x32xf32, #tpu.memory_space<hbm>>
    tpu.enqueue_indirect_dma source(%dma_start3A_32 : memref<10000x32xf32, #tpu.memory_space<hbm>>) target(%arg11 : memref<80x32xf32, #tpu.memory_space<vmem>>) offsets(%dma_start3A_25 : memref<80xi32, #tpu.memory_space<vmem>>) semaphore(%arg24 : memref<!tpu.dma_semaphore, #tpu.memory_space<semaphore_mem>>)
    %dma_start3A_33 = arith.constant 2 : i32
    %dma_start3A_34 = arith.constant 0 : i32
    %dma_start3A_35 = tpu.memref_slice %arg8[%dma_start3A_33, %dma_start3A_34] : memref<250x80xi32, #tpu.memory_space<vmem>> -> memref<1x80xi32, #tpu.memory_space<vmem>>
    %dma_start3A_36 = tpu.memref_squeeze %dma_start3A_35 : memref<1x80xi32, #tpu.memory_space<vmem>> -> memref<80xi32, #tpu.memory_space<vmem>>
    %dma_start3A_37 = arith.constant 0 : i32
    %dma_start3A_38 = arith.constant 0 : i32
    %dma_start3A_39 = tpu.memref_slice %arg2[%arg0, %dma_start3A_37, %dma_start3A_38] : memref<2x10000x32xf32, #tpu.memory_space<hbm>> -> memref<1x10000x32xf32, #tpu.memory_space<hbm>>
    %dma_start3A_40 = tpu.memref_squeeze %dma_start3A_39 : memref<1x10000x32xf32, #tpu.memory_space<hbm>> -> memref<10000x32xf32, #tpu.memory_space<hbm>>
    %dma_start3A_41 = arith.constant 0 : i32
    %dma_start3A_42 = arith.constant 0 : i32
    %dma_start3A_43 = tpu.memref_slice %dma_start3A_40[%dma_start3A_41, %dma_start3A_42] : memref<10000x32xf32, #tpu.memory_space<hbm>> -> memref<10000x32xf32, #tpu.memory_space<hbm>>
    tpu.enqueue_indirect_dma source(%dma_start3A_43 : memref<10000x32xf32, #tpu.memory_space<hbm>>) target(%arg12 : memref<80x32xf32, #tpu.memory_space<vmem>>) offsets(%dma_start3A_36 : memref<80xi32, #tpu.memory_space<vmem>>) semaphore(%arg25 : memref<!tpu.dma_semaphore, #tpu.memory_space<semaphore_mem>>)
    %dma_start3A_44 = arith.constant 3 : i32
    %dma_start3A_45 = arith.constant 0 : i32
    %dma_start3A_46 = tpu.memref_slice %arg8[%dma_start3A_44, %dma_start3A_45] : memref<250x80xi32, #tpu.memory_space<vmem>> -> memref<1x80xi32, #tpu.memory_space<vmem>>
    %dma_start3A_47 = tpu.memref_squeeze %dma_start3A_46 : memref<1x80xi32, #tpu.memory_space<vmem>> -> memref<80xi32, #tpu.memory_space<vmem>>
    %dma_start3A_48 = arith.constant 0 : i32
    %dma_start3A_49 = arith.constant 0 : i32
    %dma_start3A_50 = tpu.memref_slice %arg2[%arg0, %dma_start3A_48, %dma_start3A_49] : memref<2x10000x32xf32, #tpu.memory_space<hbm>> -> memref<1x10000x32xf32, #tpu.memory_space<hbm>>
    %dma_start3A_51 = tpu.memref_squeeze %dma_start3A_50 : memref<1x10000x32xf32, #tpu.memory_space<hbm>> -> memref<10000x32xf32, #tpu.memory_space<hbm>>
    %dma_start3A_52 = arith.constant 0 : i32
    %dma_start3A_53 = arith.constant 0 : i32
    %dma_start3A_54 = tpu.memref_slice %dma_start3A_51[%dma_start3A_52, %dma_start3A_53] : memref<10000x32xf32, #tpu.memory_space<hbm>> -> memref<10000x32xf32, #tpu.memory_space<hbm>>
    tpu.enqueue_indirect_dma source(%dma_start3A_54 : memref<10000x32xf32, #tpu.memory_space<hbm>>) target(%arg13 : memref<80x32xf32, #tpu.memory_space<vmem>>) offsets(%dma_start3A_47 : memref<80xi32, #tpu.memory_space<vmem>>) semaphore(%arg26 : memref<!tpu.dma_semaphore, #tpu.memory_space<semaphore_mem>>)
    %dma_start3A_55 = arith.constant 4 : i32
    %dma_start3A_56 = arith.constant 0 : i32
    %dma_start3A_57 = tpu.memref_slice %arg8[%dma_start3A_55, %dma_start3A_56] : memref<250x80xi32, #tpu.memory_space<vmem>> -> memref<1x80xi32, #tpu.memory_space<vmem>>
    %dma_start3A_58 = tpu.memref_squeeze %dma_start3A_57 : memref<1x80xi32, #tpu.memory_space<vmem>> -> memref<80xi32, #tpu.memory_space<vmem>>
    %dma_start3A_59 = arith.constant 0 : i32
    %dma_start3A_60 = arith.constant 0 : i32
    %dma_start3A_61 = tpu.memref_slice %arg2[%arg0, %dma_start3A_59, %dma_start3A_60] : memref<2x10000x32xf32, #tpu.memory_space<hbm>> -> memref<1x10000x32xf32, #tpu.memory_space<hbm>>
    %dma_start3A_62 = tpu.memref_squeeze %dma_start3A_61 : memref<1x10000x32xf32, #tpu.memory_space<hbm>> -> memref<10000x32xf32, #tpu.memory_space<hbm>>
    %dma_start3A_63 = arith.constant 0 : i32
    %dma_start3A_64 = arith.constant 0 : i32
    %dma_start3A_65 = tpu.memref_slice %dma_start3A_62[%dma_start3A_63, %dma_start3A_64] : memref<10000x32xf32, #tpu.memory_space<hbm>> -> memref<10000x32xf32, #tpu.memory_space<hbm>>
    tpu.enqueue_indirect_dma source(%dma_start3A_65 : memref<10000x32xf32, #tpu.memory_space<hbm>>) target(%arg14 : memref<80x32xf32, #tpu.memory_space<vmem>>) offsets(%dma_start3A_58 : memref<80xi32, #tpu.memory_space<vmem>>) semaphore(%arg27 : memref<!tpu.dma_semaphore, #tpu.memory_space<semaphore_mem>>)
    %dma_start3A_66 = arith.constant 5 : i32
    %dma_start3A_67 = arith.constant 0 : i32
    %dma_start3A_68 = tpu.memref_slice %arg8[%dma_start3A_66, %dma_start3A_67] : memref<250x80xi32, #tpu.memory_space<vmem>> -> memref<1x80xi32, #tpu.memory_space<vmem>>
    %dma_start3A_69 = tpu.memref_squeeze %dma_start3A_68 : memref<1x80xi32, #tpu.memory_space<vmem>> -> memref<80xi32, #tpu.memory_space<vmem>>
    %dma_start3A_70 = arith.constant 0 : i32
    %dma_start3A_71 = arith.constant 0 : i32
    %dma_start3A_72 = tpu.memref_slice %arg2[%arg0, %dma_start3A_70, %dma_start3A_71] : memref<2x10000x32xf32, #tpu.memory_space<hbm>> -> memref<1x10000x32xf32, #tpu.memory_space<hbm>>
    %dma_start3A_73 = tpu.memref_squeeze %dma_start3A_72 : memref<1x10000x32xf32, #tpu.memory_space<hbm>> -> memref<10000x32xf32, #tpu.memory_space<hbm>>
    %dma_start3A_74 = arith.constant 0 : i32
    %dma_start3A_75 = arith.constant 0 : i32
    %dma_start3A_76 = tpu.memref_slice %dma_start3A_73[%dma_start3A_74, %dma_start3A_75] : memref<10000x32xf32, #tpu.memory_space<hbm>> -> memref<10000x32xf32, #tpu.memory_space<hbm>>
    tpu.enqueue_indirect_dma source(%dma_start3A_76 : memref<10000x32xf32, #tpu.memory_space<hbm>>) target(%arg15 : memref<80x32xf32, #tpu.memory_space<vmem>>) offsets(%dma_start3A_69 : memref<80xi32, #tpu.memory_space<vmem>>) semaphore(%arg28 : memref<!tpu.dma_semaphore, #tpu.memory_space<semaphore_mem>>)
    %scan3A_77 = arith.constant 0 : i32
    %scan3A_78 = arith.constant 31 : i32
    %scan3A_79 = arith.addi %scan3A_77, %scan3A_78 : i32
    %scan3A_80 = arith.constant 1 : i32
    scf.for %scan3A_199 = %scan3A_77 to %scan3A_79 step %scan3A_80  : i32 {
      %mul3A_200 = arith.constant 8 : i32
      %mul3A_201 = arith.muli %scan3A_199, %mul3A_200 : i32
      %add3A = arith.constant 0 : i32
      %add3A_202 = arith.addi %mul3A_201, %add3A : i32
      %add3A_203 = arith.constant 6 : i32
      %add3A_204 = arith.addi %add3A_202, %add3A_203 : i32
      %lt3A = arith.constant 250 : i32
      %lt3A_205 = arith.cmpi slt, %add3A_204, %lt3A : i32
      %convert_element_type3A_206 = arith.extui %lt3A_205 : i1 to i32
      %cond3A_207 = arith.constant 0 : i32
      %cond3A_208 = arith.cmpi ne, %convert_element_type3A_206, %cond3A_207 : i32
      scf.if %cond3A_208 {
        %add3A_414 = arith.constant 6 : i32
        %add3A_415 = arith.addi %add3A_202, %add3A_414 : i32
        %ge3A = arith.constant 8 : i32
        %ge3A_416 = arith.cmpi sge, %add3A_415, %ge3A : i32
        %convert_element_type3A_417 = arith.extui %ge3A_416 : i1 to i32
        %cond3A_418 = arith.constant 0 : i32
        %cond3A_419 = arith.cmpi ne, %convert_element_type3A_417, %cond3A_418 : i32
        scf.if %cond3A_419 {
          %add3A_432 = arith.constant 6 : i32
          %add3A_433 = arith.addi %add3A_202, %add3A_432 : i32
          %sub3A = arith.constant 8 : i32
          %sub3A_434 = arith.subi %add3A_433, %sub3A : i32
          %dma_wait3A_435 = arith.constant 0 : i32
          %dma_wait3A_436 = tpu.memref_slice %arg9[%sub3A_434, %dma_wait3A_435] : memref<250x80xi32, #tpu.memory_space<vmem>> -> memref<1x80xi32, #tpu.memory_space<vmem>>
          %dma_wait3A_437 = tpu.memref_squeeze %dma_wait3A_436 : memref<1x80xi32, #tpu.memory_space<vmem>> -> memref<80xi32, #tpu.memory_space<vmem>>
          %dma_wait3A_438 = arith.constant 0 : i32
          %dma_wait3A_439 = arith.constant 0 : i32
          %dma_wait3A_440 = tpu.memref_slice %arg22[%dma_wait3A_438, %dma_wait3A_439] : memref<10000x32xf32, #tpu.memory_space<vmem_shared>> -> memref<10000x32xf32, #tpu.memory_space<vmem_shared>>
          tpu.wait_indirect_dma semaphore(%arg37 : memref<!tpu.dma_semaphore, #tpu.memory_space<semaphore_mem>>) src(%arg16 : memref<80x32xf32, #tpu.memory_space<vmem>>) dst(%dma_wait3A_440 : memref<10000x32xf32, #tpu.memory_space<vmem_shared>>)
        } else {
        }
        %add3A_420 = arith.constant 6 : i32
        %add3A_421 = arith.addi %add3A_202, %add3A_420 : i32
        %dma_start3A_422 = arith.constant 0 : i32
        %dma_start3A_423 = tpu.memref_slice %arg8[%add3A_421, %dma_start3A_422] : memref<250x80xi32, #tpu.memory_space<vmem>> -> memref<1x80xi32, #tpu.memory_space<vmem>>
        %dma_start3A_424 = tpu.memref_squeeze %dma_start3A_423 : memref<1x80xi32, #tpu.memory_space<vmem>> -> memref<80xi32, #tpu.memory_space<vmem>>
        %dma_start3A_425 = arith.constant 0 : i32
        %dma_start3A_426 = arith.constant 0 : i32
        %dma_start3A_427 = tpu.memref_slice %arg2[%arg0, %dma_start3A_425, %dma_start3A_426] : memref<2x10000x32xf32, #tpu.memory_space<hbm>> -> memref<1x10000x32xf32, #tpu.memory_space<hbm>>
        %dma_start3A_428 = tpu.memref_squeeze %dma_start3A_427 : memref<1x10000x32xf32, #tpu.memory_space<hbm>> -> memref<10000x32xf32, #tpu.memory_space<hbm>>
        %dma_start3A_429 = arith.constant 0 : i32
        %dma_start3A_430 = arith.constant 0 : i32
        %dma_start3A_431 = tpu.memref_slice %dma_start3A_428[%dma_start3A_429, %dma_start3A_430] : memref<10000x32xf32, #tpu.memory_space<hbm>> -> memref<10000x32xf32, #tpu.memory_space<hbm>>
        tpu.enqueue_indirect_dma source(%dma_start3A_431 : memref<10000x32xf32, #tpu.memory_space<hbm>>) target(%arg16 : memref<80x32xf32, #tpu.memory_space<vmem>>) offsets(%dma_start3A_424 : memref<80xi32, #tpu.memory_space<vmem>>) semaphore(%arg29 : memref<!tpu.dma_semaphore, #tpu.memory_space<semaphore_mem>>)
      } else {
      }
      %dma_wait3A_209 = arith.constant 0 : i32
      %dma_wait3A_210 = tpu.memref_slice %arg8[%add3A_202, %dma_wait3A_209] : memref<250x80xi32, #tpu.memory_space<vmem>> -> memref<1x80xi32, #tpu.memory_space<vmem>>
      %dma_wait3A_211 = tpu.memref_squeeze %dma_wait3A_210 : memref<1x80xi32, #tpu.memory_space<vmem>> -> memref<80xi32, #tpu.memory_space<vmem>>
      %dma_wait3A_212 = arith.constant 0 : i32
      %dma_wait3A_213 = arith.constant 0 : i32
      %dma_wait3A_214 = tpu.memref_slice %arg2[%arg0, %dma_wait3A_212, %dma_wait3A_213] : memref<2x10000x32xf32, #tpu.memory_space<hbm>> -> memref<1x10000x32xf32, #tpu.memory_space<hbm>>
      %dma_wait3A_215 = tpu.memref_squeeze %dma_wait3A_214 : memref<1x10000x32xf32, #tpu.memory_space<hbm>> -> memref<10000x32xf32, #tpu.memory_space<hbm>>
      %dma_wait3A_216 = arith.constant 0 : i32
      %dma_wait3A_217 = arith.constant 0 : i32
      %dma_wait3A_218 = tpu.memref_slice %dma_wait3A_215[%dma_wait3A_216, %dma_wait3A_217] : memref<10000x32xf32, #tpu.memory_space<hbm>> -> memref<10000x32xf32, #tpu.memory_space<hbm>>
      tpu.wait_indirect_dma semaphore(%arg23 : memref<!tpu.dma_semaphore, #tpu.memory_space<semaphore_mem>>) src(%dma_wait3A_218 : memref<10000x32xf32, #tpu.memory_space<hbm>>) dst(%arg10 : memref<80x32xf32, #tpu.memory_space<vmem>>)
      %dma_start3A_219 = arith.constant 0 : i32
      %dma_start3A_220 = tpu.memref_slice %arg9[%add3A_202, %dma_start3A_219] : memref<250x80xi32, #tpu.memory_space<vmem>> -> memref<1x80xi32, #tpu.memory_space<vmem>>
      %dma_start3A_221 = tpu.memref_squeeze %dma_start3A_220 : memref<1x80xi32, #tpu.memory_space<vmem>> -> memref<80xi32, #tpu.memory_space<vmem>>
      %dma_start3A_222 = arith.constant 0 : i32
      %dma_start3A_223 = arith.constant 0 : i32
      %dma_start3A_224 = tpu.memref_slice %arg22[%dma_start3A_222, %dma_start3A_223] : memref<10000x32xf32, #tpu.memory_space<vmem_shared>> -> memref<10000x32xf32, #tpu.memory_space<vmem_shared>>
      tpu.enqueue_indirect_dma source(%arg10 : memref<80x32xf32, #tpu.memory_space<vmem>>) target(%dma_start3A_224 : memref<10000x32xf32, #tpu.memory_space<vmem_shared>>) offsets(%dma_start3A_221 : memref<80xi32, #tpu.memory_space<vmem>>) semaphore(%arg31 : memref<!tpu.dma_semaphore, #tpu.memory_space<semaphore_mem>>) {add = true}
      %mul3A_225 = arith.constant 8 : i32
      %mul3A_226 = arith.muli %scan3A_199, %mul3A_225 : i32
      %add3A_227 = arith.constant 1 : i32
      %add3A_228 = arith.addi %mul3A_226, %add3A_227 : i32
      %add3A_229 = arith.constant 6 : i32
      %add3A_230 = arith.addi %add3A_228, %add3A_229 : i32
      %lt3A_231 = arith.constant 250 : i32
      %lt3A_232 = arith.cmpi slt, %add3A_230, %lt3A_231 : i32
      %convert_element_type3A_233 = arith.extui %lt3A_232 : i1 to i32
      %cond3A_234 = arith.constant 0 : i32
      %cond3A_235 = arith.cmpi ne, %convert_element_type3A_233, %cond3A_234 : i32
      scf.if %cond3A_235 {
        %add3A_414 = arith.constant 6 : i32
        %add3A_415 = arith.addi %add3A_228, %add3A_414 : i32
        %ge3A = arith.constant 8 : i32
        %ge3A_416 = arith.cmpi sge, %add3A_415, %ge3A : i32
        %convert_element_type3A_417 = arith.extui %ge3A_416 : i1 to i32
        %cond3A_418 = arith.constant 0 : i32
        %cond3A_419 = arith.cmpi ne, %convert_element_type3A_417, %cond3A_418 : i32
        scf.if %cond3A_419 {
          %add3A_432 = arith.constant 6 : i32
          %add3A_433 = arith.addi %add3A_228, %add3A_432 : i32
          %sub3A = arith.constant 8 : i32
          %sub3A_434 = arith.subi %add3A_433, %sub3A : i32
          %dma_wait3A_435 = arith.constant 0 : i32
          %dma_wait3A_436 = tpu.memref_slice %arg9[%sub3A_434, %dma_wait3A_435] : memref<250x80xi32, #tpu.memory_space<vmem>> -> memref<1x80xi32, #tpu.memory_space<vmem>>
          %dma_wait3A_437 = tpu.memref_squeeze %dma_wait3A_436 : memref<1x80xi32, #tpu.memory_space<vmem>> -> memref<80xi32, #tpu.memory_space<vmem>>
          %dma_wait3A_438 = arith.constant 0 : i32
          %dma_wait3A_439 = arith.constant 0 : i32
          %dma_wait3A_440 = tpu.memref_slice %arg22[%dma_wait3A_438, %dma_wait3A_439] : memref<10000x32xf32, #tpu.memory_space<vmem_shared>> -> memref<10000x32xf32, #tpu.memory_space<vmem_shared>>
          tpu.wait_indirect_dma semaphore(%arg38 : memref<!tpu.dma_semaphore, #tpu.memory_space<semaphore_mem>>) src(%arg17 : memref<80x32xf32, #tpu.memory_space<vmem>>) dst(%dma_wait3A_440 : memref<10000x32xf32, #tpu.memory_space<vmem_shared>>)
        } else {
        }
        %add3A_420 = arith.constant 6 : i32
        %add3A_421 = arith.addi %add3A_228, %add3A_420 : i32
        %dma_start3A_422 = arith.constant 0 : i32
        %dma_start3A_423 = tpu.memref_slice %arg8[%add3A_421, %dma_start3A_422] : memref<250x80xi32, #tpu.memory_space<vmem>> -> memref<1x80xi32, #tpu.memory_space<vmem>>
        %dma_start3A_424 = tpu.memref_squeeze %dma_start3A_423 : memref<1x80xi32, #tpu.memory_space<vmem>> -> memref<80xi32, #tpu.memory_space<vmem>>
        %dma_start3A_425 = arith.constant 0 : i32
        %dma_start3A_426 = arith.constant 0 : i32
        %dma_start3A_427 = tpu.memref_slice %arg2[%arg0, %dma_start3A_425, %dma_start3A_426] : memref<2x10000x32xf32, #tpu.memory_space<hbm>> -> memref<1x10000x32xf32, #tpu.memory_space<hbm>>
        %dma_start3A_428 = tpu.memref_squeeze %dma_start3A_427 : memref<1x10000x32xf32, #tpu.memory_space<hbm>> -> memref<10000x32xf32, #tpu.memory_space<hbm>>
        %dma_start3A_429 = arith.constant 0 : i32
        %dma_start3A_430 = arith.constant 0 : i32
        %dma_start3A_431 = tpu.memref_slice %dma_start3A_428[%dma_start3A_429, %dma_start3A_430] : memref<10000x32xf32, #tpu.memory_space<hbm>> -> memref<10000x32xf32, #tpu.memory_space<hbm>>
        tpu.enqueue_indirect_dma source(%dma_start3A_431 : memref<10000x32xf32, #tpu.memory_space<hbm>>) target(%arg17 : memref<80x32xf32, #tpu.memory_space<vmem>>) offsets(%dma_start3A_424 : memref<80xi32, #tpu.memory_space<vmem>>) semaphore(%arg30 : memref<!tpu.dma_semaphore, #tpu.memory_space<semaphore_mem>>)
      } else {
      }
      %dma_wait3A_236 = arith.constant 0 : i32
      %dma_wait3A_237 = tpu.memref_slice %arg8[%add3A_228, %dma_wait3A_236] : memref<250x80xi32, #tpu.memory_space<vmem>> -> memref<1x80xi32, #tpu.memory_space<vmem>>
      %dma_wait3A_238 = tpu.memref_squeeze %dma_wait3A_237 : memref<1x80xi32, #tpu.memory_space<vmem>> -> memref<80xi32, #tpu.memory_space<vmem>>
      %dma_wait3A_239 = arith.constant 0 : i32
      %dma_wait3A_240 = arith.constant 0 : i32
      %dma_wait3A_241 = tpu.memref_slice %arg2[%arg0, %dma_wait3A_239, %dma_wait3A_240] : memref<2x10000x32xf32, #tpu.memory_space<hbm>> -> memref<1x10000x32xf32, #tpu.memory_space<hbm>>
      %dma_wait3A_242 = tpu.memref_squeeze %dma_wait3A_241 : memref<1x10000x32xf32, #tpu.memory_space<hbm>> -> memref<10000x32xf32, #tpu.memory_space<hbm>>
      %dma_wait3A_243 = arith.constant 0 : i32
      %dma_wait3A_244 = arith.constant 0 : i32
      %dma_wait3A_245 = tpu.memref_slice %dma_wait3A_242[%dma_wait3A_243, %dma_wait3A_244] : memref<10000x32xf32, #tpu.memory_space<hbm>> -> memref<10000x32xf32, #tpu.memory_space<hbm>>
      tpu.wait_indirect_dma semaphore(%arg24 : memref<!tpu.dma_semaphore, #tpu.memory_space<semaphore_mem>>) src(%dma_wait3A_245 : memref<10000x32xf32, #tpu.memory_space<hbm>>) dst(%arg11 : memref<80x32xf32, #tpu.memory_space<vmem>>)
      %dma_start3A_246 = arith.constant 0 : i32
      %dma_start3A_247 = tpu.memref_slice %arg9[%add3A_228, %dma_start3A_246] : memref<250x80xi32, #tpu.memory_space<vmem>> -> memref<1x80xi32, #tpu.memory_space<vmem>>
      %dma_start3A_248 = tpu.memref_squeeze %dma_start3A_247 : memref<1x80xi32, #tpu.memory_space<vmem>> -> memref<80xi32, #tpu.memory_space<vmem>>
      %dma_start3A_249 = arith.constant 0 : i32
      %dma_start3A_250 = arith.constant 0 : i32
      %dma_start3A_251 = tpu.memref_slice %arg22[%dma_start3A_249, %dma_start3A_250] : memref<10000x32xf32, #tpu.memory_space<vmem_shared>> -> memref<10000x32xf32, #tpu.memory_space<vmem_shared>>
      tpu.enqueue_indirect_dma source(%arg11 : memref<80x32xf32, #tpu.memory_space<vmem>>) target(%dma_start3A_251 : memref<10000x32xf32, #tpu.memory_space<vmem_shared>>) offsets(%dma_start3A_248 : memref<80xi32, #tpu.memory_space<vmem>>) semaphore(%arg32 : memref<!tpu.dma_semaphore, #tpu.memory_space<semaphore_mem>>) {add = true}
      %mul3A_252 = arith.constant 8 : i32
      %mul3A_253 = arith.muli %scan3A_199, %mul3A_252 : i32
      %add3A_254 = arith.constant 2 : i32
      %add3A_255 = arith.addi %mul3A_253, %add3A_254 : i32
      %add3A_256 = arith.constant 6 : i32
      %add3A_257 = arith.addi %add3A_255, %add3A_256 : i32
      %lt3A_258 = arith.constant 250 : i32
      %lt3A_259 = arith.cmpi slt, %add3A_257, %lt3A_258 : i32
      %convert_element_type3A_260 = arith.extui %lt3A_259 : i1 to i32
      %cond3A_261 = arith.constant 0 : i32
      %cond3A_262 = arith.cmpi ne, %convert_element_type3A_260, %cond3A_261 : i32
      scf.if %cond3A_262 {
        %add3A_414 = arith.constant 6 : i32
        %add3A_415 = arith.addi %add3A_255, %add3A_414 : i32
        %ge3A = arith.constant 8 : i32
        %ge3A_416 = arith.cmpi sge, %add3A_415, %ge3A : i32
        %convert_element_type3A_417 = arith.extui %ge3A_416 : i1 to i32
        %cond3A_418 = arith.constant 0 : i32
        %cond3A_419 = arith.cmpi ne, %convert_element_type3A_417, %cond3A_418 : i32
        scf.if %cond3A_419 {
          %add3A_432 = arith.constant 6 : i32
          %add3A_433 = arith.addi %add3A_255, %add3A_432 : i32
          %sub3A = arith.constant 8 : i32
          %sub3A_434 = arith.subi %add3A_433, %sub3A : i32
          %dma_wait3A_435 = arith.constant 0 : i32
          %dma_wait3A_436 = tpu.memref_slice %arg9[%sub3A_434, %dma_wait3A_435] : memref<250x80xi32, #tpu.memory_space<vmem>> -> memref<1x80xi32, #tpu.memory_space<vmem>>
          %dma_wait3A_437 = tpu.memref_squeeze %dma_wait3A_436 : memref<1x80xi32, #tpu.memory_space<vmem>> -> memref<80xi32, #tpu.memory_space<vmem>>
          %dma_wait3A_438 = arith.constant 0 : i32
          %dma_wait3A_439 = arith.constant 0 : i32
          %dma_wait3A_440 = tpu.memref_slice %arg22[%dma_wait3A_438, %dma_wait3A_439] : memref<10000x32xf32, #tpu.memory_space<vmem_shared>> -> memref<10000x32xf32, #tpu.memory_space<vmem_shared>>
          tpu.wait_indirect_dma semaphore(%arg31 : memref<!tpu.dma_semaphore, #tpu.memory_space<semaphore_mem>>) src(%arg10 : memref<80x32xf32, #tpu.memory_space<vmem>>) dst(%dma_wait3A_440 : memref<10000x32xf32, #tpu.memory_space<vmem_shared>>)
        } else {
        }
        %add3A_420 = arith.constant 6 : i32
        %add3A_421 = arith.addi %add3A_255, %add3A_420 : i32
        %dma_start3A_422 = arith.constant 0 : i32
        %dma_start3A_423 = tpu.memref_slice %arg8[%add3A_421, %dma_start3A_422] : memref<250x80xi32, #tpu.memory_space<vmem>> -> memref<1x80xi32, #tpu.memory_space<vmem>>
        %dma_start3A_424 = tpu.memref_squeeze %dma_start3A_423 : memref<1x80xi32, #tpu.memory_space<vmem>> -> memref<80xi32, #tpu.memory_space<vmem>>
        %dma_start3A_425 = arith.constant 0 : i32
        %dma_start3A_426 = arith.constant 0 : i32
        %dma_start3A_427 = tpu.memref_slice %arg2[%arg0, %dma_start3A_425, %dma_start3A_426] : memref<2x10000x32xf32, #tpu.memory_space<hbm>> -> memref<1x10000x32xf32, #tpu.memory_space<hbm>>
        %dma_start3A_428 = tpu.memref_squeeze %dma_start3A_427 : memref<1x10000x32xf32, #tpu.memory_space<hbm>> -> memref<10000x32xf32, #tpu.memory_space<hbm>>
        %dma_start3A_429 = arith.constant 0 : i32
        %dma_start3A_430 = arith.constant 0 : i32
        %dma_start3A_431 = tpu.memref_slice %dma_start3A_428[%dma_start3A_429, %dma_start3A_430] : memref<10000x32xf32, #tpu.memory_space<hbm>> -> memref<10000x32xf32, #tpu.memory_space<hbm>>
        tpu.enqueue_indirect_dma source(%dma_start3A_431 : memref<10000x32xf32, #tpu.memory_space<hbm>>) target(%arg10 : memref<80x32xf32, #tpu.memory_space<vmem>>) offsets(%dma_start3A_424 : memref<80xi32, #tpu.memory_space<vmem>>) semaphore(%arg23 : memref<!tpu.dma_semaphore, #tpu.memory_space<semaphore_mem>>)
      } else {
      }
      %dma_wait3A_263 = arith.constant 0 : i32
      %dma_wait3A_264 = tpu.memref_slice %arg8[%add3A_255, %dma_wait3A_263] : memref<250x80xi32, #tpu.memory_space<vmem>> -> memref<1x80xi32, #tpu.memory_space<vmem>>
      %dma_wait3A_265 = tpu.memref_squeeze %dma_wait3A_264 : memref<1x80xi32, #tpu.memory_space<vmem>> -> memref<80xi32, #tpu.memory_space<vmem>>
      %dma_wait3A_266 = arith.constant 0 : i32
      %dma_wait3A_267 = arith.constant 0 : i32
      %dma_wait3A_268 = tpu.memref_slice %arg2[%arg0, %dma_wait3A_266, %dma_wait3A_267] : memref<2x10000x32xf32, #tpu.memory_space<hbm>> -> memref<1x10000x32xf32, #tpu.memory_space<hbm>>
      %dma_wait3A_269 = tpu.memref_squeeze %dma_wait3A_268 : memref<1x10000x32xf32, #tpu.memory_space<hbm>> -> memref<10000x32xf32, #tpu.memory_space<hbm>>
      %dma_wait3A_270 = arith.constant 0 : i32
      %dma_wait3A_271 = arith.constant 0 : i32
      %dma_wait3A_272 = tpu.memref_slice %dma_wait3A_269[%dma_wait3A_270, %dma_wait3A_271] : memref<10000x32xf32, #tpu.memory_space<hbm>> -> memref<10000x32xf32, #tpu.memory_space<hbm>>
      tpu.wait_indirect_dma semaphore(%arg25 : memref<!tpu.dma_semaphore, #tpu.memory_space<semaphore_mem>>) src(%dma_wait3A_272 : memref<10000x32xf32, #tpu.memory_space<hbm>>) dst(%arg12 : memref<80x32xf32, #tpu.memory_space<vmem>>)
      %dma_start3A_273 = arith.constant 0 : i32
      %dma_start3A_274 = tpu.memref_slice %arg9[%add3A_255, %dma_start3A_273] : memref<250x80xi32, #tpu.memory_space<vmem>> -> memref<1x80xi32, #tpu.memory_space<vmem>>
      %dma_start3A_275 = tpu.memref_squeeze %dma_start3A_274 : memref<1x80xi32, #tpu.memory_space<vmem>> -> memref<80xi32, #tpu.memory_space<vmem>>
      %dma_start3A_276 = arith.constant 0 : i32
      %dma_start3A_277 = arith.constant 0 : i32
      %dma_start3A_278 = tpu.memref_slice %arg22[%dma_start3A_276, %dma_start3A_277] : memref<10000x32xf32, #tpu.memory_space<vmem_shared>> -> memref<10000x32xf32, #tpu.memory_space<vmem_shared>>
      tpu.enqueue_indirect_dma source(%arg12 : memref<80x32xf32, #tpu.memory_space<vmem>>) target(%dma_start3A_278 : memref<10000x32xf32, #tpu.memory_space<vmem_shared>>) offsets(%dma_start3A_275 : memref<80xi32, #tpu.memory_space<vmem>>) semaphore(%arg33 : memref<!tpu.dma_semaphore, #tpu.memory_space<semaphore_mem>>) {add = true}
      %mul3A_279 = arith.constant 8 : i32
      %mul3A_280 = arith.muli %scan3A_199, %mul3A_279 : i32
      %add3A_281 = arith.constant 3 : i32
      %add3A_282 = arith.addi %mul3A_280, %add3A_281 : i32
      %add3A_283 = arith.constant 6 : i32
      %add3A_284 = arith.addi %add3A_282, %add3A_283 : i32
      %lt3A_285 = arith.constant 250 : i32
      %lt3A_286 = arith.cmpi slt, %add3A_284, %lt3A_285 : i32
      %convert_element_type3A_287 = arith.extui %lt3A_286 : i1 to i32
      %cond3A_288 = arith.constant 0 : i32
      %cond3A_289 = arith.cmpi ne, %convert_element_type3A_287, %cond3A_288 : i32
      scf.if %cond3A_289 {
        %add3A_414 = arith.constant 6 : i32
        %add3A_415 = arith.addi %add3A_282, %add3A_414 : i32
        %ge3A = arith.constant 8 : i32
        %ge3A_416 = arith.cmpi sge, %add3A_415, %ge3A : i32
        %convert_element_type3A_417 = arith.extui %ge3A_416 : i1 to i32
        %cond3A_418 = arith.constant 0 : i32
        %cond3A_419 = arith.cmpi ne, %convert_element_type3A_417, %cond3A_418 : i32
        scf.if %cond3A_419 {
          %add3A_432 = arith.constant 6 : i32
          %add3A_433 = arith.addi %add3A_282, %add3A_432 : i32
          %sub3A = arith.constant 8 : i32
          %sub3A_434 = arith.subi %add3A_433, %sub3A : i32
          %dma_wait3A_435 = arith.constant 0 : i32
          %dma_wait3A_436 = tpu.memref_slice %arg9[%sub3A_434, %dma_wait3A_435] : memref<250x80xi32, #tpu.memory_space<vmem>> -> memref<1x80xi32, #tpu.memory_space<vmem>>
          %dma_wait3A_437 = tpu.memref_squeeze %dma_wait3A_436 : memref<1x80xi32, #tpu.memory_space<vmem>> -> memref<80xi32, #tpu.memory_space<vmem>>
          %dma_wait3A_438 = arith.constant 0 : i32
          %dma_wait3A_439 = arith.constant 0 : i32
          %dma_wait3A_440 = tpu.memref_slice %arg22[%dma_wait3A_438, %dma_wait3A_439] : memref<10000x32xf32, #tpu.memory_space<vmem_shared>> -> memref<10000x32xf32, #tpu.memory_space<vmem_shared>>
          tpu.wait_indirect_dma semaphore(%arg32 : memref<!tpu.dma_semaphore, #tpu.memory_space<semaphore_mem>>) src(%arg11 : memref<80x32xf32, #tpu.memory_space<vmem>>) dst(%dma_wait3A_440 : memref<10000x32xf32, #tpu.memory_space<vmem_shared>>)
        } else {
        }
        %add3A_420 = arith.constant 6 : i32
        %add3A_421 = arith.addi %add3A_282, %add3A_420 : i32
        %dma_start3A_422 = arith.constant 0 : i32
        %dma_start3A_423 = tpu.memref_slice %arg8[%add3A_421, %dma_start3A_422] : memref<250x80xi32, #tpu.memory_space<vmem>> -> memref<1x80xi32, #tpu.memory_space<vmem>>
        %dma_start3A_424 = tpu.memref_squeeze %dma_start3A_423 : memref<1x80xi32, #tpu.memory_space<vmem>> -> memref<80xi32, #tpu.memory_space<vmem>>
        %dma_start3A_425 = arith.constant 0 : i32
        %dma_start3A_426 = arith.constant 0 : i32
        %dma_start3A_427 = tpu.memref_slice %arg2[%arg0, %dma_start3A_425, %dma_start3A_426] : memref<2x10000x32xf32, #tpu.memory_space<hbm>> -> memref<1x10000x32xf32, #tpu.memory_space<hbm>>
        %dma_start3A_428 = tpu.memref_squeeze %dma_start3A_427 : memref<1x10000x32xf32, #tpu.memory_space<hbm>> -> memref<10000x32xf32, #tpu.memory_space<hbm>>
        %dma_start3A_429 = arith.constant 0 : i32
        %dma_start3A_430 = arith.constant 0 : i32
        %dma_start3A_431 = tpu.memref_slice %dma_start3A_428[%dma_start3A_429, %dma_start3A_430] : memref<10000x32xf32, #tpu.memory_space<hbm>> -> memref<10000x32xf32, #tpu.memory_space<hbm>>
        tpu.enqueue_indirect_dma source(%dma_start3A_431 : memref<10000x32xf32, #tpu.memory_space<hbm>>) target(%arg11 : memref<80x32xf32, #tpu.memory_space<vmem>>) offsets(%dma_start3A_424 : memref<80xi32, #tpu.memory_space<vmem>>) semaphore(%arg24 : memref<!tpu.dma_semaphore, #tpu.memory_space<semaphore_mem>>)
      } else {
      }
      %dma_wait3A_290 = arith.constant 0 : i32
      %dma_wait3A_291 = tpu.memref_slice %arg8[%add3A_282, %dma_wait3A_290] : memref<250x80xi32, #tpu.memory_space<vmem>> -> memref<1x80xi32, #tpu.memory_space<vmem>>
      %dma_wait3A_292 = tpu.memref_squeeze %dma_wait3A_291 : memref<1x80xi32, #tpu.memory_space<vmem>> -> memref<80xi32, #tpu.memory_space<vmem>>
      %dma_wait3A_293 = arith.constant 0 : i32
      %dma_wait3A_294 = arith.constant 0 : i32
      %dma_wait3A_295 = tpu.memref_slice %arg2[%arg0, %dma_wait3A_293, %dma_wait3A_294] : memref<2x10000x32xf32, #tpu.memory_space<hbm>> -> memref<1x10000x32xf32, #tpu.memory_space<hbm>>
      %dma_wait3A_296 = tpu.memref_squeeze %dma_wait3A_295 : memref<1x10000x32xf32, #tpu.memory_space<hbm>> -> memref<10000x32xf32, #tpu.memory_space<hbm>>
      %dma_wait3A_297 = arith.constant 0 : i32
      %dma_wait3A_298 = arith.constant 0 : i32
      %dma_wait3A_299 = tpu.memref_slice %dma_wait3A_296[%dma_wait3A_297, %dma_wait3A_298] : memref<10000x32xf32, #tpu.memory_space<hbm>> -> memref<10000x32xf32, #tpu.memory_space<hbm>>
      tpu.wait_indirect_dma semaphore(%arg26 : memref<!tpu.dma_semaphore, #tpu.memory_space<semaphore_mem>>) src(%dma_wait3A_299 : memref<10000x32xf32, #tpu.memory_space<hbm>>) dst(%arg13 : memref<80x32xf32, #tpu.memory_space<vmem>>)
      %dma_start3A_300 = arith.constant 0 : i32
      %dma_start3A_301 = tpu.memref_slice %arg9[%add3A_282, %dma_start3A_300] : memref<250x80xi32, #tpu.memory_space<vmem>> -> memref<1x80xi32, #tpu.memory_space<vmem>>
      %dma_start3A_302 = tpu.memref_squeeze %dma_start3A_301 : memref<1x80xi32, #tpu.memory_space<vmem>> -> memref<80xi32, #tpu.memory_space<vmem>>
      %dma_start3A_303 = arith.constant 0 : i32
      %dma_start3A_304 = arith.constant 0 : i32
      %dma_start3A_305 = tpu.memref_slice %arg22[%dma_start3A_303, %dma_start3A_304] : memref<10000x32xf32, #tpu.memory_space<vmem_shared>> -> memref<10000x32xf32, #tpu.memory_space<vmem_shared>>
      tpu.enqueue_indirect_dma source(%arg13 : memref<80x32xf32, #tpu.memory_space<vmem>>) target(%dma_start3A_305 : memref<10000x32xf32, #tpu.memory_space<vmem_shared>>) offsets(%dma_start3A_302 : memref<80xi32, #tpu.memory_space<vmem>>) semaphore(%arg34 : memref<!tpu.dma_semaphore, #tpu.memory_space<semaphore_mem>>) {add = true}
      %mul3A_306 = arith.constant 8 : i32
      %mul3A_307 = arith.muli %scan3A_199, %mul3A_306 : i32
      %add3A_308 = arith.constant 4 : i32
      %add3A_309 = arith.addi %mul3A_307, %add3A_308 : i32
      %add3A_310 = arith.constant 6 : i32
      %add3A_311 = arith.addi %add3A_309, %add3A_310 : i32
      %lt3A_312 = arith.constant 250 : i32
      %lt3A_313 = arith.cmpi slt, %add3A_311, %lt3A_312 : i32
      %convert_element_type3A_314 = arith.extui %lt3A_313 : i1 to i32
      %cond3A_315 = arith.constant 0 : i32
      %cond3A_316 = arith.cmpi ne, %convert_element_type3A_314, %cond3A_315 : i32
      scf.if %cond3A_316 {
        %add3A_414 = arith.constant 6 : i32
        %add3A_415 = arith.addi %add3A_309, %add3A_414 : i32
        %ge3A = arith.constant 8 : i32
        %ge3A_416 = arith.cmpi sge, %add3A_415, %ge3A : i32
        %convert_element_type3A_417 = arith.extui %ge3A_416 : i1 to i32
        %cond3A_418 = arith.constant 0 : i32
        %cond3A_419 = arith.cmpi ne, %convert_element_type3A_417, %cond3A_418 : i32
        scf.if %cond3A_419 {
          %add3A_432 = arith.constant 6 : i32
          %add3A_433 = arith.addi %add3A_309, %add3A_432 : i32
          %sub3A = arith.constant 8 : i32
          %sub3A_434 = arith.subi %add3A_433, %sub3A : i32
          %dma_wait3A_435 = arith.constant 0 : i32
          %dma_wait3A_436 = tpu.memref_slice %arg9[%sub3A_434, %dma_wait3A_435] : memref<250x80xi32, #tpu.memory_space<vmem>> -> memref<1x80xi32, #tpu.memory_space<vmem>>
          %dma_wait3A_437 = tpu.memref_squeeze %dma_wait3A_436 : memref<1x80xi32, #tpu.memory_space<vmem>> -> memref<80xi32, #tpu.memory_space<vmem>>
          %dma_wait3A_438 = arith.constant 0 : i32
          %dma_wait3A_439 = arith.constant 0 : i32
          %dma_wait3A_440 = tpu.memref_slice %arg22[%dma_wait3A_438, %dma_wait3A_439] : memref<10000x32xf32, #tpu.memory_space<vmem_shared>> -> memref<10000x32xf32, #tpu.memory_space<vmem_shared>>
          tpu.wait_indirect_dma semaphore(%arg33 : memref<!tpu.dma_semaphore, #tpu.memory_space<semaphore_mem>>) src(%arg12 : memref<80x32xf32, #tpu.memory_space<vmem>>) dst(%dma_wait3A_440 : memref<10000x32xf32, #tpu.memory_space<vmem_shared>>)
        } else {
        }
        %add3A_420 = arith.constant 6 : i32
        %add3A_421 = arith.addi %add3A_309, %add3A_420 : i32
        %dma_start3A_422 = arith.constant 0 : i32
        %dma_start3A_423 = tpu.memref_slice %arg8[%add3A_421, %dma_start3A_422] : memref<250x80xi32, #tpu.memory_space<vmem>> -> memref<1x80xi32, #tpu.memory_space<vmem>>
        %dma_start3A_424 = tpu.memref_squeeze %dma_start3A_423 : memref<1x80xi32, #tpu.memory_space<vmem>> -> memref<80xi32, #tpu.memory_space<vmem>>
        %dma_start3A_425 = arith.constant 0 : i32
        %dma_start3A_426 = arith.constant 0 : i32
        %dma_start3A_427 = tpu.memref_slice %arg2[%arg0, %dma_start3A_425, %dma_start3A_426] : memref<2x10000x32xf32, #tpu.memory_space<hbm>> -> memref<1x10000x32xf32, #tpu.memory_space<hbm>>
        %dma_start3A_428 = tpu.memref_squeeze %dma_start3A_427 : memref<1x10000x32xf32, #tpu.memory_space<hbm>> -> memref<10000x32xf32, #tpu.memory_space<hbm>>
        %dma_start3A_429 = arith.constant 0 : i32
        %dma_start3A_430 = arith.constant 0 : i32
        %dma_start3A_431 = tpu.memref_slice %dma_start3A_428[%dma_start3A_429, %dma_start3A_430] : memref<10000x32xf32, #tpu.memory_space<hbm>> -> memref<10000x32xf32, #tpu.memory_space<hbm>>
        tpu.enqueue_indirect_dma source(%dma_start3A_431 : memref<10000x32xf32, #tpu.memory_space<hbm>>) target(%arg12 : memref<80x32xf32, #tpu.memory_space<vmem>>) offsets(%dma_start3A_424 : memref<80xi32, #tpu.memory_space<vmem>>) semaphore(%arg25 : memref<!tpu.dma_semaphore, #tpu.memory_space<semaphore_mem>>)
      } else {
      }
      %dma_wait3A_317 = arith.constant 0 : i32
      %dma_wait3A_318 = tpu.memref_slice %arg8[%add3A_309, %dma_wait3A_317] : memref<250x80xi32, #tpu.memory_space<vmem>> -> memref<1x80xi32, #tpu.memory_space<vmem>>
      %dma_wait3A_319 = tpu.memref_squeeze %dma_wait3A_318 : memref<1x80xi32, #tpu.memory_space<vmem>> -> memref<80xi32, #tpu.memory_space<vmem>>
      %dma_wait3A_320 = arith.constant 0 : i32
      %dma_wait3A_321 = arith.constant 0 : i32
      %dma_wait3A_322 = tpu.memref_slice %arg2[%arg0, %dma_wait3A_320, %dma_wait3A_321] : memref<2x10000x32xf32, #tpu.memory_space<hbm>> -> memref<1x10000x32xf32, #tpu.memory_space<hbm>>
      %dma_wait3A_323 = tpu.memref_squeeze %dma_wait3A_322 : memref<1x10000x32xf32, #tpu.memory_space<hbm>> -> memref<10000x32xf32, #tpu.memory_space<hbm>>
      %dma_wait3A_324 = arith.constant 0 : i32
      %dma_wait3A_325 = arith.constant 0 : i32
      %dma_wait3A_326 = tpu.memref_slice %dma_wait3A_323[%dma_wait3A_324, %dma_wait3A_325] : memref<10000x32xf32, #tpu.memory_space<hbm>> -> memref<10000x32xf32, #tpu.memory_space<hbm>>
      tpu.wait_indirect_dma semaphore(%arg27 : memref<!tpu.dma_semaphore, #tpu.memory_space<semaphore_mem>>) src(%dma_wait3A_326 : memref<10000x32xf32, #tpu.memory_space<hbm>>) dst(%arg14 : memref<80x32xf32, #tpu.memory_space<vmem>>)
      %dma_start3A_327 = arith.constant 0 : i32
      %dma_start3A_328 = tpu.memref_slice %arg9[%add3A_309, %dma_start3A_327] : memref<250x80xi32, #tpu.memory_space<vmem>> -> memref<1x80xi32, #tpu.memory_space<vmem>>
      %dma_start3A_329 = tpu.memref_squeeze %dma_start3A_328 : memref<1x80xi32, #tpu.memory_space<vmem>> -> memref<80xi32, #tpu.memory_space<vmem>>
      %dma_start3A_330 = arith.constant 0 : i32
      %dma_start3A_331 = arith.constant 0 : i32
      %dma_start3A_332 = tpu.memref_slice %arg22[%dma_start3A_330, %dma_start3A_331] : memref<10000x32xf32, #tpu.memory_space<vmem_shared>> -> memref<10000x32xf32, #tpu.memory_space<vmem_shared>>
      tpu.enqueue_indirect_dma source(%arg14 : memref<80x32xf32, #tpu.memory_space<vmem>>) target(%dma_start3A_332 : memref<10000x32xf32, #tpu.memory_space<vmem_shared>>) offsets(%dma_start3A_329 : memref<80xi32, #tpu.memory_space<vmem>>) semaphore(%arg35 : memref<!tpu.dma_semaphore, #tpu.memory_space<semaphore_mem>>) {add = true}
      %mul3A_333 = arith.constant 8 : i32
      %mul3A_334 = arith.muli %scan3A_199, %mul3A_333 : i32
      %add3A_335 = arith.constant 5 : i32
      %add3A_336 = arith.addi %mul3A_334, %add3A_335 : i32
      %add3A_337 = arith.constant 6 : i32
      %add3A_338 = arith.addi %add3A_336, %add3A_337 : i32
      %lt3A_339 = arith.constant 250 : i32
      %lt3A_340 = arith.cmpi slt, %add3A_338, %lt3A_339 : i32
      %convert_element_type3A_341 = arith.extui %lt3A_340 : i1 to i32
      %cond3A_342 = arith.constant 0 : i32
      %cond3A_343 = arith.cmpi ne, %convert_element_type3A_341, %cond3A_342 : i32
      scf.if %cond3A_343 {
        %add3A_414 = arith.constant 6 : i32
        %add3A_415 = arith.addi %add3A_336, %add3A_414 : i32
        %ge3A = arith.constant 8 : i32
        %ge3A_416 = arith.cmpi sge, %add3A_415, %ge3A : i32
        %convert_element_type3A_417 = arith.extui %ge3A_416 : i1 to i32
        %cond3A_418 = arith.constant 0 : i32
        %cond3A_419 = arith.cmpi ne, %convert_element_type3A_417, %cond3A_418 : i32
        scf.if %cond3A_419 {
          %add3A_432 = arith.constant 6 : i32
          %add3A_433 = arith.addi %add3A_336, %add3A_432 : i32
          %sub3A = arith.constant 8 : i32
          %sub3A_434 = arith.subi %add3A_433, %sub3A : i32
          %dma_wait3A_435 = arith.constant 0 : i32
          %dma_wait3A_436 = tpu.memref_slice %arg9[%sub3A_434, %dma_wait3A_435] : memref<250x80xi32, #tpu.memory_space<vmem>> -> memref<1x80xi32, #tpu.memory_space<vmem>>
          %dma_wait3A_437 = tpu.memref_squeeze %dma_wait3A_436 : memref<1x80xi32, #tpu.memory_space<vmem>> -> memref<80xi32, #tpu.memory_space<vmem>>
          %dma_wait3A_438 = arith.constant 0 : i32
          %dma_wait3A_439 = arith.constant 0 : i32
          %dma_wait3A_440 = tpu.memref_slice %arg22[%dma_wait3A_438, %dma_wait3A_439] : memref<10000x32xf32, #tpu.memory_space<vmem_shared>> -> memref<10000x32xf32, #tpu.memory_space<vmem_shared>>
          tpu.wait_indirect_dma semaphore(%arg34 : memref<!tpu.dma_semaphore, #tpu.memory_space<semaphore_mem>>) src(%arg13 : memref<80x32xf32, #tpu.memory_space<vmem>>) dst(%dma_wait3A_440 : memref<10000x32xf32, #tpu.memory_space<vmem_shared>>)
        } else {
        }
        %add3A_420 = arith.constant 6 : i32
        %add3A_421 = arith.addi %add3A_336, %add3A_420 : i32
        %dma_start3A_422 = arith.constant 0 : i32
        %dma_start3A_423 = tpu.memref_slice %arg8[%add3A_421, %dma_start3A_422] : memref<250x80xi32, #tpu.memory_space<vmem>> -> memref<1x80xi32, #tpu.memory_space<vmem>>
        %dma_start3A_424 = tpu.memref_squeeze %dma_start3A_423 : memref<1x80xi32, #tpu.memory_space<vmem>> -> memref<80xi32, #tpu.memory_space<vmem>>
        %dma_start3A_425 = arith.constant 0 : i32
        %dma_start3A_426 = arith.constant 0 : i32
        %dma_start3A_427 = tpu.memref_slice %arg2[%arg0, %dma_start3A_425, %dma_start3A_426] : memref<2x10000x32xf32, #tpu.memory_space<hbm>> -> memref<1x10000x32xf32, #tpu.memory_space<hbm>>
        %dma_start3A_428 = tpu.memref_squeeze %dma_start3A_427 : memref<1x10000x32xf32, #tpu.memory_space<hbm>> -> memref<10000x32xf32, #tpu.memory_space<hbm>>
        %dma_start3A_429 = arith.constant 0 : i32
        %dma_start3A_430 = arith.constant 0 : i32
        %dma_start3A_431 = tpu.memref_slice %dma_start3A_428[%dma_start3A_429, %dma_start3A_430] : memref<10000x32xf32, #tpu.memory_space<hbm>> -> memref<10000x32xf32, #tpu.memory_space<hbm>>
        tpu.enqueue_indirect_dma source(%dma_start3A_431 : memref<10000x32xf32, #tpu.memory_space<hbm>>) target(%arg13 : memref<80x32xf32, #tpu.memory_space<vmem>>) offsets(%dma_start3A_424 : memref<80xi32, #tpu.memory_space<vmem>>) semaphore(%arg26 : memref<!tpu.dma_semaphore, #tpu.memory_space<semaphore_mem>>)
      } else {
      }
      %dma_wait3A_344 = arith.constant 0 : i32
      %dma_wait3A_345 = tpu.memref_slice %arg8[%add3A_336, %dma_wait3A_344] : memref<250x80xi32, #tpu.memory_space<vmem>> -> memref<1x80xi32, #tpu.memory_space<vmem>>
      %dma_wait3A_346 = tpu.memref_squeeze %dma_wait3A_345 : memref<1x80xi32, #tpu.memory_space<vmem>> -> memref<80xi32, #tpu.memory_space<vmem>>
      %dma_wait3A_347 = arith.constant 0 : i32
      %dma_wait3A_348 = arith.constant 0 : i32
      %dma_wait3A_349 = tpu.memref_slice %arg2[%arg0, %dma_wait3A_347, %dma_wait3A_348] : memref<2x10000x32xf32, #tpu.memory_space<hbm>> -> memref<1x10000x32xf32, #tpu.memory_space<hbm>>
      %dma_wait3A_350 = tpu.memref_squeeze %dma_wait3A_349 : memref<1x10000x32xf32, #tpu.memory_space<hbm>> -> memref<10000x32xf32, #tpu.memory_space<hbm>>
      %dma_wait3A_351 = arith.constant 0 : i32
      %dma_wait3A_352 = arith.constant 0 : i32
      %dma_wait3A_353 = tpu.memref_slice %dma_wait3A_350[%dma_wait3A_351, %dma_wait3A_352] : memref<10000x32xf32, #tpu.memory_space<hbm>> -> memref<10000x32xf32, #tpu.memory_space<hbm>>
      tpu.wait_indirect_dma semaphore(%arg28 : memref<!tpu.dma_semaphore, #tpu.memory_space<semaphore_mem>>) src(%dma_wait3A_353 : memref<10000x32xf32, #tpu.memory_space<hbm>>) dst(%arg15 : memref<80x32xf32, #tpu.memory_space<vmem>>)
      %dma_start3A_354 = arith.constant 0 : i32
      %dma_start3A_355 = tpu.memref_slice %arg9[%add3A_336, %dma_start3A_354] : memref<250x80xi32, #tpu.memory_space<vmem>> -> memref<1x80xi32, #tpu.memory_space<vmem>>
      %dma_start3A_356 = tpu.memref_squeeze %dma_start3A_355 : memref<1x80xi32, #tpu.memory_space<vmem>> -> memref<80xi32, #tpu.memory_space<vmem>>
      %dma_start3A_357 = arith.constant 0 : i32
      %dma_start3A_358 = arith.constant 0 : i32
      %dma_start3A_359 = tpu.memref_slice %arg22[%dma_start3A_357, %dma_start3A_358] : memref<10000x32xf32, #tpu.memory_space<vmem_shared>> -> memref<10000x32xf32, #tpu.memory_space<vmem_shared>>
      tpu.enqueue_indirect_dma source(%arg15 : memref<80x32xf32, #tpu.memory_space<vmem>>) target(%dma_start3A_359 : memref<10000x32xf32, #tpu.memory_space<vmem_shared>>) offsets(%dma_start3A_356 : memref<80xi32, #tpu.memory_space<vmem>>) semaphore(%arg36 : memref<!tpu.dma_semaphore, #tpu.memory_space<semaphore_mem>>) {add = true}
      %mul3A_360 = arith.constant 8 : i32
      %mul3A_361 = arith.muli %scan3A_199, %mul3A_360 : i32
      %add3A_362 = arith.constant 6 : i32
      %add3A_363 = arith.addi %mul3A_361, %add3A_362 : i32
      %add3A_364 = arith.constant 6 : i32
      %add3A_365 = arith.addi %add3A_363, %add3A_364 : i32
      %lt3A_366 = arith.constant 250 : i32
      %lt3A_367 = arith.cmpi slt, %add3A_365, %lt3A_366 : i32
      %convert_element_type3A_368 = arith.extui %lt3A_367 : i1 to i32
      %cond3A_369 = arith.constant 0 : i32
      %cond3A_370 = arith.cmpi ne, %convert_element_type3A_368, %cond3A_369 : i32
      scf.if %cond3A_370 {
        %add3A_414 = arith.constant 6 : i32
        %add3A_415 = arith.addi %add3A_363, %add3A_414 : i32
        %ge3A = arith.constant 8 : i32
        %ge3A_416 = arith.cmpi sge, %add3A_415, %ge3A : i32
        %convert_element_type3A_417 = arith.extui %ge3A_416 : i1 to i32
        %cond3A_418 = arith.constant 0 : i32
        %cond3A_419 = arith.cmpi ne, %convert_element_type3A_417, %cond3A_418 : i32
        scf.if %cond3A_419 {
          %add3A_432 = arith.constant 6 : i32
          %add3A_433 = arith.addi %add3A_363, %add3A_432 : i32
          %sub3A = arith.constant 8 : i32
          %sub3A_434 = arith.subi %add3A_433, %sub3A : i32
          %dma_wait3A_435 = arith.constant 0 : i32
          %dma_wait3A_436 = tpu.memref_slice %arg9[%sub3A_434, %dma_wait3A_435] : memref<250x80xi32, #tpu.memory_space<vmem>> -> memref<1x80xi32, #tpu.memory_space<vmem>>
          %dma_wait3A_437 = tpu.memref_squeeze %dma_wait3A_436 : memref<1x80xi32, #tpu.memory_space<vmem>> -> memref<80xi32, #tpu.memory_space<vmem>>
          %dma_wait3A_438 = arith.constant 0 : i32
          %dma_wait3A_439 = arith.constant 0 : i32
          %dma_wait3A_440 = tpu.memref_slice %arg22[%dma_wait3A_438, %dma_wait3A_439] : memref<10000x32xf32, #tpu.memory_space<vmem_shared>> -> memref<10000x32xf32, #tpu.memory_space<vmem_shared>>
          tpu.wait_indirect_dma semaphore(%arg35 : memref<!tpu.dma_semaphore, #tpu.memory_space<semaphore_mem>>) src(%arg14 : memref<80x32xf32, #tpu.memory_space<vmem>>) dst(%dma_wait3A_440 : memref<10000x32xf32, #tpu.memory_space<vmem_shared>>)
        } else {
        }
        %add3A_420 = arith.constant 6 : i32
        %add3A_421 = arith.addi %add3A_363, %add3A_420 : i32
        %dma_start3A_422 = arith.constant 0 : i32
        %dma_start3A_423 = tpu.memref_slice %arg8[%add3A_421, %dma_start3A_422] : memref<250x80xi32, #tpu.memory_space<vmem>> -> memref<1x80xi32, #tpu.memory_space<vmem>>
        %dma_start3A_424 = tpu.memref_squeeze %dma_start3A_423 : memref<1x80xi32, #tpu.memory_space<vmem>> -> memref<80xi32, #tpu.memory_space<vmem>>
        %dma_start3A_425 = arith.constant 0 : i32
        %dma_start3A_426 = arith.constant 0 : i32
        %dma_start3A_427 = tpu.memref_slice %arg2[%arg0, %dma_start3A_425, %dma_start3A_426] : memref<2x10000x32xf32, #tpu.memory_space<hbm>> -> memref<1x10000x32xf32, #tpu.memory_space<hbm>>
        %dma_start3A_428 = tpu.memref_squeeze %dma_start3A_427 : memref<1x10000x32xf32, #tpu.memory_space<hbm>> -> memref<10000x32xf32, #tpu.memory_space<hbm>>
        %dma_start3A_429 = arith.constant 0 : i32
        %dma_start3A_430 = arith.constant 0 : i32
        %dma_start3A_431 = tpu.memref_slice %dma_start3A_428[%dma_start3A_429, %dma_start3A_430] : memref<10000x32xf32, #tpu.memory_space<hbm>> -> memref<10000x32xf32, #tpu.memory_space<hbm>>
        tpu.enqueue_indirect_dma source(%dma_start3A_431 : memref<10000x32xf32, #tpu.memory_space<hbm>>) target(%arg14 : memref<80x32xf32, #tpu.memory_space<vmem>>) offsets(%dma_start3A_424 : memref<80xi32, #tpu.memory_space<vmem>>) semaphore(%arg27 : memref<!tpu.dma_semaphore, #tpu.memory_space<semaphore_mem>>)
      } else {
      }
      %dma_wait3A_371 = arith.constant 0 : i32
      %dma_wait3A_372 = tpu.memref_slice %arg8[%add3A_363, %dma_wait3A_371] : memref<250x80xi32, #tpu.memory_space<vmem>> -> memref<1x80xi32, #tpu.memory_space<vmem>>
      %dma_wait3A_373 = tpu.memref_squeeze %dma_wait3A_372 : memref<1x80xi32, #tpu.memory_space<vmem>> -> memref<80xi32, #tpu.memory_space<vmem>>
      %dma_wait3A_374 = arith.constant 0 : i32
      %dma_wait3A_375 = arith.constant 0 : i32
      %dma_wait3A_376 = tpu.memref_slice %arg2[%arg0, %dma_wait3A_374, %dma_wait3A_375] : memref<2x10000x32xf32, #tpu.memory_space<hbm>> -> memref<1x10000x32xf32, #tpu.memory_space<hbm>>
      %dma_wait3A_377 = tpu.memref_squeeze %dma_wait3A_376 : memref<1x10000x32xf32, #tpu.memory_space<hbm>> -> memref<10000x32xf32, #tpu.memory_space<hbm>>
      %dma_wait3A_378 = arith.constant 0 : i32
      %dma_wait3A_379 = arith.constant 0 : i32
      %dma_wait3A_380 = tpu.memref_slice %dma_wait3A_377[%dma_wait3A_378, %dma_wait3A_379] : memref<10000x32xf32, #tpu.memory_space<hbm>> -> memref<10000x32xf32, #tpu.memory_space<hbm>>
      tpu.wait_indirect_dma semaphore(%arg29 : memref<!tpu.dma_semaphore, #tpu.memory_space<semaphore_mem>>) src(%dma_wait3A_380 : memref<10000x32xf32, #tpu.memory_space<hbm>>) dst(%arg16 : memref<80x32xf32, #tpu.memory_space<vmem>>)
      %dma_start3A_381 = arith.constant 0 : i32
      %dma_start3A_382 = tpu.memref_slice %arg9[%add3A_363, %dma_start3A_381] : memref<250x80xi32, #tpu.memory_space<vmem>> -> memref<1x80xi32, #tpu.memory_space<vmem>>
      %dma_start3A_383 = tpu.memref_squeeze %dma_start3A_382 : memref<1x80xi32, #tpu.memory_space<vmem>> -> memref<80xi32, #tpu.memory_space<vmem>>
      %dma_start3A_384 = arith.constant 0 : i32
      %dma_start3A_385 = arith.constant 0 : i32
      %dma_start3A_386 = tpu.memref_slice %arg22[%dma_start3A_384, %dma_start3A_385] : memref<10000x32xf32, #tpu.memory_space<vmem_shared>> -> memref<10000x32xf32, #tpu.memory_space<vmem_shared>>
      tpu.enqueue_indirect_dma source(%arg16 : memref<80x32xf32, #tpu.memory_space<vmem>>) target(%dma_start3A_386 : memref<10000x32xf32, #tpu.memory_space<vmem_shared>>) offsets(%dma_start3A_383 : memref<80xi32, #tpu.memory_space<vmem>>) semaphore(%arg37 : memref<!tpu.dma_semaphore, #tpu.memory_space<semaphore_mem>>) {add = true}
      %mul3A_387 = arith.constant 8 : i32
      %mul3A_388 = arith.muli %scan3A_199, %mul3A_387 : i32
      %add3A_389 = arith.constant 7 : i32
      %add3A_390 = arith.addi %mul3A_388, %add3A_389 : i32
      %add3A_391 = arith.constant 6 : i32
      %add3A_392 = arith.addi %add3A_390, %add3A_391 : i32
      %lt3A_393 = arith.constant 250 : i32
      %lt3A_394 = arith.cmpi slt, %add3A_392, %lt3A_393 : i32
      %convert_element_type3A_395 = arith.extui %lt3A_394 : i1 to i32
      %cond3A_396 = arith.constant 0 : i32
      %cond3A_397 = arith.cmpi ne, %convert_element_type3A_395, %cond3A_396 : i32
      scf.if %cond3A_397 {
        %add3A_414 = arith.constant 6 : i32
        %add3A_415 = arith.addi %add3A_390, %add3A_414 : i32
        %ge3A = arith.constant 8 : i32
        %ge3A_416 = arith.cmpi sge, %add3A_415, %ge3A : i32
        %convert_element_type3A_417 = arith.extui %ge3A_416 : i1 to i32
        %cond3A_418 = arith.constant 0 : i32
        %cond3A_419 = arith.cmpi ne, %convert_element_type3A_417, %cond3A_418 : i32
        scf.if %cond3A_419 {
          %add3A_432 = arith.constant 6 : i32
          %add3A_433 = arith.addi %add3A_390, %add3A_432 : i32
          %sub3A = arith.constant 8 : i32
          %sub3A_434 = arith.subi %add3A_433, %sub3A : i32
          %dma_wait3A_435 = arith.constant 0 : i32
          %dma_wait3A_436 = tpu.memref_slice %arg9[%sub3A_434, %dma_wait3A_435] : memref<250x80xi32, #tpu.memory_space<vmem>> -> memref<1x80xi32, #tpu.memory_space<vmem>>
          %dma_wait3A_437 = tpu.memref_squeeze %dma_wait3A_436 : memref<1x80xi32, #tpu.memory_space<vmem>> -> memref<80xi32, #tpu.memory_space<vmem>>
          %dma_wait3A_438 = arith.constant 0 : i32
          %dma_wait3A_439 = arith.constant 0 : i32
          %dma_wait3A_440 = tpu.memref_slice %arg22[%dma_wait3A_438, %dma_wait3A_439] : memref<10000x32xf32, #tpu.memory_space<vmem_shared>> -> memref<10000x32xf32, #tpu.memory_space<vmem_shared>>
          tpu.wait_indirect_dma semaphore(%arg36 : memref<!tpu.dma_semaphore, #tpu.memory_space<semaphore_mem>>) src(%arg15 : memref<80x32xf32, #tpu.memory_space<vmem>>) dst(%dma_wait3A_440 : memref<10000x32xf32, #tpu.memory_space<vmem_shared>>)
        } else {
        }
        %add3A_420 = arith.constant 6 : i32
        %add3A_421 = arith.addi %add3A_390, %add3A_420 : i32
        %dma_start3A_422 = arith.constant 0 : i32
        %dma_start3A_423 = tpu.memref_slice %arg8[%add3A_421, %dma_start3A_422] : memref<250x80xi32, #tpu.memory_space<vmem>> -> memref<1x80xi32, #tpu.memory_space<vmem>>
        %dma_start3A_424 = tpu.memref_squeeze %dma_start3A_423 : memref<1x80xi32, #tpu.memory_space<vmem>> -> memref<80xi32, #tpu.memory_space<vmem>>
        %dma_start3A_425 = arith.constant 0 : i32
        %dma_start3A_426 = arith.constant 0 : i32
        %dma_start3A_427 = tpu.memref_slice %arg2[%arg0, %dma_start3A_425, %dma_start3A_426] : memref<2x10000x32xf32, #tpu.memory_space<hbm>> -> memref<1x10000x32xf32, #tpu.memory_space<hbm>>
        %dma_start3A_428 = tpu.memref_squeeze %dma_start3A_427 : memref<1x10000x32xf32, #tpu.memory_space<hbm>> -> memref<10000x32xf32, #tpu.memory_space<hbm>>
        %dma_start3A_429 = arith.constant 0 : i32
        %dma_start3A_430 = arith.constant 0 : i32
        %dma_start3A_431 = tpu.memref_slice %dma_start3A_428[%dma_start3A_429, %dma_start3A_430] : memref<10000x32xf32, #tpu.memory_space<hbm>> -> memref<10000x32xf32, #tpu.memory_space<hbm>>
        tpu.enqueue_indirect_dma source(%dma_start3A_431 : memref<10000x32xf32, #tpu.memory_space<hbm>>) target(%arg15 : memref<80x32xf32, #tpu.memory_space<vmem>>) offsets(%dma_start3A_424 : memref<80xi32, #tpu.memory_space<vmem>>) semaphore(%arg28 : memref<!tpu.dma_semaphore, #tpu.memory_space<semaphore_mem>>)
      } else {
      }
      %dma_wait3A_398 = arith.constant 0 : i32
      %dma_wait3A_399 = tpu.memref_slice %arg8[%add3A_390, %dma_wait3A_398] : memref<250x80xi32, #tpu.memory_space<vmem>> -> memref<1x80xi32, #tpu.memory_space<vmem>>
      %dma_wait3A_400 = tpu.memref_squeeze %dma_wait3A_399 : memref<1x80xi32, #tpu.memory_space<vmem>> -> memref<80xi32, #tpu.memory_space<vmem>>
      %dma_wait3A_401 = arith.constant 0 : i32
      %dma_wait3A_402 = arith.constant 0 : i32
      %dma_wait3A_403 = tpu.memref_slice %arg2[%arg0, %dma_wait3A_401, %dma_wait3A_402] : memref<2x10000x32xf32, #tpu.memory_space<hbm>> -> memref<1x10000x32xf32, #tpu.memory_space<hbm>>
      %dma_wait3A_404 = tpu.memref_squeeze %dma_wait3A_403 : memref<1x10000x32xf32, #tpu.memory_space<hbm>> -> memref<10000x32xf32, #tpu.memory_space<hbm>>
      %dma_wait3A_405 = arith.constant 0 : i32
      %dma_wait3A_406 = arith.constant 0 : i32
      %dma_wait3A_407 = tpu.memref_slice %dma_wait3A_404[%dma_wait3A_405, %dma_wait3A_406] : memref<10000x32xf32, #tpu.memory_space<hbm>> -> memref<10000x32xf32, #tpu.memory_space<hbm>>
      tpu.wait_indirect_dma semaphore(%arg30 : memref<!tpu.dma_semaphore, #tpu.memory_space<semaphore_mem>>) src(%dma_wait3A_407 : memref<10000x32xf32, #tpu.memory_space<hbm>>) dst(%arg17 : memref<80x32xf32, #tpu.memory_space<vmem>>)
      %dma_start3A_408 = arith.constant 0 : i32
      %dma_start3A_409 = tpu.memref_slice %arg9[%add3A_390, %dma_start3A_408] : memref<250x80xi32, #tpu.memory_space<vmem>> -> memref<1x80xi32, #tpu.memory_space<vmem>>
      %dma_start3A_410 = tpu.memref_squeeze %dma_start3A_409 : memref<1x80xi32, #tpu.memory_space<vmem>> -> memref<80xi32, #tpu.memory_space<vmem>>
      %dma_start3A_411 = arith.constant 0 : i32
      %dma_start3A_412 = arith.constant 0 : i32
      %dma_start3A_413 = tpu.memref_slice %arg22[%dma_start3A_411, %dma_start3A_412] : memref<10000x32xf32, #tpu.memory_space<vmem_shared>> -> memref<10000x32xf32, #tpu.memory_space<vmem_shared>>
      tpu.enqueue_indirect_dma source(%arg17 : memref<80x32xf32, #tpu.memory_space<vmem>>) target(%dma_start3A_413 : memref<10000x32xf32, #tpu.memory_space<vmem_shared>>) offsets(%dma_start3A_410 : memref<80xi32, #tpu.memory_space<vmem>>) semaphore(%arg38 : memref<!tpu.dma_semaphore, #tpu.memory_space<semaphore_mem>>) {add = true}
    }
    %scan3A_81 = arith.constant 31 : i32
    %dma_wait3A = arith.constant 248 : i32
    %dma_wait3A_82 = arith.constant 0 : i32
    %dma_wait3A_83 = tpu.memref_slice %arg8[%dma_wait3A, %dma_wait3A_82] : memref<250x80xi32, #tpu.memory_space<vmem>> -> memref<1x80xi32, #tpu.memory_space<vmem>>
    %dma_wait3A_84 = tpu.memref_squeeze %dma_wait3A_83 : memref<1x80xi32, #tpu.memory_space<vmem>> -> memref<80xi32, #tpu.memory_space<vmem>>
    %dma_wait3A_85 = arith.constant 0 : i32
    %dma_wait3A_86 = arith.constant 0 : i32
    %dma_wait3A_87 = tpu.memref_slice %arg2[%arg0, %dma_wait3A_85, %dma_wait3A_86] : memref<2x10000x32xf32, #tpu.memory_space<hbm>> -> memref<1x10000x32xf32, #tpu.memory_space<hbm>>
    %dma_wait3A_88 = tpu.memref_squeeze %dma_wait3A_87 : memref<1x10000x32xf32, #tpu.memory_space<hbm>> -> memref<10000x32xf32, #tpu.memory_space<hbm>>
    %dma_wait3A_89 = arith.constant 0 : i32
    %dma_wait3A_90 = arith.constant 0 : i32
    %dma_wait3A_91 = tpu.memref_slice %dma_wait3A_88[%dma_wait3A_89, %dma_wait3A_90] : memref<10000x32xf32, #tpu.memory_space<hbm>> -> memref<10000x32xf32, #tpu.memory_space<hbm>>
    tpu.wait_indirect_dma semaphore(%arg23 : memref<!tpu.dma_semaphore, #tpu.memory_space<semaphore_mem>>) src(%dma_wait3A_91 : memref<10000x32xf32, #tpu.memory_space<hbm>>) dst(%arg10 : memref<80x32xf32, #tpu.memory_space<vmem>>)
    %dma_start3A_92 = arith.constant 248 : i32
    %dma_start3A_93 = arith.constant 0 : i32
    %dma_start3A_94 = tpu.memref_slice %arg9[%dma_start3A_92, %dma_start3A_93] : memref<250x80xi32, #tpu.memory_space<vmem>> -> memref<1x80xi32, #tpu.memory_space<vmem>>
    %dma_start3A_95 = tpu.memref_squeeze %dma_start3A_94 : memref<1x80xi32, #tpu.memory_space<vmem>> -> memref<80xi32, #tpu.memory_space<vmem>>
    %dma_start3A_96 = arith.constant 0 : i32
    %dma_start3A_97 = arith.constant 0 : i32
    %dma_start3A_98 = tpu.memref_slice %arg22[%dma_start3A_96, %dma_start3A_97] : memref<10000x32xf32, #tpu.memory_space<vmem_shared>> -> memref<10000x32xf32, #tpu.memory_space<vmem_shared>>
    tpu.enqueue_indirect_dma source(%arg10 : memref<80x32xf32, #tpu.memory_space<vmem>>) target(%dma_start3A_98 : memref<10000x32xf32, #tpu.memory_space<vmem_shared>>) offsets(%dma_start3A_95 : memref<80xi32, #tpu.memory_space<vmem>>) semaphore(%arg31 : memref<!tpu.dma_semaphore, #tpu.memory_space<semaphore_mem>>) {add = true}
    %dma_wait3A_99 = arith.constant 249 : i32
    %dma_wait3A_100 = arith.constant 0 : i32
    %dma_wait3A_101 = tpu.memref_slice %arg8[%dma_wait3A_99, %dma_wait3A_100] : memref<250x80xi32, #tpu.memory_space<vmem>> -> memref<1x80xi32, #tpu.memory_space<vmem>>
    %dma_wait3A_102 = tpu.memref_squeeze %dma_wait3A_101 : memref<1x80xi32, #tpu.memory_space<vmem>> -> memref<80xi32, #tpu.memory_space<vmem>>
    %dma_wait3A_103 = arith.constant 0 : i32
    %dma_wait3A_104 = arith.constant 0 : i32
    %dma_wait3A_105 = tpu.memref_slice %arg2[%arg0, %dma_wait3A_103, %dma_wait3A_104] : memref<2x10000x32xf32, #tpu.memory_space<hbm>> -> memref<1x10000x32xf32, #tpu.memory_space<hbm>>
    %dma_wait3A_106 = tpu.memref_squeeze %dma_wait3A_105 : memref<1x10000x32xf32, #tpu.memory_space<hbm>> -> memref<10000x32xf32, #tpu.memory_space<hbm>>
    %dma_wait3A_107 = arith.constant 0 : i32
    %dma_wait3A_108 = arith.constant 0 : i32
    %dma_wait3A_109 = tpu.memref_slice %dma_wait3A_106[%dma_wait3A_107, %dma_wait3A_108] : memref<10000x32xf32, #tpu.memory_space<hbm>> -> memref<10000x32xf32, #tpu.memory_space<hbm>>
    tpu.wait_indirect_dma semaphore(%arg24 : memref<!tpu.dma_semaphore, #tpu.memory_space<semaphore_mem>>) src(%dma_wait3A_109 : memref<10000x32xf32, #tpu.memory_space<hbm>>) dst(%arg11 : memref<80x32xf32, #tpu.memory_space<vmem>>)
    %dma_start3A_110 = arith.constant 249 : i32
    %dma_start3A_111 = arith.constant 0 : i32
    %dma_start3A_112 = tpu.memref_slice %arg9[%dma_start3A_110, %dma_start3A_111] : memref<250x80xi32, #tpu.memory_space<vmem>> -> memref<1x80xi32, #tpu.memory_space<vmem>>
    %dma_start3A_113 = tpu.memref_squeeze %dma_start3A_112 : memref<1x80xi32, #tpu.memory_space<vmem>> -> memref<80xi32, #tpu.memory_space<vmem>>
    %dma_start3A_114 = arith.constant 0 : i32
    %dma_start3A_115 = arith.constant 0 : i32
    %dma_start3A_116 = tpu.memref_slice %arg22[%dma_start3A_114, %dma_start3A_115] : memref<10000x32xf32, #tpu.memory_space<vmem_shared>> -> memref<10000x32xf32, #tpu.memory_space<vmem_shared>>
    tpu.enqueue_indirect_dma source(%arg11 : memref<80x32xf32, #tpu.memory_space<vmem>>) target(%dma_start3A_116 : memref<10000x32xf32, #tpu.memory_space<vmem_shared>>) offsets(%dma_start3A_113 : memref<80xi32, #tpu.memory_space<vmem>>) semaphore(%arg32 : memref<!tpu.dma_semaphore, #tpu.memory_space<semaphore_mem>>) {add = true}
    %dma_wait3A_117 = arith.constant 242 : i32
    %dma_wait3A_118 = arith.constant 0 : i32
    %dma_wait3A_119 = tpu.memref_slice %arg9[%dma_wait3A_117, %dma_wait3A_118] : memref<250x80xi32, #tpu.memory_space<vmem>> -> memref<1x80xi32, #tpu.memory_space<vmem>>
    %dma_wait3A_120 = tpu.memref_squeeze %dma_wait3A_119 : memref<1x80xi32, #tpu.memory_space<vmem>> -> memref<80xi32, #tpu.memory_space<vmem>>
    %dma_wait3A_121 = arith.constant 0 : i32
    %dma_wait3A_122 = arith.constant 0 : i32
    %dma_wait3A_123 = tpu.memref_slice %arg22[%dma_wait3A_121, %dma_wait3A_122] : memref<10000x32xf32, #tpu.memory_space<vmem_shared>> -> memref<10000x32xf32, #tpu.memory_space<vmem_shared>>
    tpu.wait_indirect_dma semaphore(%arg33 : memref<!tpu.dma_semaphore, #tpu.memory_space<semaphore_mem>>) src(%arg12 : memref<80x32xf32, #tpu.memory_space<vmem>>) dst(%dma_wait3A_123 : memref<10000x32xf32, #tpu.memory_space<vmem_shared>>)
    %dma_wait3A_124 = arith.constant 243 : i32
    %dma_wait3A_125 = arith.constant 0 : i32
    %dma_wait3A_126 = tpu.memref_slice %arg9[%dma_wait3A_124, %dma_wait3A_125] : memref<250x80xi32, #tpu.memory_space<vmem>> -> memref<1x80xi32, #tpu.memory_space<vmem>>
    %dma_wait3A_127 = tpu.memref_squeeze %dma_wait3A_126 : memref<1x80xi32, #tpu.memory_space<vmem>> -> memref<80xi32, #tpu.memory_space<vmem>>
    %dma_wait3A_128 = arith.constant 0 : i32
    %dma_wait3A_129 = arith.constant 0 : i32
    %dma_wait3A_130 = tpu.memref_slice %arg22[%dma_wait3A_128, %dma_wait3A_129] : memref<10000x32xf32, #tpu.memory_space<vmem_shared>> -> memref<10000x32xf32, #tpu.memory_space<vmem_shared>>
    tpu.wait_indirect_dma semaphore(%arg34 : memref<!tpu.dma_semaphore, #tpu.memory_space<semaphore_mem>>) src(%arg13 : memref<80x32xf32, #tpu.memory_space<vmem>>) dst(%dma_wait3A_130 : memref<10000x32xf32, #tpu.memory_space<vmem_shared>>)
    %dma_wait3A_131 = arith.constant 244 : i32
    %dma_wait3A_132 = arith.constant 0 : i32
    %dma_wait3A_133 = tpu.memref_slice %arg9[%dma_wait3A_131, %dma_wait3A_132] : memref<250x80xi32, #tpu.memory_space<vmem>> -> memref<1x80xi32, #tpu.memory_space<vmem>>
    %dma_wait3A_134 = tpu.memref_squeeze %dma_wait3A_133 : memref<1x80xi32, #tpu.memory_space<vmem>> -> memref<80xi32, #tpu.memory_space<vmem>>
    %dma_wait3A_135 = arith.constant 0 : i32
    %dma_wait3A_136 = arith.constant 0 : i32
    %dma_wait3A_137 = tpu.memref_slice %arg22[%dma_wait3A_135, %dma_wait3A_136] : memref<10000x32xf32, #tpu.memory_space<vmem_shared>> -> memref<10000x32xf32, #tpu.memory_space<vmem_shared>>
    tpu.wait_indirect_dma semaphore(%arg35 : memref<!tpu.dma_semaphore, #tpu.memory_space<semaphore_mem>>) src(%arg14 : memref<80x32xf32, #tpu.memory_space<vmem>>) dst(%dma_wait3A_137 : memref<10000x32xf32, #tpu.memory_space<vmem_shared>>)
    %dma_wait3A_138 = arith.constant 245 : i32
    %dma_wait3A_139 = arith.constant 0 : i32
    %dma_wait3A_140 = tpu.memref_slice %arg9[%dma_wait3A_138, %dma_wait3A_139] : memref<250x80xi32, #tpu.memory_space<vmem>> -> memref<1x80xi32, #tpu.memory_space<vmem>>
    %dma_wait3A_141 = tpu.memref_squeeze %dma_wait3A_140 : memref<1x80xi32, #tpu.memory_space<vmem>> -> memref<80xi32, #tpu.memory_space<vmem>>
    %dma_wait3A_142 = arith.constant 0 : i32
    %dma_wait3A_143 = arith.constant 0 : i32
    %dma_wait3A_144 = tpu.memref_slice %arg22[%dma_wait3A_142, %dma_wait3A_143] : memref<10000x32xf32, #tpu.memory_space<vmem_shared>> -> memref<10000x32xf32, #tpu.memory_space<vmem_shared>>
    tpu.wait_indirect_dma semaphore(%arg36 : memref<!tpu.dma_semaphore, #tpu.memory_space<semaphore_mem>>) src(%arg15 : memref<80x32xf32, #tpu.memory_space<vmem>>) dst(%dma_wait3A_144 : memref<10000x32xf32, #tpu.memory_space<vmem_shared>>)
    %dma_wait3A_145 = arith.constant 246 : i32
    %dma_wait3A_146 = arith.constant 0 : i32
    %dma_wait3A_147 = tpu.memref_slice %arg9[%dma_wait3A_145, %dma_wait3A_146] : memref<250x80xi32, #tpu.memory_space<vmem>> -> memref<1x80xi32, #tpu.memory_space<vmem>>
    %dma_wait3A_148 = tpu.memref_squeeze %dma_wait3A_147 : memref<1x80xi32, #tpu.memory_space<vmem>> -> memref<80xi32, #tpu.memory_space<vmem>>
    %dma_wait3A_149 = arith.constant 0 : i32
    %dma_wait3A_150 = arith.constant 0 : i32
    %dma_wait3A_151 = tpu.memref_slice %arg22[%dma_wait3A_149, %dma_wait3A_150] : memref<10000x32xf32, #tpu.memory_space<vmem_shared>> -> memref<10000x32xf32, #tpu.memory_space<vmem_shared>>
    tpu.wait_indirect_dma semaphore(%arg37 : memref<!tpu.dma_semaphore, #tpu.memory_space<semaphore_mem>>) src(%arg16 : memref<80x32xf32, #tpu.memory_space<vmem>>) dst(%dma_wait3A_151 : memref<10000x32xf32, #tpu.memory_space<vmem_shared>>)
    %dma_wait3A_152 = arith.constant 247 : i32
    %dma_wait3A_153 = arith.constant 0 : i32
    %dma_wait3A_154 = tpu.memref_slice %arg9[%dma_wait3A_152, %dma_wait3A_153] : memref<250x80xi32, #tpu.memory_space<vmem>> -> memref<1x80xi32, #tpu.memory_space<vmem>>
    %dma_wait3A_155 = tpu.memref_squeeze %dma_wait3A_154 : memref<1x80xi32, #tpu.memory_space<vmem>> -> memref<80xi32, #tpu.memory_space<vmem>>
    %dma_wait3A_156 = arith.constant 0 : i32
    %dma_wait3A_157 = arith.constant 0 : i32
    %dma_wait3A_158 = tpu.memref_slice %arg22[%dma_wait3A_156, %dma_wait3A_157] : memref<10000x32xf32, #tpu.memory_space<vmem_shared>> -> memref<10000x32xf32, #tpu.memory_space<vmem_shared>>
    tpu.wait_indirect_dma semaphore(%arg38 : memref<!tpu.dma_semaphore, #tpu.memory_space<semaphore_mem>>) src(%arg17 : memref<80x32xf32, #tpu.memory_space<vmem>>) dst(%dma_wait3A_158 : memref<10000x32xf32, #tpu.memory_space<vmem_shared>>)
    %dma_wait3A_159 = arith.constant 248 : i32
    %dma_wait3A_160 = arith.constant 0 : i32
    %dma_wait3A_161 = tpu.memref_slice %arg9[%dma_wait3A_159, %dma_wait3A_160] : memref<250x80xi32, #tpu.memory_space<vmem>> -> memref<1x80xi32, #tpu.memory_space<vmem>>
    %dma_wait3A_162 = tpu.memref_squeeze %dma_wait3A_161 : memref<1x80xi32, #tpu.memory_space<vmem>> -> memref<80xi32, #tpu.memory_space<vmem>>
    %dma_wait3A_163 = arith.constant 0 : i32
    %dma_wait3A_164 = arith.constant 0 : i32
    %dma_wait3A_165 = tpu.memref_slice %arg22[%dma_wait3A_163, %dma_wait3A_164] : memref<10000x32xf32, #tpu.memory_space<vmem_shared>> -> memref<10000x32xf32, #tpu.memory_space<vmem_shared>>
    tpu.wait_indirect_dma semaphore(%arg31 : memref<!tpu.dma_semaphore, #tpu.memory_space<semaphore_mem>>) src(%arg10 : memref<80x32xf32, #tpu.memory_space<vmem>>) dst(%dma_wait3A_165 : memref<10000x32xf32, #tpu.memory_space<vmem_shared>>)
    %dma_wait3A_166 = arith.constant 249 : i32
    %dma_wait3A_167 = arith.constant 0 : i32
    %dma_wait3A_168 = tpu.memref_slice %arg9[%dma_wait3A_166, %dma_wait3A_167] : memref<250x80xi32, #tpu.memory_space<vmem>> -> memref<1x80xi32, #tpu.memory_space<vmem>>
    %dma_wait3A_169 = tpu.memref_squeeze %dma_wait3A_168 : memref<1x80xi32, #tpu.memory_space<vmem>> -> memref<80xi32, #tpu.memory_space<vmem>>
    %dma_wait3A_170 = arith.constant 0 : i32
    %dma_wait3A_171 = arith.constant 0 : i32
    %dma_wait3A_172 = tpu.memref_slice %arg22[%dma_wait3A_170, %dma_wait3A_171] : memref<10000x32xf32, #tpu.memory_space<vmem_shared>> -> memref<10000x32xf32, #tpu.memory_space<vmem_shared>>
    tpu.wait_indirect_dma semaphore(%arg32 : memref<!tpu.dma_semaphore, #tpu.memory_space<semaphore_mem>>) src(%arg11 : memref<80x32xf32, #tpu.memory_space<vmem>>) dst(%dma_wait3A_172 : memref<10000x32xf32, #tpu.memory_space<vmem_shared>>)
    %barrier3A_173 = arith.constant 0 : index
    tpu.barrier barrier_id(%barrier3A_173)
    %eq3A_174 = arith.constant 15 : i32
    %eq3A_175 = arith.cmpi eq, %arg1, %eq3A_174 : i32
    %not3A = arith.constant true
    %not3A_176 = arith.xori %eq3A_175, %not3A : i1
    %convert_element_type3A_177 = arith.extui %not3A_176 : i1 to i32
    %cond3A_178 = arith.constant 0 : i32
    %cond3A_179 = arith.cmpi ne, %convert_element_type3A_177, %cond3A_178 : i32
    scf.if %cond3A_179 {
      %mul3A_199 = arith.constant 624 : i32
      %mul3A_200 = arith.muli %arg1, %mul3A_199 : i32
      "tpu.region"() ({
        %run_scoped3A = tpu.sem_alloc : memref<!tpu.dma_semaphore, #tpu.memory_space<semaphore_mem>>
        %dma_start3A_203 = arith.constant 0 : i32
        %dma_start3A_204 = arith.constant 0 : i32
        %dma_start3A_205 = tpu.memref_slice %arg19[%dma_start3A_203, %dma_start3A_204] : memref<640x32xf32, #tpu.memory_space<vmem>> -> memref<624x32xf32, #tpu.memory_space<vmem>>
        %dma_start3A_206 = arith.constant 0 : i32
        %dma_start3A_207 = tpu.memref_slice %arg22[%mul3A_200, %dma_start3A_206] : memref<10000x32xf32, #tpu.memory_space<vmem_shared>> -> memref<624x32xf32, #tpu.memory_space<vmem_shared>>
        %dma_start3A_208 = arith.constant 0 : i32
        %dma_start3A_209 = arith.constant 0 : i32
        %dma_start3A_210 = tpu.memref_slice %arg19[%dma_start3A_208, %dma_start3A_209] : memref<640x32xf32, #tpu.memory_space<vmem>> -> memref<624x32xf32, #tpu.memory_space<vmem>>
        %dma_start3A_211 = arith.constant 0 : i32
        %dma_start3A_212 = tpu.memref_slice %arg22[%mul3A_200, %dma_start3A_211] : memref<10000x32xf32, #tpu.memory_space<vmem_shared>> -> memref<624x32xf32, #tpu.memory_space<vmem_shared>>
        tpu.enqueue_dma source(%dma_start3A_212 : memref<624x32xf32, #tpu.memory_space<vmem_shared>>) target(%dma_start3A_210 : memref<624x32xf32, #tpu.memory_space<vmem>>) target_semaphore(%run_scoped3A : memref<!tpu.dma_semaphore, #tpu.memory_space<semaphore_mem>>)
        %dma_wait3A_213 = arith.constant 0 : i32
        %dma_wait3A_214 = arith.constant 0 : i32
        %dma_wait3A_215 = tpu.memref_slice %arg19[%dma_wait3A_213, %dma_wait3A_214] : memref<640x32xf32, #tpu.memory_space<vmem>> -> memref<624x32xf32, #tpu.memory_space<vmem>>
        %dma_wait3A_216 = arith.constant 0 : i32
        %dma_wait3A_217 = tpu.memref_slice %arg22[%mul3A_200, %dma_wait3A_216] : memref<10000x32xf32, #tpu.memory_space<vmem_shared>> -> memref<624x32xf32, #tpu.memory_space<vmem_shared>>
        %dma_wait3A_218 = arith.constant 0 : i32
        %dma_wait3A_219 = arith.constant 0 : i32
        %dma_wait3A_220 = tpu.memref_slice %arg19[%dma_wait3A_218, %dma_wait3A_219] : memref<640x32xf32, #tpu.memory_space<vmem>> -> memref<624x32xf32, #tpu.memory_space<vmem>>
        %dma_wait3A_221 = arith.constant 0 : i32
        %dma_wait3A_222 = tpu.memref_slice %arg22[%mul3A_200, %dma_wait3A_221] : memref<10000x32xf32, #tpu.memory_space<vmem_shared>> -> memref<624x32xf32, #tpu.memory_space<vmem_shared>>
        tpu.wait_dma2 semaphore(%run_scoped3A : memref<!tpu.dma_semaphore, #tpu.memory_space<semaphore_mem>>) src(%dma_wait3A_222 : memref<624x32xf32, #tpu.memory_space<vmem_shared>>) dst(%dma_wait3A_220 : memref<624x32xf32, #tpu.memory_space<vmem>>)
        tpu.yield
      }) : () -> ()
      %mul3A_201 = arith.constant 624 : i32
      %mul3A_202 = arith.muli %arg1, %mul3A_201 : i32
      "tpu.region"() ({
        %run_scoped3A = tpu.sem_alloc : memref<!tpu.dma_semaphore, #tpu.memory_space<semaphore_mem>>
        %dma_start3A_203 = arith.constant 0 : i32
        %dma_start3A_204 = tpu.memref_slice %arg20[%dma_start3A_203] : memref<656xf32, #tpu.memory_space<vmem>> -> memref<624xf32, #tpu.memory_space<vmem>>
        %dma_start3A_205 = tpu.memref_slice %arg5[%mul3A_202] : memref<10000xf32, #tpu.memory_space<hbm>> -> memref<624xf32, #tpu.memory_space<hbm>>
        %dma_start3A_206 = arith.constant 0 : i32
        %dma_start3A_207 = tpu.memref_slice %arg20[%dma_start3A_206] : memref<656xf32, #tpu.memory_space<vmem>> -> memref<624xf32, #tpu.memory_space<vmem>>
        %dma_start3A_208 = tpu.memref_slice %arg5[%mul3A_202] : memref<10000xf32, #tpu.memory_space<hbm>> -> memref<624xf32, #tpu.memory_space<hbm>>
        tpu.enqueue_dma source(%dma_start3A_208 : memref<624xf32, #tpu.memory_space<hbm>>) target(%dma_start3A_207 : memref<624xf32, #tpu.memory_space<vmem>>) target_semaphore(%run_scoped3A : memref<!tpu.dma_semaphore, #tpu.memory_space<semaphore_mem>>)
        %dma_wait3A_209 = arith.constant 0 : i32
        %dma_wait3A_210 = tpu.memref_slice %arg20[%dma_wait3A_209] : memref<656xf32, #tpu.memory_space<vmem>> -> memref<624xf32, #tpu.memory_space<vmem>>
        %dma_wait3A_211 = tpu.memref_slice %arg5[%mul3A_202] : memref<10000xf32, #tpu.memory_space<hbm>> -> memref<624xf32, #tpu.memory_space<hbm>>
        %dma_wait3A_212 = arith.constant 0 : i32
        %dma_wait3A_213 = tpu.memref_slice %arg20[%dma_wait3A_212] : memref<656xf32, #tpu.memory_space<vmem>> -> memref<624xf32, #tpu.memory_space<vmem>>
        %dma_wait3A_214 = tpu.memref_slice %arg5[%mul3A_202] : memref<10000xf32, #tpu.memory_space<hbm>> -> memref<624xf32, #tpu.memory_space<hbm>>
        tpu.wait_dma2 semaphore(%run_scoped3A : memref<!tpu.dma_semaphore, #tpu.memory_space<semaphore_mem>>) src(%dma_wait3A_214 : memref<624xf32, #tpu.memory_space<hbm>>) dst(%dma_wait3A_213 : memref<624xf32, #tpu.memory_space<vmem>>)
        tpu.yield
      }) : () -> ()
    } else {
    }
    %convert_element_type3A_180 = arith.extui %eq3A_175 : i1 to i32
    %cond3A_181 = arith.constant 0 : i32
    %cond3A_182 = arith.cmpi ne, %convert_element_type3A_180, %cond3A_181 : i32
    scf.if %cond3A_182 {
      "tpu.region"() ({
        %run_scoped3A = tpu.sem_alloc : memref<!tpu.dma_semaphore, #tpu.memory_space<semaphore_mem>>
        %dma_start3A_199 = arith.constant 9360 : i32
        %dma_start3A_200 = arith.constant 0 : i32
        %dma_start3A_201 = tpu.memref_slice %arg22[%dma_start3A_199, %dma_start3A_200] : memref<10000x32xf32, #tpu.memory_space<vmem_shared>> -> memref<640x32xf32, #tpu.memory_space<vmem_shared>>
        %dma_start3A_202 = arith.constant 9360 : i32
        %dma_start3A_203 = arith.constant 0 : i32
        %dma_start3A_204 = tpu.memref_slice %arg22[%dma_start3A_202, %dma_start3A_203] : memref<10000x32xf32, #tpu.memory_space<vmem_shared>> -> memref<640x32xf32, #tpu.memory_space<vmem_shared>>
        tpu.enqueue_dma source(%dma_start3A_204 : memref<640x32xf32, #tpu.memory_space<vmem_shared>>) target(%arg19 : memref<640x32xf32, #tpu.memory_space<vmem>>) target_semaphore(%run_scoped3A : memref<!tpu.dma_semaphore, #tpu.memory_space<semaphore_mem>>)
        %dma_wait3A_205 = arith.constant 9360 : i32
        %dma_wait3A_206 = arith.constant 0 : i32
        %dma_wait3A_207 = tpu.memref_slice %arg22[%dma_wait3A_205, %dma_wait3A_206] : memref<10000x32xf32, #tpu.memory_space<vmem_shared>> -> memref<640x32xf32, #tpu.memory_space<vmem_shared>>
        %dma_wait3A_208 = arith.constant 9360 : i32
        %dma_wait3A_209 = arith.constant 0 : i32
        %dma_wait3A_210 = tpu.memref_slice %arg22[%dma_wait3A_208, %dma_wait3A_209] : memref<10000x32xf32, #tpu.memory_space<vmem_shared>> -> memref<640x32xf32, #tpu.memory_space<vmem_shared>>
        tpu.wait_dma2 semaphore(%run_scoped3A : memref<!tpu.dma_semaphore, #tpu.memory_space<semaphore_mem>>) src(%dma_wait3A_210 : memref<640x32xf32, #tpu.memory_space<vmem_shared>>) dst(%arg19 : memref<640x32xf32, #tpu.memory_space<vmem>>)
        tpu.yield
      }) : () -> ()
      "tpu.region"() ({
        %run_scoped3A = tpu.sem_alloc : memref<!tpu.dma_semaphore, #tpu.memory_space<semaphore_mem>>
        %dma_start3A_199 = arith.constant 0 : i32
        %dma_start3A_200 = tpu.memref_slice %arg20[%dma_start3A_199] : memref<656xf32, #tpu.memory_space<vmem>> -> memref<640xf32, #tpu.memory_space<vmem>>
        %dma_start3A_201 = arith.constant 9360 : i32
        %dma_start3A_202 = tpu.memref_slice %arg5[%dma_start3A_201] : memref<10000xf32, #tpu.memory_space<hbm>> -> memref<640xf32, #tpu.memory_space<hbm>>
        %dma_start3A_203 = arith.constant 0 : i32
        %dma_start3A_204 = tpu.memref_slice %arg20[%dma_start3A_203] : memref<656xf32, #tpu.memory_space<vmem>> -> memref<640xf32, #tpu.memory_space<vmem>>
        %dma_start3A_205 = arith.constant 9360 : i32
        %dma_start3A_206 = tpu.memref_slice %arg5[%dma_start3A_205] : memref<10000xf32, #tpu.memory_space<hbm>> -> memref<640xf32, #tpu.memory_space<hbm>>
        tpu.enqueue_dma source(%dma_start3A_206 : memref<640xf32, #tpu.memory_space<hbm>>) target(%dma_start3A_204 : memref<640xf32, #tpu.memory_space<vmem>>) target_semaphore(%run_scoped3A : memref<!tpu.dma_semaphore, #tpu.memory_space<semaphore_mem>>)
        %dma_wait3A_207 = arith.constant 0 : i32
        %dma_wait3A_208 = tpu.memref_slice %arg20[%dma_wait3A_207] : memref<656xf32, #tpu.memory_space<vmem>> -> memref<640xf32, #tpu.memory_space<vmem>>
        %dma_wait3A_209 = arith.constant 9360 : i32
        %dma_wait3A_210 = tpu.memref_slice %arg5[%dma_wait3A_209] : memref<10000xf32, #tpu.memory_space<hbm>> -> memref<640xf32, #tpu.memory_space<hbm>>
        %dma_wait3A_211 = arith.constant 0 : i32
        %dma_wait3A_212 = tpu.memref_slice %arg20[%dma_wait3A_211] : memref<656xf32, #tpu.memory_space<vmem>> -> memref<640xf32, #tpu.memory_space<vmem>>
        %dma_wait3A_213 = arith.constant 9360 : i32
        %dma_wait3A_214 = tpu.memref_slice %arg5[%dma_wait3A_213] : memref<10000xf32, #tpu.memory_space<hbm>> -> memref<640xf32, #tpu.memory_space<hbm>>
        tpu.wait_dma2 semaphore(%run_scoped3A : memref<!tpu.dma_semaphore, #tpu.memory_space<semaphore_mem>>) src(%dma_wait3A_214 : memref<640xf32, #tpu.memory_space<hbm>>) dst(%dma_wait3A_212 : memref<640xf32, #tpu.memory_space<vmem>>)
        tpu.yield
      }) : () -> ()
    } else {
    }
    %scan3A_183 = arith.constant 0 : i32
    %scan3A_184 = arith.constant 624 : i32
    %scan3A_185 = arith.addi %scan3A_183, %scan3A_184 : i32
    %scan3A_186 = arith.constant 1 : i32
    scf.for %scan3A_199 = %scan3A_183 to %scan3A_185 step %scan3A_186  : i32 {
      %get3A = arith.index_cast %scan3A_199 : i32 to index
      %get3A_200 = tpu.vector_load %arg20[%get3A] {strides = array<i32>} : memref<656xf32, #tpu.memory_space<vmem>>, vector<16xf32>,
      %get3A_201 = vector.shape_cast %get3A_200 : vector<16xf32> to vector<16xf32>
      %slice3A = vector.extract_strided_slice %get3A_201 {offsets = [0], sizes = [1], strides = [1]} : vector<16xf32> to vector<1xf32>
      %squeeze3A = vector.extract %slice3A[0] : f32 from vector<1xf32>
      %get3A_202 = arith.index_cast %scan3A_199 : i32 to index
      %get3A_203 = arith.constant 0 : index
      %get3A_204 = tpu.vector_load %arg19[%get3A_202, %get3A_203] {strides = array<i32>} : memref<640x32xf32, #tpu.memory_space<vmem>>, vector<1x16xf32>,
      %get3A_205 = vector.shape_cast %get3A_204 : vector<1x16xf32> to vector<16xf32>
      %mul3A_206 = vector.broadcast %squeeze3A : f32 to vector<16xf32>
      %mul3A_207 = arith.mulf %get3A_205, %mul3A_206 : vector<16xf32>
      %get3A_208 = arith.constant 0 : index
      %get3A_209 = tpu.vector_load %arg21[%get3A_208] {strides = array<i32>} : memref<32xf32, #tpu.memory_space<vmem>>, vector<16xf32>,
      %get3A_210 = vector.shape_cast %get3A_209 : vector<16xf32> to vector<16xf32>
      %add3A = arith.addf %mul3A_207, %get3A_210 : vector<16xf32>
      %swap3A = arith.index_cast %scan3A_199 : i32 to index
      %swap3A_211 = arith.constant 0 : index
      %swap3A_212 = tpu.vector_load %arg19[%swap3A, %swap3A_211] {strides = array<i32>} : memref<640x32xf32, #tpu.memory_space<vmem>>, vector<1x16xf32>,
      %swap3A_213 = vector.shape_cast %swap3A_212 : vector<1x16xf32> to vector<16xf32>
      %swap3A_214 = vector.shape_cast %add3A : vector<16xf32> to vector<1x16xf32>
      tpu.vector_store %arg19[%swap3A, %swap3A_211], %swap3A_214 {strides = array<i32>} : memref<640x32xf32, #tpu.memory_space<vmem>>, vector<1x16xf32>,
      %get3A_215 = arith.index_cast %scan3A_199 : i32 to index
      %get3A_216 = arith.constant 16 : index
      %get3A_217 = tpu.vector_load %arg19[%get3A_215, %get3A_216] {strides = array<i32>} : memref<640x32xf32, #tpu.memory_space<vmem>>, vector<1x16xf32>,
      %get3A_218 = vector.shape_cast %get3A_217 : vector<1x16xf32> to vector<16xf32>
      %mul3A_219 = vector.broadcast %squeeze3A : f32 to vector<16xf32>
      %mul3A_220 = arith.mulf %get3A_218, %mul3A_219 : vector<16xf32>
      %get3A_221 = arith.constant 16 : index
      %get3A_222 = tpu.vector_load %arg21[%get3A_221] {strides = array<i32>} : memref<32xf32, #tpu.memory_space<vmem>>, vector<16xf32>,
      %get3A_223 = vector.shape_cast %get3A_222 : vector<16xf32> to vector<16xf32>
      %add3A_224 = arith.addf %mul3A_220, %get3A_223 : vector<16xf32>
      %swap3A_225 = arith.index_cast %scan3A_199 : i32 to index
      %swap3A_226 = arith.constant 16 : index
      %swap3A_227 = tpu.vector_load %arg19[%swap3A_225, %swap3A_226] {strides = array<i32>} : memref<640x32xf32, #tpu.memory_space<vmem>>, vector<1x16xf32>,
      %swap3A_228 = vector.shape_cast %swap3A_227 : vector<1x16xf32> to vector<16xf32>
      %swap3A_229 = vector.shape_cast %add3A_224 : vector<16xf32> to vector<1x16xf32>
      tpu.vector_store %arg19[%swap3A_225, %swap3A_226], %swap3A_229 {strides = array<i32>} : memref<640x32xf32, #tpu.memory_space<vmem>>, vector<1x16xf32>,
    }
    %scan3A_187 = arith.constant 624 : i32
    %convert_element_type3A_188 = arith.extui %eq3A_175 : i1 to i32
    %cond3A_189 = arith.constant 0 : i32
    %cond3A_190 = arith.cmpi ne, %convert_element_type3A_188, %cond3A_189 : i32
    scf.if %cond3A_190 {
      %scan3A_199 = arith.constant 624 : i32
      %scan3A_200 = arith.constant 16 : i32
      %scan3A_201 = arith.addi %scan3A_199, %scan3A_200 : i32
      %scan3A_202 = arith.constant 1 : i32
      scf.for %scan3A_204 = %scan3A_199 to %scan3A_201 step %scan3A_202  : i32 {
        %get3A = arith.index_cast %scan3A_204 : i32 to index
        %get3A_205 = tpu.vector_load %arg20[%get3A] {strides = array<i32>} : memref<656xf32, #tpu.memory_space<vmem>>, vector<16xf32>,
        %get3A_206 = vector.shape_cast %get3A_205 : vector<16xf32> to vector<16xf32>
        %slice3A = vector.extract_strided_slice %get3A_206 {offsets = [0], sizes = [1], strides = [1]} : vector<16xf32> to vector<1xf32>
        %squeeze3A = vector.extract %slice3A[0] : f32 from vector<1xf32>
        %get3A_207 = arith.index_cast %scan3A_204 : i32 to index
        %get3A_208 = arith.constant 0 : index
        %get3A_209 = tpu.vector_load %arg19[%get3A_207, %get3A_208] {strides = array<i32>} : memref<640x32xf32, #tpu.memory_space<vmem>>, vector<1x16xf32>,
        %get3A_210 = vector.shape_cast %get3A_209 : vector<1x16xf32> to vector<16xf32>
        %mul3A_211 = vector.broadcast %squeeze3A : f32 to vector<16xf32>
        %mul3A_212 = arith.mulf %get3A_210, %mul3A_211 : vector<16xf32>
        %get3A_213 = arith.constant 0 : index
        %get3A_214 = tpu.vector_load %arg21[%get3A_213] {strides = array<i32>} : memref<32xf32, #tpu.memory_space<vmem>>, vector<16xf32>,
        %get3A_215 = vector.shape_cast %get3A_214 : vector<16xf32> to vector<16xf32>
        %add3A = arith.addf %mul3A_212, %get3A_215 : vector<16xf32>
        %swap3A = arith.index_cast %scan3A_204 : i32 to index
        %swap3A_216 = arith.constant 0 : index
        %swap3A_217 = tpu.vector_load %arg19[%swap3A, %swap3A_216] {strides = array<i32>} : memref<640x32xf32, #tpu.memory_space<vmem>>, vector<1x16xf32>,
        %swap3A_218 = vector.shape_cast %swap3A_217 : vector<1x16xf32> to vector<16xf32>
        %swap3A_219 = vector.shape_cast %add3A : vector<16xf32> to vector<1x16xf32>
        tpu.vector_store %arg19[%swap3A, %swap3A_216], %swap3A_219 {strides = array<i32>} : memref<640x32xf32, #tpu.memory_space<vmem>>, vector<1x16xf32>,
        %get3A_220 = arith.index_cast %scan3A_204 : i32 to index
        %get3A_221 = arith.constant 16 : index
        %get3A_222 = tpu.vector_load %arg19[%get3A_220, %get3A_221] {strides = array<i32>} : memref<640x32xf32, #tpu.memory_space<vmem>>, vector<1x16xf32>,
        %get3A_223 = vector.shape_cast %get3A_222 : vector<1x16xf32> to vector<16xf32>
        %mul3A_224 = vector.broadcast %squeeze3A : f32 to vector<16xf32>
        %mul3A_225 = arith.mulf %get3A_223, %mul3A_224 : vector<16xf32>
        %get3A_226 = arith.constant 16 : index
        %get3A_227 = tpu.vector_load %arg21[%get3A_226] {strides = array<i32>} : memref<32xf32, #tpu.memory_space<vmem>>, vector<16xf32>,
        %get3A_228 = vector.shape_cast %get3A_227 : vector<16xf32> to vector<16xf32>
        %add3A_229 = arith.addf %mul3A_225, %get3A_228 : vector<16xf32>
        %swap3A_230 = arith.index_cast %scan3A_204 : i32 to index
        %swap3A_231 = arith.constant 16 : index
        %swap3A_232 = tpu.vector_load %arg19[%swap3A_230, %swap3A_231] {strides = array<i32>} : memref<640x32xf32, #tpu.memory_space<vmem>>, vector<1x16xf32>,
        %swap3A_233 = vector.shape_cast %swap3A_232 : vector<1x16xf32> to vector<16xf32>
        %swap3A_234 = vector.shape_cast %add3A_229 : vector<16xf32> to vector<1x16xf32>
        tpu.vector_store %arg19[%swap3A_230, %swap3A_231], %swap3A_234 {strides = array<i32>} : memref<640x32xf32, #tpu.memory_space<vmem>>, vector<1x16xf32>,
      }
      %scan3A_203 = arith.constant 16 : i32
    } else {
    }
    %not3A_191 = arith.constant true
    %not3A_192 = arith.xori %eq3A_175, %not3A_191 : i1
    %convert_element_type3A_193 = arith.extui %not3A_192 : i1 to i32
    %cond3A_194 = arith.constant 0 : i32
    %cond3A_195 = arith.cmpi ne, %convert_element_type3A_193, %cond3A_194 : i32
    scf.if %cond3A_195 {
      %mul3A_199 = arith.constant 624 : i32
      %mul3A_200 = arith.muli %arg1, %mul3A_199 : i32
      %mul3A_201 = arith.constant 32 : i32
      %mul3A_202 = arith.muli %arg0, %mul3A_201 : i32
      "tpu.region"() ({
        %run_scoped3A = tpu.sem_alloc : memref<!tpu.dma_semaphore, #tpu.memory_space<semaphore_mem>>
        %dma_start3A_203 = arith.constant 0 : i32
        %dma_start3A_204 = arith.constant 0 : i32
        %dma_start3A_205 = tpu.memref_slice %arg19[%dma_start3A_203, %dma_start3A_204] : memref<640x32xf32, #tpu.memory_space<vmem>> -> memref<624x32xf32, #tpu.memory_space<vmem>>
        %dma_start3A_206 = tpu.memref_slice %arg7[%mul3A_200, %mul3A_202] : memref<10000x64xf32, #tpu.memory_space<hbm>> -> memref<624x32xf32, #tpu.memory_space<hbm>>
        %dma_start3A_207 = tpu.memref_slice %arg7[%mul3A_200, %mul3A_202] : memref<10000x64xf32, #tpu.memory_space<hbm>> -> memref<624x32xf32, #tpu.memory_space<hbm>>
        %dma_start3A_208 = arith.constant 0 : i32
        %dma_start3A_209 = arith.constant 0 : i32
        %dma_start3A_210 = tpu.memref_slice %arg19[%dma_start3A_208, %dma_start3A_209] : memref<640x32xf32, #tpu.memory_space<vmem>> -> memref<624x32xf32, #tpu.memory_space<vmem>>
        tpu.enqueue_dma source(%dma_start3A_210 : memref<624x32xf32, #tpu.memory_space<vmem>>) target(%dma_start3A_207 : memref<624x32xf32, #tpu.memory_space<hbm>>) target_semaphore(%run_scoped3A : memref<!tpu.dma_semaphore, #tpu.memory_space<semaphore_mem>>)
        %dma_wait3A_211 = arith.constant 0 : i32
        %dma_wait3A_212 = arith.constant 0 : i32
        %dma_wait3A_213 = tpu.memref_slice %arg19[%dma_wait3A_211, %dma_wait3A_212] : memref<640x32xf32, #tpu.memory_space<vmem>> -> memref<624x32xf32, #tpu.memory_space<vmem>>
        %dma_wait3A_214 = tpu.memref_slice %arg7[%mul3A_200, %mul3A_202] : memref<10000x64xf32, #tpu.memory_space<hbm>> -> memref<624x32xf32, #tpu.memory_space<hbm>>
        %dma_wait3A_215 = tpu.memref_slice %arg7[%mul3A_200, %mul3A_202] : memref<10000x64xf32, #tpu.memory_space<hbm>> -> memref<624x32xf32, #tpu.memory_space<hbm>>
        %dma_wait3A_216 = arith.constant 0 : i32
        %dma_wait3A_217 = arith.constant 0 : i32
        %dma_wait3A_218 = tpu.memref_slice %arg19[%dma_wait3A_216, %dma_wait3A_217] : memref<640x32xf32, #tpu.memory_space<vmem>> -> memref<624x32xf32, #tpu.memory_space<vmem>>
        tpu.wait_dma2 semaphore(%run_scoped3A : memref<!tpu.dma_semaphore, #tpu.memory_space<semaphore_mem>>) src(%dma_wait3A_218 : memref<624x32xf32, #tpu.memory_space<vmem>>) dst(%dma_wait3A_215 : memref<624x32xf32, #tpu.memory_space<hbm>>)
        tpu.yield
      }) : () -> ()
    } else {
    }
    %convert_element_type3A_196 = arith.extui %eq3A_175 : i1 to i32
    %cond3A_197 = arith.constant 0 : i32
    %cond3A_198 = arith.cmpi ne, %convert_element_type3A_196, %cond3A_197 : i32
    scf.if %cond3A_198 {
      %mul3A_199 = arith.constant 32 : i32
      %mul3A_200 = arith.muli %arg0, %mul3A_199 : i32
      "tpu.region"() ({
        %run_scoped3A = tpu.sem_alloc : memref<!tpu.dma_semaphore, #tpu.memory_space<semaphore_mem>>
        %dma_start3A_201 = arith.constant 9360 : i32
        %dma_start3A_202 = tpu.memref_slice %arg7[%dma_start3A_201, %mul3A_200] : memref<10000x64xf32, #tpu.memory_space<hbm>> -> memref<640x32xf32, #tpu.memory_space<hbm>>
        %dma_start3A_203 = arith.constant 9360 : i32
        %dma_start3A_204 = tpu.memref_slice %arg7[%dma_start3A_203, %mul3A_200] : memref<10000x64xf32, #tpu.memory_space<hbm>> -> memref<640x32xf32, #tpu.memory_space<hbm>>
        tpu.enqueue_dma source(%arg19 : memref<640x32xf32, #tpu.memory_space<vmem>>) target(%dma_start3A_204 : memref<640x32xf32, #tpu.memory_space<hbm>>) target_semaphore(%run_scoped3A : memref<!tpu.dma_semaphore, #tpu.memory_space<semaphore_mem>>)
        %dma_wait3A_205 = arith.constant 9360 : i32
        %dma_wait3A_206 = tpu.memref_slice %arg7[%dma_wait3A_205, %mul3A_200] : memref<10000x64xf32, #tpu.memory_space<hbm>> -> memref<640x32xf32, #tpu.memory_space<hbm>>
        %dma_wait3A_207 = arith.constant 9360 : i32
        %dma_wait3A_208 = tpu.memref_slice %arg7[%dma_wait3A_207, %mul3A_200] : memref<10000x64xf32, #tpu.memory_space<hbm>> -> memref<640x32xf32, #tpu.memory_space<hbm>>
        tpu.wait_dma2 semaphore(%run_scoped3A : memref<!tpu.dma_semaphore, #tpu.memory_space<semaphore_mem>>) src(%arg19 : memref<640x32xf32, #tpu.memory_space<vmem>>) dst(%dma_wait3A_208 : memref<640x32xf32, #tpu.memory_space<hbm>>)
        tpu.yield
      }) : () -> ()
    } else {
    }
    return
  }
}

module attributes {stable_mosaic.version = 14 : i64} {
  func.func @body(%arg0: memref<2x2x10240xf32, #tpu.memory_space<vmem>>, %arg1: memref<10000x128xf32, #tpu.memory_space<vmem>>, %arg2: memref<128x128xf32, #tpu.memory_space<vmem>>, %arg3: memref<2x10000x64xf32, #tpu.memory_space<vmem>>, %arg4: memref<10000x2xf32, #tpu.memory_space<vmem>>, %arg5: memref<10000xf32, #tpu.memory_space<vmem>>) attributes {dimension_semantics = [], scalar_prefetch = 0 : i64, scratch_operands = 0 : i64, tpu.core_type = #tpu.core_type<tc>} {
    %get3A = arith.constant 0 : index
    %get3A_0 = arith.constant 0 : index
    %get3A_1 = arith.constant 0 : index
    %get3A_2 = vector.load %arg0[%get3A, %get3A_0, %get3A_1] : memref<2x2x10240xf32, #tpu.memory_space<vmem>>, vector<1x2x10240xf32>
    %get3A_3 = vector.shape_cast %get3A_2 : vector<1x2x10240xf32> to vector<2x10240xf32>
    %get3A_4 = arith.constant 1 : index
    %get3A_5 = arith.constant 0 : index
    %get3A_6 = arith.constant 0 : index
    %get3A_7 = vector.load %arg0[%get3A_4, %get3A_5, %get3A_6] : memref<2x2x10240xf32, #tpu.memory_space<vmem>>, vector<1x2x10240xf32>
    %get3A_8 = vector.shape_cast %get3A_7 : vector<1x2x10240xf32> to vector<2x10240xf32>
    %add3A = arith.addf %get3A_3, %get3A_8 : vector<2x10240xf32>
    %slice3A = vector.extract_strided_slice %add3A {offsets = [0, 0], sizes = [2, 10000], strides = [1, 1]} : vector<2x10240xf32> to vector<2x10000xf32>
    %max3A = arith.constant 1.000000e+00 : f32
    %max3A_9 = vector.broadcast %max3A : f32 to vector<2x10000xf32>
    %max3A_10 = arith.maximumf %slice3A, %max3A_9 : vector<2x10000xf32>
    %rsqrt3A = math.rsqrt %max3A_10 : vector<2x10000xf32>
    %transpose3A = tpu.transpose %rsqrt3A, [1, 0] : vector<2x10000xf32> -> vector<10000x2xf32>
    %swap3A = arith.constant 0 : index
    %swap3A_11 = arith.constant 0 : index
    %swap3A_12 = vector.load %arg4[%swap3A, %swap3A_11] : memref<10000x2xf32, #tpu.memory_space<vmem>>, vector<10000x2xf32>
    tpu.vector_store %arg4[%swap3A, %swap3A_11], %transpose3A {strides = array<i32>} : memref<10000x2xf32, #tpu.memory_space<vmem>>, vector<10000x2xf32>,
    %slice3A_13 = vector.extract_strided_slice %rsqrt3A {offsets = [1, 0], sizes = [1, 10000], strides = [1, 1]} : vector<2x10000xf32> to vector<1x10000xf32>
    %squeeze3A = vector.shape_cast %slice3A_13 : vector<1x10000xf32> to vector<10000xf32>
    %swap3A_14 = arith.constant 0 : index
    %swap3A_15 = vector.load %arg5[%swap3A_14] : memref<10000xf32, #tpu.memory_space<vmem>>, vector<10000xf32>
    tpu.vector_store %arg5[%swap3A_14], %squeeze3A {strides = array<i32>} : memref<10000xf32, #tpu.memory_space<vmem>>, vector<10000xf32>,
    %get3A_16 = arith.constant 0 : index
    %get3A_17 = arith.constant 0 : index
    %get3A_18 = vector.load %arg1[%get3A_16, %get3A_17] : memref<10000x128xf32, #tpu.memory_space<vmem>>, vector<10000x128xf32>
    %slice3A_19 = vector.extract_strided_slice %transpose3A {offsets = [0, 0], sizes = [10000, 1], strides = [1, 1]} : vector<10000x2xf32> to vector<10000x1xf32>
    %mul3A = vector.broadcast %slice3A_19 : vector<10000x1xf32> to vector<10000x128xf32>
    %mul3A_20 = arith.mulf %get3A_18, %mul3A : vector<10000x128xf32>
    %get3A_21 = arith.constant 0 : index
    %get3A_22 = arith.constant 0 : index
    %get3A_23 = vector.load %arg2[%get3A_21, %get3A_22] : memref<128x128xf32, #tpu.memory_space<vmem>>, vector<128x128xf32>
    %dot_general3A = arith.constant dense<0.000000e+00> : vector<10000x128xf32>
    %dot_general3A_24 = tpu.matmul %mul3A_20, %get3A_23, %dot_general3A {dimension_numbers = #tpu.dot_dimension_numbers<[1], [0], [0], [1], [0, 0, 1, 1], [], []>, transpose_lhs_hint = false} : vector<10000x128xf32>, vector<128x128xf32>, vector<10000x128xf32> -> vector<10000x128xf32>
    %slice3A_25 = vector.extract_strided_slice %dot_general3A_24 {offsets = [0, 0], sizes = [10000, 64], strides = [1, 1]} : vector<10000x128xf32> to vector<10000x64xf32>
    %swap3A_26 = arith.constant 0 : index
    %swap3A_27 = arith.constant 0 : index
    %swap3A_28 = arith.constant 0 : index
    %swap3A_29 = vector.load %arg3[%swap3A_26, %swap3A_27, %swap3A_28] : memref<2x10000x64xf32, #tpu.memory_space<vmem>>, vector<1x10000x64xf32>
    %swap3A_30 = vector.shape_cast %swap3A_29 : vector<1x10000x64xf32> to vector<10000x64xf32>
    %swap3A_31 = vector.shape_cast %slice3A_25 : vector<10000x64xf32> to vector<1x10000x64xf32>
    tpu.vector_store %arg3[%swap3A_26, %swap3A_27, %swap3A_28], %swap3A_31 {strides = array<i32>} : memref<2x10000x64xf32, #tpu.memory_space<vmem>>, vector<1x10000x64xf32>,
    %slice3A_32 = vector.extract_strided_slice %dot_general3A_24 {offsets = [0, 64], sizes = [10000, 64], strides = [1, 1]} : vector<10000x128xf32> to vector<10000x64xf32>
    %swap3A_33 = arith.constant 1 : index
    %swap3A_34 = arith.constant 0 : index
    %swap3A_35 = arith.constant 0 : index
    %swap3A_36 = vector.load %arg3[%swap3A_33, %swap3A_34, %swap3A_35] : memref<2x10000x64xf32, #tpu.memory_space<vmem>>, vector<1x10000x64xf32>
    %swap3A_37 = vector.shape_cast %swap3A_36 : vector<1x10000x64xf32> to vector<10000x64xf32>
    %swap3A_38 = vector.shape_cast %slice3A_32 : vector<10000x64xf32> to vector<1x10000x64xf32>
    tpu.vector_store %arg3[%swap3A_33, %swap3A_34, %swap3A_35], %swap3A_38 {strides = array<i32>} : memref<2x10000x64xf32, #tpu.memory_space<vmem>>, vector<1x10000x64xf32>,
    return
  }
}

module attributes {stable_mosaic.version = 14 : i64} {
  func.func @body(%arg0: i32, %arg1: memref<2x2000x64xf32, #tpu.memory_space<vmem>>, %arg2: memref<1x128xf32, #tpu.memory_space<vmem>>, %arg3: memref<128x64xf32, #tpu.memory_space<vmem>>, %arg4: memref<2000x2xf32, #tpu.memory_space<vmem>>, %arg5: memref<2x2000x32xf32, #tpu.memory_space<vmem>>) attributes {dimension_semantics = [#tpu.dimension_semantics<arbitrary>], iteration_bounds = array<i64: 5>, scalar_prefetch = 0 : i64, scratch_operands = 0 : i64, tpu.core_type = #tpu.core_type<tc>, window_params = [{transform_indices = @transform_0, window_bounds = array<i64: 2, 2000, 64>}, {pipeline_mode = #tpu.pipeline_mode<synchronous>, transform_indices = @transform_1, window_bounds = array<i64: 1, 128>}, {pipeline_mode = #tpu.pipeline_mode<synchronous>, transform_indices = @transform_2, window_bounds = array<i64: 128, 64>}, {transform_indices = @transform_3, window_bounds = array<i64: 2000, 2>}, {transform_indices = @transform_4, window_bounds = array<i64: 2, 2000, 32>}]} {
    %get3A = arith.constant 0 : index
    %get3A_0 = arith.constant 0 : index
    %get3A_1 = vector.load %arg4[%get3A, %get3A_0] : memref<2000x2xf32, #tpu.memory_space<vmem>>, vector<2000x1xf32>
    %get3A_2 = arith.constant 0 : index
    %get3A_3 = arith.constant 1 : index
    %get3A_4 = vector.load %arg4[%get3A_2, %get3A_3] : memref<2000x2xf32, #tpu.memory_space<vmem>>, vector<2000x1xf32>
    %get3A_5 = arith.constant 0 : index
    %get3A_6 = arith.constant 0 : index
    %get3A_7 = arith.constant 0 : index
    %get3A_8 = vector.load %arg1[%get3A_5, %get3A_6, %get3A_7] : memref<2x2000x64xf32, #tpu.memory_space<vmem>>, vector<1x2000x64xf32>
    %get3A_9 = vector.shape_cast %get3A_8 : vector<1x2000x64xf32> to vector<2000x64xf32>
    %mul3A = vector.broadcast %get3A_4 : vector<2000x1xf32> to vector<2000x64xf32>
    %mul3A_10 = arith.mulf %get3A_9, %mul3A : vector<2000x64xf32>
    %get3A_11 = arith.constant 0 : index
    %get3A_12 = arith.constant 0 : index
    %get3A_13 = vector.load %arg2[%get3A_11, %get3A_12] : memref<1x128xf32, #tpu.memory_space<vmem>>, vector<1x64xf32>
    %add3A = vector.broadcast %get3A_13 : vector<1x64xf32> to vector<2000x64xf32>
    %add3A_14 = arith.addf %mul3A_10, %add3A : vector<2000x64xf32>
    %max3A = arith.constant 0.000000e+00 : f32
    %max3A_15 = vector.broadcast %max3A : f32 to vector<2000x64xf32>
    %max3A_16 = arith.maximumf %add3A_14, %max3A_15 : vector<2000x64xf32>
    %mul3A_17 = vector.broadcast %get3A_1 : vector<2000x1xf32> to vector<2000x64xf32>
    %mul3A_18 = arith.mulf %max3A_16, %mul3A_17 : vector<2000x64xf32>
    %get3A_19 = arith.constant 1 : index
    %get3A_20 = arith.constant 0 : index
    %get3A_21 = arith.constant 0 : index
    %get3A_22 = vector.load %arg1[%get3A_19, %get3A_20, %get3A_21] : memref<2x2000x64xf32, #tpu.memory_space<vmem>>, vector<1x2000x64xf32>
    %get3A_23 = vector.shape_cast %get3A_22 : vector<1x2000x64xf32> to vector<2000x64xf32>
    %mul3A_24 = vector.broadcast %get3A_4 : vector<2000x1xf32> to vector<2000x64xf32>
    %mul3A_25 = arith.mulf %get3A_23, %mul3A_24 : vector<2000x64xf32>
    %get3A_26 = arith.constant 0 : index
    %get3A_27 = arith.constant 64 : index
    %get3A_28 = vector.load %arg2[%get3A_26, %get3A_27] : memref<1x128xf32, #tpu.memory_space<vmem>>, vector<1x64xf32>
    %add3A_29 = vector.broadcast %get3A_28 : vector<1x64xf32> to vector<2000x64xf32>
    %add3A_30 = arith.addf %mul3A_25, %add3A_29 : vector<2000x64xf32>
    %max3A_31 = arith.constant 0.000000e+00 : f32
    %max3A_32 = vector.broadcast %max3A_31 : f32 to vector<2000x64xf32>
    %max3A_33 = arith.maximumf %add3A_30, %max3A_32 : vector<2000x64xf32>
    %mul3A_34 = vector.broadcast %get3A_1 : vector<2000x1xf32> to vector<2000x64xf32>
    %mul3A_35 = arith.mulf %max3A_33, %mul3A_34 : vector<2000x64xf32>
    %get3A_36 = arith.constant 0 : index
    %get3A_37 = arith.constant 0 : index
    %get3A_38 = vector.load %arg3[%get3A_36, %get3A_37] : memref<128x64xf32, #tpu.memory_space<vmem>>, vector<64x64xf32>
    %dot_general3A = arith.constant dense<0.000000e+00> : vector<2000x64xf32>
    %dot_general3A_39 = tpu.matmul %mul3A_18, %get3A_38, %dot_general3A {dimension_numbers = #tpu.dot_dimension_numbers<[1], [0], [0], [1], [0, 0, 1, 1], [], []>, transpose_lhs_hint = false} : vector<2000x64xf32>, vector<64x64xf32>, vector<2000x64xf32> -> vector<2000x64xf32>
    %get3A_40 = arith.constant 64 : index
    %get3A_41 = arith.constant 0 : index
    %get3A_42 = vector.load %arg3[%get3A_40, %get3A_41] : memref<128x64xf32, #tpu.memory_space<vmem>>, vector<64x64xf32>
    %dot_general3A_43 = arith.constant dense<0.000000e+00> : vector<2000x64xf32>
    %dot_general3A_44 = tpu.matmul %mul3A_35, %get3A_42, %dot_general3A_43 {dimension_numbers = #tpu.dot_dimension_numbers<[1], [0], [0], [1], [0, 0, 1, 1], [], []>, transpose_lhs_hint = false} : vector<2000x64xf32>, vector<64x64xf32>, vector<2000x64xf32> -> vector<2000x64xf32>
    %add3A_45 = arith.addf %dot_general3A_39, %dot_general3A_44 : vector<2000x64xf32>
    %slice3A = vector.extract_strided_slice %add3A_45 {offsets = [0, 0], sizes = [2000, 32], strides = [1, 1]} : vector<2000x64xf32> to vector<2000x32xf32>
    %swap3A = arith.constant 0 : index
    %swap3A_46 = arith.constant 0 : index
    %swap3A_47 = arith.constant 0 : index
    %swap3A_48 = vector.load %arg5[%swap3A, %swap3A_46, %swap3A_47] : memref<2x2000x32xf32, #tpu.memory_space<vmem>>, vector<1x2000x32xf32>
    %swap3A_49 = vector.shape_cast %swap3A_48 : vector<1x2000x32xf32> to vector<2000x32xf32>
    %swap3A_50 = vector.shape_cast %slice3A : vector<2000x32xf32> to vector<1x2000x32xf32>
    tpu.vector_store %arg5[%swap3A, %swap3A_46, %swap3A_47], %swap3A_50 {strides = array<i32>} : memref<2x2000x32xf32, #tpu.memory_space<vmem>>, vector<1x2000x32xf32>,
    %slice3A_51 = vector.extract_strided_slice %add3A_45 {offsets = [0, 32], sizes = [2000, 32], strides = [1, 1]} : vector<2000x64xf32> to vector<2000x32xf32>
    %swap3A_52 = arith.constant 1 : index
    %swap3A_53 = arith.constant 0 : index
    %swap3A_54 = arith.constant 0 : index
    %swap3A_55 = vector.load %arg5[%swap3A_52, %swap3A_53, %swap3A_54] : memref<2x2000x32xf32, #tpu.memory_space<vmem>>, vector<1x2000x32xf32>
    %swap3A_56 = vector.shape_cast %swap3A_55 : vector<1x2000x32xf32> to vector<2000x32xf32>
    %swap3A_57 = vector.shape_cast %slice3A_51 : vector<2000x32xf32> to vector<1x2000x32xf32>
    tpu.vector_store %arg5[%swap3A_52, %swap3A_53, %swap3A_54], %swap3A_57 {strides = array<i32>} : memref<2x2000x32xf32, #tpu.memory_space<vmem>>, vector<1x2000x32xf32>,
    return
  }
  func.func @transform_0(%arg0: i32) -> (i32, i32, i32) {
    %c0_i32 = arith.constant 0 : i32
    %c0_i32_0 = arith.constant 0 : i32
    %c0_i32_1 = arith.constant 0 : i32
    return %c0_i32, %arg0, %c0_i32_0 : i32, i32, i32
  }
  func.func @transform_1(%arg0: i32) -> (i32, i32) {
    %c0_i32 = arith.constant 0 : i32
    %c0_i32_0 = arith.constant 0 : i32
    %c0_i32_1 = arith.constant 0 : i32
    return %c0_i32, %c0_i32_0 : i32, i32
  }
  func.func @transform_2(%arg0: i32) -> (i32, i32) {
    %c0_i32 = arith.constant 0 : i32
    %c0_i32_0 = arith.constant 0 : i32
    %c0_i32_1 = arith.constant 0 : i32
    return %c0_i32, %c0_i32_0 : i32, i32
  }
  func.func @transform_3(%arg0: i32) -> (i32, i32) {
    %c0_i32 = arith.constant 0 : i32
    %c0_i32_0 = arith.constant 0 : i32
    return %arg0, %c0_i32 : i32, i32
  }
  func.func @transform_4(%arg0: i32) -> (i32, i32, i32) {
    %c0_i32 = arith.constant 0 : i32
    %c0_i32_0 = arith.constant 0 : i32
    %c0_i32_1 = arith.constant 0 : i32
    return %c0_i32, %arg0, %c0_i32_0 : i32, i32, i32
  }
}

</mosaic_0001>

<sc_bundles>
// kernel: kernel.10.cloned.1.call-start
scs
__scs_entry_jumppad:
0x0: {  	(pc) =	sbr.rel $0x88, $3  }
0x1: {  	(tag) =	ssettag $0x0;
	lr =	simm.s32 $0x1  }
0x2: {  	[smem:$0x3F9B] =	sst lr;
	_ =	strace $0xD0000000  }
0x3: {  	_ = 	snop  }
0x4: {  	_ = 	snop  }
0x5: {  	_ = 	snop  }
0x6: {  	_ = 	snop  }
0x7: {  	_ = 	snop  }
__scs_overlays_trampoline_lowered:
0x8: {  	[smem:$0x3FAA] =	sst s0  }
0x9: {  	[smem:$0x3FAB] =	sst s1  }
0xa: {  	[smem:$0x3FAC] =	sst s2  }
0xb: {  	[smem:$0x3FAD] =	sst s3  }
0xc: {  	[smem:$0x3FAE] =	sst s4  }
0xd: {  	[smem:$0x3FAF] =	sst s5  }
0xe: {  	[smem:$0x3FB0] =	sst s6  }
0xf: {  	[smem:$0x3FB1] =	sst s7  }
0x10: {  	[smem:$0x3FB2] =	sst s8  }
0x11: {  	[smem:$0x3FB3] =	sst s9;
	s0 =	simm.s32 @!p0 $0x0  }
0x12: {  	s1 =	sld [smem:$0x3F99];
	s0 =	simm.s32 @p0 $0x1  }
0x13: {  	[smem:$0x3FB4] =	sst s0;
	s0 =	simm.s32 @!p1 $0x0  }
0x14: {  	s2 =	sld [smem:$0x3F98];
	s0 =	simm.s32 @p1 $0x1  }
0x15: {  	[smem:$0x3FB5] =	sst s0;
	s0 =	simm.s32 @!p2 $0x0  }
0x16: {  	s3 =	sld [smem:$0x3FDB];
	s0 =	simm.s32 @p2 $0x1  }
0x17: {  	s4 =	simm.s32 $0x1BF5;
	[smem:$0x3FB7] =	sst s0  }
0x18: {  	s0 =	sld [smem:$0x3F9A];
	_ =	swait.ge [sflag:s4], $0x0  }
0x19: {  	s7 =	sld [smem:$0x3F9B]  }
0x1a: {  	s8 =	sadd.s32 $0xFFFFE003, lr  }
0x1b: {  	s9 =	sadd.s32 $0xFFFFFEF7, lr;
	s5 =	simm.s32 $0xFFFFFFFF;
	p2 =	slt.u32 s8, $0xFFFFF086  }
0x1c: {  	p1 =	slt.u32 s9, $0xF7A;
	s5 =	simm.s32 @!p2 $0x0  }
0x1d: {  	s5 =	simm.s32 @p1 $0x1;
	p0 =	seq.s32 s7, s2  }
0x1e: {  	s7 =	smul.u32 @!p0 $0xF7A, s2;
	p2 =	seq.s32 @!p0 s5, $0x0  }
0x1f: {  	s9 =	smul.u32 $0xF7A, s1;
	s8 =	simm.s32 @!p0 $0x1BF5;
	p2 =	por !p2, p0  }
0x20: {  	[sflag:s8] =	ssyncset.s32 @!p0 $0xFFFFF086;
	s6 =	sadd.s32 @!p0 s3, s7;
	s7 =	simm.s32 @!p0 $0x108  }
0x21: {  	s3 =	sadd.s32 s3, s9;
	s6 =	sadd.s32 @!p0 $0x88, s6;
	s7 =	simm.s32 @p2 $0x1082  }
0x22: {  	[simem:s7], [sflag:s8] =	dma.local @!p0 [hbm:s6], $0xF7A  }
0x23: {  	s9 =	sor.u32 $0xD0000000, s2;
	s6 =	simm.s32 $0x108;
	_ =	swait.ge @!p0 [sflag:s8], $0x0  }
0x24: {  	s3 =	sadd.s32 $0x88, s3;
	s6 =	simm.s32 @!p1 $0x1082;
	[sflag:s4] =	ssyncset.s32 $0xFFFFF086  }
0x25: {  	[simem:s6], [sflag:s4] =	dma.local [hbm:s3], $0xF7A  }
0x26: {  	[smem:$0x3F9B] =	sst s1;
	(tag) =	ssettag s2;
	_ =	strace s9  }
0x27: {  	s1 =	sld [smem:$0x3FAB]  }
0x28: {  	s2 =	sld [smem:$0x3FAC]  }
0x29: {  	s4 =	sld [smem:$0x3FAE]  }
0x2a: {  	p0 =	seq.s32 s5, $0x0;
	s5 =	sld [smem:$0x3FAF]  }
0x2b: {  	s6 =	sld [smem:$0x3FB0]  }
0x2c: {  	s7 =	sld [smem:$0x3FB1]  }
0x2d: {  	s3 =	simm.s32 $0x108;
	s8 =	sld [smem:$0x3FB2]  }
0x2e: {  	s3 =	simm.s32 @!p0 $0x1082;
	s9 =	sld [smem:$0x3FB3]  }
0x2f: {  	lr =	sadd.s32 s0, s3;
	s0 =	sld [smem:$0x3FAA]  }
0x30: {  	s3 =	sld [smem:$0x3FAD]  }
0x31: {  	[smem:$0x3FB6] =	sst s10  }
0x32: {  	s10 =	sld [smem:$0x3FB4];
	_ =	sdelay $0x3  }
0x33: {  	p0 =	seq.s32 s10, $0x1;
	s10 =	sld [smem:$0x3FB6];
	_ =	sdelay $0x3  }
0x34: {  	[smem:$0x3FB6] =	sst s10  }
0x35: {  	s10 =	sld [smem:$0x3FB5];
	_ =	sdelay $0x3  }
0x36: {  	p1 =	seq.s32 s10, $0x1;
	s10 =	sld [smem:$0x3FB6];
	_ =	sdelay $0x3  }
0x37: {  	[smem:$0x3FB6] =	sst s10  }
0x38: {  	s10 =	sld [smem:$0x3FB7]  }
0x39: {  	_ = 	snop;
	(pc) =	sbr.ind lr, $3  }
0x3a: {  	_ = 	snop  }
0x3b: {  	_ = 	snop  }
0x3c: {  	p2 =	seq.s32 s10, $0x1;
	s10 =	sld [smem:$0x3FB6]  }
0x3d: {  	_ =	shalt  }
0x3e: {  	_ =	shalt  }
0x3f: {  	_ =	shalt  }
0x40: {  	_ =	shalt  }
0x41: {  	_ =	shalt  }
0x42: {  	_ =	shalt  }
0x43: {  	_ =	shalt  }
0x44: {  	_ =	shalt  }
0x45: {  	_ =	shalt  }
0x46: {  	_ =	shalt  }
0x47: {  	_ =	shalt  }
0x48: {  	_ =	shalt  }
0x49: {  	_ =	shalt  }
0x4a: {  	_ =	shalt  }
0x4b: {  	_ =	shalt  }
0x4c: {  	_ =	shalt  }
0x4d: {  	_ =	shalt  }
0x4e: {  	_ =	shalt  }
0x4f: {  	_ =	shalt  }
0x50: {  	_ =	shalt  }
0x51: {  	_ =	shalt  }
0x52: {  	_ =	shalt  }
0x53: {  	_ =	shalt  }
0x54: {  	_ =	shalt  }
0x55: {  	_ =	shalt  }
0x56: {  	_ =	shalt  }
0x57: {  	_ =	shalt  }
0x58: {  	_ =	shalt  }
0x59: {  	_ =	shalt  }
0x5a: {  	_ =	shalt  }
0x5b: {  	_ =	shalt  }
0x5c: {  	_ =	shalt  }
0x5d: {  	_ =	shalt  }
0x5e: {  	_ =	shalt  }
0x5f: {  	_ =	shalt  }
0x60: {  	_ =	shalt  }
0x61: {  	_ =	shalt  }
0x62: {  	_ =	shalt  }
0x63: {  	_ =	shalt  }
0x64: {  	_ =	shalt  }
0x65: {  	_ =	shalt  }
0x66: {  	_ =	shalt  }
0x67: {  	_ =	shalt  }
0x68: {  	_ =	shalt  }
0x69: {  	_ =	shalt  }
0x6a: {  	_ =	shalt  }
0x6b: {  	_ =	shalt  }
0x6c: {  	_ =	shalt  }
0x6d: {  	_ =	shalt  }
0x6e: {  	_ =	shalt  }
0x6f: {  	_ =	shalt  }
0x70: {  	_ =	shalt  }
0x71: {  	_ =	shalt  }
0x72: {  	_ =	shalt  }
0x73: {  	_ =	shalt  }
0x74: {  	_ =	shalt  }
0x75: {  	_ =	shalt  }
0x76: {  	_ =	shalt  }
0x77: {  	_ =	shalt  }
0x78: {  	_ =	shalt  }
0x79: {  	_ =	shalt  }
0x7a: {  	_ =	shalt  }
0x7b: {  	_ =	shalt  }
0x7c: {  	_ =	shalt  }
0x7d: {  	_ =	shalt  }
0x7e: {  	_ =	shalt  }
0x7f: {  	_ =	shalt  }
0x80: {  	_ =	shalt  }
0x81: {  	_ =	shalt  }
0x82: {  	_ =	shalt  }
0x83: {  	_ =	shalt  }
0x84: {  	_ =	shalt  }
0x85: {  	_ =	shalt  }
0x86: {  	_ =	shalt  }
0x87: {  	_ =	shalt  }
.Lfunc_end0:
.L_simem_size_0:
called_computation.1_lowered:
.L_overlay_start_0:
0x88: {  	s2 =	sld [smem:$0x3FD9]  }
0x89: {  	s3 =	sld [smem:$0x3FFE];
	_ =	sdelay $0x1  }
0x8a: {  	s1 =	srdreg.scid  }
0x8b: {  	s0 =	sand.u32 $0x1, s1  }
0x8c: {  	s16 =	sshll.u32 s0, $0xA;
	s2 =	sadd.s32 s3, s2  }
0x8d: {  	s2 =	sadd.s32 s2, s16  }
0x8e: {  	[smem:$0x3FC2] =	sst s2  }
0x8f: {  	_ = 	snop  }
0x90: {  	(tm) =	ssettm $0x1  }
0x91: {  	s17 =	sld [smem:$0x3FFB];
	_ =	sdelay $0x3  }
0x92: {  	_ =	strace s17  }
0x93: {  	s2 =	sld [smem:$0x3FFC];
	_ =	sdelay $0x3  }
0x94: {  	_ =	strace s2  }
0x95: {  	s2 =	sld [smem:$0x3FFD];
	_ =	sdelay $0x3  }
0x96: {  	_ =	strace s2  }
0x97: {  	_ =	strace $0x8FFFFFFF  }
0x98: {  	s18 =	sld [smem:$0x3FDB];
	_ =	sdelay $0x1  }
0x99: {  	s19 =	simm.s32 $_scs_section_size  }
0x9a: {  	s4 =	simm.s32 $_size__tile_overlayer_lowered;
	s5 =	simm.s32 $_tile_overlayer_lowered  }
0x9b: {  	s22 =	simm.s32 $0x1BFF;
	s21 =	sshll.u32 s5, $0x1;
	s2 =	sadd.s32 s19, s18  }
0x9c: {  	s6 =	simm.s32 $0x0;
	s20 =	sshll.u32 s4, $0x1;
	s4 =	sadd.s32 s21, s2  }
0x9d: {  	[timem:s6], [sflag:s22] =	dma.local [hbm:s4], s20  }
0x9e: {  	_ =	swait.ge [sflag:s22], s20  }
0x9f: {  	s3 =	ssub.s32 $0x0, s20;
	[sflag:s22] =	ssyncset.done $0x0  }
0xa0: {  	[sflag:s22] =	ssyncadd.s32 s3;
	_ =	sdelay $0x1  }
0xa1: {  	s23 =	simm.s32 $0x1B8B  }
0xa2: {  	_ =	swait.ge [sflag:s23], $0x1  }
0xa3: {  	[sflag:s23] =	ssyncset.done $0x0  }
0xa4: {  	s25 =	simm.s32 $0x1B8E;
	s24 =	sld [smem:$0x3FFE];
	[sflag:s23] =	ssyncadd.s32 $0xFFFFFFFF  }
0xa5: {  	s26 =	simm.s32 $execute0_lowered;
	[smem:$0x3FD2] =	sst s25  }
0xa6: {  	s4 =	sshll.u32 s26, $0x1;
	_ =	strace $0x80000049;
	[dreg:$0x1] =	wrdreg $0xFFFFFFFF  }
0xa7: {  	s28 =	simm.s32 $_size_execute0_lowered;
	s2 =	sadd.s32 s2, s4;
	[dreg:$0x0] =	wrdreg $0x0  }
0xa8: {  	s4 =	sshll.u32 s28, $0x1;
	[dreg:$0x2] =	wrdreg s2  }
0xa9: {  	[dreg:$0x3] =	wrdreg s4  }
0xaa: {  	[dreg:$0x4] =	wrdreg $0xC0  }
0xab: {  	_ =	task [dreg:s6], $0x5FFFF  }
0xac: {  	[dreg:$0x1] =	wrdreg $0xFFFFFFFF  }
0xad: {  	[dreg:$0x0] =	wrdreg $0x60  }
0xae: {  	[dreg:$0x2] =	wrdreg s24  }
0xaf: {  	[dreg:$0x3] =	wrdreg $0x140400  }
0xb0: {  	[dreg:$0x4] =	wrdreg $0x9  }
0xb1: {  	_ =	task.clear_ibuf [dreg:s6], $0x5FFFF;
	_ =	strace $0x90000049  }
0xb2: {  	s29 =	simm.s32 $0x9;
	_ =	strace $0x8000004B  }
0xb3: {  	_ =	swait.ge [sflag:s29], $0x1  }
0xb4: {  	[sflag:s29] =	ssyncadd.s32 $0xFFFFFFFF  }
0xb5: {  	_ =	strace $0x9000004B  }
0xb6: {  	_ =	sfence  }
0xb7: {  	s30 =	sld [smem:$0x0];
	_ =	sdelay $0x2  }
0xb8: {  	s31 =	sshll.u32 s1, $0xD;
	s1 =	sshrl.u32 s1, $0x2  }
0xb9: {  	s3 =	sand.u32 $0x4000, s31;
	s1 =	sadd.s32 s1, s30  }
0xba: {  	s0 =	sor.u32 s3, s0;
	s1 =	sshll.u32 s1, $0x11  }
0xbb: {  	s0 =	sor.u32 s1, s0  }
0xbc: {  	s0 =	sadd.s32 $0x8F2B, s0  }
0xbd: {  	[sflag:s0] =	ssyncadd.remote.s32 $0x1  }
0xbe: {  	_ =	sfence.sel $0xFFFF  }
0xbf: {  	[dreg:$0x0] =	wrdreg $0xFFFFFFFF;
	(pc) =	sbr.abs _section_cstart, $3  }
0xc0: {  	[dreg:$0x1] =	wrdreg $0xFFFFFFFF  }
0xc1: {  	_ =	task.clear_ibuf [dreg:s6], $0x2FFFF;
	_ =	strace $0x9FFFFFFF  }
0xc2: {  	(tm) =	ssettm $0x7FFFFFFF  }
0xc3: {  	_ =	shalt  }
tec
execute0_lowered:
.L_overlay_start_1:
0x0: {  	(tag) =	ssettag $0x1  }
0x1: {  	s0 =	rddreg [dreg:$0x0]  }
0x2: {  	s2 =	rddreg [dreg:$0x1]  }
0x3: {  	s3 =	stileid.u32;
	s9 =	simm.s32 $0x0;
	s4 =	srdreg.scid  }
0x4: {  	s12 =	simm.s32 $0x11;
	s14 =	simm.s32 $0x50;
	s15 =	simm.s32 $0x9C40  }
0x5: {  	s16 =	simm.s32 $0xB040;
	s11 =	simm.s32 $0xC440;
	s18 =	simm.s32 $0xD840  }
0x6: {  	s25 =	simm.s32 $0x11440;
	s28 =	simm.s32 $0x1;
	s29 =	simm.s32 $0x12840  }
0x7: {  	s30 =	simm.s32 $0x2;
	s31 =	simm.s32 $0x9;
	s13 =	simm.s32 $0xA  }
0x8: {  	s17 =	simm.s32 $0x4;
	s1 =	smul.u32 $0x9C4, s3;
	[smem:$0x7FF] =	sst s9  }
0x9: {  	s4 =	sand.u32 $0x1, s4;
	s5 =	smul.u32 $0x27000, s3;
	s10 =	sadd.s32 $0x9C000, s2  }
0xa: {  	s21 =	smul.u32 $0x9C00, s3;
	p0 =	sne.s32 s3, $0xF;
	_ =	strace $0x8000004A  }
0xb: {  	s6 =	smul.u32 $0x13880, s4;
	s4 =	ssub.s32 $0x2, s4;
	[dreg:$0x3] =	wrdreg s25  }
0xc: {  	[dreg:$0x5] =	wrdreg s10;
	s1 =	sadd.s32 s1, s0;
	s7 =	sshrl.u32 s4, $0x1  }
0xd: {  	s5 =	sshrl.u32 s5, $0x2;
	s23 =	sshrl.u32 s21, $0x3;
	s24 =	sadd.s32 s21, s2  }
0xe: {  	s21 =	simm.s32 $0x8;
	s0 =	sadd.s32 s6, s0;
	s20 =	sadd.s32 $0xB400, s1  }
0xf: {  	s19 =	ssub.s32 s4, s7;
	s1 =	sadd.s32 $0x1600, s1;
	[dreg:$0x6] =	wrdreg s20  }
0x10: {  	s4 =	sadd.s32 s5, s2;
	s26 =	sshrl.u32 s24, $0x3;
	[dreg:$0x7] =	wrdreg s1  }
0x11: {  	s7 =	simm.s32 $0x13C40;
	s6 =	smax.u32 s19, $0x1;
	[dreg:$0xb] =	wrdreg s26  }
0x12: {  	s8 =	sadd.s32 $0x15800, s0;
	s22 =	sadd.s32 $0x3CA00, s0;
	[dreg:$0x9] =	wrdreg s6  }
0x13: {  	s26 =	simm.s32 $0x10040;
	[dreg:$0x8] =	wrdreg s22;
	s0 =	sadd.s32 s23, s22  }
0x14: {  	v0 =	vimm.f32 $0.0e+00;
	s19 =	simm.s32 $0x6;
	[dreg:$0xa] =	wrdreg s0;
	s0 =	simm.s32 $0x3  }
.LBB2_1:
0x15: {  	[tilespmem:$0x13C40] =	vst v0  }
0x16: {  	[tilespmem:$0x13C50] =	vst v0  }
0x17: {  	[tilespmem:$0x13C60] =	vst v0  }
0x18: {  	[tilespmem:$0x13C70] =	vst v0  }
0x19: {  	[tilespmem:$0x13C80] =	vst v0  }
0x1a: {  	[tilespmem:$0x13C90] =	vst v0  }
0x1b: {  	[tilespmem:$0x13CA0] =	vst v0  }
0x1c: {  	[tilespmem:$0x13CB0] =	vst v0  }
0x1d: {  	[tilespmem:$0x13CC0] =	vst v0  }
0x1e: {  	[tilespmem:$0x13CD0] =	vst v0  }
0x1f: {  	[tilespmem:$0x13CE0] =	vst v0  }
0x20: {  	[tilespmem:$0x13CF0] =	vst v0  }
0x21: {  	[tilespmem:$0x13D00] =	vst v0  }
0x22: {  	[tilespmem:$0x13D10] =	vst v0  }
0x23: {  	[tilespmem:$0x13D20] =	vst v0  }
0x24: {  	[tilespmem:$0x13D30] =	vst v0  }
0x25: {  	[tilespmem:$0x13D40] =	vst v0  }
0x26: {  	[tilespmem:$0x13D50] =	vst v0  }
0x27: {  	[tilespmem:$0x13D60] =	vst v0  }
0x28: {  	[tilespmem:$0x13D70] =	vst v0  }
0x29: {  	[tilespmem:$0x13D80] =	vst v0  }
0x2a: {  	[tilespmem:$0x13D90] =	vst v0  }
0x2b: {  	[tilespmem:$0x13DA0] =	vst v0  }
0x2c: {  	[tilespmem:$0x13DB0] =	vst v0  }
0x2d: {  	[tilespmem:$0x13DC0] =	vst v0  }
0x2e: {  	[tilespmem:$0x13DD0] =	vst v0  }
0x2f: {  	[tilespmem:$0x13DE0] =	vst v0  }
0x30: {  	[tilespmem:$0x13DF0] =	vst v0  }
0x31: {  	[tilespmem:$0x13E00] =	vst v0  }
0x32: {  	[tilespmem:$0x13E10] =	vst v0  }
0x33: {  	[tilespmem:$0x13E20] =	vst v0  }
0x34: {  	[tilespmem:$0x13E30] =	vst v0  }
0x35: {  	[tilespmem:$0x13E40] =	vst v0  }
0x36: {  	[tilespmem:$0x13E50] =	vst v0  }
0x37: {  	[tilespmem:$0x13E60] =	vst v0  }
0x38: {  	[tilespmem:$0x13E70] =	vst v0  }
0x39: {  	[tilespmem:$0x13E80] =	vst v0  }
0x3a: {  	[tilespmem:$0x13E90] =	vst v0  }
0x3b: {  	[tilespmem:$0x13EA0] =	vst v0  }
0x3c: {  	[tilespmem:$0x13EB0] =	vst v0  }
0x3d: {  	[tilespmem:$0x13EC0] =	vst v0  }
0x3e: {  	[tilespmem:$0x13ED0] =	vst v0  }
0x3f: {  	[tilespmem:$0x13EE0] =	vst v0  }
0x40: {  	[tilespmem:$0x13EF0] =	vst v0  }
0x41: {  	[tilespmem:$0x13F00] =	vst v0  }
0x42: {  	[tilespmem:$0x13F10] =	vst v0  }
0x43: {  	[tilespmem:$0x13F20] =	vst v0  }
0x44: {  	[tilespmem:$0x13F30] =	vst v0  }
0x45: {  	[tilespmem:$0x13F40] =	vst v0  }
0x46: {  	[tilespmem:$0x13F50] =	vst v0  }
0x47: {  	[tilespmem:$0x13F60] =	vst v0  }
0x48: {  	[tilespmem:$0x13F70] =	vst v0  }
0x49: {  	[tilespmem:$0x13F80] =	vst v0  }
0x4a: {  	[tilespmem:$0x13F90] =	vst v0  }
0x4b: {  	[tilespmem:$0x13FA0] =	vst v0  }
0x4c: {  	[tilespmem:$0x13FB0] =	vst v0  }
0x4d: {  	[tilespmem:$0x13FC0] =	vst v0  }
0x4e: {  	[tilespmem:$0x13FD0] =	vst v0  }
0x4f: {  	[tilespmem:$0x13FE0] =	vst v0  }
0x50: {  	[tilespmem:$0x13FF0] =	vst v0  }
0x51: {  	[tilespmem:$0x14000] =	vst v0  }
0x52: {  	[tilespmem:$0x14010] =	vst v0  }
0x53: {  	[tilespmem:$0x14020] =	vst v0  }
0x54: {  	[dreg:$0x4] =	wrdreg s9;
	[tilespmem:$0x14030] =	vst v0;
	s1 =	sadd.s32 $0x0, s4  }
0x55: {  	[spmem:s1] =	stream.linear.scatter [tilespmem:s7], [sflag:$0x11], $0x400, $0x38;
	[tilespmem:$0x1DC80] =	vst v63  }
0x56: {  	s1 =	simm.s32 $0x1000;
	_ =	swait.ge [sflag:s12], $0x400  }
.LBB2_2:
0x57: {  	s6 =	sshra.s32 s1, $0x2;
	[sflag:s12] =	ssyncset.done $0x0;
	p1 =	sne.s32 s1, $0x26000  }
.Ltmp0:
0x58: {  	s6 =	sadd.s32 s6, s4;
	[sflag:s12] =	ssyncadd.s32 $0xFFFFFC00;
	(pc) =	sbr.rel @p1 .LBB2_2-.Ltmp0, $3  }
0x59: {  	[spmem:s6] =	stream.linear.scatter [tilespmem:s7], [sflag:$0x11], $0x400, $0x38;
	[tilespmem:$0x1DC80] =	vst v63  }
0x5a: {  	s1 =	sadd.s32 $0x1000, s1;
	_ =	sdelay $0x1  }
0x5b: {  	_ =	swait.ge [sflag:s12], $0x400  }
0x5c: {  	[sflag:s12] =	ssyncset.done $0x0  }
0x5d: {  	s1 =	simm.s32 @!p0 $0x13C40;
	[sflag:s12] =	ssyncadd.s32 $0xFFFFFC00  }
0x5e: {  	[spmem:s10] =	stream.linear.scatter @!p0 [tilespmem:s1], [sflag:$0x11], $0x400, $0x38;
	[tilespmem:$0x1DC80] =	vst v63  }
0x5f: {  	s1 =	simm.s32 @!p0 $0x11  }
0x60: {  	_ =	swait.ge @!p0 [sflag:s1], $0x400  }
0x61: {  	[sflag:s1] =	ssyncset.done @!p0 $0x0  }
0x62: {  	s10 =	simm.s32 $0x0;
	s3 =	rddreg [dreg:$0x6];
	[sflag:s1] =	ssyncadd.s32 @!p0 $0xFFFFFC00  }
0x63: {  	[tilespmem:s10], [sflag:$0x11] =	stream.linear.gather [hbm4b:s3+s10], $0x4E20, $0x38;
	[tilespmem:$0x1DC80] =	vst v63  }
0x64: {  	_ =	swait.ge [sflag:s12], $0x4E20  }
0x65: {  	[sflag:s12] =	ssyncset.done $0x0  }
0x66: {  	s5 =	simm.s32 $0x4E20;
	s20 =	rddreg [dreg:$0x7];
	[sflag:s12] =	ssyncadd.s32 $0xFFFFB1E0  }
0x67: {  	[tilespmem:s5], [sflag:$0x11] =	stream.linear.gather [hbm4b:s20+s10], $0x4E20, $0x38;
	[tilespmem:$0x1DC80] =	vst v63  }
0x68: {  	_ =	swait.ge [sflag:s12], $0x4E20  }
0x69: {  	[sflag:s12] =	ssyncset.done $0x0  }
0x6a: {  	[sflag:s12] =	ssyncadd.s32 $0xFFFFB1E0  }
0x6b: {  	[bflag:$0x0] =	sbarrier.arrive $0xFFFF  }
0x6c: {  	[tilespmem:s15], [sflag:$0x1] =	stream.indirect.gather [hbm4b:s8+s14], $0x40, s10, s14, $0xb8;
	[tilespmem:$0x1DC80] =	vst v63  }
0x6d: {  	_ = 	snop  }
0x6e: {  	[tilespmem:s16], [sflag:$0x2] =	stream.indirect.gather [hbm4b:s8+s14], $0x40, s14, s14, $0xb8;
	[tilespmem:$0x1DC80] =	vst v63  }
0x6f: {  	s22 =	simm.s32 $0xA0  }
0x70: {  	[tilespmem:s11], [sflag:$0x3] =	stream.indirect.gather [hbm4b:s8+s14], $0x40, s22, s14, $0xb8;
	[tilespmem:$0x1DC80] =	vst v63  }
0x71: {  	s23 =	simm.s32 $0xF0  }
0x72: {  	[tilespmem:s18], [sflag:$0x4] =	stream.indirect.gather [hbm4b:s8+s14], $0x40, s23, s14, $0xb8;
	[tilespmem:$0x1DC80] =	vst v63  }
0x73: {  	s24 =	simm.s32 $0x140;
	s25 =	simm.s32 $0xEC40;
	p1 =	por $0x1, $0x1  }
0x74: {  	[tilespmem:s25], [sflag:$0x5] =	stream.indirect.gather [hbm4b:s8+s14], $0x40, s24, s14, $0xb8;
	[tilespmem:$0x1DC80] =	vst v63  }
0x75: {  	s1 =	simm.s32 @!p1 $0xF;
	s3 =	simm.s32 $0x190  }
0x76: {  	[tilespmem:s26], [sflag:$0x6] =	stream.indirect.gather [hbm4b:s8+s14], $0x40, s3, s14, $0xb8;
	[tilespmem:$0x1DC80] =	vst v63  }
0x77: {  	_ =	swait.ge @!p1 [sflag:s1], $0x1400  }
0x78: {  	[sflag:s1] =	ssyncset.done @!p1 $0x0  }
0x79: {  	s5 =	simm.s32 $0x1E0;
	s6 =	rddreg [dreg:$0x3];
	[sflag:s1] =	ssyncadd.s32 @!p1 $0xFFFFEC00  }
0x7a: {  	[tilespmem:s6], [sflag:$0x7] =	stream.indirect.gather [hbm4b:s8+s14], $0x40, s5, s14, $0xb8;
	[tilespmem:$0x1DC80] =	vst v63  }
0x7b: {  	_ =	swait.ge [sflag:s28], $0x1400  }
0x7c: {  	[sflag:s28] =	ssyncset.done $0x0  }
0x7d: {  	s7 =	simm.s32 $0x4E20;
	s6 =	simm.s32 @!p1 $0x10;
	[sflag:s28] =	ssyncadd.s32 $0xFFFFEC00  }
0x7e: {  	[spmem:s2] =	stream.indirect.scatter.add.f32 [tilespmem:s15], [sflag:$0x9], $0x40, s7, s14, $0xb8;
	[tilespmem:$0x1DC80] =	vst v63  }
0x7f: {  	_ =	swait.ge @!p1 [sflag:s6], $0x1400  }
0x80: {  	[sflag:s6] =	ssyncset.done @!p1 $0x0  }
0x81: {  	s9 =	simm.s32 $0x230;
	[sflag:s6] =	ssyncadd.s32 @!p1 $0xFFFFEC00  }
0x82: {  	[tilespmem:s29], [sflag:$0x8] =	stream.indirect.gather [hbm4b:s8+s14], $0x40, s9, s14, $0xb8;
	[tilespmem:$0x1DC80] =	vst v63  }
0x83: {  	_ =	swait.ge [sflag:s30], $0x1400  }
0x84: {  	[sflag:s30] =	ssyncset.done $0x0  }
0x85: {  	s10 =	simm.s32 $0x4E70;
	[sflag:s30] =	ssyncadd.s32 $0xFFFFEC00  }
0x86: {  	[spmem:s2] =	stream.indirect.scatter.add.f32 [tilespmem:s16], [sflag:$0xA], $0x40, s10, s14, $0xb8;
	[tilespmem:$0x1DC80] =	vst v63  }
0x87: {  	_ =	swait.ge [sflag:s31], $0x1400  }
0x88: {  	[sflag:s31] =	ssyncset.done $0x0  }
0x89: {  	s20 =	simm.s32 $0x280;
	[sflag:s31] =	ssyncadd.s32 $0xFFFFEC00  }
0x8a: {  	[tilespmem:s15], [sflag:$0x1] =	stream.indirect.gather [hbm4b:s8+s14], $0x40, s20, s14, $0xb8;
	[tilespmem:$0x1DC80] =	vst v63  }
0x8b: {  	_ =	swait.ge [sflag:s0], $0x1400  }
0x8c: {  	[sflag:s0] =	ssyncset.done $0x0  }
0x8d: {  	s22 =	simm.s32 $0x4EC0;
	[sflag:s0] =	ssyncadd.s32 $0xFFFFEC00  }
0x8e: {  	[spmem:s2] =	stream.indirect.scatter.add.f32 [tilespmem:s11], [sflag:$0xB], $0x40, s22, s14, $0xb8;
	[tilespmem:$0x1DC80] =	vst v63  }
0x8f: {  	_ =	swait.ge [sflag:s13], $0x1400  }
0x90: {  	[sflag:s13] =	ssyncset.done $0x0  }
0x91: {  	s23 =	simm.s32 $0x2D0;
	[sflag:s13] =	ssyncadd.s32 $0xFFFFEC00  }
0x92: {  	[tilespmem:s16], [sflag:$0x2] =	stream.indirect.gather [hbm4b:s8+s14], $0x40, s23, s14, $0xb8;
	[tilespmem:$0x1DC80] =	vst v63  }
0x93: {  	_ =	swait.ge [sflag:s17], $0x1400  }
0x94: {  	p1 =	por $0x0, $0x0;
	[sflag:s17] =	ssyncset.done $0x0  }
0x95: {  	s24 =	simm.s32 $0x4F10;
	s6 =	simm.s32 @p1 $0x5;
	[sflag:s17] =	ssyncadd.s32 $0xFFFFEC00  }
0x96: {  	[spmem:s2] =	stream.indirect.scatter.add.f32 [tilespmem:s18], [sflag:$0xC], $0x40, s24, s14, $0xb8;
	[tilespmem:$0x1DC80] =	vst v63  }
0x97: {  	_ =	swait.ge @p1 [sflag:s6], $0x1400  }
0x98: {  	s1 =	simm.s32 @p1 $0x4F60;
	s9 =	simm.s32 @p1 $0x50;
	[sflag:s6] =	ssyncset.done @p1 $0x0  }
0x99: {  	s22 =	simm.s32 @p1 $0xEC40;
	[sflag:s6] =	ssyncadd.s32 @p1 $0xFFFFEC00;
	s6 =	simm.s32 @!p1 $0xB  }
0x9a: {  	[spmem:s2] =	stream.indirect.scatter.add.f32 @p1 [tilespmem:s22], [sflag:$0xD], $0x40, s1, s9, $0xb8;
	[tilespmem:$0x1DC80] =	vst v63  }
0x9b: {  	_ =	swait.ge @!p1 [sflag:s6], $0x1400  }
0x9c: {  	s23 =	simm.s32 @!p1 $0xC440;
	s1 =	simm.s32 @!p1 $0x320;
	[sflag:s6] =	ssyncset.done @!p1 $0x0  }
0x9d: {  	s22 =	simm.s32 @!p1 $0x50;
	[sflag:s6] =	ssyncadd.s32 @!p1 $0xFFFFEC00;
	s6 =	simm.s32 @!p1 $0x5  }
0x9e: {  	[tilespmem:s23], [sflag:$0x3] =	stream.indirect.gather @!p1 [hbm4b:s8+s22], $0x40, s1, s22, $0xb8;
	[tilespmem:$0x1DC80] =	vst v63  }
0x9f: {  	_ =	swait.ge @!p1 [sflag:s6], $0x1400  }
0xa0: {  	s1 =	simm.s32 @!p1 $0x4F60;
	[sflag:s6] =	ssyncset.done @!p1 $0x0  }
0xa1: {  	s23 =	simm.s32 @!p1 $0xEC40;
	[sflag:s6] =	ssyncadd.s32 @!p1 $0xFFFFEC00;
	s6 =	simm.s32 @!p1 $0xC  }
0xa2: {  	[spmem:s2] =	stream.indirect.scatter.add.f32 @!p1 [tilespmem:s23], [sflag:$0xD], $0x40, s1, s22, $0xb8;
	[tilespmem:$0x1DC80] =	vst v63  }
0xa3: {  	_ =	swait.ge @!p1 [sflag:s6], $0x1400  }
0xa4: {  	[sflag:s6] =	ssyncset.done @!p1 $0x0  }
0xa5: {  	s1 =	simm.s32 @!p1 $0x370;
	[sflag:s6] =	ssyncadd.s32 @!p1 $0xFFFFEC00;
	s6 =	simm.s32 @!p1 $0xD840  }
0xa6: {  	[tilespmem:s6], [sflag:$0x4] =	stream.indirect.gather @!p1 [hbm4b:s8+s22], $0x40, s1, s22, $0xb8;
	[tilespmem:$0x1DC80] =	vst v63  }
0xa7: {  	_ =	swait.ge [sflag:s19], $0x1400  }
0xa8: {  	[sflag:s19] =	ssyncset.done $0x0  }
0xa9: {  	s25 =	simm.s32 $0x4FB0;
	s6 =	simm.s32 @p1 $0x7;
	[sflag:s19] =	ssyncadd.s32 $0xFFFFEC00  }
0xaa: {  	[spmem:s2] =	stream.indirect.scatter.add.f32 [tilespmem:s26], [sflag:$0xE], $0x40, s25, s14, $0xb8;
	[tilespmem:$0x1DC80] =	vst v63  }
0xab: {  	_ =	swait.ge @p1 [sflag:s6], $0x1400  }
0xac: {  	[sflag:s6] =	ssyncset.done @p1 $0x0  }
0xad: {  	s1 =	simm.s32 @p1 $0x5000;
	[sflag:s6] =	ssyncadd.s32 @p1 $0xFFFFEC00;
	s6 =	simm.s32 @p1 $0x11440  }
0xae: {  	[spmem:s2] =	stream.indirect.scatter.add.f32 @p1 [tilespmem:s6], [sflag:$0xF], $0x40, s1, s9, $0xb8;
	[tilespmem:$0x1DC80] =	vst v63  }
0xaf: {  	s1 =	simm.s32 @!p1 $0xD  }
0xb0: {  	_ =	swait.ge @!p1 [sflag:s1], $0x1400  }
0xb1: {  	[sflag:s1] =	ssyncset.done @!p1 $0x0  }
0xb2: {  	[sflag:s1] =	ssyncadd.s32 @!p1 $0xFFFFEC00;
	s1 =	simm.s32 @!p1 $0x3C0  }
0xb3: {  	[tilespmem:s23], [sflag:$0x5] =	stream.indirect.gather @!p1 [hbm4b:s8+s22], $0x40, s1, s22, $0xb8;
	[tilespmem:$0x1DC80] =	vst v63  }
0xb4: {  	s1 =	simm.s32 @!p1 $0x7  }
0xb5: {  	_ =	swait.ge @!p1 [sflag:s1], $0x1400  }
0xb6: {  	[sflag:s1] =	ssyncset.done @!p1 $0x0  }
0xb7: {  	s6 =	simm.s32 @!p1 $0x5000;
	[sflag:s1] =	ssyncadd.s32 @!p1 $0xFFFFEC00;
	s1 =	simm.s32 @!p1 $0x11440  }
0xb8: {  	[spmem:s2] =	stream.indirect.scatter.add.f32 @!p1 [tilespmem:s1], [sflag:$0xF], $0x40, s6, s22, $0xb8;
	[tilespmem:$0x1DC80] =	vst v63  }
0xb9: {  	s1 =	simm.s32 @!p1 $0xE  }
0xba: {  	_ =	swait.ge @!p1 [sflag:s1], $0x1400  }
0xbb: {  	p2 =	por $0x0, $0x0;
	s24 =	simm.s32 $0x1400;
	[sflag:s1] =	ssyncset.done @!p1 $0x0  }
0xbc: {  	s6 =	simm.s32 @!p1 $0x410;
	[sflag:s1] =	ssyncadd.s32 @!p1 $0xFFFFEC00;
	s1 =	simm.s32 @!p1 $0x10040  }
0xbd: {  	[tilespmem:s1], [sflag:$0x6] =	stream.indirect.gather @!p1 [hbm4b:s8+s22], $0x40, s6, s22, $0xb8;
	[tilespmem:$0x1DC80] =	vst v63  }
0xbe: {  	s9 =	simm.s32 $0xA00;
	s1 =	simm.s32 $0x5050;
	_ =	swait.ge [sflag:s21], $0x1400  }
.LBB2_4:
0xbf: {  	[sflag:s21] =	ssyncset.done $0x0  }
0xc0: {  	s6 =	simm.s32 @!p2 $0xF;
	[sflag:s21] =	ssyncadd.s32 $0xFFFFEC00  }
0xc1: {  	[spmem:s2] =	stream.indirect.scatter.add.f32 [tilespmem:s29], [sflag:$0x10], $0x40, s1, s14, $0xb8;
	[tilespmem:$0x1DC80] =	vst v63  }
0xc2: {  	_ =	swait.ge @!p2 [sflag:s6], $0x1400  }
0xc3: {  	s25 =	sshra.s32 s9, $0x2;
	[sflag:s6] =	ssyncset.done @!p2 $0x0  }
0xc4: {  	s23 =	sadd.s32 $0x1E0, s25;
	s20 =	rddreg [dreg:$0x3];
	[sflag:s6] =	ssyncadd.s32 @!p2 $0xFFFFEC00  }
0xc5: {  	[tilespmem:s20], [sflag:$0x7] =	stream.indirect.gather [hbm4b:s8+s14], $0x40, s23, s14, $0xb8;
	[tilespmem:$0x1DC80] =	vst v63  }
0xc6: {  	_ =	swait.ge [sflag:s28], $0x1400  }
0xc7: {  	[sflag:s28] =	ssyncset.done $0x0  }
0xc8: {  	s3 =	sadd.s32 $0x4E20, s25;
	s6 =	simm.s32 @!p2 $0x10;
	[sflag:s28] =	ssyncadd.s32 $0xFFFFEC00  }
0xc9: {  	[spmem:s2] =	stream.indirect.scatter.add.f32 [tilespmem:s15], [sflag:$0x9], $0x40, s3, s14, $0xb8;
	[tilespmem:$0x1DC80] =	vst v63  }
0xca: {  	_ =	swait.ge @!p2 [sflag:s6], $0x1400  }
0xcb: {  	[sflag:s6] =	ssyncset.done @!p2 $0x0  }
0xcc: {  	s5 =	sadd.s32 $0x230, s25;
	[sflag:s6] =	ssyncadd.s32 @!p2 $0xFFFFEC00  }
0xcd: {  	[tilespmem:s29], [sflag:$0x8] =	stream.indirect.gather [hbm4b:s8+s14], $0x40, s5, s14, $0xb8;
	[tilespmem:$0x1DC80] =	vst v63  }
0xce: {  	_ =	swait.ge [sflag:s30], $0x1400  }
0xcf: {  	[sflag:s30] =	ssyncset.done $0x0  }
0xd0: {  	s6 =	sadd.s32 $0x4E70, s25;
	[sflag:s30] =	ssyncadd.s32 $0xFFFFEC00  }
0xd1: {  	[spmem:s2] =	stream.indirect.scatter.add.f32 [tilespmem:s16], [sflag:$0xA], $0x40, s6, s14, $0xb8;
	[tilespmem:$0x1DC80] =	vst v63  }
0xd2: {  	_ =	swait.ge [sflag:s31], $0x1400  }
0xd3: {  	[sflag:s31] =	ssyncset.done $0x0  }
0xd4: {  	s7 =	sadd.s32 $0x280, s25;
	[sflag:s31] =	ssyncadd.s32 $0xFFFFEC00  }
0xd5: {  	[tilespmem:s15], [sflag:$0x1] =	stream.indirect.gather [hbm4b:s8+s14], $0x40, s7, s14, $0xb8;
	[tilespmem:$0x1DC80] =	vst v63  }
0xd6: {  	_ =	swait.ge [sflag:s0], $0x1400  }
0xd7: {  	[sflag:s0] =	ssyncset.done $0x0  }
0xd8: {  	s10 =	sadd.s32 $0x4EC0, s25;
	[sflag:s0] =	ssyncadd.s32 $0xFFFFEC00  }
0xd9: {  	[spmem:s2] =	stream.indirect.scatter.add.f32 [tilespmem:s11], [sflag:$0xB], $0x40, s10, s14, $0xb8;
	[tilespmem:$0x1DC80] =	vst v63  }
0xda: {  	_ =	swait.ge [sflag:s13], $0x1400  }
0xdb: {  	[sflag:s13] =	ssyncset.done $0x0  }
0xdc: {  	s11 =	sadd.s32 $0x2D0, s25;
	[sflag:s13] =	ssyncadd.s32 $0xFFFFEC00  }
0xdd: {  	[tilespmem:s16], [sflag:$0x2] =	stream.indirect.gather [hbm4b:s8+s14], $0x40, s11, s14, $0xb8;
	[tilespmem:$0x1DC80] =	vst v63  }
0xde: {  	_ =	swait.ge [sflag:s17], $0x1400  }
0xdf: {  	p2 =	seq.s32 s9, $0x12C00;
	[sflag:s17] =	ssyncset.done $0x0  }
0xe0: {  	s20 =	sadd.s32 $0x4F10, s25;
	s6 =	simm.s32 @p2 $0x5;
	[sflag:s17] =	ssyncadd.s32 $0xFFFFEC00  }
0xe1: {  	[spmem:s2] =	stream.indirect.scatter.add.f32 [tilespmem:s18], [sflag:$0xC], $0x40, s20, s14, $0xb8;
	[tilespmem:$0x1DC80] =	vst v63  }
0xe2: {  	s7 =	sshra.s32 @p2 s9, $0x2;
	_ =	swait.ge @p2 [sflag:s6], $0x1400  }
0xe3: {  	s1 =	simm.s32 @p2 $0x50;
	s23 =	sadd.s32 @p2 $0x4F60, s7;
	[sflag:s6] =	ssyncset.done @p2 $0x0  }
0xe4: {  	s10 =	simm.s32 @p2 $0xEC40;
	[sflag:s6] =	ssyncadd.s32 @p2 $0xFFFFEC00;
	s6 =	simm.s32 @!p2 $0xB  }
0xe5: {  	[spmem:s2] =	stream.indirect.scatter.add.f32 @p2 [tilespmem:s10], [sflag:$0xD], $0x40, s23, s1, $0xb8;
	[tilespmem:$0x1DC80] =	vst v63  }
0xe6: {  	s9 =	sshra.s32 @!p2 s9, $0x2;
	_ =	swait.ge @!p2 [sflag:s6], $0x1400  }
0xe7: {  	s5 =	sadd.s32 @!p2 $0x320, s9;
	s11 =	simm.s32 @!p2 $0xC440;
	[sflag:s6] =	ssyncset.done @!p2 $0x0  }
0xe8: {  	s18 =	simm.s32 @!p2 $0x5;
	s23 =	simm.s32 @!p2 $0x50;
	[sflag:s6] =	ssyncadd.s32 @!p2 $0xFFFFEC00  }
0xe9: {  	[tilespmem:s11], [sflag:$0x3] =	stream.indirect.gather @!p2 [hbm4b:s8+s23], $0x40, s5, s23, $0xb8;
	[tilespmem:$0x1DC80] =	vst v63  }
0xea: {  	_ =	swait.ge @!p2 [sflag:s18], $0x1400  }
0xeb: {  	s20 =	simm.s32 @!p2 $0xEC40;
	[sflag:s18] =	ssyncset.done @!p2 $0x0  }
0xec: {  	s10 =	sadd.s32 @!p2 $0x4F60, s9;
	[sflag:s18] =	ssyncadd.s32 @!p2 $0xFFFFEC00;
	s18 =	simm.s32 @!p2 $0xC  }
0xed: {  	[spmem:s2] =	stream.indirect.scatter.add.f32 @!p2 [tilespmem:s20], [sflag:$0xD], $0x40, s10, s23, $0xb8;
	[tilespmem:$0x1DC80] =	vst v63  }
0xee: {  	_ =	swait.ge @!p2 [sflag:s18], $0x1400  }
0xef: {  	s22 =	smov.u32 s24;
	[sflag:s18] =	ssyncset.done @!p2 $0x0  }
0xf0: {  	s3 =	sadd.s32 @!p2 $0x370, s9;
	s10 =	simm.s32 @!p2 $0xD840;
	[sflag:s18] =	ssyncadd.s32 @!p2 $0xFFFFEC00  }
0xf1: {  	[tilespmem:s10], [sflag:$0x4] =	stream.indirect.gather @!p2 [hbm4b:s8+s23], $0x40, s3, s23, $0xb8;
	[tilespmem:$0x1DC80] =	vst v63  }
0xf2: {  	s6 =	sadd.s32 @!p2 $0x410, s9;
	s5 =	sadd.s32 @!p2 $0x3C0, s9;
	_ =	swait.ge [sflag:s19], $0x1400  }
0xf3: {  	s11 =	sadd.s32 @!p2 $0x5000, s9;
	s9 =	smov.u32 s22;
	[sflag:s19] =	ssyncset.done $0x0  }
0xf4: {  	s22 =	sadd.s32 $0x4FB0, s25;
	s10 =	simm.s32 @p2 $0x7;
	[sflag:s19] =	ssyncadd.s32 $0xFFFFEC00  }
0xf5: {  	[spmem:s2] =	stream.indirect.scatter.add.f32 [tilespmem:s26], [sflag:$0xE], $0x40, s22, s14, $0xb8;
	[tilespmem:$0x1DC80] =	vst v63  }
0xf6: {  	_ =	swait.ge @p2 [sflag:s10], $0x1400  }
0xf7: {  	s7 =	sadd.s32 @p2 $0x5000, s7;
	[sflag:s10] =	ssyncset.done @p2 $0x0  }
0xf8: {  	s3 =	simm.s32 @p2 $0x11440;
	[sflag:s10] =	ssyncadd.s32 @p2 $0xFFFFEC00;
	s10 =	simm.s32 @!p2 $0xD  }
0xf9: {  	[spmem:s2] =	stream.indirect.scatter.add.f32 @p2 [tilespmem:s3], [sflag:$0xF], $0x40, s7, s1, $0xb8;
	[tilespmem:$0x1DC80] =	vst v63  }
0xfa: {  	_ =	swait.ge @!p2 [sflag:s10], $0x1400  }
0xfb: {  	[sflag:s10] =	ssyncset.done @!p2 $0x0  }
0xfc: {  	s1 =	simm.s32 @!p2 $0x7;
	[sflag:s10] =	ssyncadd.s32 @!p2 $0xFFFFEC00  }
0xfd: {  	[tilespmem:s20], [sflag:$0x5] =	stream.indirect.gather @!p2 [hbm4b:s8+s23], $0x40, s5, s23, $0xb8;
	[tilespmem:$0x1DC80] =	vst v63  }
0xfe: {  	s24 =	sadd.s32 $0xA00, s24;
	_ =	swait.ge @!p2 [sflag:s1], $0x1400  }
0xff: {  	p1 =	sne.s32 s24, $0x13600;
	[sflag:s1] =	ssyncset.done @!p2 $0x0  }
0x100: {  	s3 =	simm.s32 @!p2 $0x11440;
	[sflag:s1] =	ssyncadd.s32 @!p2 $0xFFFFEC00;
	s1 =	simm.s32 @!p2 $0xE  }
0x101: {  	[spmem:s2] =	stream.indirect.scatter.add.f32 @!p2 [tilespmem:s3], [sflag:$0xF], $0x40, s11, s23, $0xb8;
	[tilespmem:$0x1DC80] =	vst v63  }
.Ltmp1:
0x102: {  	_ =	swait.ge @!p2 [sflag:s1], $0x1400;
	(pc) =	sbr.rel @p1 .LBB2_4-.Ltmp1, $4  }
0x103: {  	s18 =	simm.s32 $0xD840;
	[sflag:s1] =	ssyncset.done @!p2 $0x0  }
0x104: {  	s11 =	simm.s32 $0xC440;
	s3 =	simm.s32 @!p2 $0x10040;
	[sflag:s1] =	ssyncadd.s32 @!p2 $0xFFFFEC00  }
0x105: {  	[tilespmem:s3], [sflag:$0x6] =	stream.indirect.gather @!p2 [hbm4b:s8+s23], $0x40, s6, s23, $0xb8;
	[tilespmem:$0x1DC80] =	vst v63  }
0x106: {  	s1 =	sadd.s32 $0x5050, s25;
	p2 =	seq.s32 s9, $0x0;
	_ =	swait.ge [sflag:s21], $0x1400  }
0x107: {  	[sflag:s21] =	ssyncset.done $0x0  }
0x108: {  	s3 =	simm.s32 @!p2 $0xF;
	[sflag:s21] =	ssyncadd.s32 $0xFFFFEC00  }
0x109: {  	[spmem:s2] =	stream.indirect.scatter.add.f32 [tilespmem:s29], [sflag:$0x10], $0x40, s1, s14, $0xb8;
	[tilespmem:$0x1DC80] =	vst v63  }
0x10a: {  	_ =	swait.ge @!p2 [sflag:s3], $0x1400  }
0x10b: {  	s22 =	sshra.s32 s9, $0x2;
	[sflag:s3] =	ssyncset.done @!p2 $0x0  }
0x10c: {  	s23 =	sadd.s32 $0x1E0, s22;
	s20 =	rddreg [dreg:$0x3];
	[sflag:s3] =	ssyncadd.s32 @!p2 $0xFFFFEC00  }
0x10d: {  	[tilespmem:s20], [sflag:$0x7] =	stream.indirect.gather [hbm4b:s8+s14], $0x40, s23, s14, $0xb8;
	[tilespmem:$0x1DC80] =	vst v63  }
0x10e: {  	_ =	swait.ge [sflag:s28], $0x1400  }
0x10f: {  	[sflag:s28] =	ssyncset.done $0x0  }
0x110: {  	s24 =	sadd.s32 $0x4E20, s22;
	s3 =	simm.s32 @!p2 $0x10;
	[sflag:s28] =	ssyncadd.s32 $0xFFFFEC00  }
0x111: {  	[spmem:s2] =	stream.indirect.scatter.add.f32 [tilespmem:s15], [sflag:$0x9], $0x40, s24, s14, $0xb8;
	[tilespmem:$0x1DC80] =	vst v63  }
0x112: {  	_ =	swait.ge @!p2 [sflag:s3], $0x1400  }
0x113: {  	[sflag:s3] =	ssyncset.done @!p2 $0x0  }
0x114: {  	s25 =	sadd.s32 $0x230, s22;
	[sflag:s3] =	ssyncadd.s32 @!p2 $0xFFFFEC00  }
0x115: {  	[tilespmem:s29], [sflag:$0x8] =	stream.indirect.gather [hbm4b:s8+s14], $0x40, s25, s14, $0xb8;
	[tilespmem:$0x1DC80] =	vst v63  }
0x116: {  	_ =	swait.ge [sflag:s30], $0x1400  }
0x117: {  	[sflag:s30] =	ssyncset.done $0x0  }
0x118: {  	s3 =	sadd.s32 $0x4E70, s22;
	[sflag:s30] =	ssyncadd.s32 $0xFFFFEC00  }
0x119: {  	[spmem:s2] =	stream.indirect.scatter.add.f32 [tilespmem:s16], [sflag:$0xA], $0x40, s3, s14, $0xb8;
	[tilespmem:$0x1DC80] =	vst v63  }
0x11a: {  	_ =	swait.ge [sflag:s31], $0x1400  }
0x11b: {  	[sflag:s31] =	ssyncset.done $0x0  }
0x11c: {  	s5 =	sadd.s32 $0x280, s22;
	[sflag:s31] =	ssyncadd.s32 $0xFFFFEC00  }
0x11d: {  	[tilespmem:s15], [sflag:$0x1] =	stream.indirect.gather [hbm4b:s8+s14], $0x40, s5, s14, $0xb8;
	[tilespmem:$0x1DC80] =	vst v63  }
0x11e: {  	_ =	swait.ge [sflag:s0], $0x1400  }
0x11f: {  	[sflag:s0] =	ssyncset.done $0x0  }
0x120: {  	s6 =	sadd.s32 $0x4EC0, s22;
	[sflag:s0] =	ssyncadd.s32 $0xFFFFEC00  }
0x121: {  	[spmem:s2] =	stream.indirect.scatter.add.f32 [tilespmem:s11], [sflag:$0xB], $0x40, s6, s14, $0xb8;
	[tilespmem:$0x1DC80] =	vst v63  }
0x122: {  	_ =	swait.ge [sflag:s13], $0x1400  }
0x123: {  	[sflag:s13] =	ssyncset.done $0x0  }
0x124: {  	s7 =	sadd.s32 $0x2D0, s22;
	[sflag:s13] =	ssyncadd.s32 $0xFFFFEC00  }
0x125: {  	[tilespmem:s16], [sflag:$0x2] =	stream.indirect.gather [hbm4b:s8+s14], $0x40, s7, s14, $0xb8;
	[tilespmem:$0x1DC80] =	vst v63  }
0x126: {  	_ =	swait.ge [sflag:s17], $0x1400  }
0x127: {  	p1 =	seq.s32 s9, $0x12C00;
	[sflag:s17] =	ssyncset.done $0x0  }
0x128: {  	s10 =	sadd.s32 $0x4F10, s22;
	s3 =	simm.s32 @p1 $0x5;
	[sflag:s17] =	ssyncadd.s32 $0xFFFFEC00  }
0x129: {  	[spmem:s2] =	stream.indirect.scatter.add.f32 [tilespmem:s18], [sflag:$0xC], $0x40, s10, s14, $0xb8;
	[tilespmem:$0x1DC80] =	vst v63  }
0x12a: {  	s1 =	sshra.s32 @p1 s9, $0x2;
	_ =	swait.ge @p1 [sflag:s3], $0x1400  }
0x12b: {  	s5 =	sadd.s32 @p1 $0x4F60, s1;
	s6 =	simm.s32 @p1 $0x50;
	[sflag:s3] =	ssyncset.done @p1 $0x0  }
0x12c: {  	s7 =	simm.s32 @p1 $0xEC40;
	[sflag:s3] =	ssyncadd.s32 @p1 $0xFFFFEC00;
	s3 =	simm.s32 @!p1 $0xB  }
0x12d: {  	[spmem:s2] =	stream.indirect.scatter.add.f32 @p1 [tilespmem:s7], [sflag:$0xD], $0x40, s5, s6, $0xb8;
	[tilespmem:$0x1DC80] =	vst v63  }
0x12e: {  	s10 =	simm.s32 @!p1 $0xC440;
	_ =	swait.ge @!p1 [sflag:s3], $0x1400  }
0x12f: {  	s5 =	sshra.s32 @!p1 s9, $0x2;
	s9 =	simm.s32 @!p1 $0x50;
	[sflag:s3] =	ssyncset.done @!p1 $0x0  }
0x130: {  	s7 =	sadd.s32 @!p1 $0x320, s5;
	[sflag:s3] =	ssyncadd.s32 @!p1 $0xFFFFEC00;
	s3 =	simm.s32 @!p1 $0x5  }
0x131: {  	[tilespmem:s10], [sflag:$0x3] =	stream.indirect.gather @!p1 [hbm4b:s8+s9], $0x40, s7, s9, $0xb8;
	[tilespmem:$0x1DC80] =	vst v63  }
0x132: {  	_ =	swait.ge @!p1 [sflag:s3], $0x1400  }
0x133: {  	s7 =	sadd.s32 @!p1 $0x4F60, s5;
	[sflag:s3] =	ssyncset.done @!p1 $0x0  }
0x134: {  	s10 =	simm.s32 @!p1 $0xEC40;
	[sflag:s3] =	ssyncadd.s32 @!p1 $0xFFFFEC00;
	s3 =	simm.s32 @!p1 $0xC  }
0x135: {  	[spmem:s2] =	stream.indirect.scatter.add.f32 @!p1 [tilespmem:s10], [sflag:$0xD], $0x40, s7, s9, $0xb8;
	[tilespmem:$0x1DC80] =	vst v63  }
0x136: {  	_ =	swait.ge @!p1 [sflag:s3], $0x1400  }
0x137: {  	[sflag:s3] =	ssyncset.done @!p1 $0x0  }
0x138: {  	s7 =	sadd.s32 @!p1 $0x370, s5;
	[sflag:s3] =	ssyncadd.s32 @!p1 $0xFFFFEC00;
	s3 =	simm.s32 @!p1 $0xD840  }
0x139: {  	[tilespmem:s3], [sflag:$0x4] =	stream.indirect.gather @!p1 [hbm4b:s8+s9], $0x40, s7, s9, $0xb8;
	[tilespmem:$0x1DC80] =	vst v63  }
0x13a: {  	_ =	swait.ge [sflag:s19], $0x1400  }
0x13b: {  	[sflag:s19] =	ssyncset.done $0x0  }
0x13c: {  	s20 =	sadd.s32 $0x4FB0, s22;
	s3 =	simm.s32 @p1 $0x7;
	[sflag:s19] =	ssyncadd.s32 $0xFFFFEC00  }
0x13d: {  	[spmem:s2] =	stream.indirect.scatter.add.f32 [tilespmem:s26], [sflag:$0xE], $0x40, s20, s14, $0xb8;
	[tilespmem:$0x1DC80] =	vst v63  }
0x13e: {  	_ =	swait.ge @p1 [sflag:s3], $0x1400  }
0x13f: {  	[sflag:s3] =	ssyncset.done @p1 $0x0  }
0x140: {  	s1 =	sadd.s32 @p1 $0x5000, s1;
	[sflag:s3] =	ssyncadd.s32 @p1 $0xFFFFEC00;
	s3 =	simm.s32 @p1 $0x11440  }
0x141: {  	[spmem:s2] =	stream.indirect.scatter.add.f32 @p1 [tilespmem:s3], [sflag:$0xF], $0x40, s1, s6, $0xb8;
	[tilespmem:$0x1DC80] =	vst v63  }
0x142: {  	s1 =	simm.s32 @!p1 $0xD  }
0x143: {  	_ =	swait.ge @!p1 [sflag:s1], $0x1400  }
0x144: {  	[sflag:s1] =	ssyncset.done @!p1 $0x0  }
0x145: {  	[sflag:s1] =	ssyncadd.s32 @!p1 $0xFFFFEC00;
	s1 =	sadd.s32 @!p1 $0x3C0, s5  }
0x146: {  	[tilespmem:s10], [sflag:$0x5] =	stream.indirect.gather @!p1 [hbm4b:s8+s9], $0x40, s1, s9, $0xb8;
	[tilespmem:$0x1DC80] =	vst v63  }
0x147: {  	s1 =	simm.s32 @!p1 $0x7  }
0x148: {  	_ =	swait.ge @!p1 [sflag:s1], $0x1400  }
0x149: {  	[sflag:s1] =	ssyncset.done @!p1 $0x0  }
0x14a: {  	s3 =	sadd.s32 @!p1 $0x5000, s5;
	[sflag:s1] =	ssyncadd.s32 @!p1 $0xFFFFEC00;
	s1 =	simm.s32 @!p1 $0x11440  }
0x14b: {  	[spmem:s2] =	stream.indirect.scatter.add.f32 @!p1 [tilespmem:s1], [sflag:$0xF], $0x40, s3, s9, $0xb8;
	[tilespmem:$0x1DC80] =	vst v63  }
0x14c: {  	s1 =	simm.s32 @!p1 $0xE  }
0x14d: {  	_ =	swait.ge @!p1 [sflag:s1], $0x1400  }
0x14e: {  	[sflag:s1] =	ssyncset.done @!p1 $0x0  }
0x14f: {  	s3 =	sadd.s32 @!p1 $0x410, s5;
	[sflag:s1] =	ssyncadd.s32 @!p1 $0xFFFFEC00;
	s1 =	simm.s32 @!p1 $0x10040  }
0x150: {  	[tilespmem:s1], [sflag:$0x6] =	stream.indirect.gather @!p1 [hbm4b:s8+s9], $0x40, s3, s9, $0xb8;
	[tilespmem:$0x1DC80] =	vst v63  }
0x151: {  	_ =	swait.ge [sflag:s21], $0x1400  }
0x152: {  	[sflag:s21] =	ssyncset.done $0x0  }
0x153: {  	s23 =	sadd.s32 $0x5050, s22;
	[sflag:s21] =	ssyncadd.s32 $0xFFFFEC00  }
0x154: {  	[spmem:s2] =	stream.indirect.scatter.add.f32 [tilespmem:s29], [sflag:$0x10], $0x40, s23, s14, $0xb8;
	[tilespmem:$0x1DC80] =	vst v63  }
0x155: {  	_ =	swait.ge [sflag:s28], $0x1400  }
0x156: {  	[sflag:s28] =	ssyncset.done $0x0  }
0x157: {  	s24 =	simm.s32 $0x9BA0;
	[sflag:s28] =	ssyncadd.s32 $0xFFFFEC00  }
0x158: {  	[spmem:s2] =	stream.indirect.scatter.add.f32 [tilespmem:s15], [sflag:$0x9], $0x40, s24, s14, $0xb8;
	[tilespmem:$0x1DC80] =	vst v63  }
0x159: {  	_ =	swait.ge [sflag:s30], $0x1400  }
0x15a: {  	[sflag:s30] =	ssyncset.done $0x0  }
0x15b: {  	s25 =	simm.s32 $0x9BF0;
	s3 =	simm.s32 $0xB;
	[sflag:s30] =	ssyncadd.s32 $0xFFFFEC00  }
0x15c: {  	[spmem:s2] =	stream.indirect.scatter.add.f32 [tilespmem:s16], [sflag:$0xA], $0x40, s25, s14, $0xb8;
	[tilespmem:$0x1DC80] =	vst v63  }
0x15d: {  	_ =	swait.ge [sflag:s3], $0x1400  }
0x15e: {  	[sflag:s3] =	ssyncset.done $0x0  }
0x15f: {  	s5 =	simm.s32 $0xC;
	[sflag:s3] =	ssyncadd.s32 $0xFFFFEC00  }
0x160: {  	_ =	swait.ge [sflag:s5], $0x1400  }
0x161: {  	[sflag:s5] =	ssyncset.done $0x0  }
0x162: {  	s6 =	simm.s32 $0xD;
	[sflag:s5] =	ssyncadd.s32 $0xFFFFEC00  }
0x163: {  	_ =	swait.ge [sflag:s6], $0x1400  }
0x164: {  	[sflag:s6] =	ssyncset.done $0x0  }
0x165: {  	s7 =	simm.s32 $0xE;
	[sflag:s6] =	ssyncadd.s32 $0xFFFFEC00  }
0x166: {  	_ =	swait.ge [sflag:s7], $0x1400  }
0x167: {  	[sflag:s7] =	ssyncset.done $0x0  }
0x168: {  	s9 =	simm.s32 $0xF;
	[sflag:s7] =	ssyncadd.s32 $0xFFFFEC00  }
0x169: {  	_ =	swait.ge [sflag:s9], $0x1400  }
0x16a: {  	[sflag:s9] =	ssyncset.done $0x0  }
0x16b: {  	s10 =	simm.s32 $0x10;
	[sflag:s9] =	ssyncadd.s32 $0xFFFFEC00  }
0x16c: {  	_ =	swait.ge [sflag:s10], $0x1400  }
0x16d: {  	[sflag:s10] =	ssyncset.done $0x0  }
0x16e: {  	[sflag:s10] =	ssyncadd.s32 $0xFFFFEC00  }
0x16f: {  	_ =	swait.ge [sflag:s31], $0x1400  }
0x170: {  	[sflag:s31] =	ssyncset.done $0x0  }
0x171: {  	[sflag:s31] =	ssyncadd.s32 $0xFFFFEC00  }
0x172: {  	_ =	swait.ge [sflag:s13], $0x1400  }
0x173: {  	[sflag:s13] =	ssyncset.done $0x0  }
0x174: {  	[sflag:s13] =	ssyncadd.s32 $0xFFFFEC00  }
0x175: {  	s20 =	stileid.u32;
	[bflag:$0x0] =	sbarrier.arrive $0xFFFF  }
0x176: {  	s1 =	sshll.u32 s20, $0x6;
	s22 =	rddreg [dreg:$0xa]  }
0x177: {  	s1 =	sor.u32 $0x1C11, s1;
	s23 =	rddreg [dreg:$0xb]  }
0x178: {  	[hbm:s22], [sflag:s1] =	dma.local [spmem:s23], $0x1380  }
0x179: {  	_ =	swait.ge [sflag:s12], $0x1380  }
0x17a: {  	s3 =	rddreg [dreg:$0x8]  }
0x17b: {  	[sflag:s12] =	ssyncset.done $0x0;
	s10 =	rddreg [dreg:$0x5]  }
0x17c: {  	[sflag:s12] =	ssyncadd.s32 $0xFFFFEC80;
	s3 =	sadd.s32 @!p0 $0x13800, s3;
	s5 =	sshrl.u32 @!p0 s10, $0x3  }
0x17d: {  	[hbm:s3], [sflag:s1] =	dma.local @!p0 [spmem:s5], $0x80  }
0x17e: {  	s1 =	simm.s32 @!p0 $0x11  }
0x17f: {  	_ =	swait.ge @!p0 [sflag:s1], $0x80  }
0x180: {  	s24 =	rddreg [dreg:$0x4]  }
0x181: {  	s25 =	rddreg [dreg:$0x9];
	s9 =	sadd.s32 $0x1, s24  }
0x182: {  	p1 =	sne.s32 s9, s25  }
.Ltmp2:
0x183: {  	_ = 	snop;
	(pc) =	sbr.rel @p1 .LBB2_1-.Ltmp2, $3  }
0x184: {  	_ =	sdelay $0x1  }
0x185: {  	[sflag:s1] =	ssyncset.done @!p0 $0x0  }
0x186: {  	s7 =	simm.s32 $0x13C40;
	[sflag:s1] =	ssyncadd.s32 @!p0 $0xFFFFFF80  }
0x187: {  	_ =	sfence.sel $0x180000  }
0x188: {  	[bflag:$0x0] =	sbarrier.arrive $0xFFFF  }
0x189: {  	_ =	strace $0x9000004A  }
0x18a: {  	s0 =	stileid.u32;
	[bflag:$0x2] =	sbarrier.arrive $0xFFFF  }
0x18b: {  	p0 =	sne.s32 s0, $0x0;
	s0 =	rddreg [dreg:$0x2]  }
0x18c: {  	s0 =	sadd.s32 @!p0 $0x100000, s0  }
0x18d: {  	[sflag:s0] =	ssyncadd.tile.s32 @!p0 $0x1;
	_ =	shalt  }
.Lfunc_end2:
_tile_overlayer_lowered:
.L_overlay_start_2:
0x18e: {  	(tag) =	ssettag $0x2  }
0x18f: {  	s0 =	rddreg [dreg:$0x0];
	s2 =	stileid.u32  }
0x190: {  	s1 =	rddreg [dreg:$0x1];
	p0 =	sne.s32 s2, $0x0  }
0x191: {  	s3 =	rddreg [dreg:$0x2];
	[bflag:$0x3] =	sbarrier.arrive $0xFFFF;
	s2 =	simm.s32 @!p0 $0x1C11  }
0x192: {  	[timem:s3], [sflag:s2] =	dma.local @!p0 [hbm:s0], s1  }
0x193: {  	s0 =	simm.s32 @!p0 $0x11  }
0x194: {  	_ =	swait.ge @!p0 [sflag:s0], s1  }
0x195: {  	s1 =	ssub.s32 @!p0 $0x0, s1;
	[sflag:s0] =	ssyncset.done @!p0 $0x0  }
0x196: {  	[sflag:s0] =	ssyncadd.s32 @!p0 s1  }
0x197: {  	[bflag:$0x3] =	sbarrier.arrive $0xFFFF  }
0x198: {  	_ =	shalt  }

// kernel: kernel.13.cloned.1.call-start
scs
__scs_entry_jumppad:
0x0: {  	(pc) =	sbr.rel $0x88, $3  }
0x1: {  	(tag) =	ssettag $0x0;
	lr =	simm.s32 $0x1  }
0x2: {  	[smem:$0x3F9B] =	sst lr;
	_ =	strace $0xD0000000  }
0x3: {  	_ = 	snop  }
0x4: {  	_ = 	snop  }
0x5: {  	_ = 	snop  }
0x6: {  	_ = 	snop  }
0x7: {  	_ = 	snop  }
__scs_overlays_trampoline_lowered:
0x8: {  	[smem:$0x3FAA] =	sst s0  }
0x9: {  	[smem:$0x3FAB] =	sst s1  }
0xa: {  	[smem:$0x3FAC] =	sst s2  }
0xb: {  	[smem:$0x3FAD] =	sst s3  }
0xc: {  	[smem:$0x3FAE] =	sst s4  }
0xd: {  	[smem:$0x3FAF] =	sst s5  }
0xe: {  	[smem:$0x3FB0] =	sst s6  }
0xf: {  	[smem:$0x3FB1] =	sst s7  }
0x10: {  	[smem:$0x3FB2] =	sst s8  }
0x11: {  	[smem:$0x3FB3] =	sst s9;
	s0 =	simm.s32 @!p0 $0x0  }
0x12: {  	s1 =	sld [smem:$0x3F99];
	s0 =	simm.s32 @p0 $0x1  }
0x13: {  	[smem:$0x3FB4] =	sst s0;
	s0 =	simm.s32 @!p1 $0x0  }
0x14: {  	s2 =	sld [smem:$0x3F98];
	s0 =	simm.s32 @p1 $0x1  }
0x15: {  	[smem:$0x3FB5] =	sst s0;
	s0 =	simm.s32 @!p2 $0x0  }
0x16: {  	s3 =	sld [smem:$0x3FDB];
	s0 =	simm.s32 @p2 $0x1  }
0x17: {  	s4 =	simm.s32 $0x1BF5;
	[smem:$0x3FB7] =	sst s0  }
0x18: {  	s0 =	sld [smem:$0x3F9A];
	_ =	swait.ge [sflag:s4], $0x0  }
0x19: {  	s7 =	sld [smem:$0x3F9B]  }
0x1a: {  	s8 =	sadd.s32 $0xFFFFE003, lr  }
0x1b: {  	s9 =	sadd.s32 $0xFFFFFEF7, lr;
	s5 =	simm.s32 $0xFFFFFFFF;
	p2 =	slt.u32 s8, $0xFFFFF086  }
0x1c: {  	p1 =	slt.u32 s9, $0xF7A;
	s5 =	simm.s32 @!p2 $0x0  }
0x1d: {  	s5 =	simm.s32 @p1 $0x1;
	p0 =	seq.s32 s7, s2  }
0x1e: {  	s7 =	smul.u32 @!p0 $0xF7A, s2;
	p2 =	seq.s32 @!p0 s5, $0x0  }
0x1f: {  	s9 =	smul.u32 $0xF7A, s1;
	s8 =	simm.s32 @!p0 $0x1BF5;
	p2 =	por !p2, p0  }
0x20: {  	[sflag:s8] =	ssyncset.s32 @!p0 $0xFFFFF086;
	s6 =	sadd.s32 @!p0 s3, s7;
	s7 =	simm.s32 @!p0 $0x108  }
0x21: {  	s3 =	sadd.s32 s3, s9;
	s6 =	sadd.s32 @!p0 $0x88, s6;
	s7 =	simm.s32 @p2 $0x1082  }
0x22: {  	[simem:s7], [sflag:s8] =	dma.local @!p0 [hbm:s6], $0xF7A  }
0x23: {  	s9 =	sor.u32 $0xD0000000, s2;
	s6 =	simm.s32 $0x108;
	_ =	swait.ge @!p0 [sflag:s8], $0x0  }
0x24: {  	s3 =	sadd.s32 $0x88, s3;
	s6 =	simm.s32 @!p1 $0x1082;
	[sflag:s4] =	ssyncset.s32 $0xFFFFF086  }
0x25: {  	[simem:s6], [sflag:s4] =	dma.local [hbm:s3], $0xF7A  }
0x26: {  	[smem:$0x3F9B] =	sst s1;
	(tag) =	ssettag s2;
	_ =	strace s9  }
0x27: {  	s1 =	sld [smem:$0x3FAB]  }
0x28: {  	s2 =	sld [smem:$0x3FAC]  }
0x29: {  	s4 =	sld [smem:$0x3FAE]  }
0x2a: {  	p0 =	seq.s32 s5, $0x0;
	s5 =	sld [smem:$0x3FAF]  }
0x2b: {  	s6 =	sld [smem:$0x3FB0]  }
0x2c: {  	s7 =	sld [smem:$0x3FB1]  }
0x2d: {  	s3 =	simm.s32 $0x108;
	s8 =	sld [smem:$0x3FB2]  }
0x2e: {  	s3 =	simm.s32 @!p0 $0x1082;
	s9 =	sld [smem:$0x3FB3]  }
0x2f: {  	lr =	sadd.s32 s0, s3;
	s0 =	sld [smem:$0x3FAA]  }
0x30: {  	s3 =	sld [smem:$0x3FAD]  }
0x31: {  	[smem:$0x3FB6] =	sst s10  }
0x32: {  	s10 =	sld [smem:$0x3FB4];
	_ =	sdelay $0x3  }
0x33: {  	p0 =	seq.s32 s10, $0x1;
	s10 =	sld [smem:$0x3FB6];
	_ =	sdelay $0x3  }
0x34: {  	[smem:$0x3FB6] =	sst s10  }
0x35: {  	s10 =	sld [smem:$0x3FB5];
	_ =	sdelay $0x3  }
0x36: {  	p1 =	seq.s32 s10, $0x1;
	s10 =	sld [smem:$0x3FB6];
	_ =	sdelay $0x3  }
0x37: {  	[smem:$0x3FB6] =	sst s10  }
0x38: {  	s10 =	sld [smem:$0x3FB7]  }
0x39: {  	_ = 	snop;
	(pc) =	sbr.ind lr, $3  }
0x3a: {  	_ = 	snop  }
0x3b: {  	_ = 	snop  }
0x3c: {  	p2 =	seq.s32 s10, $0x1;
	s10 =	sld [smem:$0x3FB6]  }
0x3d: {  	_ =	shalt  }
0x3e: {  	_ =	shalt  }
0x3f: {  	_ =	shalt  }
0x40: {  	_ =	shalt  }
0x41: {  	_ =	shalt  }
0x42: {  	_ =	shalt  }
0x43: {  	_ =	shalt  }
0x44: {  	_ =	shalt  }
0x45: {  	_ =	shalt  }
0x46: {  	_ =	shalt  }
0x47: {  	_ =	shalt  }
0x48: {  	_ =	shalt  }
0x49: {  	_ =	shalt  }
0x4a: {  	_ =	shalt  }
0x4b: {  	_ =	shalt  }
0x4c: {  	_ =	shalt  }
0x4d: {  	_ =	shalt  }
0x4e: {  	_ =	shalt  }
0x4f: {  	_ =	shalt  }
0x50: {  	_ =	shalt  }
0x51: {  	_ =	shalt  }
0x52: {  	_ =	shalt  }
0x53: {  	_ =	shalt  }
0x54: {  	_ =	shalt  }
0x55: {  	_ =	shalt  }
0x56: {  	_ =	shalt  }
0x57: {  	_ =	shalt  }
0x58: {  	_ =	shalt  }
0x59: {  	_ =	shalt  }
0x5a: {  	_ =	shalt  }
0x5b: {  	_ =	shalt  }
0x5c: {  	_ =	shalt  }
0x5d: {  	_ =	shalt  }
0x5e: {  	_ =	shalt  }
0x5f: {  	_ =	shalt  }
0x60: {  	_ =	shalt  }
0x61: {  	_ =	shalt  }
0x62: {  	_ =	shalt  }
0x63: {  	_ =	shalt  }
0x64: {  	_ =	shalt  }
0x65: {  	_ =	shalt  }
0x66: {  	_ =	shalt  }
0x67: {  	_ =	shalt  }
0x68: {  	_ =	shalt  }
0x69: {  	_ =	shalt  }
0x6a: {  	_ =	shalt  }
0x6b: {  	_ =	shalt  }
0x6c: {  	_ =	shalt  }
0x6d: {  	_ =	shalt  }
0x6e: {  	_ =	shalt  }
0x6f: {  	_ =	shalt  }
0x70: {  	_ =	shalt  }
0x71: {  	_ =	shalt  }
0x72: {  	_ =	shalt  }
0x73: {  	_ =	shalt  }
0x74: {  	_ =	shalt  }
0x75: {  	_ =	shalt  }
0x76: {  	_ =	shalt  }
0x77: {  	_ =	shalt  }
0x78: {  	_ =	shalt  }
0x79: {  	_ =	shalt  }
0x7a: {  	_ =	shalt  }
0x7b: {  	_ =	shalt  }
0x7c: {  	_ =	shalt  }
0x7d: {  	_ =	shalt  }
0x7e: {  	_ =	shalt  }
0x7f: {  	_ =	shalt  }
0x80: {  	_ =	shalt  }
0x81: {  	_ =	shalt  }
0x82: {  	_ =	shalt  }
0x83: {  	_ =	shalt  }
0x84: {  	_ =	shalt  }
0x85: {  	_ =	shalt  }
0x86: {  	_ =	shalt  }
0x87: {  	_ =	shalt  }
.Lfunc_end0:
.L_simem_size_0:
called_computation.2_lowered:
.L_overlay_start_0:
0x88: {  	s2 =	sld [smem:$0x3FD9]  }
0x89: {  	s3 =	sld [smem:$0x3FFE];
	_ =	sdelay $0x1  }
0x8a: {  	s1 =	srdreg.scid  }
0x8b: {  	s0 =	sand.u32 $0x1, s1  }
0x8c: {  	s17 =	sshll.u32 s0, $0xA;
	s2 =	sadd.s32 s3, s2  }
0x8d: {  	s2 =	sadd.s32 s2, s17  }
0x8e: {  	[smem:$0x3FC2] =	sst s2  }
0x8f: {  	_ = 	snop  }
0x90: {  	s2 =	sld [smem:$0x3FC4]  }
0x91: {  	s18 =	sld [smem:$0x3FD0];
	(tm) =	ssettm $0x1  }
0x92: {  	s4 =	sld [smem:$0x3FFB];
	_ =	sdelay $0x3  }
0x93: {  	_ =	strace s4  }
0x94: {  	s4 =	sld [smem:$0x3FFC];
	_ =	sdelay $0x3  }
0x95: {  	_ =	strace s4  }
0x96: {  	s4 =	sld [smem:$0x3FFD];
	_ =	sdelay $0x3  }
0x97: {  	_ =	strace s4  }
0x98: {  	_ =	strace $0x8FFFFFFF  }
0x99: {  	s19 =	sld [smem:$0x3FDB];
	_ =	sdelay $0x1  }
0x9a: {  	s5 =	simm.s32 $_scs_section_size  }
0x9b: {  	s6 =	simm.s32 $_size__tile_overlayer_lowered;
	s7 =	simm.s32 $_tile_overlayer_lowered  }
0x9c: {  	s22 =	simm.s32 $0x1BFF;
	s21 =	sshll.u32 s7, $0x1;
	s4 =	sadd.s32 s5, s19  }
0x9d: {  	s8 =	simm.s32 $0x0;
	s20 =	sshll.u32 s6, $0x1;
	s6 =	sadd.s32 s21, s4  }
0x9e: {  	[timem:s8], [sflag:s22] =	dma.local [hbm:s6], s20  }
0x9f: {  	_ =	swait.ge [sflag:s22], s20  }
0xa0: {  	s5 =	ssub.s32 $0x0, s20;
	[sflag:s22] =	ssyncset.done $0x0  }
0xa1: {  	[sflag:s22] =	ssyncadd.s32 s5;
	_ =	sdelay $0x1  }
0xa2: {  	s23 =	simm.s32 $0x1B8B  }
0xa3: {  	_ =	swait.ge [sflag:s23], $0x1  }
0xa4: {  	[sflag:s23] =	ssyncset.done $0x0  }
0xa5: {  	s25 =	simm.s32 $0x1B8E;
	s24 =	sld [smem:$0x3FFE];
	[sflag:s23] =	ssyncadd.s32 $0xFFFFFFFF  }
0xa6: {  	s26 =	simm.s32 $execute0_lowered;
	[smem:$0x3FD2] =	sst s25  }
0xa7: {  	s6 =	sshll.u32 s26, $0x1;
	_ =	strace $0x8000004C;
	[dreg:$0x1] =	wrdreg $0xFFFFFFFF  }
0xa8: {  	s28 =	simm.s32 $_size_execute0_lowered;
	s4 =	sadd.s32 s4, s6;
	[dreg:$0x0] =	wrdreg $0x0  }
0xa9: {  	s6 =	sshll.u32 s28, $0x1;
	[dreg:$0x2] =	wrdreg s4  }
0xaa: {  	[dreg:$0x3] =	wrdreg s6  }
0xab: {  	[dreg:$0x4] =	wrdreg $0xC0  }
0xac: {  	_ =	task [dreg:s8], $0x5FFFF  }
0xad: {  	[dreg:$0x1] =	wrdreg $0xFFFFFFFF  }
0xae: {  	[dreg:$0x0] =	wrdreg $0x60  }
0xaf: {  	[dreg:$0x2] =	wrdreg s18  }
0xb0: {  	[dreg:$0x3] =	wrdreg s24  }
0xb1: {  	[dreg:$0x4] =	wrdreg s2  }
0xb2: {  	[dreg:$0x5] =	wrdreg $0x140F00  }
0xb3: {  	[dreg:$0x6] =	wrdreg $0x9  }
0xb4: {  	_ =	task.clear_ibuf [dreg:s8], $0x7FFFF;
	_ =	strace $0x9000004C  }
0xb5: {  	s29 =	simm.s32 $0x9;
	_ =	strace $0x8000004E  }
0xb6: {  	_ =	swait.ge [sflag:s29], $0x1  }
0xb7: {  	[sflag:s29] =	ssyncadd.s32 $0xFFFFFFFF  }
0xb8: {  	_ =	strace $0x9000004E  }
0xb9: {  	_ =	sfence  }
0xba: {  	s30 =	sld [smem:$0x0];
	_ =	sdelay $0x2  }
0xbb: {  	s31 =	sshll.u32 s1, $0xD;
	s1 =	sshrl.u32 s1, $0x2  }
0xbc: {  	s3 =	sand.u32 $0x4000, s31;
	s1 =	sadd.s32 s1, s30  }
0xbd: {  	s0 =	sor.u32 s3, s0;
	s1 =	sshll.u32 s1, $0x11  }
0xbe: {  	s0 =	sor.u32 s1, s0  }
0xbf: {  	s0 =	sadd.s32 $0x8F2B, s0  }
0xc0: {  	[sflag:s0] =	ssyncadd.remote.s32 $0x1  }
0xc1: {  	_ =	sfence.sel $0xFFFF  }
0xc2: {  	[dreg:$0x0] =	wrdreg $0xFFFFFFFF;
	(pc) =	sbr.abs _section_cstart, $3  }
0xc3: {  	[dreg:$0x1] =	wrdreg $0xFFFFFFFF  }
0xc4: {  	_ =	task.clear_ibuf [dreg:s8], $0x2FFFF;
	_ =	strace $0x9FFFFFFF  }
0xc5: {  	(tm) =	ssettm $0x7FFFFFFF  }
tec
execute0_lowered:
.L_overlay_start_1:
0x0: {  	(tag) =	ssettag $0x1  }
0x1: {  	s0 =	rddreg [dreg:$0x0]  }
0x2: {  	s1 =	rddreg [dreg:$0x1]  }
0x3: {  	s5 =	rddreg [dreg:$0x2]  }
0x4: {  	s2 =	rddreg [dreg:$0x3];
	s3 =	stileid.u32  }
0x5: {  	s14 =	simm.s32 $0x0;
	s7 =	srdreg.scid;
	s26 =	simm.s32 $0xD840  }
0x6: {  	s31 =	simm.s32 $0xCE40;
	s28 =	simm.s32 $0x4;
	s4 =	smul.u32 $0x9C4, s3  }
0x7: {  	s29 =	simm.s32 $0x6;
	s30 =	simm.s32 $0x8;
	s6 =	smul.u32 $0x4E, s3  }
0x8: {  	[smem:$0x7FF] =	sst s14;
	s7 =	sand.u32 $0x1, s7;
	s8 =	smul.u32 $0x13800, s3  }
0x9: {  	s11 =	sadd.s32 $0x15800, s1;
	s17 =	sadd.s32 $0x4E000, s2;
	s13 =	smul.u32 $0x9C00, s3  }
0xa: {  	s21 =	sadd.s32 $0x49200, s2;
	p0 =	sne.s32 s3, $0xF;
	p1 =	seq.s32 s3, $0xF  }
0xb: {  	_ =	strace $0x8000004D;
	s16 =	ssub.s32 $0x2, s7;
	[dreg:$0x7] =	wrdreg s17  }
0xc: {  	s19 =	smul.u32 $0x9C40, s7;
	s12 =	sshll.u32 s7, $0x2;
	s7 =	sshll.u32 s7, $0x5  }
0xd: {  	[dreg:$0xc] =	wrdreg s21;
	s17 =	simm.s32 $0x11;
	s21 =	simm.s32 $0x9C40  }
0xe: {  	[dreg:$0x5] =	wrdreg s26;
	s9 =	sadd.s32 s4, s1;
	s6 =	sadd.s32 s6, s1  }
0xf: {  	s10 =	sshrl.u32 s16, $0x1;
	s8 =	sshrl.u32 s8, $0x2;
	s5 =	sadd.s32 s5, s12  }
0x10: {  	s22 =	sor.u32 s7, s13;
	s1 =	sadd.s32 $0x15692, s1;
	s23 =	sadd.s32 s12, s11  }
0x11: {  	s10 =	ssub.s32 s16, s10;
	s4 =	sadd.s32 s8, s2;
	s18 =	sadd.s32 $0xB400, s9  }
0x12: {  	s9 =	sadd.s32 $0x1600, s9;
	[dreg:$0xa] =	wrdreg s5;
	s20 =	sadd.s32 $0x15200, s6  }
0x13: {  	[dreg:$0xd] =	wrdreg s1;
	s24 =	sadd.s32 $0x12480, s23;
	s6 =	simm.s32 $0xEC40  }
0x14: {  	s16 =	simm.s32 $0xB040;
	s1 =	simm.s32 $0xE240;
	[dreg:$0x8] =	wrdreg s18  }
0x15: {  	s23 =	simm.s32 $0x3;
	[dreg:$0x9] =	wrdreg s9;
	s9 =	sadd.s32 s0, s19  }
.Ltmp0:
0x16: {  	[dreg:$0xb] =	wrdreg s20;
	s0 =	sshrl.u32 s22, $0x3;
	(pc) =	sbr.rel .LBB2_1-.Ltmp0, $4  }
0x17: {  	[dreg:$0xf] =	wrdreg s24;
	s25 =	smax.u32 s10, $0x1;
	s20 =	simm.s32 $0x50  }
0x18: {  	s22 =	simm.s32 $0xA640;
	s24 =	simm.s32 $0xBA40;
	s18 =	simm.s32 $0x2  }
0x19: {  	s19 =	simm.s32 $0x9;
	s0 =	sadd.s32 s11, s0;
	[dreg:$0x10] =	wrdreg s25  }
0x1a: {  	v0 =	vimm.f32 $0.0e+00;
	s25 =	simm.s32 $0xA;
	[dreg:$0xe] =	wrdreg s0;
	s0 =	simm.s32 $0x1  }
.LBB2_13:
0x1b: {  	s3 =	rddreg [dreg:$0xe]  }
0x1c: {  	s5 =	simm.s32 $0x20;
	s6 =	simm.s32 $0x40;
	s7 =	simm.s32 $0xEE40  }
0x1d: {  	[hbm4b:s3+s5] =	stream.strided.scatter [tilespmem:s7], [sflag:$0x11], $0x4E00, s6, s5, $0x38;
	[tilespmem:$0x18F10] =	vst v63  }
0x1e: {  	_ =	swait.ge [sflag:s17], $0x4E00  }
0x1f: {  	[sflag:s17] =	ssyncset.done $0x0  }
0x20: {  	s6 =	simm.s32 $0xEC40;
	[sflag:s17] =	ssyncadd.s32 $0xFFFFB200  }
.LBB2_11:
0x21: {  	s14 =	sadd.s32 $0x1, s14;
	s3 =	rddreg [dreg:$0x10]  }
0x22: {  	p2 =	sne.s32 s14, s3  }
.Ltmp1:
0x23: {  	_ = 	snop;
	(pc) =	sbr.rel @!p2 .LBB2_12-.Ltmp1, $1  }
0x24: {  	_ =	sdelay $0x3  }
.LBB2_1:
0x25: {  	[tilespmem:$0xEC40] =	vst v0  }
0x26: {  	[tilespmem:$0xEC50] =	vst v0  }
0x27: {  	[tilespmem:$0xEC60] =	vst v0  }
0x28: {  	[tilespmem:$0xEC70] =	vst v0  }
0x29: {  	[tilespmem:$0xEC80] =	vst v0  }
0x2a: {  	[tilespmem:$0xEC90] =	vst v0  }
0x2b: {  	[tilespmem:$0xECA0] =	vst v0  }
0x2c: {  	[tilespmem:$0xECB0] =	vst v0  }
0x2d: {  	[tilespmem:$0xECC0] =	vst v0  }
0x2e: {  	[tilespmem:$0xECD0] =	vst v0  }
0x2f: {  	[tilespmem:$0xECE0] =	vst v0  }
0x30: {  	[tilespmem:$0xECF0] =	vst v0  }
0x31: {  	[tilespmem:$0xED00] =	vst v0  }
0x32: {  	[tilespmem:$0xED10] =	vst v0  }
0x33: {  	[tilespmem:$0xED20] =	vst v0  }
0x34: {  	[tilespmem:$0xED30] =	vst v0  }
0x35: {  	[tilespmem:$0xED40] =	vst v0  }
0x36: {  	[tilespmem:$0xED50] =	vst v0  }
0x37: {  	[tilespmem:$0xED60] =	vst v0  }
0x38: {  	[tilespmem:$0xED70] =	vst v0  }
0x39: {  	[tilespmem:$0xED80] =	vst v0  }
0x3a: {  	[tilespmem:$0xED90] =	vst v0  }
0x3b: {  	[tilespmem:$0xEDA0] =	vst v0  }
0x3c: {  	[tilespmem:$0xEDB0] =	vst v0  }
0x3d: {  	[tilespmem:$0xEDC0] =	vst v0  }
0x3e: {  	[tilespmem:$0xEDD0] =	vst v0  }
0x3f: {  	[tilespmem:$0xEDE0] =	vst v0  }
0x40: {  	[tilespmem:$0xEDF0] =	vst v0  }
0x41: {  	[tilespmem:$0xEE00] =	vst v0  }
0x42: {  	[tilespmem:$0xEE10] =	vst v0  }
0x43: {  	[tilespmem:$0xEE20] =	vst v0  }
0x44: {  	[dreg:$0x6] =	wrdreg s14;
	[tilespmem:$0xEE30] =	vst v0;
	s5 =	sadd.s32 $0x0, s4  }
0x45: {  	[spmem:s5] =	stream.linear.scatter [tilespmem:s6], [sflag:$0x11], $0x200, $0x38;
	[tilespmem:$0x18F10] =	vst v63  }
0x46: {  	s5 =	simm.s32 $0x800;
	_ =	swait.ge [sflag:s17], $0x200  }
.LBB2_2:
0x47: {  	s10 =	sshra.s32 s5, $0x2;
	[sflag:s17] =	ssyncset.done $0x0;
	p2 =	sne.s32 s5, $0x13000  }
.Ltmp2:
0x48: {  	s10 =	sadd.s32 s10, s4;
	[sflag:s17] =	ssyncadd.s32 $0xFFFFFE00;
	(pc) =	sbr.rel @p2 .LBB2_2-.Ltmp2, $3  }
0x49: {  	[spmem:s10] =	stream.linear.scatter [tilespmem:s6], [sflag:$0x11], $0x200, $0x38;
	[tilespmem:$0x18F10] =	vst v63  }
0x4a: {  	s5 =	sadd.s32 $0x800, s5;
	_ =	sdelay $0x1  }
0x4b: {  	_ =	swait.ge [sflag:s17], $0x200  }
0x4c: {  	[sflag:s17] =	ssyncset.done $0x0  }
0x4d: {  	s5 =	simm.s32 @!p0 $0xEC40;
	s3 =	rddreg [dreg:$0x7];
	[sflag:s17] =	ssyncadd.s32 $0xFFFFFE00  }
0x4e: {  	[spmem:s3] =	stream.linear.scatter @!p0 [tilespmem:s5], [sflag:$0x11], $0x200, $0x38;
	[tilespmem:$0x18F10] =	vst v63  }
0x4f: {  	s5 =	simm.s32 @!p0 $0x11  }
0x50: {  	_ =	swait.ge @!p0 [sflag:s5], $0x200  }
0x51: {  	[sflag:s5] =	ssyncset.done @!p0 $0x0  }
0x52: {  	s7 =	simm.s32 $0x0;
	s8 =	rddreg [dreg:$0x8];
	[sflag:s5] =	ssyncadd.s32 @!p0 $0xFFFFFE00  }
0x53: {  	[tilespmem:s7], [sflag:$0x11] =	stream.linear.gather [hbm4b:s8+s7], $0x4E20, $0x38;
	[tilespmem:$0x18F10] =	vst v63  }
0x54: {  	_ =	swait.ge [sflag:s17], $0x4E20  }
0x55: {  	[sflag:s17] =	ssyncset.done $0x0  }
0x56: {  	s6 =	simm.s32 $0x4E20;
	s10 =	rddreg [dreg:$0x9];
	[sflag:s17] =	ssyncadd.s32 $0xFFFFB1E0  }
0x57: {  	[tilespmem:s6], [sflag:$0x11] =	stream.linear.gather [hbm4b:s10+s7], $0x4E20, $0x38;
	[tilespmem:$0x18F10] =	vst v63  }
0x58: {  	_ =	swait.ge [sflag:s17], $0x4E20  }
0x59: {  	[sflag:s17] =	ssyncset.done $0x0  }
0x5a: {  	s12 =	simm.s32 $0x140D0;
	s11 =	rddreg [dreg:$0xa];
	[sflag:s17] =	ssyncadd.s32 $0xFFFFB1E0  }
0x5b: {  	[tilespmem:s12], [sflag:$0x11] =	stream.linear.gather [hbm4b:s11+s7], $0x20, $0x38;
	[tilespmem:$0x18F10] =	vst v63  }
0x5c: {  	_ =	swait.ge [sflag:s17], $0x20  }
0x5d: {  	[sflag:s17] =	ssyncset.done $0x0  }
0x5e: {  	[sflag:s17] =	ssyncadd.s32 $0xFFFFFFE0  }
0x5f: {  	[bflag:$0x0] =	sbarrier.arrive $0xFFFF  }
0x60: {  	[tilespmem:s21], [sflag:$0x1] =	stream.indirect.gather [hbm4b:s9+s20], $0x20, s7, s20, $0xb8;
	[tilespmem:$0x18F10] =	vst v63  }
0x61: {  	_ = 	snop  }
0x62: {  	[tilespmem:s22], [sflag:$0x2] =	stream.indirect.gather [hbm4b:s9+s20], $0x20, s20, s20, $0xb8;
	[tilespmem:$0x18F10] =	vst v63  }
0x63: {  	s13 =	simm.s32 $0xA0  }
0x64: {  	[tilespmem:s16], [sflag:$0x3] =	stream.indirect.gather [hbm4b:s9+s20], $0x20, s13, s20, $0xb8;
	[tilespmem:$0x18F10] =	vst v63  }
0x65: {  	s14 =	simm.s32 $0xF0  }
0x66: {  	[tilespmem:s24], [sflag:$0x4] =	stream.indirect.gather [hbm4b:s9+s20], $0x20, s14, s20, $0xb8;
	[tilespmem:$0x18F10] =	vst v63  }
0x67: {  	s15 =	simm.s32 $0x140;
	s26 =	simm.s32 $0xC440  }
0x68: {  	[tilespmem:s26], [sflag:$0x5] =	stream.indirect.gather [hbm4b:s9+s20], $0x20, s15, s20, $0xb8;
	[tilespmem:$0x18F10] =	vst v63  }
0x69: {  	p2 =	por $0x1, $0x1;
	s5 =	simm.s32 $0x190  }
0x6a: {  	[tilespmem:s31], [sflag:$0x6] =	stream.indirect.gather [hbm4b:s9+s20], $0x20, s5, s20, $0xb8;
	[tilespmem:$0x18F10] =	vst v63  }
0x6b: {  	s5 =	simm.s32 @!p2 $0xF  }
0x6c: {  	_ =	swait.ge @!p2 [sflag:s5], $0xA00  }
0x6d: {  	[sflag:s5] =	ssyncset.done @!p2 $0x0  }
0x6e: {  	s6 =	simm.s32 $0x1E0;
	s10 =	rddreg [dreg:$0x5];
	[sflag:s5] =	ssyncadd.s32 @!p2 $0xFFFFF600  }
0x6f: {  	[tilespmem:s10], [sflag:$0x7] =	stream.indirect.gather [hbm4b:s9+s20], $0x20, s6, s20, $0xb8;
	[tilespmem:$0x18F10] =	vst v63  }
0x70: {  	_ =	swait.ge [sflag:s0], $0xA00  }
0x71: {  	[sflag:s0] =	ssyncset.done $0x0  }
0x72: {  	s7 =	simm.s32 $0x4E20;
	s10 =	simm.s32 @!p2 $0x10;
	[sflag:s0] =	ssyncadd.s32 $0xFFFFF600  }
0x73: {  	[spmem:s2] =	stream.indirect.scatter.add.f32 [tilespmem:s21], [sflag:$0x9], $0x20, s7, s20, $0xb8;
	[tilespmem:$0x18F10] =	vst v63  }
0x74: {  	_ =	swait.ge @!p2 [sflag:s10], $0xA00  }
0x75: {  	[sflag:s10] =	ssyncset.done @!p2 $0x0  }
0x76: {  	s8 =	simm.s32 $0x230;
	[sflag:s10] =	ssyncadd.s32 @!p2 $0xFFFFF600  }
0x77: {  	[tilespmem:s1], [sflag:$0x8] =	stream.indirect.gather [hbm4b:s9+s20], $0x20, s8, s20, $0xb8;
	[tilespmem:$0x18F10] =	vst v63  }
0x78: {  	_ =	swait.ge [sflag:s18], $0xA00  }
0x79: {  	[sflag:s18] =	ssyncset.done $0x0  }
0x7a: {  	s11 =	simm.s32 $0x4E70;
	[sflag:s18] =	ssyncadd.s32 $0xFFFFF600  }
0x7b: {  	[spmem:s2] =	stream.indirect.scatter.add.f32 [tilespmem:s22], [sflag:$0xA], $0x20, s11, s20, $0xb8;
	[tilespmem:$0x18F10] =	vst v63  }
0x7c: {  	_ =	swait.ge [sflag:s19], $0xA00  }
0x7d: {  	[sflag:s19] =	ssyncset.done $0x0  }
0x7e: {  	s12 =	simm.s32 $0x280;
	[sflag:s19] =	ssyncadd.s32 $0xFFFFF600  }
0x7f: {  	[tilespmem:s21], [sflag:$0x1] =	stream.indirect.gather [hbm4b:s9+s20], $0x20, s12, s20, $0xb8;
	[tilespmem:$0x18F10] =	vst v63  }
0x80: {  	_ =	swait.ge [sflag:s23], $0xA00  }
0x81: {  	[sflag:s23] =	ssyncset.done $0x0  }
0x82: {  	s13 =	simm.s32 $0x4EC0;
	[sflag:s23] =	ssyncadd.s32 $0xFFFFF600  }
0x83: {  	[spmem:s2] =	stream.indirect.scatter.add.f32 [tilespmem:s16], [sflag:$0xB], $0x20, s13, s20, $0xb8;
	[tilespmem:$0x18F10] =	vst v63  }
0x84: {  	_ =	swait.ge [sflag:s25], $0xA00  }
0x85: {  	[sflag:s25] =	ssyncset.done $0x0  }
0x86: {  	s14 =	simm.s32 $0x2D0;
	[sflag:s25] =	ssyncadd.s32 $0xFFFFF600  }
0x87: {  	[tilespmem:s22], [sflag:$0x2] =	stream.indirect.gather [hbm4b:s9+s20], $0x20, s14, s20, $0xb8;
	[tilespmem:$0x18F10] =	vst v63  }
0x88: {  	_ =	swait.ge [sflag:s28], $0xA00  }
0x89: {  	p2 =	por $0x0, $0x0;
	[sflag:s28] =	ssyncset.done $0x0  }
0x8a: {  	s15 =	simm.s32 $0x4F10;
	s10 =	simm.s32 @p2 $0x5;
	[sflag:s28] =	ssyncadd.s32 $0xFFFFF600  }
0x8b: {  	[spmem:s2] =	stream.indirect.scatter.add.f32 [tilespmem:s24], [sflag:$0xC], $0x20, s15, s20, $0xb8;
	[tilespmem:$0x18F10] =	vst v63  }
0x8c: {  	_ =	swait.ge @p2 [sflag:s10], $0xA00  }
0x8d: {  	s5 =	simm.s32 @p2 $0x4F60;
	s11 =	simm.s32 @p2 $0x50;
	[sflag:s10] =	ssyncset.done @p2 $0x0  }
0x8e: {  	s12 =	simm.s32 @p2 $0xC440;
	[sflag:s10] =	ssyncadd.s32 @p2 $0xFFFFF600;
	s10 =	simm.s32 @!p2 $0xB  }
0x8f: {  	[spmem:s2] =	stream.indirect.scatter.add.f32 @p2 [tilespmem:s12], [sflag:$0xD], $0x20, s5, s11, $0xb8;
	[tilespmem:$0x18F10] =	vst v63  }
0x90: {  	_ =	swait.ge @!p2 [sflag:s10], $0xA00  }
0x91: {  	s13 =	simm.s32 @!p2 $0xB040;
	s5 =	simm.s32 @!p2 $0x320;
	[sflag:s10] =	ssyncset.done @!p2 $0x0  }
0x92: {  	s12 =	simm.s32 @!p2 $0x50;
	[sflag:s10] =	ssyncadd.s32 @!p2 $0xFFFFF600;
	s10 =	simm.s32 @!p2 $0x5  }
0x93: {  	[tilespmem:s13], [sflag:$0x3] =	stream.indirect.gather @!p2 [hbm4b:s9+s12], $0x20, s5, s12, $0xb8;
	[tilespmem:$0x18F10] =	vst v63  }
0x94: {  	_ =	swait.ge @!p2 [sflag:s10], $0xA00  }
0x95: {  	s5 =	simm.s32 @!p2 $0x4F60;
	[sflag:s10] =	ssyncset.done @!p2 $0x0  }
0x96: {  	s13 =	simm.s32 @!p2 $0xC440;
	[sflag:s10] =	ssyncadd.s32 @!p2 $0xFFFFF600;
	s10 =	simm.s32 @!p2 $0xC  }
0x97: {  	[spmem:s2] =	stream.indirect.scatter.add.f32 @!p2 [tilespmem:s13], [sflag:$0xD], $0x20, s5, s12, $0xb8;
	[tilespmem:$0x18F10] =	vst v63  }
0x98: {  	_ =	swait.ge @!p2 [sflag:s10], $0xA00  }
0x99: {  	[sflag:s10] =	ssyncset.done @!p2 $0x0  }
0x9a: {  	s5 =	simm.s32 @!p2 $0x370;
	[sflag:s10] =	ssyncadd.s32 @!p2 $0xFFFFF600;
	s10 =	simm.s32 @!p2 $0xBA40  }
0x9b: {  	[tilespmem:s10], [sflag:$0x4] =	stream.indirect.gather @!p2 [hbm4b:s9+s12], $0x20, s5, s12, $0xb8;
	[tilespmem:$0x18F10] =	vst v63  }
0x9c: {  	_ =	swait.ge [sflag:s29], $0xA00  }
0x9d: {  	[sflag:s29] =	ssyncset.done $0x0  }
0x9e: {  	s26 =	simm.s32 $0x4FB0;
	s10 =	simm.s32 @p2 $0x7;
	[sflag:s29] =	ssyncadd.s32 $0xFFFFF600  }
0x9f: {  	[spmem:s2] =	stream.indirect.scatter.add.f32 [tilespmem:s31], [sflag:$0xE], $0x20, s26, s20, $0xb8;
	[tilespmem:$0x18F10] =	vst v63  }
0xa0: {  	_ =	swait.ge @p2 [sflag:s10], $0xA00  }
0xa1: {  	[sflag:s10] =	ssyncset.done @p2 $0x0  }
0xa2: {  	s5 =	simm.s32 @p2 $0x5000;
	[sflag:s10] =	ssyncadd.s32 @p2 $0xFFFFF600;
	s10 =	simm.s32 @p2 $0xD840  }
0xa3: {  	[spmem:s2] =	stream.indirect.scatter.add.f32 @p2 [tilespmem:s10], [sflag:$0xF], $0x20, s5, s11, $0xb8;
	[tilespmem:$0x18F10] =	vst v63  }
0xa4: {  	s5 =	simm.s32 @!p2 $0xD  }
0xa5: {  	_ =	swait.ge @!p2 [sflag:s5], $0xA00  }
0xa6: {  	[sflag:s5] =	ssyncset.done @!p2 $0x0  }
0xa7: {  	[sflag:s5] =	ssyncadd.s32 @!p2 $0xFFFFF600;
	s5 =	simm.s32 @!p2 $0x3C0  }
0xa8: {  	[tilespmem:s13], [sflag:$0x5] =	stream.indirect.gather @!p2 [hbm4b:s9+s12], $0x20, s5, s12, $0xb8;
	[tilespmem:$0x18F10] =	vst v63  }
0xa9: {  	s5 =	simm.s32 @!p2 $0x7  }
0xaa: {  	_ =	swait.ge @!p2 [sflag:s5], $0xA00  }
0xab: {  	[sflag:s5] =	ssyncset.done @!p2 $0x0  }
0xac: {  	s10 =	simm.s32 @!p2 $0x5000;
	[sflag:s5] =	ssyncadd.s32 @!p2 $0xFFFFF600;
	s5 =	simm.s32 @!p2 $0xD840  }
0xad: {  	[spmem:s2] =	stream.indirect.scatter.add.f32 @!p2 [tilespmem:s5], [sflag:$0xF], $0x20, s10, s12, $0xb8;
	[tilespmem:$0x18F10] =	vst v63  }
0xae: {  	s5 =	simm.s32 @!p2 $0xE  }
0xaf: {  	_ =	swait.ge @!p2 [sflag:s5], $0xA00  }
0xb0: {  	p3 =	por $0x0, $0x0;
	s11 =	simm.s32 $0x1400;
	[sflag:s5] =	ssyncset.done @!p2 $0x0  }
0xb1: {  	s10 =	simm.s32 @!p2 $0x410;
	[sflag:s5] =	ssyncadd.s32 @!p2 $0xFFFFF600;
	s5 =	simm.s32 @!p2 $0xCE40  }
0xb2: {  	[tilespmem:s5], [sflag:$0x6] =	stream.indirect.gather @!p2 [hbm4b:s9+s12], $0x20, s10, s12, $0xb8;
	[tilespmem:$0x18F10] =	vst v63  }
0xb3: {  	s10 =	simm.s32 $0xA00;
	s5 =	simm.s32 $0x5050;
	_ =	swait.ge [sflag:s30], $0xA00  }
.LBB2_4:
0xb4: {  	[sflag:s30] =	ssyncset.done $0x0  }
0xb5: {  	s13 =	simm.s32 @!p3 $0xF;
	[sflag:s30] =	ssyncadd.s32 $0xFFFFF600  }
0xb6: {  	[spmem:s2] =	stream.indirect.scatter.add.f32 [tilespmem:s1], [sflag:$0x10], $0x20, s5, s20, $0xb8;
	[tilespmem:$0x18F10] =	vst v63  }
0xb7: {  	_ =	swait.ge @!p3 [sflag:s13], $0xA00  }
0xb8: {  	s12 =	sshra.s32 s10, $0x2;
	[sflag:s13] =	ssyncset.done @!p3 $0x0  }
0xb9: {  	s14 =	sadd.s32 $0x1E0, s12;
	s8 =	rddreg [dreg:$0x5];
	[sflag:s13] =	ssyncadd.s32 @!p3 $0xFFFFF600  }
0xba: {  	[tilespmem:s8], [sflag:$0x7] =	stream.indirect.gather [hbm4b:s9+s20], $0x20, s14, s20, $0xb8;
	[tilespmem:$0x18F10] =	vst v63  }
0xbb: {  	_ =	swait.ge [sflag:s0], $0xA00  }
0xbc: {  	[sflag:s0] =	ssyncset.done $0x0  }
0xbd: {  	s26 =	sadd.s32 $0x4E20, s12;
	s13 =	simm.s32 @!p3 $0x10;
	[sflag:s0] =	ssyncadd.s32 $0xFFFFF600  }
0xbe: {  	[spmem:s2] =	stream.indirect.scatter.add.f32 [tilespmem:s21], [sflag:$0x9], $0x20, s26, s20, $0xb8;
	[tilespmem:$0x18F10] =	vst v63  }
0xbf: {  	_ =	swait.ge @!p3 [sflag:s13], $0xA00  }
0xc0: {  	[sflag:s13] =	ssyncset.done @!p3 $0x0  }
0xc1: {  	s3 =	sadd.s32 $0x230, s12;
	[sflag:s13] =	ssyncadd.s32 @!p3 $0xFFFFF600  }
0xc2: {  	[tilespmem:s1], [sflag:$0x8] =	stream.indirect.gather [hbm4b:s9+s20], $0x20, s3, s20, $0xb8;
	[tilespmem:$0x18F10] =	vst v63  }
0xc3: {  	_ =	swait.ge [sflag:s18], $0xA00  }
0xc4: {  	[sflag:s18] =	ssyncset.done $0x0  }
0xc5: {  	s6 =	sadd.s32 $0x4E70, s12;
	[sflag:s18] =	ssyncadd.s32 $0xFFFFF600  }
0xc6: {  	[spmem:s2] =	stream.indirect.scatter.add.f32 [tilespmem:s22], [sflag:$0xA], $0x20, s6, s20, $0xb8;
	[tilespmem:$0x18F10] =	vst v63  }
0xc7: {  	_ =	swait.ge [sflag:s19], $0xA00  }
0xc8: {  	[sflag:s19] =	ssyncset.done $0x0  }
0xc9: {  	s7 =	sadd.s32 $0x280, s12;
	[sflag:s19] =	ssyncadd.s32 $0xFFFFF600  }
0xca: {  	[tilespmem:s21], [sflag:$0x1] =	stream.indirect.gather [hbm4b:s9+s20], $0x20, s7, s20, $0xb8;
	[tilespmem:$0x18F10] =	vst v63  }
0xcb: {  	_ =	swait.ge [sflag:s23], $0xA00  }
0xcc: {  	[sflag:s23] =	ssyncset.done $0x0  }
0xcd: {  	s8 =	sadd.s32 $0x4EC0, s12;
	[sflag:s23] =	ssyncadd.s32 $0xFFFFF600  }
0xce: {  	[spmem:s2] =	stream.indirect.scatter.add.f32 [tilespmem:s16], [sflag:$0xB], $0x20, s8, s20, $0xb8;
	[tilespmem:$0x18F10] =	vst v63  }
0xcf: {  	_ =	swait.ge [sflag:s25], $0xA00  }
0xd0: {  	[sflag:s25] =	ssyncset.done $0x0  }
0xd1: {  	s13 =	sadd.s32 $0x2D0, s12;
	[sflag:s25] =	ssyncadd.s32 $0xFFFFF600  }
0xd2: {  	[tilespmem:s22], [sflag:$0x2] =	stream.indirect.gather [hbm4b:s9+s20], $0x20, s13, s20, $0xb8;
	[tilespmem:$0x18F10] =	vst v63  }
0xd3: {  	_ =	swait.ge [sflag:s28], $0xA00  }
0xd4: {  	p3 =	seq.s32 s10, $0x12C00;
	[sflag:s28] =	ssyncset.done $0x0  }
0xd5: {  	s14 =	sadd.s32 $0x4F10, s12;
	s13 =	simm.s32 @p3 $0x5;
	[sflag:s28] =	ssyncadd.s32 $0xFFFFF600  }
0xd6: {  	[spmem:s2] =	stream.indirect.scatter.add.f32 [tilespmem:s24], [sflag:$0xC], $0x20, s14, s20, $0xb8;
	[tilespmem:$0x18F10] =	vst v63  }
0xd7: {  	s6 =	sshra.s32 @p3 s10, $0x2;
	_ =	swait.ge @p3 [sflag:s13], $0xA00  }
0xd8: {  	s5 =	sadd.s32 @p3 $0x4F60, s6;
	s7 =	simm.s32 @p3 $0xC440;
	[sflag:s13] =	ssyncset.done @p3 $0x0  }
0xd9: {  	s8 =	simm.s32 @!p3 $0xB;
	s14 =	simm.s32 @p3 $0x50;
	[sflag:s13] =	ssyncadd.s32 @p3 $0xFFFFF600  }
0xda: {  	[spmem:s2] =	stream.indirect.scatter.add.f32 @p3 [tilespmem:s7], [sflag:$0xD], $0x20, s5, s14, $0xb8;
	[tilespmem:$0x18F10] =	vst v63  }
0xdb: {  	s10 =	sshra.s32 @!p3 s10, $0x2;
	_ =	swait.ge @!p3 [sflag:s8], $0xA00  }
0xdc: {  	s3 =	sadd.s32 @!p3 $0x320, s10;
	s13 =	simm.s32 @!p3 $0x50;
	[sflag:s8] =	ssyncset.done @!p3 $0x0  }
0xdd: {  	s5 =	simm.s32 @!p3 $0xB040;
	[sflag:s8] =	ssyncadd.s32 @!p3 $0xFFFFF600;
	s8 =	simm.s32 @!p3 $0x5  }
0xde: {  	[tilespmem:s5], [sflag:$0x3] =	stream.indirect.gather @!p3 [hbm4b:s9+s13], $0x20, s3, s13, $0xb8;
	[tilespmem:$0x18F10] =	vst v63  }
0xdf: {  	_ =	swait.ge @!p3 [sflag:s8], $0xA00  }
0xe0: {  	s26 =	simm.s32 @!p3 $0xC440;
	[sflag:s8] =	ssyncset.done @!p3 $0x0  }
0xe1: {  	s7 =	sadd.s32 @!p3 $0x4F60, s10;
	[sflag:s8] =	ssyncadd.s32 @!p3 $0xFFFFF600;
	s8 =	simm.s32 @!p3 $0xC  }
0xe2: {  	[spmem:s2] =	stream.indirect.scatter.add.f32 @!p3 [tilespmem:s26], [sflag:$0xD], $0x20, s7, s13, $0xb8;
	[tilespmem:$0x18F10] =	vst v63  }
0xe3: {  	_ =	swait.ge @!p3 [sflag:s8], $0xA00  }
0xe4: {  	s15 =	smov.u32 s11;
	[sflag:s8] =	ssyncset.done @!p3 $0x0  }
0xe5: {  	s16 =	sadd.s32 @!p3 $0x370, s10;
	s7 =	simm.s32 @!p3 $0xBA40;
	[sflag:s8] =	ssyncadd.s32 @!p3 $0xFFFFF600  }
0xe6: {  	[tilespmem:s7], [sflag:$0x4] =	stream.indirect.gather @!p3 [hbm4b:s9+s13], $0x20, s16, s13, $0xb8;
	[tilespmem:$0x18F10] =	vst v63  }
0xe7: {  	s24 =	sadd.s32 @!p3 $0x5000, s10;
	s3 =	sadd.s32 @!p3 $0x3C0, s10;
	_ =	swait.ge [sflag:s29], $0xA00  }
0xe8: {  	s5 =	sadd.s32 @!p3 $0x410, s10;
	s10 =	smov.u32 s15;
	[sflag:s29] =	ssyncset.done $0x0  }
0xe9: {  	s15 =	sadd.s32 $0x4FB0, s12;
	s8 =	simm.s32 @p3 $0x7;
	[sflag:s29] =	ssyncadd.s32 $0xFFFFF600  }
0xea: {  	[spmem:s2] =	stream.indirect.scatter.add.f32 [tilespmem:s31], [sflag:$0xE], $0x20, s15, s20, $0xb8;
	[tilespmem:$0x18F10] =	vst v63  }
0xeb: {  	_ =	swait.ge @p3 [sflag:s8], $0xA00  }
0xec: {  	s6 =	sadd.s32 @p3 $0x5000, s6;
	[sflag:s8] =	ssyncset.done @p3 $0x0  }
0xed: {  	s7 =	simm.s32 @p3 $0xD840;
	[sflag:s8] =	ssyncadd.s32 @p3 $0xFFFFF600;
	s8 =	simm.s32 @!p3 $0xD  }
0xee: {  	[spmem:s2] =	stream.indirect.scatter.add.f32 @p3 [tilespmem:s7], [sflag:$0xF], $0x20, s6, s14, $0xb8;
	[tilespmem:$0x18F10] =	vst v63  }
0xef: {  	_ =	swait.ge @!p3 [sflag:s8], $0xA00  }
0xf0: {  	[sflag:s8] =	ssyncset.done @!p3 $0x0  }
0xf1: {  	s6 =	simm.s32 @!p3 $0x7;
	[sflag:s8] =	ssyncadd.s32 @!p3 $0xFFFFF600  }
0xf2: {  	[tilespmem:s26], [sflag:$0x5] =	stream.indirect.gather @!p3 [hbm4b:s9+s13], $0x20, s3, s13, $0xb8;
	[tilespmem:$0x18F10] =	vst v63  }
0xf3: {  	s11 =	sadd.s32 $0xA00, s11;
	_ =	swait.ge @!p3 [sflag:s6], $0xA00  }
0xf4: {  	p2 =	sne.s32 s11, $0x13600;
	[sflag:s6] =	ssyncset.done @!p3 $0x0  }
0xf5: {  	s3 =	simm.s32 @!p3 $0xD840;
	[sflag:s6] =	ssyncadd.s32 @!p3 $0xFFFFF600;
	s6 =	simm.s32 @!p3 $0xE  }
0xf6: {  	[spmem:s2] =	stream.indirect.scatter.add.f32 @!p3 [tilespmem:s3], [sflag:$0xF], $0x20, s24, s13, $0xb8;
	[tilespmem:$0x18F10] =	vst v63  }
.Ltmp3:
0xf7: {  	_ =	swait.ge @!p3 [sflag:s6], $0xA00;
	(pc) =	sbr.rel @p2 .LBB2_4-.Ltmp3, $4  }
0xf8: {  	s16 =	simm.s32 $0xB040;
	[sflag:s6] =	ssyncset.done @!p3 $0x0  }
0xf9: {  	s24 =	simm.s32 $0xBA40;
	s3 =	simm.s32 @!p3 $0xCE40;
	[sflag:s6] =	ssyncadd.s32 @!p3 $0xFFFFF600  }
0xfa: {  	[tilespmem:s3], [sflag:$0x6] =	stream.indirect.gather @!p3 [hbm4b:s9+s13], $0x20, s5, s13, $0xb8;
	[tilespmem:$0x18F10] =	vst v63  }
0xfb: {  	p3 =	seq.s32 s10, $0x0;
	s5 =	sadd.s32 $0x5050, s12;
	_ =	swait.ge [sflag:s30], $0xA00  }
0xfc: {  	[sflag:s30] =	ssyncset.done $0x0  }
0xfd: {  	s3 =	simm.s32 @!p3 $0xF;
	[sflag:s30] =	ssyncadd.s32 $0xFFFFF600  }
0xfe: {  	[spmem:s2] =	stream.indirect.scatter.add.f32 [tilespmem:s1], [sflag:$0x10], $0x20, s5, s20, $0xb8;
	[tilespmem:$0x18F10] =	vst v63  }
0xff: {  	_ =	swait.ge @!p3 [sflag:s3], $0xA00  }
0x100: {  	s11 =	sshra.s32 s10, $0x2;
	[sflag:s3] =	ssyncset.done @!p3 $0x0  }
0x101: {  	s26 =	sadd.s32 $0x1E0, s11;
	s15 =	rddreg [dreg:$0x5];
	[sflag:s3] =	ssyncadd.s32 @!p3 $0xFFFFF600  }
0x102: {  	[tilespmem:s15], [sflag:$0x7] =	stream.indirect.gather [hbm4b:s9+s20], $0x20, s26, s20, $0xb8;
	[tilespmem:$0x18F10] =	vst v63  }
0x103: {  	_ =	swait.ge [sflag:s0], $0xA00  }
0x104: {  	[sflag:s0] =	ssyncset.done $0x0  }
0x105: {  	s6 =	sadd.s32 $0x4E20, s11;
	s5 =	simm.s32 @!p3 $0x10;
	[sflag:s0] =	ssyncadd.s32 $0xFFFFF600  }
0x106: {  	[spmem:s2] =	stream.indirect.scatter.add.f32 [tilespmem:s21], [sflag:$0x9], $0x20, s6, s20, $0xb8;
	[tilespmem:$0x18F10] =	vst v63  }
0x107: {  	_ =	swait.ge @!p3 [sflag:s5], $0xA00  }
0x108: {  	[sflag:s5] =	ssyncset.done @!p3 $0x0  }
0x109: {  	s7 =	sadd.s32 $0x230, s11;
	[sflag:s5] =	ssyncadd.s32 @!p3 $0xFFFFF600  }
0x10a: {  	[tilespmem:s1], [sflag:$0x8] =	stream.indirect.gather [hbm4b:s9+s20], $0x20, s7, s20, $0xb8;
	[tilespmem:$0x18F10] =	vst v63  }
0x10b: {  	_ =	swait.ge [sflag:s18], $0xA00  }
0x10c: {  	[sflag:s18] =	ssyncset.done $0x0  }
0x10d: {  	s8 =	sadd.s32 $0x4E70, s11;
	[sflag:s18] =	ssyncadd.s32 $0xFFFFF600  }
0x10e: {  	[spmem:s2] =	stream.indirect.scatter.add.f32 [tilespmem:s22], [sflag:$0xA], $0x20, s8, s20, $0xb8;
	[tilespmem:$0x18F10] =	vst v63  }
0x10f: {  	_ =	swait.ge [sflag:s19], $0xA00  }
0x110: {  	[sflag:s19] =	ssyncset.done $0x0  }
0x111: {  	s12 =	sadd.s32 $0x280, s11;
	[sflag:s19] =	ssyncadd.s32 $0xFFFFF600  }
0x112: {  	[tilespmem:s21], [sflag:$0x1] =	stream.indirect.gather [hbm4b:s9+s20], $0x20, s12, s20, $0xb8;
	[tilespmem:$0x18F10] =	vst v63  }
0x113: {  	_ =	swait.ge [sflag:s23], $0xA00  }
0x114: {  	[sflag:s23] =	ssyncset.done $0x0  }
0x115: {  	s13 =	sadd.s32 $0x4EC0, s11;
	[sflag:s23] =	ssyncadd.s32 $0xFFFFF600  }
0x116: {  	[spmem:s2] =	stream.indirect.scatter.add.f32 [tilespmem:s16], [sflag:$0xB], $0x20, s13, s20, $0xb8;
	[tilespmem:$0x18F10] =	vst v63  }
0x117: {  	_ =	swait.ge [sflag:s25], $0xA00  }
0x118: {  	[sflag:s25] =	ssyncset.done $0x0  }
0x119: {  	s14 =	sadd.s32 $0x2D0, s11;
	[sflag:s25] =	ssyncadd.s32 $0xFFFFF600  }
0x11a: {  	[tilespmem:s22], [sflag:$0x2] =	stream.indirect.gather [hbm4b:s9+s20], $0x20, s14, s20, $0xb8;
	[tilespmem:$0x18F10] =	vst v63  }
0x11b: {  	_ =	swait.ge [sflag:s28], $0xA00  }
0x11c: {  	p2 =	seq.s32 s10, $0x12C00;
	[sflag:s28] =	ssyncset.done $0x0  }
0x11d: {  	s15 =	sadd.s32 $0x4F10, s11;
	s5 =	simm.s32 @p2 $0x5;
	[sflag:s28] =	ssyncadd.s32 $0xFFFFF600  }
0x11e: {  	[spmem:s2] =	stream.indirect.scatter.add.f32 [tilespmem:s24], [sflag:$0xC], $0x20, s15, s20, $0xb8;
	[tilespmem:$0x18F10] =	vst v63  }
0x11f: {  	s3 =	sshra.s32 @p2 s10, $0x2;
	_ =	swait.ge @p2 [sflag:s5], $0xA00  }
0x120: {  	s6 =	sadd.s32 @p2 $0x4F60, s3;
	s7 =	simm.s32 @p2 $0x50;
	[sflag:s5] =	ssyncset.done @p2 $0x0  }
0x121: {  	s8 =	simm.s32 @p2 $0xC440;
	[sflag:s5] =	ssyncadd.s32 @p2 $0xFFFFF600;
	s5 =	simm.s32 @!p2 $0xB  }
0x122: {  	[spmem:s2] =	stream.indirect.scatter.add.f32 @p2 [tilespmem:s8], [sflag:$0xD], $0x20, s6, s7, $0xb8;
	[tilespmem:$0x18F10] =	vst v63  }
0x123: {  	s12 =	simm.s32 @!p2 $0xB040;
	_ =	swait.ge @!p2 [sflag:s5], $0xA00  }
0x124: {  	s6 =	sshra.s32 @!p2 s10, $0x2;
	s10 =	simm.s32 @!p2 $0x50;
	[sflag:s5] =	ssyncset.done @!p2 $0x0  }
0x125: {  	s8 =	sadd.s32 @!p2 $0x320, s6;
	[sflag:s5] =	ssyncadd.s32 @!p2 $0xFFFFF600;
	s5 =	simm.s32 @!p2 $0x5  }
0x126: {  	[tilespmem:s12], [sflag:$0x3] =	stream.indirect.gather @!p2 [hbm4b:s9+s10], $0x20, s8, s10, $0xb8;
	[tilespmem:$0x18F10] =	vst v63  }
0x127: {  	_ =	swait.ge @!p2 [sflag:s5], $0xA00  }
0x128: {  	s8 =	sadd.s32 @!p2 $0x4F60, s6;
	[sflag:s5] =	ssyncset.done @!p2 $0x0  }
0x129: {  	s12 =	simm.s32 @!p2 $0xC440;
	[sflag:s5] =	ssyncadd.s32 @!p2 $0xFFFFF600;
	s5 =	simm.s32 @!p2 $0xC  }
0x12a: {  	[spmem:s2] =	stream.indirect.scatter.add.f32 @!p2 [tilespmem:s12], [sflag:$0xD], $0x20, s8, s10, $0xb8;
	[tilespmem:$0x18F10] =	vst v63  }
0x12b: {  	_ =	swait.ge @!p2 [sflag:s5], $0xA00  }
0x12c: {  	[sflag:s5] =	ssyncset.done @!p2 $0x0  }
0x12d: {  	s8 =	sadd.s32 @!p2 $0x370, s6;
	[sflag:s5] =	ssyncadd.s32 @!p2 $0xFFFFF600;
	s5 =	simm.s32 @!p2 $0xBA40  }
0x12e: {  	[tilespmem:s5], [sflag:$0x4] =	stream.indirect.gather @!p2 [hbm4b:s9+s10], $0x20, s8, s10, $0xb8;
	[tilespmem:$0x18F10] =	vst v63  }
0x12f: {  	_ =	swait.ge [sflag:s29], $0xA00  }
0x130: {  	[sflag:s29] =	ssyncset.done $0x0  }
0x131: {  	s26 =	sadd.s32 $0x4FB0, s11;
	s5 =	simm.s32 @p2 $0x7;
	[sflag:s29] =	ssyncadd.s32 $0xFFFFF600  }
0x132: {  	[spmem:s2] =	stream.indirect.scatter.add.f32 [tilespmem:s31], [sflag:$0xE], $0x20, s26, s20, $0xb8;
	[tilespmem:$0x18F10] =	vst v63  }
0x133: {  	_ =	swait.ge @p2 [sflag:s5], $0xA00  }
0x134: {  	[sflag:s5] =	ssyncset.done @p2 $0x0  }
0x135: {  	s3 =	sadd.s32 @p2 $0x5000, s3;
	[sflag:s5] =	ssyncadd.s32 @p2 $0xFFFFF600;
	s5 =	simm.s32 @p2 $0xD840  }
0x136: {  	[spmem:s2] =	stream.indirect.scatter.add.f32 @p2 [tilespmem:s5], [sflag:$0xF], $0x20, s3, s7, $0xb8;
	[tilespmem:$0x18F10] =	vst v63  }
0x137: {  	s3 =	simm.s32 @!p2 $0xD  }
0x138: {  	_ =	swait.ge @!p2 [sflag:s3], $0xA00  }
0x139: {  	[sflag:s3] =	ssyncset.done @!p2 $0x0  }
0x13a: {  	[sflag:s3] =	ssyncadd.s32 @!p2 $0xFFFFF600;
	s3 =	sadd.s32 @!p2 $0x3C0, s6  }
0x13b: {  	[tilespmem:s12], [sflag:$0x5] =	stream.indirect.gather @!p2 [hbm4b:s9+s10], $0x20, s3, s10, $0xb8;
	[tilespmem:$0x18F10] =	vst v63  }
0x13c: {  	s3 =	simm.s32 @!p2 $0x7  }
0x13d: {  	_ =	swait.ge @!p2 [sflag:s3], $0xA00  }
0x13e: {  	[sflag:s3] =	ssyncset.done @!p2 $0x0  }
0x13f: {  	s5 =	sadd.s32 @!p2 $0x5000, s6;
	[sflag:s3] =	ssyncadd.s32 @!p2 $0xFFFFF600;
	s3 =	simm.s32 @!p2 $0xD840  }
0x140: {  	[spmem:s2] =	stream.indirect.scatter.add.f32 @!p2 [tilespmem:s3], [sflag:$0xF], $0x20, s5, s10, $0xb8;
	[tilespmem:$0x18F10] =	vst v63  }
0x141: {  	s3 =	simm.s32 @!p2 $0xE  }
0x142: {  	_ =	swait.ge @!p2 [sflag:s3], $0xA00  }
0x143: {  	[sflag:s3] =	ssyncset.done @!p2 $0x0  }
0x144: {  	s5 =	sadd.s32 @!p2 $0x410, s6;
	[sflag:s3] =	ssyncadd.s32 @!p2 $0xFFFFF600;
	s3 =	simm.s32 @!p2 $0xCE40  }
0x145: {  	[tilespmem:s3], [sflag:$0x6] =	stream.indirect.gather @!p2 [hbm4b:s9+s10], $0x20, s5, s10, $0xb8;
	[tilespmem:$0x18F10] =	vst v63  }
0x146: {  	_ =	swait.ge [sflag:s30], $0xA00  }
0x147: {  	[sflag:s30] =	ssyncset.done $0x0  }
0x148: {  	s6 =	sadd.s32 $0x5050, s11;
	[sflag:s30] =	ssyncadd.s32 $0xFFFFF600  }
0x149: {  	[spmem:s2] =	stream.indirect.scatter.add.f32 [tilespmem:s1], [sflag:$0x10], $0x20, s6, s20, $0xb8;
	[tilespmem:$0x18F10] =	vst v63  }
0x14a: {  	_ =	swait.ge [sflag:s0], $0xA00  }
0x14b: {  	[sflag:s0] =	ssyncset.done $0x0  }
0x14c: {  	s7 =	simm.s32 $0x9BA0;
	[sflag:s0] =	ssyncadd.s32 $0xFFFFF600  }
0x14d: {  	[spmem:s2] =	stream.indirect.scatter.add.f32 [tilespmem:s21], [sflag:$0x9], $0x20, s7, s20, $0xb8;
	[tilespmem:$0x18F10] =	vst v63  }
0x14e: {  	_ =	swait.ge [sflag:s18], $0xA00  }
0x14f: {  	[sflag:s18] =	ssyncset.done $0x0  }
0x150: {  	s8 =	simm.s32 $0x9BF0;
	s10 =	simm.s32 $0xB;
	[sflag:s18] =	ssyncadd.s32 $0xFFFFF600  }
0x151: {  	[spmem:s2] =	stream.indirect.scatter.add.f32 [tilespmem:s22], [sflag:$0xA], $0x20, s8, s20, $0xb8;
	[tilespmem:$0x18F10] =	vst v63  }
0x152: {  	_ =	swait.ge [sflag:s10], $0xA00  }
0x153: {  	[sflag:s10] =	ssyncset.done $0x0  }
0x154: {  	s11 =	simm.s32 $0xC;
	[sflag:s10] =	ssyncadd.s32 $0xFFFFF600  }
0x155: {  	_ =	swait.ge [sflag:s11], $0xA00  }
0x156: {  	[sflag:s11] =	ssyncset.done $0x0  }
0x157: {  	s12 =	simm.s32 $0xD;
	[sflag:s11] =	ssyncadd.s32 $0xFFFFF600  }
0x158: {  	_ =	swait.ge [sflag:s12], $0xA00  }
0x159: {  	[sflag:s12] =	ssyncset.done $0x0  }
0x15a: {  	s13 =	simm.s32 $0xE;
	[sflag:s12] =	ssyncadd.s32 $0xFFFFF600  }
0x15b: {  	_ =	swait.ge [sflag:s13], $0xA00  }
0x15c: {  	[sflag:s13] =	ssyncset.done $0x0  }
0x15d: {  	s14 =	simm.s32 $0xF;
	[sflag:s13] =	ssyncadd.s32 $0xFFFFF600  }
0x15e: {  	_ =	swait.ge [sflag:s14], $0xA00  }
0x15f: {  	[sflag:s14] =	ssyncset.done $0x0  }
0x160: {  	s15 =	simm.s32 $0x10;
	[sflag:s14] =	ssyncadd.s32 $0xFFFFF600  }
0x161: {  	_ =	swait.ge [sflag:s15], $0xA00  }
0x162: {  	[sflag:s15] =	ssyncset.done $0x0  }
0x163: {  	[sflag:s15] =	ssyncadd.s32 $0xFFFFF600  }
0x164: {  	_ =	swait.ge [sflag:s19], $0xA00  }
0x165: {  	[sflag:s19] =	ssyncset.done $0x0  }
0x166: {  	[sflag:s19] =	ssyncadd.s32 $0xFFFFF600  }
0x167: {  	_ =	swait.ge [sflag:s25], $0xA00  }
0x168: {  	[sflag:s25] =	ssyncset.done $0x0  }
0x169: {  	[sflag:s25] =	ssyncadd.s32 $0xFFFFF600  }
0x16a: {  	[bflag:$0x0] =	sbarrier.arrive $0xFFFF  }
0x16b: {  	s3 =	simm.s32 @p1 $0xEE40;
	s5 =	rddreg [dreg:$0xc]  }
0x16c: {  	[tilespmem:s3], [sflag:$0x11] =	stream.linear.gather @p1 [spmem:s5], $0x5000, $0x38;
	[tilespmem:$0x18F10] =	vst v63  }
0x16d: {  	s3 =	simm.s32 @p1 $0x11  }
0x16e: {  	_ =	swait.ge @p1 [sflag:s3], $0x5000  }
0x16f: {  	s6 =	simm.s32 @p1 $0x13E40;
	[sflag:s3] =	ssyncset.done @p1 $0x0  }
0x170: {  	s5 =	simm.s32 @p1 $0x0;
	s7 =	rddreg [dreg:$0xd];
	[sflag:s3] =	ssyncadd.s32 @p1 $0xFFFFB000  }
0x171: {  	[tilespmem:s6], [sflag:$0x11] =	stream.linear.gather @p1 [hbm4b:s7+s5], $0x280, $0x38;
	[tilespmem:$0x18F10] =	vst v63  }
0x172: {  	_ =	swait.ge @p1 [sflag:s3], $0x280  }
0x173: {  	[sflag:s3] =	ssyncset.done @p1 $0x0  }
0x174: {  	[sflag:s3] =	ssyncadd.s32 @p1 $0xFFFFFD80;
	s3 =	simm.s32 @!p1 $0xEE40  }
0x175: {  	[tilespmem:s3], [sflag:$0x11] =	stream.linear.gather @!p1 [spmem:s4], $0x4E00, $0x38;
	[tilespmem:$0x18F10] =	vst v63  }
0x176: {  	s3 =	simm.s32 @!p1 $0x11  }
0x177: {  	_ =	swait.ge @!p1 [sflag:s3], $0x4E00  }
0x178: {  	s5 =	simm.s32 @!p1 $0x0;
	[sflag:s3] =	ssyncset.done @!p1 $0x0  }
0x179: {  	s6 =	simm.s32 @!p1 $0x13E40;
	s7 =	rddreg [dreg:$0xb];
	[sflag:s3] =	ssyncadd.s32 @!p1 $0xFFFFB200  }
0x17a: {  	[tilespmem:s6], [sflag:$0x11] =	stream.linear.gather @!p1 [hbm4b:s7+s5], $0x270, $0x38;
	[tilespmem:$0x18F10] =	vst v63  }
0x17b: {  	_ =	swait.ge @!p1 [sflag:s3], $0x270  }
0x17c: {  	[sflag:s3] =	ssyncset.done @!p1 $0x0  }
0x17d: {  	s26 =	simm.s32 $0x0;
	[sflag:s3] =	ssyncadd.s32 @!p1 $0xFFFFFD90  }
0x17e: {  	s5 =	simm.s32 $0xEE50;
	v1 =	vld.msk [tilespmem:s26+$0x13E40 ss:$0x0], $0xffff  }
0x17f: {  	v2 =	vld [tilespmem:s5+$0xFFFFFFF0];
	_ =	sdelay $0x1  }
0x180: {  	v3 =	vld [tilespmem:$0x140D0];
	_ =	sdelay $0x2  }
0x181: {  	v2 =	vmul.f32 v1, v2;
	_ =	sdelay $0x1  }
0x182: {  	v2 =	vadd.f32 v3, v2  }
0x183: {  	v3 =	vld [tilespmem:s5+$0x0]  }
0x184: {  	[tilespmem:s5+$0xFFFFFFF0] =	vst v2  }
0x185: {  	v2 =	vld [tilespmem:$0x140E0];
	_ =	sdelay $0x2  }
0x186: {  	v1 =	vmul.f32 v3, v1;
	_ =	sdelay $0x1  }
0x187: {  	s10 =	simm.s32 $0x4;
	s11 =	simm.s32 $0x8;
	v1 =	vadd.f32 v2, v1  }
.LBB2_6:
0x188: {  	s3 =	sshra.s32 s10, $0x2  }
0x189: {  	s10 =	smov.u32 s11;
	s6 =	sadd.s32 $0x4, s11;
	[tilespmem:s5+$0x0] =	vst v1;
	s5 =	sadd.s32 $0x20, s5  }
0x18a: {  	p2 =	sne.s32 s11, $0x9BC;
	v1 =	vld.msk [tilespmem:s3+$0x13E40 ss:$0x0], $0xffff  }
0x18b: {  	v2 =	vld [tilespmem:s5+$0xFFFFFFF0];
	_ =	sdelay $0x1  }
0x18c: {  	v3 =	vld [tilespmem:$0x140D0];
	_ =	sdelay $0x2  }
0x18d: {  	v2 =	vmul.f32 v1, v2;
	_ =	sdelay $0x1  }
0x18e: {  	v2 =	vadd.f32 v3, v2  }
0x18f: {  	v3 =	vld [tilespmem:s5+$0x0]  }
0x190: {  	[tilespmem:s5+$0xFFFFFFF0] =	vst v2  }
0x191: {  	v2 =	vld [tilespmem:$0x140E0]  }
.Ltmp4:
0x192: {  	(pc) =	sbr.rel @p2 .LBB2_6-.Ltmp4, $3  }
0x193: {  	_ = 	snop  }
0x194: {  	v1 =	vmul.f32 v3, v1;
	_ =	sdelay $0x1  }
0x195: {  	s11 =	smov.u32 s6;
	v1 =	vadd.f32 v2, v1  }
0x196: {  	_ = 	snop  }
0x197: {  	s3 =	sshra.s32 s10, $0x2;
	[tilespmem:s5+$0x0] =	vst v1  }
0x198: {  	s26 =	sadd.s32 $0x20, s5;
	v1 =	vld.msk [tilespmem:s3+$0x13E40 ss:$0x0], $0xffff  }
0x199: {  	v2 =	vld [tilespmem:s26+$0xFFFFFFF0];
	_ =	sdelay $0x1  }
0x19a: {  	v3 =	vld [tilespmem:$0x140D0];
	_ =	sdelay $0x2  }
0x19b: {  	v2 =	vmul.f32 v1, v2;
	_ =	sdelay $0x1  }
0x19c: {  	v2 =	vadd.f32 v3, v2  }
0x19d: {  	v3 =	vld [tilespmem:s26+$0x0]  }
0x19e: {  	[tilespmem:s26+$0xFFFFFFF0] =	vst v2  }
0x19f: {  	v2 =	vld [tilespmem:$0x140E0];
	_ =	sdelay $0x2  }
.Ltmp5:
0x1a0: {  	v1 =	vmul.f32 v3, v1;
	(pc) =	sbr.rel @p0 .LBB2_13-.Ltmp5, $3  }
0x1a1: {  	_ = 	snop  }
0x1a2: {  	v1 =	vadd.f32 v2, v1;
	_ =	sdelay $0x1  }
0x1a3: {  	s14 =	rddreg [dreg:$0x6];
	[tilespmem:s26+$0x0] =	vst v1  }
0x1a4: {  	s3 =	simm.s32 $0x0  }
0x1a5: {  	s5 =	simm.s32 $0x13C40;
	v1 =	vld.msk [tilespmem:s3+$0x140B0 ss:$0x0], $0xffff  }
0x1a6: {  	v2 =	vld [tilespmem:s5+$0x0];
	_ =	sdelay $0x1  }
0x1a7: {  	v3 =	vld [tilespmem:$0x140D0];
	_ =	sdelay $0x2  }
0x1a8: {  	v2 =	vmul.f32 v1, v2;
	_ =	sdelay $0x1  }
0x1a9: {  	v2 =	vadd.f32 v3, v2  }
0x1aa: {  	v3 =	vld [tilespmem:s5+$0x10]  }
0x1ab: {  	[tilespmem:s5+$0x0] =	vst v2  }
0x1ac: {  	v2 =	vld [tilespmem:$0x140E0];
	_ =	sdelay $0x2  }
0x1ad: {  	v1 =	vmul.f32 v3, v1;
	_ =	sdelay $0x1  }
0x1ae: {  	s10 =	simm.s32 $0x4;
	s11 =	simm.s32 $0x8;
	v1 =	vadd.f32 v2, v1  }
.LBB2_9:
0x1af: {  	s3 =	sshra.s32 s10, $0x2  }
0x1b0: {  	s10 =	smov.u32 s11;
	s6 =	sadd.s32 $0x4, s11;
	[tilespmem:s5+$0x10] =	vst v1;
	s5 =	sadd.s32 $0x20, s5  }
0x1b1: {  	p2 =	seq.s32 s11, $0x3C;
	v1 =	vld.msk [tilespmem:s3+$0x140B0 ss:$0x0], $0xffff  }
0x1b2: {  	v2 =	vld [tilespmem:s5+$0x0];
	_ =	sdelay $0x1  }
0x1b3: {  	v3 =	vld [tilespmem:$0x140D0];
	_ =	sdelay $0x2  }
0x1b4: {  	v2 =	vmul.f32 v1, v2;
	_ =	sdelay $0x1  }
0x1b5: {  	v2 =	vadd.f32 v3, v2  }
0x1b6: {  	v3 =	vld [tilespmem:s5+$0x10]  }
0x1b7: {  	[tilespmem:s5+$0x0] =	vst v2  }
0x1b8: {  	v2 =	vld [tilespmem:$0x140E0]  }
.Ltmp6:
0x1b9: {  	(pc) =	sbr.rel @!p2 .LBB2_9-.Ltmp6, $3  }
0x1ba: {  	_ = 	snop  }
0x1bb: {  	v1 =	vmul.f32 v3, v1;
	_ =	sdelay $0x1  }
0x1bc: {  	s11 =	smov.u32 s6;
	v1 =	vadd.f32 v2, v1  }
0x1bd: {  	_ = 	snop  }
0x1be: {  	s3 =	sshra.s32 s10, $0x2;
	[tilespmem:s5+$0x10] =	vst v1  }
0x1bf: {  	s13 =	sadd.s32 $0x20, s5;
	v1 =	vld.msk [tilespmem:s3+$0x140B0 ss:$0x0], $0xffff  }
0x1c0: {  	v2 =	vld [tilespmem:s13+$0x0];
	_ =	sdelay $0x1  }
0x1c1: {  	v3 =	vld [tilespmem:$0x140D0];
	_ =	sdelay $0x2  }
0x1c2: {  	v2 =	vmul.f32 v1, v2;
	_ =	sdelay $0x1  }
0x1c3: {  	v2 =	vadd.f32 v3, v2  }
0x1c4: {  	v3 =	vld [tilespmem:s13+$0x10]  }
0x1c5: {  	[tilespmem:s13+$0x0] =	vst v2  }
0x1c6: {  	v2 =	vld [tilespmem:$0x140E0];
	_ =	sdelay $0x2  }
0x1c7: {  	v1 =	vmul.f32 v3, v1;
	_ =	sdelay $0x1  }
0x1c8: {  	v1 =	vadd.f32 v2, v1  }
0x1c9: {  	s15 =	rddreg [dreg:$0xf];
	s26 =	simm.s32 $0x20  }
.Ltmp7:
0x1ca: {  	s7 =	simm.s32 $0x40;
	s8 =	simm.s32 $0xEE40;
	[tilespmem:s13+$0x10] =	vst v1;
	(pc) =	sbr.rel .LBB2_11-.Ltmp7, $4  }
0x1cb: {  	[hbm4b:s15+s26] =	stream.strided.scatter [tilespmem:s8], [sflag:$0x11], $0x5000, s7, s26, $0x38;
	[tilespmem:$0x18F10] =	vst v63  }
0x1cc: {  	_ =	swait.ge [sflag:s17], $0x5000  }
0x1cd: {  	[sflag:s17] =	ssyncset.done $0x0  }
0x1ce: {  	s6 =	simm.s32 $0xEC40;
	[sflag:s17] =	ssyncadd.s32 $0xFFFFB000  }
.LBB2_12:
0x1cf: {  	_ =	sfence.sel $0x180000  }
0x1d0: {  	[bflag:$0x0] =	sbarrier.arrive $0xFFFF  }
0x1d1: {  	_ =	strace $0x9000004D  }
0x1d2: {  	s0 =	stileid.u32;
	[bflag:$0x2] =	sbarrier.arrive $0xFFFF  }
0x1d3: {  	p0 =	sne.s32 s0, $0x0;
	s0 =	rddreg [dreg:$0x4]  }
0x1d4: {  	s0 =	sadd.s32 @!p0 $0x100000, s0  }
0x1d5: {  	[sflag:s0] =	ssyncadd.tile.s32 @!p0 $0x1;
	_ =	shalt  }
.Lfunc_end2:
_tile_overlayer_lowered:
.L_overlay_start_2:
0x1d6: {  	(tag) =	ssettag $0x2  }
0x1d7: {  	s0 =	rddreg [dreg:$0x0];
	s2 =	stileid.u32  }
0x1d8: {  	s1 =	rddreg [dreg:$0x1];
	p0 =	sne.s32 s2, $0x0  }
0x1d9: {  	s3 =	rddreg [dreg:$0x2];
	[bflag:$0x3] =	sbarrier.arrive $0xFFFF;
	s2 =	simm.s32 @!p0 $0x1C11  }
0x1da: {  	[timem:s3], [sflag:s2] =	dma.local @!p0 [hbm:s0], s1  }
0x1db: {  	s0 =	simm.s32 @!p0 $0x11  }
0x1dc: {  	_ =	swait.ge @!p0 [sflag:s0], s1  }
0x1dd: {  	s1 =	ssub.s32 @!p0 $0x0, s1;
	[sflag:s0] =	ssyncset.done @!p0 $0x0  }
0x1de: {  	[sflag:s0] =	ssyncadd.s32 @!p0 s1  }
0x1df: {  	[bflag:$0x3] =	sbarrier.arrive $0xFFFF  }
0x1e0: {  	_ =	shalt  }

// kernel: kernel.7.cloned.1.call-start
scs
__scs_entry_jumppad:
0x0: {  	(pc) =	sbr.rel $0x88, $3  }
0x1: {  	(tag) =	ssettag $0x0;
	lr =	simm.s32 $0x1  }
0x2: {  	[smem:$0x3F9B] =	sst lr;
	_ =	strace $0xD0000000  }
0x3: {  	_ = 	snop  }
0x4: {  	_ = 	snop  }
0x5: {  	_ = 	snop  }
0x6: {  	_ = 	snop  }
0x7: {  	_ = 	snop  }
__scs_overlays_trampoline_lowered:
0x8: {  	[smem:$0x3FAA] =	sst s0  }
0x9: {  	[smem:$0x3FAB] =	sst s1  }
0xa: {  	[smem:$0x3FAC] =	sst s2  }
0xb: {  	[smem:$0x3FAD] =	sst s3  }
0xc: {  	[smem:$0x3FAE] =	sst s4  }
0xd: {  	[smem:$0x3FAF] =	sst s5  }
0xe: {  	[smem:$0x3FB0] =	sst s6  }
0xf: {  	[smem:$0x3FB1] =	sst s7  }
0x10: {  	[smem:$0x3FB2] =	sst s8  }
0x11: {  	[smem:$0x3FB3] =	sst s9;
	s0 =	simm.s32 @!p0 $0x0  }
0x12: {  	s1 =	sld [smem:$0x3F99];
	s0 =	simm.s32 @p0 $0x1  }
0x13: {  	[smem:$0x3FB4] =	sst s0;
	s0 =	simm.s32 @!p1 $0x0  }
0x14: {  	s2 =	sld [smem:$0x3F98];
	s0 =	simm.s32 @p1 $0x1  }
0x15: {  	[smem:$0x3FB5] =	sst s0;
	s0 =	simm.s32 @!p2 $0x0  }
0x16: {  	s3 =	sld [smem:$0x3FDB];
	s0 =	simm.s32 @p2 $0x1  }
0x17: {  	s4 =	simm.s32 $0x1BF5;
	[smem:$0x3FB7] =	sst s0  }
0x18: {  	s0 =	sld [smem:$0x3F9A];
	_ =	swait.ge [sflag:s4], $0x0  }
0x19: {  	s7 =	sld [smem:$0x3F9B]  }
0x1a: {  	s8 =	sadd.s32 $0xFFFFE003, lr  }
0x1b: {  	s9 =	sadd.s32 $0xFFFFFEF7, lr;
	s5 =	simm.s32 $0xFFFFFFFF;
	p2 =	slt.u32 s8, $0xFFFFF086  }
0x1c: {  	p1 =	slt.u32 s9, $0xF7A;
	s5 =	simm.s32 @!p2 $0x0  }
0x1d: {  	s5 =	simm.s32 @p1 $0x1;
	p0 =	seq.s32 s7, s2  }
0x1e: {  	s7 =	smul.u32 @!p0 $0xF7A, s2;
	p2 =	seq.s32 @!p0 s5, $0x0  }
0x1f: {  	s9 =	smul.u32 $0xF7A, s1;
	s8 =	simm.s32 @!p0 $0x1BF5;
	p2 =	por !p2, p0  }
0x20: {  	[sflag:s8] =	ssyncset.s32 @!p0 $0xFFFFF086;
	s6 =	sadd.s32 @!p0 s3, s7;
	s7 =	simm.s32 @!p0 $0x108  }
0x21: {  	s3 =	sadd.s32 s3, s9;
	s6 =	sadd.s32 @!p0 $0x88, s6;
	s7 =	simm.s32 @p2 $0x1082  }
0x22: {  	[simem:s7], [sflag:s8] =	dma.local @!p0 [hbm:s6], $0xF7A  }
0x23: {  	s9 =	sor.u32 $0xD0000000, s2;
	s6 =	simm.s32 $0x108;
	_ =	swait.ge @!p0 [sflag:s8], $0x0  }
0x24: {  	s3 =	sadd.s32 $0x88, s3;
	s6 =	simm.s32 @!p1 $0x1082;
	[sflag:s4] =	ssyncset.s32 $0xFFFFF086  }
0x25: {  	[simem:s6], [sflag:s4] =	dma.local [hbm:s3], $0xF7A  }
0x26: {  	[smem:$0x3F9B] =	sst s1;
	(tag) =	ssettag s2;
	_ =	strace s9  }
0x27: {  	s1 =	sld [smem:$0x3FAB]  }
0x28: {  	s2 =	sld [smem:$0x3FAC]  }
0x29: {  	s4 =	sld [smem:$0x3FAE]  }
0x2a: {  	p0 =	seq.s32 s5, $0x0;
	s5 =	sld [smem:$0x3FAF]  }
0x2b: {  	s6 =	sld [smem:$0x3FB0]  }
0x2c: {  	s7 =	sld [smem:$0x3FB1]  }
0x2d: {  	s3 =	simm.s32 $0x108;
	s8 =	sld [smem:$0x3FB2]  }
0x2e: {  	s3 =	simm.s32 @!p0 $0x1082;
	s9 =	sld [smem:$0x3FB3]  }
0x2f: {  	lr =	sadd.s32 s0, s3;
	s0 =	sld [smem:$0x3FAA]  }
0x30: {  	s3 =	sld [smem:$0x3FAD]  }
0x31: {  	[smem:$0x3FB6] =	sst s10  }
0x32: {  	s10 =	sld [smem:$0x3FB4];
	_ =	sdelay $0x3  }
0x33: {  	p0 =	seq.s32 s10, $0x1;
	s10 =	sld [smem:$0x3FB6];
	_ =	sdelay $0x3  }
0x34: {  	[smem:$0x3FB6] =	sst s10  }
0x35: {  	s10 =	sld [smem:$0x3FB5];
	_ =	sdelay $0x3  }
0x36: {  	p1 =	seq.s32 s10, $0x1;
	s10 =	sld [smem:$0x3FB6];
	_ =	sdelay $0x3  }
0x37: {  	[smem:$0x3FB6] =	sst s10  }
0x38: {  	s10 =	sld [smem:$0x3FB7]  }
0x39: {  	_ = 	snop;
	(pc) =	sbr.ind lr, $3  }
0x3a: {  	_ = 	snop  }
0x3b: {  	_ = 	snop  }
0x3c: {  	p2 =	seq.s32 s10, $0x1;
	s10 =	sld [smem:$0x3FB6]  }
0x3d: {  	_ =	shalt  }
0x3e: {  	_ =	shalt  }
0x3f: {  	_ =	shalt  }
0x40: {  	_ =	shalt  }
0x41: {  	_ =	shalt  }
0x42: {  	_ =	shalt  }
0x43: {  	_ =	shalt  }
0x44: {  	_ =	shalt  }
0x45: {  	_ =	shalt  }
0x46: {  	_ =	shalt  }
0x47: {  	_ =	shalt  }
0x48: {  	_ =	shalt  }
0x49: {  	_ =	shalt  }
0x4a: {  	_ =	shalt  }
0x4b: {  	_ =	shalt  }
0x4c: {  	_ =	shalt  }
0x4d: {  	_ =	shalt  }
0x4e: {  	_ =	shalt  }
0x4f: {  	_ =	shalt  }
0x50: {  	_ =	shalt  }
0x51: {  	_ =	shalt  }
0x52: {  	_ =	shalt  }
0x53: {  	_ =	shalt  }
0x54: {  	_ =	shalt  }
0x55: {  	_ =	shalt  }
0x56: {  	_ =	shalt  }
0x57: {  	_ =	shalt  }
0x58: {  	_ =	shalt  }
0x59: {  	_ =	shalt  }
0x5a: {  	_ =	shalt  }
0x5b: {  	_ =	shalt  }
0x5c: {  	_ =	shalt  }
0x5d: {  	_ =	shalt  }
0x5e: {  	_ =	shalt  }
0x5f: {  	_ =	shalt  }
0x60: {  	_ =	shalt  }
0x61: {  	_ =	shalt  }
0x62: {  	_ =	shalt  }
0x63: {  	_ =	shalt  }
0x64: {  	_ =	shalt  }
0x65: {  	_ =	shalt  }
0x66: {  	_ =	shalt  }
0x67: {  	_ =	shalt  }
0x68: {  	_ =	shalt  }
0x69: {  	_ =	shalt  }
0x6a: {  	_ =	shalt  }
0x6b: {  	_ =	shalt  }
0x6c: {  	_ =	shalt  }
0x6d: {  	_ =	shalt  }
0x6e: {  	_ =	shalt  }
0x6f: {  	_ =	shalt  }
0x70: {  	_ =	shalt  }
0x71: {  	_ =	shalt  }
0x72: {  	_ =	shalt  }
0x73: {  	_ =	shalt  }
0x74: {  	_ =	shalt  }
0x75: {  	_ =	shalt  }
0x76: {  	_ =	shalt  }
0x77: {  	_ =	shalt  }
0x78: {  	_ =	shalt  }
0x79: {  	_ =	shalt  }
0x7a: {  	_ =	shalt  }
0x7b: {  	_ =	shalt  }
0x7c: {  	_ =	shalt  }
0x7d: {  	_ =	shalt  }
0x7e: {  	_ =	shalt  }
0x7f: {  	_ =	shalt  }
0x80: {  	_ =	shalt  }
0x81: {  	_ =	shalt  }
0x82: {  	_ =	shalt  }
0x83: {  	_ =	shalt  }
0x84: {  	_ =	shalt  }
0x85: {  	_ =	shalt  }
0x86: {  	_ =	shalt  }
0x87: {  	_ =	shalt  }
.Lfunc_end0:
.L_simem_size_0:
called_computation_lowered:
.L_overlay_start_0:
0x88: {  	s2 =	sld [smem:$0x3FD9]  }
0x89: {  	s3 =	sld [smem:$0x3FFE];
	_ =	sdelay $0x1  }
0x8a: {  	s1 =	srdreg.scid  }
0x8b: {  	s0 =	sand.u32 $0x1, s1  }
0x8c: {  	s17 =	sshll.u32 s0, $0xA;
	s2 =	sadd.s32 s3, s2  }
0x8d: {  	s2 =	sadd.s32 s2, s17  }
0x8e: {  	[smem:$0x3FC2] =	sst s2  }
0x8f: {  	_ = 	snop  }
0x90: {  	s2 =	sld [smem:$0x3FD0];
	(tm) =	ssettm $0x1  }
0x91: {  	s18 =	sld [smem:$0x3FFB];
	_ =	sdelay $0x3  }
0x92: {  	_ =	strace s18  }
0x93: {  	s3 =	sld [smem:$0x3FFC];
	_ =	sdelay $0x3  }
0x94: {  	_ =	strace s3  }
0x95: {  	s3 =	sld [smem:$0x3FFD];
	_ =	sdelay $0x3  }
0x96: {  	_ =	strace s3  }
0x97: {  	_ =	strace $0x8FFFFFFF  }
0x98: {  	s19 =	sld [smem:$0x3FDB];
	_ =	sdelay $0x1  }
0x99: {  	s4 =	simm.s32 $_scs_section_size  }
0x9a: {  	s5 =	simm.s32 $_size__tile_overlayer_lowered;
	s6 =	simm.s32 $_tile_overlayer_lowered  }
0x9b: {  	s22 =	simm.s32 $0x1BFF;
	s21 =	sshll.u32 s6, $0x1;
	s3 =	sadd.s32 s4, s19  }
0x9c: {  	s7 =	simm.s32 $0x0;
	s20 =	sshll.u32 s5, $0x1;
	s5 =	sadd.s32 s21, s3  }
0x9d: {  	[timem:s7], [sflag:s22] =	dma.local [hbm:s5], s20  }
0x9e: {  	_ =	swait.ge [sflag:s22], s20  }
0x9f: {  	s4 =	ssub.s32 $0x0, s20;
	[sflag:s22] =	ssyncset.done $0x0  }
0xa0: {  	[sflag:s22] =	ssyncadd.s32 s4;
	_ =	sdelay $0x1  }
0xa1: {  	s23 =	simm.s32 $0x1B8B  }
0xa2: {  	_ =	swait.ge [sflag:s23], $0x1  }
0xa3: {  	[sflag:s23] =	ssyncset.done $0x0  }
0xa4: {  	s25 =	simm.s32 $0x1B8E;
	s24 =	sld [smem:$0x3FFE];
	[sflag:s23] =	ssyncadd.s32 $0xFFFFFFFF  }
0xa5: {  	s26 =	simm.s32 $execute0_lowered;
	[smem:$0x3FD2] =	sst s25  }
0xa6: {  	s5 =	sshll.u32 s26, $0x1;
	_ =	strace $0x80000046;
	[dreg:$0x1] =	wrdreg $0xFFFFFFFF  }
0xa7: {  	s28 =	simm.s32 $_size_execute0_lowered;
	s3 =	sadd.s32 s3, s5;
	[dreg:$0x0] =	wrdreg $0x0  }
0xa8: {  	s5 =	sshll.u32 s28, $0x1;
	[dreg:$0x2] =	wrdreg s3  }
0xa9: {  	[dreg:$0x3] =	wrdreg s5  }
0xaa: {  	[dreg:$0x4] =	wrdreg $0xC0  }
0xab: {  	_ =	task [dreg:s7], $0x5FFFF  }
0xac: {  	[dreg:$0x1] =	wrdreg $0xFFFFFFFF  }
0xad: {  	[dreg:$0x0] =	wrdreg $0x60  }
0xae: {  	[dreg:$0x2] =	wrdreg s24  }
0xaf: {  	[dreg:$0x3] =	wrdreg s2  }
0xb0: {  	[dreg:$0x4] =	wrdreg $0x50F00  }
0xb1: {  	[dreg:$0x5] =	wrdreg $0x53700  }
0xb2: {  	[dreg:$0x6] =	wrdreg $0x9  }
0xb3: {  	_ =	task.clear_ibuf [dreg:s7], $0x7FFFF;
	_ =	strace $0x90000046  }
0xb4: {  	s29 =	simm.s32 $0x9;
	_ =	strace $0x80000048  }
0xb5: {  	_ =	swait.ge [sflag:s29], $0x1  }
0xb6: {  	[sflag:s29] =	ssyncadd.s32 $0xFFFFFFFF  }
0xb7: {  	_ =	strace $0x90000048  }
0xb8: {  	_ =	sfence  }
0xb9: {  	s30 =	sld [smem:$0x0];
	_ =	sdelay $0x2  }
0xba: {  	s31 =	sshll.u32 s1, $0xD;
	s1 =	sshrl.u32 s1, $0x2  }
0xbb: {  	s3 =	sand.u32 $0x4000, s31;
	s1 =	sadd.s32 s1, s30  }
0xbc: {  	s0 =	sor.u32 s3, s0;
	s1 =	sshll.u32 s1, $0x11  }
0xbd: {  	s0 =	sor.u32 s1, s0  }
0xbe: {  	s0 =	sadd.s32 $0x8F2B, s0  }
0xbf: {  	[sflag:s0] =	ssyncadd.remote.s32 $0x1  }
0xc0: {  	_ =	sfence.sel $0xFFFF  }
0xc1: {  	[dreg:$0x0] =	wrdreg $0xFFFFFFFF;
	(pc) =	sbr.abs _section_cstart, $3  }
0xc2: {  	[dreg:$0x1] =	wrdreg $0xFFFFFFFF  }
0xc3: {  	_ =	task.clear_ibuf [dreg:s7], $0x2FFFF;
	_ =	strace $0x9FFFFFFF  }
0xc4: {  	(tm) =	ssettm $0x7FFFFFFF  }
0xc5: {  	_ =	shalt  }
tec
execute0_lowered:
.L_overlay_start_1:
0x0: {  	(tag) =	ssettag $0x1  }
0x1: {  	s0 =	rddreg [dreg:$0x0]  }
0x2: {  	s1 =	rddreg [dreg:$0x1]  }
0x3: {  	s2 =	rddreg [dreg:$0x2]  }
0x4: {  	s3 =	rddreg [dreg:$0x3]  }
0x5: {  	s4 =	srdreg.scid;
	s7 =	stileid.u32;
	s12 =	simm.s32 $0x4E70  }
0x6: {  	s13 =	simm.s32 $0xB;
	s14 =	simm.s32 $0x2710;
	s15 =	simm.s32 $0x50  }
0x7: {  	s16 =	simm.s32 $0x4E20;
	s22 =	simm.s32 $0x140;
	s23 =	simm.s32 $0x2850  }
0x8: {  	s24 =	simm.s32 $0x1;
	s25 =	simm.s32 $0x6;
	s26 =	simm.s32 $0x2  }
0x9: {  	s28 =	simm.s32 $0x7;
	s29 =	simm.s32 $0x3;
	s30 =	simm.s32 $0x8  }
0xa: {  	s31 =	simm.s32 $0x4;
	s17 =	simm.s32 $0xA;
	s18 =	simm.s32 $0x0  }
0xb: {  	s5 =	sand.u32 $0x1, s4;
	s6 =	sshll.u32 s7, $0x1;
	s7 =	smul.u32 $0x280, s7  }
0xc: {  	s4 =	simm.s32 $0x0;
	s6 =	sor.u32 s5, s6;
	s8 =	smul.u32 $0x5000, s5  }
0xd: {  	[smem:$0x7FF] =	sst s4;
	s5 =	ssub.s32 $0x2, s5;
	s6 =	smul.u32 $0x4E2, s6  }
0xe: {  	_ =	strace $0x80000047;
	s9 =	sshrl.u32 s5, $0x1;
	s8 =	sadd.s32 s7, s8  }
0xf: {  	s11 =	ssub.s32 s5, s9;
	s5 =	sadd.s32 s7, s2;
	s0 =	sadd.s32 s6, s0  }
0x10: {  	s8 =	sshrl.u32 s8, $0x3;
	s6 =	sadd.s32 s7, s3;
	s11 =	smax.u32 s11, $0x1  }
0x11: {  	s7 =	sadd.s32 s1, s8;
	s8 =	sadd.s32 $0xB400, s0;
	s9 =	sadd.s32 $0x1600, s0  }
0x12: {  	v0 =	vimm.f32 $1.000000000e+00;
	v1 =	vimm.f32 $0.0e+00;
	s0 =	simm.s32 $0x9;
	s1 =	simm.s32 $0x5;
	s10 =	sadd.s32 $0x500, s7  }
.LBB2_1:
0x13: {  	[tilespmem:$0x4E20] =	vst v0  }
0x14: {  	[tilespmem:$0x4E30] =	vst v0  }
0x15: {  	[tilespmem:$0x4E40] =	vst v0  }
0x16: {  	[tilespmem:$0x4E50] =	vst v0  }
0x17: {  	[tilespmem:$0x4E60] =	vst v0  }
0x18: {  	[tilespmem:$0x4E70] =	vst v1  }
0x19: {  	[tilespmem:$0x4E80] =	vst v1  }
0x1a: {  	[tilespmem:$0x4E90] =	vst v1  }
0x1b: {  	[tilespmem:$0x4EA0] =	vst v1  }
0x1c: {  	[tilespmem:$0x4EB0] =	vst v1  }
0x1d: {  	[tilespmem:$0x4EC0] =	vst v1  }
0x1e: {  	[tilespmem:$0x4ED0] =	vst v1  }
0x1f: {  	[tilespmem:$0x4EE0] =	vst v1  }
0x20: {  	[tilespmem:$0x4EF0] =	vst v1  }
0x21: {  	[tilespmem:$0x4F00] =	vst v1  }
0x22: {  	[tilespmem:$0x4F10] =	vst v1  }
0x23: {  	[tilespmem:$0x4F20] =	vst v1  }
0x24: {  	[tilespmem:$0x4F30] =	vst v1  }
0x25: {  	[tilespmem:$0x4F40] =	vst v1  }
0x26: {  	[tilespmem:$0x4F50] =	vst v1  }
0x27: {  	[tilespmem:$0x4F60] =	vst v1  }
0x28: {  	[tilespmem:$0x4F70] =	vst v1  }
0x29: {  	[tilespmem:$0x4F80] =	vst v1  }
0x2a: {  	[tilespmem:$0x4F90] =	vst v1  }
0x2b: {  	[tilespmem:$0x4FA0] =	vst v1  }
0x2c: {  	[tilespmem:$0x4FB0] =	vst v1  }
0x2d: {  	[tilespmem:$0x4FC0] =	vst v1  }
0x2e: {  	[tilespmem:$0x4FD0] =	vst v1  }
0x2f: {  	[tilespmem:$0x4FE0] =	vst v1  }
0x30: {  	[tilespmem:$0x4FF0] =	vst v1  }
0x31: {  	[tilespmem:$0x5000] =	vst v1  }
0x32: {  	[tilespmem:$0x5010] =	vst v1  }
0x33: {  	[tilespmem:$0x5020] =	vst v1  }
0x34: {  	[tilespmem:$0x5030] =	vst v1  }
0x35: {  	[tilespmem:$0x5040] =	vst v1  }
0x36: {  	[tilespmem:$0x5050] =	vst v1  }
0x37: {  	[tilespmem:$0x5060] =	vst v1  }
0x38: {  	[tilespmem:$0x5070] =	vst v1  }
0x39: {  	[tilespmem:$0x5080] =	vst v1  }
0x3a: {  	[tilespmem:$0x5090] =	vst v1  }
0x3b: {  	[tilespmem:$0x50A0] =	vst v1  }
0x3c: {  	[tilespmem:$0x50B0] =	vst v1  }
0x3d: {  	[tilespmem:$0x50C0] =	vst v1  }
0x3e: {  	[tilespmem:$0x50D0] =	vst v1  }
0x3f: {  	[tilespmem:$0x50E0] =	vst v1  }
0x40: {  	[spmem:s5] =	stream.linear.scatter [tilespmem:s12], [sflag:$0xB], $0x280, $0x38;
	[tilespmem:$0x55F0] =	vst v63  }
0x41: {  	_ =	swait.ge [sflag:s13], $0x280  }
0x42: {  	[sflag:s13] =	ssyncset.done $0x0  }
0x43: {  	[sflag:s13] =	ssyncadd.s32 $0xFFFFFD80  }
0x44: {  	[spmem:s6] =	stream.linear.scatter [tilespmem:s12], [sflag:$0xB], $0x280, $0x38;
	[tilespmem:$0x55F0] =	vst v63  }
0x45: {  	_ =	swait.ge [sflag:s13], $0x280  }
0x46: {  	[sflag:s13] =	ssyncset.done $0x0  }
0x47: {  	[sflag:s13] =	ssyncadd.s32 $0xFFFFFD80  }
0x48: {  	[tilespmem:s4], [sflag:$0xB] =	stream.linear.gather [hbm4b:s8+s4], $0x2710, $0x38;
	[tilespmem:$0x55F0] =	vst v63  }
0x49: {  	_ =	swait.ge [sflag:s13], $0x2710  }
0x4a: {  	[sflag:s13] =	ssyncset.done $0x0  }
0x4b: {  	[sflag:s13] =	ssyncadd.s32 $0xFFFFD8F0  }
0x4c: {  	[tilespmem:s14], [sflag:$0xB] =	stream.linear.gather [hbm4b:s9+s4], $0x2710, $0x38;
	[tilespmem:$0x55F0] =	vst v63  }
0x4d: {  	_ =	swait.ge [sflag:s13], $0x2710  }
0x4e: {  	[sflag:s13] =	ssyncset.done $0x0  }
0x4f: {  	[sflag:s13] =	ssyncadd.s32 $0xFFFFD8F0  }
0x50: {  	[bflag:$0x0] =	sbarrier.arrive $0xFFFF  }
0x51: {  	[spmem:s2] =	stream.indirect.scatter.add.f32 [tilespmem:s16], [sflag:$0x1], $0x1, s4, s15, $0xb8;
	[tilespmem:$0x55F0] =	vst v63  }
0x52: {  	_ = 	snop  }
0x53: {  	[spmem:s3] =	stream.indirect.scatter.add.f32 [tilespmem:s16], [sflag:$0x6], $0x1, s14, s15, $0xb8;
	[tilespmem:$0x55F0] =	vst v63  }
0x54: {  	_ = 	snop  }
0x55: {  	[spmem:s2] =	stream.indirect.scatter.add.f32 [tilespmem:s16], [sflag:$0x2], $0x1, s15, s15, $0xb8;
	[tilespmem:$0x55F0] =	vst v63  }
0x56: {  	s19 =	simm.s32 $0x2760  }
0x57: {  	[spmem:s3] =	stream.indirect.scatter.add.f32 [tilespmem:s16], [sflag:$0x7], $0x1, s19, s15, $0xb8;
	[tilespmem:$0x55F0] =	vst v63  }
0x58: {  	s21 =	simm.s32 $0xA0  }
0x59: {  	[spmem:s2] =	stream.indirect.scatter.add.f32 [tilespmem:s16], [sflag:$0x3], $0x1, s21, s15, $0xb8;
	[tilespmem:$0x55F0] =	vst v63  }
0x5a: {  	s20 =	simm.s32 $0x27B0  }
0x5b: {  	[spmem:s3] =	stream.indirect.scatter.add.f32 [tilespmem:s16], [sflag:$0x8], $0x1, s20, s15, $0xb8;
	[tilespmem:$0x55F0] =	vst v63  }
0x5c: {  	s21 =	simm.s32 $0xF0  }
0x5d: {  	[spmem:s2] =	stream.indirect.scatter.add.f32 [tilespmem:s16], [sflag:$0x4], $0x1, s21, s15, $0xb8;
	[tilespmem:$0x55F0] =	vst v63  }
0x5e: {  	s20 =	simm.s32 $0x2800  }
0x5f: {  	[spmem:s3] =	stream.indirect.scatter.add.f32 [tilespmem:s16], [sflag:$0x9], $0x1, s20, s15, $0xb8;
	[tilespmem:$0x55F0] =	vst v63  }
0x60: {  	_ = 	snop  }
0x61: {  	[spmem:s2] =	stream.indirect.scatter.add.f32 [tilespmem:s16], [sflag:$0x5], $0x1, s22, s15, $0xb8;
	[tilespmem:$0x55F0] =	vst v63  }
0x62: {  	_ = 	snop  }
0x63: {  	[spmem:s3] =	stream.indirect.scatter.add.f32 [tilespmem:s16], [sflag:$0xA], $0x1, s23, s15, $0xb8;
	[tilespmem:$0x55F0] =	vst v63  }
0x64: {  	_ =	swait.ge [sflag:s24], $0x50  }
0x65: {  	[sflag:s24] =	ssyncset.done $0x0  }
0x66: {  	[sflag:s24] =	ssyncadd.s32 $0xFFFFFFB0  }
0x67: {  	_ =	swait.ge [sflag:s25], $0x50  }
0x68: {  	[sflag:s25] =	ssyncset.done $0x0  }
0x69: {  	s21 =	simm.s32 $0x190;
	[sflag:s25] =	ssyncadd.s32 $0xFFFFFFB0  }
0x6a: {  	[spmem:s2] =	stream.indirect.scatter.add.f32 [tilespmem:s16], [sflag:$0x1], $0x1, s21, s15, $0xb8;
	[tilespmem:$0x55F0] =	vst v63  }
0x6b: {  	s20 =	simm.s32 $0x28A0  }
0x6c: {  	[spmem:s3] =	stream.indirect.scatter.add.f32 [tilespmem:s16], [sflag:$0x6], $0x1, s20, s15, $0xb8;
	[tilespmem:$0x55F0] =	vst v63  }
0x6d: {  	_ =	swait.ge [sflag:s26], $0x50  }
0x6e: {  	[sflag:s26] =	ssyncset.done $0x0  }
0x6f: {  	[sflag:s26] =	ssyncadd.s32 $0xFFFFFFB0  }
0x70: {  	_ =	swait.ge [sflag:s28], $0x50  }
0x71: {  	[sflag:s28] =	ssyncset.done $0x0  }
0x72: {  	s21 =	simm.s32 $0x1E0;
	[sflag:s28] =	ssyncadd.s32 $0xFFFFFFB0  }
0x73: {  	[spmem:s2] =	stream.indirect.scatter.add.f32 [tilespmem:s16], [sflag:$0x2], $0x1, s21, s15, $0xb8;
	[tilespmem:$0x55F0] =	vst v63  }
0x74: {  	s20 =	simm.s32 $0x28F0  }
0x75: {  	[spmem:s3] =	stream.indirect.scatter.add.f32 [tilespmem:s16], [sflag:$0x7], $0x1, s20, s15, $0xb8;
	[tilespmem:$0x55F0] =	vst v63  }
0x76: {  	_ =	swait.ge [sflag:s29], $0x50  }
0x77: {  	[sflag:s29] =	ssyncset.done $0x0  }
0x78: {  	[sflag:s29] =	ssyncadd.s32 $0xFFFFFFB0  }
0x79: {  	_ =	swait.ge [sflag:s30], $0x50  }
0x7a: {  	[sflag:s30] =	ssyncset.done $0x0  }
0x7b: {  	s21 =	simm.s32 $0x230;
	[sflag:s30] =	ssyncadd.s32 $0xFFFFFFB0  }
0x7c: {  	[spmem:s2] =	stream.indirect.scatter.add.f32 [tilespmem:s16], [sflag:$0x3], $0x1, s21, s15, $0xb8;
	[tilespmem:$0x55F0] =	vst v63  }
0x7d: {  	s20 =	simm.s32 $0x2940  }
0x7e: {  	[spmem:s3] =	stream.indirect.scatter.add.f32 [tilespmem:s16], [sflag:$0x8], $0x1, s20, s15, $0xb8;
	[tilespmem:$0x55F0] =	vst v63  }
0x7f: {  	_ =	swait.ge [sflag:s31], $0x50  }
0x80: {  	[sflag:s31] =	ssyncset.done $0x0  }
0x81: {  	[sflag:s31] =	ssyncadd.s32 $0xFFFFFFB0  }
0x82: {  	_ =	swait.ge [sflag:s0], $0x50  }
0x83: {  	[sflag:s0] =	ssyncset.done $0x0  }
0x84: {  	s21 =	simm.s32 $0x280;
	[sflag:s0] =	ssyncadd.s32 $0xFFFFFFB0  }
0x85: {  	[spmem:s2] =	stream.indirect.scatter.add.f32 [tilespmem:s16], [sflag:$0x4], $0x1, s21, s15, $0xb8;
	[tilespmem:$0x55F0] =	vst v63  }
0x86: {  	s20 =	simm.s32 $0x2990  }
0x87: {  	[spmem:s3] =	stream.indirect.scatter.add.f32 [tilespmem:s16], [sflag:$0x9], $0x1, s20, s15, $0xb8;
	[tilespmem:$0x55F0] =	vst v63  }
0x88: {  	_ =	swait.ge [sflag:s1], $0x50  }
0x89: {  	[sflag:s1] =	ssyncset.done $0x0  }
0x8a: {  	[sflag:s1] =	ssyncadd.s32 $0xFFFFFFB0  }
0x8b: {  	_ =	swait.ge [sflag:s17], $0x50  }
0x8c: {  	s19 =	simm.s32 $0x640;
	[sflag:s17] =	ssyncset.done $0x0  }
0x8d: {  	s21 =	simm.s32 $0x2D0;
	s20 =	simm.s32 $0x29E0;
	[sflag:s17] =	ssyncadd.s32 $0xFFFFFFB0  }
0x8e: {  	[spmem:s2] =	stream.indirect.scatter.add.f32 [tilespmem:s16], [sflag:$0x5], $0x1, s21, s15, $0xb8;
	[tilespmem:$0x55F0] =	vst v63  }
.LBB2_2:
0x8f: {  	[spmem:s3] =	stream.indirect.scatter.add.f32 [tilespmem:s16], [sflag:$0xA], $0x1, s20, s15, $0xb8;
	[tilespmem:$0x55F0] =	vst v63  }
0x90: {  	s20 =	smov.u32 s19  }
0x91: {  	p0 =	sne.s32 s19, $0x8FC0;
	s19 =	sadd.s32 $0x640, s19;
	_ =	swait.ge [sflag:s24], $0x50  }
0x92: {  	[sflag:s24] =	ssyncset.done $0x0  }
0x93: {  	[sflag:s24] =	ssyncadd.s32 $0xFFFFFFB0  }
0x94: {  	_ =	swait.ge [sflag:s25], $0x50  }
0x95: {  	s20 =	sshra.s32 s20, $0x2;
	[sflag:s25] =	ssyncset.done $0x0  }
0x96: {  	s21 =	sadd.s32 $0x190, s20;
	[sflag:s25] =	ssyncadd.s32 $0xFFFFFFB0  }
0x97: {  	[spmem:s2] =	stream.indirect.scatter.add.f32 [tilespmem:s16], [sflag:$0x1], $0x1, s21, s15, $0xb8;
	[tilespmem:$0x55F0] =	vst v63  }
0x98: {  	s21 =	sadd.s32 $0x28A0, s20  }
0x99: {  	[spmem:s3] =	stream.indirect.scatter.add.f32 [tilespmem:s16], [sflag:$0x6], $0x1, s21, s15, $0xb8;
	[tilespmem:$0x55F0] =	vst v63  }
0x9a: {  	_ =	swait.ge [sflag:s26], $0x50  }
0x9b: {  	[sflag:s26] =	ssyncset.done $0x0  }
0x9c: {  	[sflag:s26] =	ssyncadd.s32 $0xFFFFFFB0  }
0x9d: {  	_ =	swait.ge [sflag:s28], $0x50  }
0x9e: {  	[sflag:s28] =	ssyncset.done $0x0  }
0x9f: {  	s21 =	sadd.s32 $0x1E0, s20;
	[sflag:s28] =	ssyncadd.s32 $0xFFFFFFB0  }
0xa0: {  	[spmem:s2] =	stream.indirect.scatter.add.f32 [tilespmem:s16], [sflag:$0x2], $0x1, s21, s15, $0xb8;
	[tilespmem:$0x55F0] =	vst v63  }
0xa1: {  	s21 =	sadd.s32 $0x28F0, s20  }
0xa2: {  	[spmem:s3] =	stream.indirect.scatter.add.f32 [tilespmem:s16], [sflag:$0x7], $0x1, s21, s15, $0xb8;
	[tilespmem:$0x55F0] =	vst v63  }
0xa3: {  	_ =	swait.ge [sflag:s29], $0x50  }
0xa4: {  	[sflag:s29] =	ssyncset.done $0x0  }
0xa5: {  	[sflag:s29] =	ssyncadd.s32 $0xFFFFFFB0  }
0xa6: {  	_ =	swait.ge [sflag:s30], $0x50  }
0xa7: {  	[sflag:s30] =	ssyncset.done $0x0  }
0xa8: {  	s21 =	sadd.s32 $0x230, s20;
	[sflag:s30] =	ssyncadd.s32 $0xFFFFFFB0  }
0xa9: {  	[spmem:s2] =	stream.indirect.scatter.add.f32 [tilespmem:s16], [sflag:$0x3], $0x1, s21, s15, $0xb8;
	[tilespmem:$0x55F0] =	vst v63  }
0xaa: {  	s21 =	sadd.s32 $0x2940, s20  }
0xab: {  	[spmem:s3] =	stream.indirect.scatter.add.f32 [tilespmem:s16], [sflag:$0x8], $0x1, s21, s15, $0xb8;
	[tilespmem:$0x55F0] =	vst v63  }
0xac: {  	_ =	swait.ge [sflag:s31], $0x50  }
0xad: {  	[sflag:s31] =	ssyncset.done $0x0  }
0xae: {  	[sflag:s31] =	ssyncadd.s32 $0xFFFFFFB0  }
0xaf: {  	_ =	swait.ge [sflag:s0], $0x50  }
0xb0: {  	[sflag:s0] =	ssyncset.done $0x0  }
0xb1: {  	s21 =	sadd.s32 $0x280, s20;
	[sflag:s0] =	ssyncadd.s32 $0xFFFFFFB0  }
0xb2: {  	[spmem:s2] =	stream.indirect.scatter.add.f32 [tilespmem:s16], [sflag:$0x4], $0x1, s21, s15, $0xb8;
	[tilespmem:$0x55F0] =	vst v63  }
0xb3: {  	s21 =	sadd.s32 $0x2990, s20  }
0xb4: {  	[spmem:s3] =	stream.indirect.scatter.add.f32 [tilespmem:s16], [sflag:$0x9], $0x1, s21, s15, $0xb8;
	[tilespmem:$0x55F0] =	vst v63  }
0xb5: {  	_ =	swait.ge [sflag:s1], $0x50  }
0xb6: {  	[sflag:s1] =	ssyncset.done $0x0  }
0xb7: {  	[sflag:s1] =	ssyncadd.s32 $0xFFFFFFB0  }
.Ltmp0:
0xb8: {  	_ =	swait.ge [sflag:s17], $0x50;
	(pc) =	sbr.rel @p0 .LBB2_2-.Ltmp0, $4  }
0xb9: {  	[sflag:s17] =	ssyncset.done $0x0  }
0xba: {  	s21 =	sadd.s32 $0x2D0, s20;
	[sflag:s17] =	ssyncadd.s32 $0xFFFFFFB0  }
0xbb: {  	[spmem:s2] =	stream.indirect.scatter.add.f32 [tilespmem:s16], [sflag:$0x5], $0x1, s21, s15, $0xb8;
	[tilespmem:$0x55F0] =	vst v63  }
0xbc: {  	s20 =	sadd.s32 $0x29E0, s20  }
0xbd: {  	[spmem:s3] =	stream.indirect.scatter.add.f32 [tilespmem:s16], [sflag:$0xA], $0x1, s20, s15, $0xb8;
	[tilespmem:$0x55F0] =	vst v63  }
0xbe: {  	_ =	swait.ge [sflag:s24], $0x50  }
0xbf: {  	[sflag:s24] =	ssyncset.done $0x0  }
0xc0: {  	[sflag:s24] =	ssyncadd.s32 $0xFFFFFFB0  }
0xc1: {  	_ =	swait.ge [sflag:s25], $0x50  }
0xc2: {  	[sflag:s25] =	ssyncset.done $0x0  }
0xc3: {  	[sflag:s25] =	ssyncadd.s32 $0xFFFFFFB0  }
0xc4: {  	_ =	swait.ge [sflag:s26], $0x50  }
0xc5: {  	[sflag:s26] =	ssyncset.done $0x0  }
0xc6: {  	[sflag:s26] =	ssyncadd.s32 $0xFFFFFFB0  }
0xc7: {  	_ =	swait.ge [sflag:s28], $0x50  }
0xc8: {  	[sflag:s28] =	ssyncset.done $0x0  }
0xc9: {  	[sflag:s28] =	ssyncadd.s32 $0xFFFFFFB0  }
0xca: {  	_ =	swait.ge [sflag:s29], $0x50  }
0xcb: {  	[sflag:s29] =	ssyncset.done $0x0  }
0xcc: {  	[sflag:s29] =	ssyncadd.s32 $0xFFFFFFB0  }
0xcd: {  	_ =	swait.ge [sflag:s30], $0x50  }
0xce: {  	[sflag:s30] =	ssyncset.done $0x0  }
0xcf: {  	[sflag:s30] =	ssyncadd.s32 $0xFFFFFFB0  }
0xd0: {  	_ =	swait.ge [sflag:s31], $0x50  }
0xd1: {  	[sflag:s31] =	ssyncset.done $0x0  }
0xd2: {  	[sflag:s31] =	ssyncadd.s32 $0xFFFFFFB0  }
0xd3: {  	_ =	swait.ge [sflag:s0], $0x50  }
0xd4: {  	[sflag:s0] =	ssyncset.done $0x0  }
0xd5: {  	[sflag:s0] =	ssyncadd.s32 $0xFFFFFFB0  }
0xd6: {  	_ =	swait.ge [sflag:s1], $0x50  }
0xd7: {  	[sflag:s1] =	ssyncset.done $0x0  }
0xd8: {  	[sflag:s1] =	ssyncadd.s32 $0xFFFFFFB0  }
0xd9: {  	_ =	swait.ge [sflag:s17], $0x50  }
0xda: {  	s19 =	stileid.u32;
	[sflag:s17] =	ssyncset.done $0x0  }
0xdb: {  	s19 =	sshll.u32 s19, $0x6;
	[sflag:s17] =	ssyncadd.s32 $0xFFFFFFB0  }
0xdc: {  	s21 =	sshrl.u32 s5, $0x3;
	s19 =	sor.u32 $0x1C0B, s19;
	[bflag:$0x0] =	sbarrier.arrive $0xFFFF  }
0xdd: {  	[hbm:s7], [sflag:s19] =	dma.local [spmem:s21], $0x50  }
0xde: {  	s18 =	sadd.s32 $0x1, s18;
	_ =	swait.ge [sflag:s13], $0x50  }
0xdf: {  	p0 =	sne.s32 s18, s11;
	[sflag:s13] =	ssyncset.done $0x0  }
.Ltmp1:
0xe0: {  	s21 =	sshrl.u32 s6, $0x3;
	[sflag:s13] =	ssyncadd.s32 $0xFFFFFFB0;
	(pc) =	sbr.rel @p0 .LBB2_1-.Ltmp1, $4  }
0xe1: {  	[hbm:s10], [sflag:s19] =	dma.local [spmem:s21], $0x50  }
0xe2: {  	_ =	swait.ge [sflag:s13], $0x50  }
0xe3: {  	[sflag:s13] =	ssyncset.done $0x0  }
0xe4: {  	[sflag:s13] =	ssyncadd.s32 $0xFFFFFFB0  }
0xe5: {  	_ =	sfence.sel $0x180000  }
0xe6: {  	[bflag:$0x0] =	sbarrier.arrive $0xFFFF  }
0xe7: {  	_ =	strace $0x90000047  }
0xe8: {  	s0 =	stileid.u32;
	[bflag:$0x2] =	sbarrier.arrive $0xFFFF  }
0xe9: {  	p0 =	sne.s32 s0, $0x0;
	s0 =	rddreg [dreg:$0x4]  }
0xea: {  	s0 =	sadd.s32 @!p0 $0x100000, s0  }
0xeb: {  	[sflag:s0] =	ssyncadd.tile.s32 @!p0 $0x1;
	_ =	shalt  }
.Lfunc_end2:
_tile_overlayer_lowered:
.L_overlay_start_2:
0xec: {  	(tag) =	ssettag $0x2  }
0xed: {  	s0 =	rddreg [dreg:$0x0];
	s2 =	stileid.u32  }
0xee: {  	s1 =	rddreg [dreg:$0x1];
	p0 =	sne.s32 s2, $0x0  }
0xef: {  	s3 =	rddreg [dreg:$0x2];
	[bflag:$0x3] =	sbarrier.arrive $0xFFFF;
	s2 =	simm.s32 @!p0 $0x1C0B  }
0xf0: {  	[timem:s3], [sflag:s2] =	dma.local @!p0 [hbm:s0], s1  }
0xf1: {  	s0 =	simm.s32 @!p0 $0xB  }
0xf2: {  	_ =	swait.ge @!p0 [sflag:s0], s1  }
0xf3: {  	s1 =	ssub.s32 @!p0 $0x0, s1;
	[sflag:s0] =	ssyncset.done @!p0 $0x0  }
0xf4: {  	[sflag:s0] =	ssyncadd.s32 @!p0 s1  }
0xf5: {  	[bflag:$0x3] =	sbarrier.arrive $0xFFFF  }
0xf6: {  	_ =	shalt  }

</sc_bundles>
